<compile_context>
chip_gen: v7x
topology: tpu7x:2x2x1
jax: 0.10.2.dev20260603
libtpu: 0.0.44.dev20260713+nightly
codegen_flags: <defaults>
</compile_context>

<pallas_src>
import functools

import jax
import jax.numpy as jnp
from jax import lax
from jax.experimental import pallas as pl
from jax.experimental.pallas import tpu as pltpu
from jax.experimental.pallas import tpu_sc as plsc

_V = 1000000
_D = 32
_B = 16384
_F = 26
_NW = 32

_TC = 768
_NB_MAIN = 40
_NBLK = 1302
_TAIL = _V - _NBLK * _TC
_GC = 512
_NCH = (_B * _F) // (_NW * _GC)


def _cparams(sc_tiling):
    if sc_tiling:
        return pltpu.CompilerParams(
            use_tc_tiling_on_sc=False, needs_layout_passes=False)
    return pltpu.CompilerParams(needs_layout_passes=False)


@functools.lru_cache(maxsize=None)
def _make_transpose():
    info = plsc.get_sparse_core_info()
    nc = info.num_cores
    mesh = plsc.VectorSubcoreMesh(core_axis_name="c", subcore_axis_name="s")

    @functools.partial(
        pl.kernel,
        mesh=mesh,
        out_type=jax.ShapeDtypeStruct((_V * _D,), jnp.float32),
        scratch_types=[
            [pltpu.VMEM((_D, _TC + 1), jnp.float32)] * 2,
            [pltpu.VMEM((_TC * _D,), jnp.float32)] * 2,
            [pltpu.SemaphoreType.DMA] * 2,
            [pltpu.SemaphoreType.DMA] * 2,
        ],
        compiler_params=_cparams(False),
    )
    def k(wt_hbm, tail_hbm, out_hbm, blks, outTs, rsems, wsems):
        wid = lax.axis_index("s") * nc + lax.axis_index("c")
        iota = lax.iota(jnp.int32, 16)
        zeros = jnp.zeros((16,), jnp.int32)

        def blk_e0(t):
            return (wid * _NB_MAIN + t) * _TC

        def fire_read(t, b):
            pltpu.async_copy(
                wt_hbm.at[:, pl.ds(blk_e0(t), _TC)],
                blks[b].at[:, pl.ds(0, _TC)], rsems[b])

        def drain_read(t, b):
            pltpu.make_async_copy(
                wt_hbm.at[:, pl.ds(blk_e0(t), _TC)],
                blks[b].at[:, pl.ds(0, _TC)], rsems[b]).wait()

        def fire_write(t, b):
            pltpu.async_copy(
                outTs[b], out_hbm.at[pl.ds(blk_e0(t) * _D, _TC * _D)],
                wsems[b])

        def wait_write(t, b):
            pltpu.make_async_copy(
                outTs[b], out_hbm.at[pl.ds(blk_e0(t) * _D, _TC * _D)],
                wsems[b]).wait()

        kc0 = iota
        kc1 = iota + 16

        def transpose(b):
            blk, outT = blks[b], outTs[b]

            @plsc.parallel_loop(0, _TC, unroll=8, carry=zeros)
            def body(e, ev):
                outT[pl.ds(e * _D, 16)] = plsc.load_gather(blk, [kc0, ev])
                outT[pl.ds(e * _D + 16, 16)] = plsc.load_gather(blk, [kc1, ev])
                return ev + 1

        fire_read(0, 0)
        fire_read(1, 1)

        def outer(t2, carry):
            for b in range(2):
                t = t2 * 2 + b
                drain_read(t, b)

                @pl.when(t2 > 0)
                def _():
                    wait_write(t - 2, b)

                transpose(b)
                fire_write(t, b)

                @pl.when(t + 2 < _NB_MAIN)
                def _():
                    fire_read(t + 2, b)

            return carry

        lax.fori_loop(0, _NB_MAIN // 2, outer, 0)

        wait_write(_NB_MAIN - 2, 0)
        wait_write(_NB_MAIN - 1, 1)

        @pl.when(wid < _NBLK - _NW * _NB_MAIN)
        def _():
            e0 = (_NW * _NB_MAIN + wid) * _TC
            pltpu.sync_copy(wt_hbm.at[:, pl.ds(e0, _TC)],
                            blks[1].at[:, pl.ds(0, _TC)])
            transpose(1)
            pltpu.sync_copy(outTs[1], out_hbm.at[pl.ds(e0 * _D, _TC * _D)])

        @pl.when(wid == _NBLK - _NW * _NB_MAIN)
        def _():
            stage = outTs[0].at[pl.ds(0, _TAIL * _D)]
            pltpu.sync_copy(tail_hbm, stage)
            pltpu.sync_copy(
                stage, out_hbm.at[pl.ds(_NBLK * _TC * _D, _TAIL * _D)])

    return k


@functools.lru_cache(maxsize=None)
def _make_gather():
    info = plsc.get_sparse_core_info()
    nc = info.num_cores
    mesh = plsc.VectorSubcoreMesh(core_axis_name="c", subcore_axis_name="s")
    b_per_w = _NCH * _GC

    @functools.partial(
        pl.kernel,
        mesh=mesh,
        out_type=jax.ShapeDtypeStruct((_F, _D, _B), jnp.float32),
        scratch_types=[
            pltpu.VMEM((b_per_w,), jnp.int32),
            [pltpu.VMEM((_GC, _D), jnp.float32)] * 2,
            [pltpu.VMEM((_D, _GC + 1), jnp.float32)] * 2,
            pltpu.SemaphoreType.DMA,
            [pltpu.SemaphoreType.DMA] * 2,
            [pltpu.SemaphoreType.DMA] * 2,
        ],
        compiler_params=_cparams(True),
    )
    def k(idx_hbm, tab_hbm, out_hbm, idx_v, rows, rowsT, isem, gsems, wsems):
        wid = lax.axis_index("s") * nc + lax.axis_index("c")
        iota = lax.iota(jnp.int32, 16)
        zeros = jnp.zeros((16,), jnp.int32)

        def chunk_fj(t):
            c = wid + _NW * t
            return c // (_B // _GC), c % (_B // _GC)

        def idx_src(t):
            f, j = chunk_fj(t)
            return idx_hbm.at[pl.ds(f * _B + j * _GC, _GC)]

        for t in range(_NCH):
            pltpu.async_copy(idx_src(t), idx_v.at[pl.ds(t * _GC, _GC)], isem)
        for t in range(_NCH):
            pltpu.make_async_copy(
                idx_src(t), idx_v.at[pl.ds(t * _GC, _GC)], isem).wait()

        def fire_gather(t, b):
            pltpu.async_copy(
                tab_hbm.at[idx_v.at[pl.ds(t * _GC, _GC)]], rows[b], gsems[b])

        def drain_gather(t, b):
            pltpu.make_async_copy(
                tab_hbm.at[idx_v.at[pl.ds(t * _GC, _GC)]], rows[b],
                gsems[b]).wait()

        def out_dst(t):
            f, j = chunk_fj(t)
            return out_hbm.at[f, :, pl.ds(j * _GC, _GC)]

        def fire_write(t, b):
            pltpu.async_copy(rowsT[b].at[:, pl.ds(0, _GC)], out_dst(t),
                             wsems[b])

        def wait_write(t, b):
            pltpu.make_async_copy(rowsT[b].at[:, pl.ds(0, _GC)], out_dst(t),
                                  wsems[b]).wait()

        kv0 = iota
        kv1 = iota + 16

        def transpose(b):
            rv, rt = rows[b], rowsT[b]

            @plsc.parallel_loop(0, _GC, unroll=8, carry=zeros)
            def body(e, ev):
                plsc.store_scatter(rt, [kv0, ev], rv[e, pl.ds(0, 16)])
                plsc.store_scatter(rt, [kv1, ev], rv[e, pl.ds(16, 16)])
                return ev + 1

        fire_gather(0, 0)
        fire_gather(1, 1)

        def outer(t2, carry):
            for b in range(2):
                t = t2 * 2 + b
                drain_gather(t, b)

                @pl.when(t2 > 0)
                def _():
                    wait_write(t - 2, b)

                transpose(b)
                fire_write(t, b)

                @pl.when(t2 < _NCH // 2 - 1)
                def _():
                    fire_gather(t + 2, b)

            return carry

        lax.fori_loop(0, _NCH // 2, outer, 0)

        wait_write(_NCH - 2, 0)
        wait_write(_NCH - 1, 1)

    return k


def kernel(x, weights):
    xt_flat = x.T.reshape(_B * _F).astype(jnp.int32)
    wt = weights.T
    tail = lax.slice(weights, (_NBLK * _TC, 0), (_V, _D)).reshape(_TAIL * _D)
    w_rm = _make_transpose()(wt, tail).reshape(_V, _D)
    o_t = _make_gather()(xt_flat, w_rm)
    return o_t.transpose(2, 0, 1)

# --- scband reference (transcript-rebuilt; emitter-appended) ---
"""Pipeline reference for scband-embedding-65154653880511 (READ-ONLY COPY).

The authoritative reference and input builder live on the scoring server;
editing this copy changes nothing except your own understanding.
"""

import jax, jax.numpy as jnp
import numpy as np

NUM_EMBEDDINGS = 1000000
EMBEDDING_DIM = 32
BATCH = 16384
FIELDS = 26

def setup_inputs(seed: int = 0) -> dict:
    key = jax.random.key(seed)
    k_idx, k_w = jax.random.split(key)
    x = jax.random.randint(k_idx, (BATCH, FIELDS), 0, NUM_EMBEDDINGS, dtype=jnp.int64 if jax.config.jax_enable_x64 else jnp.int32)
    # trunc_normal_ init (truncated to [-2, 2] std-normal) like torch.nn.init.trunc_normal_
    weights = jax.random.truncated_normal(k_w, -2.0, 2.0, (NUM_EMBEDDINGS, EMBEDDING_DIM), dtype=jnp.float32)
    return {"x": x, "weights": weights}

def reference(x, weights):
    # torch: self.weights[x] -> gather rows
    return jnp.take(weights, x, axis=0)

if __name__ == "__main__":
    import jax
    _d = setup_inputs()
    print(jax.jit(kernel)(*tuple(_d.values())))

</pallas_src>

<mosaic_0001>
#map = affine_map<(d0, d1) -> (0, 0)>
#map1 = affine_map<(d0, d1) -> (0)>
module attributes {stable_mosaic.version = 14 : i64} {
  func.func @k(%arg0: i32, %arg1: i32, %arg2: memref<32x1000000xf32, #tpu.memory_space<hbm>>, %arg3: memref<2048xf32, #tpu.memory_space<hbm>>, %arg4: memref<32000000xf32, #tpu.memory_space<hbm>>, %arg5: memref<32x769xf32, #tpu.memory_space<vmem>>, %arg6: memref<32x769xf32, #tpu.memory_space<vmem>>, %arg7: memref<24576xf32, #tpu.memory_space<vmem>>, %arg8: memref<24576xf32, #tpu.memory_space<vmem>>, %arg9: memref<!tpu.dma_semaphore, #tpu.memory_space<semaphore_mem>>, %arg10: memref<!tpu.dma_semaphore, #tpu.memory_space<semaphore_mem>>, %arg11: memref<!tpu.dma_semaphore, #tpu.memory_space<semaphore_mem>>, %arg12: memref<!tpu.dma_semaphore, #tpu.memory_space<semaphore_mem>>) attributes {dimension_semantics = [#tpu.dimension_semantics<core_parallel>, #tpu.dimension_semantics<subcore_parallel>], iteration_bounds = array<i64: 2, 16>, scalar_prefetch = 0 : i64, scratch_operands = 8 : i64, tpu.core_type = #tpu.core_type<sc_vector_subcore>, window_params = [{transform_indices = #map}, {transform_indices = #map1}, {transform_indices = #map1}]} {
    %mul3A = arith.constant 2 : i32
    %mul3A_0 = arith.muli %arg1, %mul3A : i32
    %add3A = arith.addi %mul3A_0, %arg0 : i32
    %iota3A = tpu.iota {dimensions = array<i32: 0>} : vector<16xi32>
    %broadcast_in_dim3A = arith.constant 0 : i32
    %broadcast_in_dim3A_1 = vector.broadcast %broadcast_in_dim3A : i32 to vector<16xi32>
    %add3A_2 = arith.constant 16 : i32
    %add3A_3 = vector.broadcast %add3A_2 : i32 to vector<16xi32>
    %add3A_4 = arith.addi %iota3A, %add3A_3 : vector<16xi32>
    %mul3A_5 = arith.constant 40 : i32
    %mul3A_6 = arith.muli %add3A, %mul3A_5 : i32
    %add3A_7 = arith.constant 0 : i32
    %add3A_8 = arith.addi %mul3A_6, %add3A_7 : i32
    %mul3A_9 = arith.constant 768 : i32
    %mul3A_10 = arith.muli %add3A_8, %mul3A_9 : i32
    %dma_start3A = arith.constant 0 : i32
    %dma_start3A_11 = arith.constant 0 : i32
    %dma_start3A_12 = tpu.memref_slice %arg5[%dma_start3A, %dma_start3A_11] : memref<32x769xf32, #tpu.memory_space<vmem>> -> memref<32x768xf32, #tpu.memory_space<vmem>>
    %dma_start3A_13 = arith.constant 0 : i32
    %dma_start3A_14 = tpu.memref_slice %arg2[%dma_start3A_13, %mul3A_10] : memref<32x1000000xf32, #tpu.memory_space<hbm>> -> memref<32x768xf32, #tpu.memory_space<hbm>>
    %dma_start3A_15 = arith.constant 0 : i32
    %dma_start3A_16 = arith.constant 0 : i32
    %dma_start3A_17 = tpu.memref_slice %arg5[%dma_start3A_15, %dma_start3A_16] : memref<32x769xf32, #tpu.memory_space<vmem>> -> memref<32x768xf32, #tpu.memory_space<vmem>>
    %dma_start3A_18 = arith.constant 0 : i32
    %dma_start3A_19 = tpu.memref_slice %arg2[%dma_start3A_18, %mul3A_10] : memref<32x1000000xf32, #tpu.memory_space<hbm>> -> memref<32x768xf32, #tpu.memory_space<hbm>>
    tpu.enqueue_dma source(%dma_start3A_19 : memref<32x768xf32, #tpu.memory_space<hbm>>) target(%dma_start3A_17 : memref<32x768xf32, #tpu.memory_space<vmem>>) target_semaphore(%arg9 : memref<!tpu.dma_semaphore, #tpu.memory_space<semaphore_mem>>)
    %mul3A_20 = arith.constant 40 : i32
    %mul3A_21 = arith.muli %add3A, %mul3A_20 : i32
    %add3A_22 = arith.constant 1 : i32
    %add3A_23 = arith.addi %mul3A_21, %add3A_22 : i32
    %mul3A_24 = arith.constant 768 : i32
    %mul3A_25 = arith.muli %add3A_23, %mul3A_24 : i32
    %dma_start3A_26 = arith.constant 0 : i32
    %dma_start3A_27 = arith.constant 0 : i32
    %dma_start3A_28 = tpu.memref_slice %arg6[%dma_start3A_26, %dma_start3A_27] : memref<32x769xf32, #tpu.memory_space<vmem>> -> memref<32x768xf32, #tpu.memory_space<vmem>>
    %dma_start3A_29 = arith.constant 0 : i32
    %dma_start3A_30 = tpu.memref_slice %arg2[%dma_start3A_29, %mul3A_25] : memref<32x1000000xf32, #tpu.memory_space<hbm>> -> memref<32x768xf32, #tpu.memory_space<hbm>>
    %dma_start3A_31 = arith.constant 0 : i32
    %dma_start3A_32 = arith.constant 0 : i32
    %dma_start3A_33 = tpu.memref_slice %arg6[%dma_start3A_31, %dma_start3A_32] : memref<32x769xf32, #tpu.memory_space<vmem>> -> memref<32x768xf32, #tpu.memory_space<vmem>>
    %dma_start3A_34 = arith.constant 0 : i32
    %dma_start3A_35 = tpu.memref_slice %arg2[%dma_start3A_34, %mul3A_25] : memref<32x1000000xf32, #tpu.memory_space<hbm>> -> memref<32x768xf32, #tpu.memory_space<hbm>>
    tpu.enqueue_dma source(%dma_start3A_35 : memref<32x768xf32, #tpu.memory_space<hbm>>) target(%dma_start3A_33 : memref<32x768xf32, #tpu.memory_space<vmem>>) target_semaphore(%arg10 : memref<!tpu.dma_semaphore, #tpu.memory_space<semaphore_mem>>)
    %scan3A = arith.constant 0 : i32
    %scan3A_36 = arith.constant 0 : i32
    %scan3A_37 = arith.constant 20 : i32
    %scan3A_38 = arith.addi %scan3A_36, %scan3A_37 : i32
    %scan3A_39 = arith.constant 1 : i32
    scf.for %scan3A_66 = %scan3A_36 to %scan3A_38 step %scan3A_39  : i32 {
      %mul3A_67 = arith.constant 2 : i32
      %mul3A_68 = arith.muli %scan3A_66, %mul3A_67 : i32
      %add3A_69 = arith.constant 0 : i32
      %add3A_70 = arith.addi %mul3A_68, %add3A_69 : i32
      %mul3A_71 = arith.constant 40 : i32
      %mul3A_72 = arith.muli %add3A, %mul3A_71 : i32
      %add3A_73 = arith.addi %mul3A_72, %add3A_70 : i32
      %mul3A_74 = arith.constant 768 : i32
      %mul3A_75 = arith.muli %add3A_73, %mul3A_74 : i32
      %dma_wait3A_76 = arith.constant 0 : i32
      %dma_wait3A_77 = arith.constant 0 : i32
      %dma_wait3A_78 = tpu.memref_slice %arg5[%dma_wait3A_76, %dma_wait3A_77] : memref<32x769xf32, #tpu.memory_space<vmem>> -> memref<32x768xf32, #tpu.memory_space<vmem>>
      %dma_wait3A_79 = arith.constant 0 : i32
      %dma_wait3A_80 = tpu.memref_slice %arg2[%dma_wait3A_79, %mul3A_75] : memref<32x1000000xf32, #tpu.memory_space<hbm>> -> memref<32x768xf32, #tpu.memory_space<hbm>>
      %dma_wait3A_81 = arith.constant 0 : i32
      %dma_wait3A_82 = arith.constant 0 : i32
      %dma_wait3A_83 = tpu.memref_slice %arg5[%dma_wait3A_81, %dma_wait3A_82] : memref<32x769xf32, #tpu.memory_space<vmem>> -> memref<32x768xf32, #tpu.memory_space<vmem>>
      %dma_wait3A_84 = arith.constant 0 : i32
      %dma_wait3A_85 = tpu.memref_slice %arg2[%dma_wait3A_84, %mul3A_75] : memref<32x1000000xf32, #tpu.memory_space<hbm>> -> memref<32x768xf32, #tpu.memory_space<hbm>>
      tpu.wait_dma2 semaphore(%arg9 : memref<!tpu.dma_semaphore, #tpu.memory_space<semaphore_mem>>) src(%dma_wait3A_85 : memref<32x768xf32, #tpu.memory_space<hbm>>) dst(%dma_wait3A_83 : memref<32x768xf32, #tpu.memory_space<vmem>>)
      %gt3A = arith.constant 0 : i32
      %gt3A_86 = arith.cmpi sgt, %scan3A_66, %gt3A : i32
      %convert_element_type3A_87 = arith.extui %gt3A_86 : i1 to i32
      %cond3A_88 = arith.constant 0 : i32
      %cond3A_89 = arith.cmpi ne, %convert_element_type3A_87, %cond3A_88 : i32
      scf.if %cond3A_89 {
        %sub3A = arith.constant 2 : i32
        %sub3A_153 = arith.subi %add3A_70, %sub3A : i32
        %mul3A_154 = arith.constant 40 : i32
        %mul3A_155 = arith.muli %add3A, %mul3A_154 : i32
        %add3A_156 = arith.addi %mul3A_155, %sub3A_153 : i32
        %mul3A_157 = arith.constant 768 : i32
        %mul3A_158 = arith.muli %add3A_156, %mul3A_157 : i32
        %mul3A_159 = arith.constant 32 : i32
        %mul3A_160 = arith.muli %mul3A_158, %mul3A_159 : i32
        %dma_wait3A_161 = tpu.memref_slice %arg4[%mul3A_160] : memref<32000000xf32, #tpu.memory_space<hbm>> -> memref<24576xf32, #tpu.memory_space<hbm>>
        %dma_wait3A_162 = tpu.memref_slice %arg4[%mul3A_160] : memref<32000000xf32, #tpu.memory_space<hbm>> -> memref<24576xf32, #tpu.memory_space<hbm>>
        tpu.wait_dma2 semaphore(%arg11 : memref<!tpu.dma_semaphore, #tpu.memory_space<semaphore_mem>>) src(%arg7 : memref<24576xf32, #tpu.memory_space<vmem>>) dst(%dma_wait3A_162 : memref<24576xf32, #tpu.memory_space<hbm>>)
      } else {
      }
      %parallel_loop3A = arith.constant 0 : i32
      %parallel_loop3A_90 = arith.constant 768 : i32
      %parallel_loop3A_91 = arith.constant 1 : i32
      %parallel_loop3A_92 = scf.for %parallel_loop3A_153 = %parallel_loop3A to %parallel_loop3A_90 step %parallel_loop3A_91 iter_args(%parallel_loop3A_154 = %broadcast_in_dim3A_1) -> (vector<16xi32>)  : i32 {
        %parallel_loop3A_155 = tpu.vector_load_idx %arg5[%iota3A, %parallel_loop3A_154] : memref<32x769xf32, #tpu.memory_space<vmem>>[vector<16xi32>, vector<16xi32>], vector<16xf32>,
        %parallel_loop3A_156 = arith.constant 32 : i32
        %parallel_loop3A_157 = arith.muli %parallel_loop3A_153, %parallel_loop3A_156 : i32
        %parallel_loop3A_158 = arith.index_cast %parallel_loop3A_157 : i32 to index
        %parallel_loop3A_159 = tpu.vector_load %arg7[%parallel_loop3A_158] {strides = array<i32>} : memref<24576xf32, #tpu.memory_space<vmem>>, vector<16xf32>,
        tpu.vector_store %arg7[%parallel_loop3A_158], %parallel_loop3A_155 {strides = array<i32>} : memref<24576xf32, #tpu.memory_space<vmem>>, vector<16xf32>,
        %parallel_loop3A_160 = tpu.vector_load_idx %arg5[%add3A_4, %parallel_loop3A_154] : memref<32x769xf32, #tpu.memory_space<vmem>>[vector<16xi32>, vector<16xi32>], vector<16xf32>,
        %parallel_loop3A_161 = arith.constant 32 : i32
        %parallel_loop3A_162 = arith.muli %parallel_loop3A_153, %parallel_loop3A_161 : i32
        %parallel_loop3A_163 = arith.constant 16 : i32
        %parallel_loop3A_164 = arith.addi %parallel_loop3A_162, %parallel_loop3A_163 : i32
        %parallel_loop3A_165 = arith.index_cast %parallel_loop3A_164 : i32 to index
        %parallel_loop3A_166 = tpu.vector_load %arg7[%parallel_loop3A_165] {strides = array<i32>} : memref<24576xf32, #tpu.memory_space<vmem>>, vector<16xf32>,
        tpu.vector_store %arg7[%parallel_loop3A_165], %parallel_loop3A_160 {strides = array<i32>} : memref<24576xf32, #tpu.memory_space<vmem>>, vector<16xf32>,
        %parallel_loop3A_167 = arith.constant 1 : i32
        %parallel_loop3A_168 = vector.broadcast %parallel_loop3A_167 : i32 to vector<16xi32>
        %parallel_loop3A_169 = arith.addi %parallel_loop3A_154, %parallel_loop3A_168 : vector<16xi32>
        scf.yield %parallel_loop3A_169 : vector<16xi32>
      } {sc.loop_unroll_factor = 8 : i64, sc.parallel_access}
      %mul3A_93 = arith.constant 40 : i32
      %mul3A_94 = arith.muli %add3A, %mul3A_93 : i32
      %add3A_95 = arith.addi %mul3A_94, %add3A_70 : i32
      %mul3A_96 = arith.constant 768 : i32
      %mul3A_97 = arith.muli %add3A_95, %mul3A_96 : i32
      %mul3A_98 = arith.constant 32 : i32
      %mul3A_99 = arith.muli %mul3A_97, %mul3A_98 : i32
      %dma_start3A_100 = tpu.memref_slice %arg4[%mul3A_99] : memref<32000000xf32, #tpu.memory_space<hbm>> -> memref<24576xf32, #tpu.memory_space<hbm>>
      %dma_start3A_101 = tpu.memref_slice %arg4[%mul3A_99] : memref<32000000xf32, #tpu.memory_space<hbm>> -> memref<24576xf32, #tpu.memory_space<hbm>>
      tpu.enqueue_dma source(%arg7 : memref<24576xf32, #tpu.memory_space<vmem>>) target(%dma_start3A_101 : memref<24576xf32, #tpu.memory_space<hbm>>) target_semaphore(%arg11 : memref<!tpu.dma_semaphore, #tpu.memory_space<semaphore_mem>>)
      %add3A_102 = arith.constant 2 : i32
      %add3A_103 = arith.addi %add3A_70, %add3A_102 : i32
      %lt3A_104 = arith.constant 40 : i32
      %lt3A_105 = arith.cmpi slt, %add3A_103, %lt3A_104 : i32
      %convert_element_type3A_106 = arith.extui %lt3A_105 : i1 to i32
      %cond3A_107 = arith.constant 0 : i32
      %cond3A_108 = arith.cmpi ne, %convert_element_type3A_106, %cond3A_107 : i32
      scf.if %cond3A_108 {
        %add3A_153 = arith.constant 2 : i32
        %add3A_154 = arith.addi %add3A_70, %add3A_153 : i32
        %mul3A_155 = arith.constant 40 : i32
        %mul3A_156 = arith.muli %add3A, %mul3A_155 : i32
        %add3A_157 = arith.addi %mul3A_156, %add3A_154 : i32
        %mul3A_158 = arith.constant 768 : i32
        %mul3A_159 = arith.muli %add3A_157, %mul3A_158 : i32
        %dma_start3A_160 = arith.constant 0 : i32
        %dma_start3A_161 = arith.constant 0 : i32
        %dma_start3A_162 = tpu.memref_slice %arg5[%dma_start3A_160, %dma_start3A_161] : memref<32x769xf32, #tpu.memory_space<vmem>> -> memref<32x768xf32, #tpu.memory_space<vmem>>
        %dma_start3A_163 = arith.constant 0 : i32
        %dma_start3A_164 = tpu.memref_slice %arg2[%dma_start3A_163, %mul3A_159] : memref<32x1000000xf32, #tpu.memory_space<hbm>> -> memref<32x768xf32, #tpu.memory_space<hbm>>
        %dma_start3A_165 = arith.constant 0 : i32
        %dma_start3A_166 = arith.constant 0 : i32
        %dma_start3A_167 = tpu.memref_slice %arg5[%dma_start3A_165, %dma_start3A_166] : memref<32x769xf32, #tpu.memory_space<vmem>> -> memref<32x768xf32, #tpu.memory_space<vmem>>
        %dma_start3A_168 = arith.constant 0 : i32
        %dma_start3A_169 = tpu.memref_slice %arg2[%dma_start3A_168, %mul3A_159] : memref<32x1000000xf32, #tpu.memory_space<hbm>> -> memref<32x768xf32, #tpu.memory_space<hbm>>
        tpu.enqueue_dma source(%dma_start3A_169 : memref<32x768xf32, #tpu.memory_space<hbm>>) target(%dma_start3A_167 : memref<32x768xf32, #tpu.memory_space<vmem>>) target_semaphore(%arg9 : memref<!tpu.dma_semaphore, #tpu.memory_space<semaphore_mem>>)
      } else {
      }
      %mul3A_109 = arith.constant 2 : i32
      %mul3A_110 = arith.muli %scan3A_66, %mul3A_109 : i32
      %add3A_111 = arith.constant 1 : i32
      %add3A_112 = arith.addi %mul3A_110, %add3A_111 : i32
      %mul3A_113 = arith.constant 40 : i32
      %mul3A_114 = arith.muli %add3A, %mul3A_113 : i32
      %add3A_115 = arith.addi %mul3A_114, %add3A_112 : i32
      %mul3A_116 = arith.constant 768 : i32
      %mul3A_117 = arith.muli %add3A_115, %mul3A_116 : i32
      %dma_wait3A_118 = arith.constant 0 : i32
      %dma_wait3A_119 = arith.constant 0 : i32
      %dma_wait3A_120 = tpu.memref_slice %arg6[%dma_wait3A_118, %dma_wait3A_119] : memref<32x769xf32, #tpu.memory_space<vmem>> -> memref<32x768xf32, #tpu.memory_space<vmem>>
      %dma_wait3A_121 = arith.constant 0 : i32
      %dma_wait3A_122 = tpu.memref_slice %arg2[%dma_wait3A_121, %mul3A_117] : memref<32x1000000xf32, #tpu.memory_space<hbm>> -> memref<32x768xf32, #tpu.memory_space<hbm>>
      %dma_wait3A_123 = arith.constant 0 : i32
      %dma_wait3A_124 = arith.constant 0 : i32
      %dma_wait3A_125 = tpu.memref_slice %arg6[%dma_wait3A_123, %dma_wait3A_124] : memref<32x769xf32, #tpu.memory_space<vmem>> -> memref<32x768xf32, #tpu.memory_space<vmem>>
      %dma_wait3A_126 = arith.constant 0 : i32
      %dma_wait3A_127 = tpu.memref_slice %arg2[%dma_wait3A_126, %mul3A_117] : memref<32x1000000xf32, #tpu.memory_space<hbm>> -> memref<32x768xf32, #tpu.memory_space<hbm>>
      tpu.wait_dma2 semaphore(%arg10 : memref<!tpu.dma_semaphore, #tpu.memory_space<semaphore_mem>>) src(%dma_wait3A_127 : memref<32x768xf32, #tpu.memory_space<hbm>>) dst(%dma_wait3A_125 : memref<32x768xf32, #tpu.memory_space<vmem>>)
      %gt3A_128 = arith.constant 0 : i32
      %gt3A_129 = arith.cmpi sgt, %scan3A_66, %gt3A_128 : i32
      %convert_element_type3A_130 = arith.extui %gt3A_129 : i1 to i32
      %cond3A_131 = arith.constant 0 : i32
      %cond3A_132 = arith.cmpi ne, %convert_element_type3A_130, %cond3A_131 : i32
      scf.if %cond3A_132 {
        %sub3A = arith.constant 2 : i32
        %sub3A_153 = arith.subi %add3A_112, %sub3A : i32
        %mul3A_154 = arith.constant 40 : i32
        %mul3A_155 = arith.muli %add3A, %mul3A_154 : i32
        %add3A_156 = arith.addi %mul3A_155, %sub3A_153 : i32
        %mul3A_157 = arith.constant 768 : i32
        %mul3A_158 = arith.muli %add3A_156, %mul3A_157 : i32
        %mul3A_159 = arith.constant 32 : i32
        %mul3A_160 = arith.muli %mul3A_158, %mul3A_159 : i32
        %dma_wait3A_161 = tpu.memref_slice %arg4[%mul3A_160] : memref<32000000xf32, #tpu.memory_space<hbm>> -> memref<24576xf32, #tpu.memory_space<hbm>>
        %dma_wait3A_162 = tpu.memref_slice %arg4[%mul3A_160] : memref<32000000xf32, #tpu.memory_space<hbm>> -> memref<24576xf32, #tpu.memory_space<hbm>>
        tpu.wait_dma2 semaphore(%arg12 : memref<!tpu.dma_semaphore, #tpu.memory_space<semaphore_mem>>) src(%arg8 : memref<24576xf32, #tpu.memory_space<vmem>>) dst(%dma_wait3A_162 : memref<24576xf32, #tpu.memory_space<hbm>>)
      } else {
      }
      %parallel_loop3A_133 = arith.constant 0 : i32
      %parallel_loop3A_134 = arith.constant 768 : i32
      %parallel_loop3A_135 = arith.constant 1 : i32
      %parallel_loop3A_136 = scf.for %parallel_loop3A_153 = %parallel_loop3A_133 to %parallel_loop3A_134 step %parallel_loop3A_135 iter_args(%parallel_loop3A_154 = %broadcast_in_dim3A_1) -> (vector<16xi32>)  : i32 {
        %parallel_loop3A_155 = tpu.vector_load_idx %arg6[%iota3A, %parallel_loop3A_154] : memref<32x769xf32, #tpu.memory_space<vmem>>[vector<16xi32>, vector<16xi32>], vector<16xf32>,
        %parallel_loop3A_156 = arith.constant 32 : i32
        %parallel_loop3A_157 = arith.muli %parallel_loop3A_153, %parallel_loop3A_156 : i32
        %parallel_loop3A_158 = arith.index_cast %parallel_loop3A_157 : i32 to index
        %parallel_loop3A_159 = tpu.vector_load %arg8[%parallel_loop3A_158] {strides = array<i32>} : memref<24576xf32, #tpu.memory_space<vmem>>, vector<16xf32>,
        tpu.vector_store %arg8[%parallel_loop3A_158], %parallel_loop3A_155 {strides = array<i32>} : memref<24576xf32, #tpu.memory_space<vmem>>, vector<16xf32>,
        %parallel_loop3A_160 = tpu.vector_load_idx %arg6[%add3A_4, %parallel_loop3A_154] : memref<32x769xf32, #tpu.memory_space<vmem>>[vector<16xi32>, vector<16xi32>], vector<16xf32>,
        %parallel_loop3A_161 = arith.constant 32 : i32
        %parallel_loop3A_162 = arith.muli %parallel_loop3A_153, %parallel_loop3A_161 : i32
        %parallel_loop3A_163 = arith.constant 16 : i32
        %parallel_loop3A_164 = arith.addi %parallel_loop3A_162, %parallel_loop3A_163 : i32
        %parallel_loop3A_165 = arith.index_cast %parallel_loop3A_164 : i32 to index
        %parallel_loop3A_166 = tpu.vector_load %arg8[%parallel_loop3A_165] {strides = array<i32>} : memref<24576xf32, #tpu.memory_space<vmem>>, vector<16xf32>,
        tpu.vector_store %arg8[%parallel_loop3A_165], %parallel_loop3A_160 {strides = array<i32>} : memref<24576xf32, #tpu.memory_space<vmem>>, vector<16xf32>,
        %parallel_loop3A_167 = arith.constant 1 : i32
        %parallel_loop3A_168 = vector.broadcast %parallel_loop3A_167 : i32 to vector<16xi32>
        %parallel_loop3A_169 = arith.addi %parallel_loop3A_154, %parallel_loop3A_168 : vector<16xi32>
        scf.yield %parallel_loop3A_169 : vector<16xi32>
      } {sc.loop_unroll_factor = 8 : i64, sc.parallel_access}
      %mul3A_137 = arith.constant 40 : i32
      %mul3A_138 = arith.muli %add3A, %mul3A_137 : i32
      %add3A_139 = arith.addi %mul3A_138, %add3A_112 : i32
      %mul3A_140 = arith.constant 768 : i32
      %mul3A_141 = arith.muli %add3A_139, %mul3A_140 : i32
      %mul3A_142 = arith.constant 32 : i32
      %mul3A_143 = arith.muli %mul3A_141, %mul3A_142 : i32
      %dma_start3A_144 = tpu.memref_slice %arg4[%mul3A_143] : memref<32000000xf32, #tpu.memory_space<hbm>> -> memref<24576xf32, #tpu.memory_space<hbm>>
      %dma_start3A_145 = tpu.memref_slice %arg4[%mul3A_143] : memref<32000000xf32, #tpu.memory_space<hbm>> -> memref<24576xf32, #tpu.memory_space<hbm>>
      tpu.enqueue_dma source(%arg8 : memref<24576xf32, #tpu.memory_space<vmem>>) target(%dma_start3A_145 : memref<24576xf32, #tpu.memory_space<hbm>>) target_semaphore(%arg12 : memref<!tpu.dma_semaphore, #tpu.memory_space<semaphore_mem>>)
      %add3A_146 = arith.constant 2 : i32
      %add3A_147 = arith.addi %add3A_112, %add3A_146 : i32
      %lt3A_148 = arith.constant 40 : i32
      %lt3A_149 = arith.cmpi slt, %add3A_147, %lt3A_148 : i32
      %convert_element_type3A_150 = arith.extui %lt3A_149 : i1 to i32
      %cond3A_151 = arith.constant 0 : i32
      %cond3A_152 = arith.cmpi ne, %convert_element_type3A_150, %cond3A_151 : i32
      scf.if %cond3A_152 {
        %add3A_153 = arith.constant 2 : i32
        %add3A_154 = arith.addi %add3A_112, %add3A_153 : i32
        %mul3A_155 = arith.constant 40 : i32
        %mul3A_156 = arith.muli %add3A, %mul3A_155 : i32
        %add3A_157 = arith.addi %mul3A_156, %add3A_154 : i32
        %mul3A_158 = arith.constant 768 : i32
        %mul3A_159 = arith.muli %add3A_157, %mul3A_158 : i32
        %dma_start3A_160 = arith.constant 0 : i32
        %dma_start3A_161 = arith.constant 0 : i32
        %dma_start3A_162 = tpu.memref_slice %arg6[%dma_start3A_160, %dma_start3A_161] : memref<32x769xf32, #tpu.memory_space<vmem>> -> memref<32x768xf32, #tpu.memory_space<vmem>>
        %dma_start3A_163 = arith.constant 0 : i32
        %dma_start3A_164 = tpu.memref_slice %arg2[%dma_start3A_163, %mul3A_159] : memref<32x1000000xf32, #tpu.memory_space<hbm>> -> memref<32x768xf32, #tpu.memory_space<hbm>>
        %dma_start3A_165 = arith.constant 0 : i32
        %dma_start3A_166 = arith.constant 0 : i32
        %dma_start3A_167 = tpu.memref_slice %arg6[%dma_start3A_165, %dma_start3A_166] : memref<32x769xf32, #tpu.memory_space<vmem>> -> memref<32x768xf32, #tpu.memory_space<vmem>>
        %dma_start3A_168 = arith.constant 0 : i32
        %dma_start3A_169 = tpu.memref_slice %arg2[%dma_start3A_168, %mul3A_159] : memref<32x1000000xf32, #tpu.memory_space<hbm>> -> memref<32x768xf32, #tpu.memory_space<hbm>>
        tpu.enqueue_dma source(%dma_start3A_169 : memref<32x768xf32, #tpu.memory_space<hbm>>) target(%dma_start3A_167 : memref<32x768xf32, #tpu.memory_space<vmem>>) target_semaphore(%arg10 : memref<!tpu.dma_semaphore, #tpu.memory_space<semaphore_mem>>)
      } else {
      }
    }
    %scan3A_40 = arith.constant 20 : i32
    %mul3A_41 = arith.constant 40 : i32
    %mul3A_42 = arith.muli %add3A, %mul3A_41 : i32
    %add3A_43 = arith.constant 38 : i32
    %add3A_44 = arith.addi %mul3A_42, %add3A_43 : i32
    %mul3A_45 = arith.constant 768 : i32
    %mul3A_46 = arith.muli %add3A_44, %mul3A_45 : i32
    %mul3A_47 = arith.constant 32 : i32
    %mul3A_48 = arith.muli %mul3A_46, %mul3A_47 : i32
    %dma_wait3A = tpu.memref_slice %arg4[%mul3A_48] : memref<32000000xf32, #tpu.memory_space<hbm>> -> memref<24576xf32, #tpu.memory_space<hbm>>
    %dma_wait3A_49 = tpu.memref_slice %arg4[%mul3A_48] : memref<32000000xf32, #tpu.memory_space<hbm>> -> memref<24576xf32, #tpu.memory_space<hbm>>
    tpu.wait_dma2 semaphore(%arg11 : memref<!tpu.dma_semaphore, #tpu.memory_space<semaphore_mem>>) src(%arg7 : memref<24576xf32, #tpu.memory_space<vmem>>) dst(%dma_wait3A_49 : memref<24576xf32, #tpu.memory_space<hbm>>)
    %mul3A_50 = arith.constant 40 : i32
    %mul3A_51 = arith.muli %add3A, %mul3A_50 : i32
    %add3A_52 = arith.constant 39 : i32
    %add3A_53 = arith.addi %mul3A_51, %add3A_52 : i32
    %mul3A_54 = arith.constant 768 : i32
    %mul3A_55 = arith.muli %add3A_53, %mul3A_54 : i32
    %mul3A_56 = arith.constant 32 : i32
    %mul3A_57 = arith.muli %mul3A_55, %mul3A_56 : i32
    %dma_wait3A_58 = tpu.memref_slice %arg4[%mul3A_57] : memref<32000000xf32, #tpu.memory_space<hbm>> -> memref<24576xf32, #tpu.memory_space<hbm>>
    %dma_wait3A_59 = tpu.memref_slice %arg4[%mul3A_57] : memref<32000000xf32, #tpu.memory_space<hbm>> -> memref<24576xf32, #tpu.memory_space<hbm>>
    tpu.wait_dma2 semaphore(%arg12 : memref<!tpu.dma_semaphore, #tpu.memory_space<semaphore_mem>>) src(%arg8 : memref<24576xf32, #tpu.memory_space<vmem>>) dst(%dma_wait3A_59 : memref<24576xf32, #tpu.memory_space<hbm>>)
    %lt3A = arith.constant 22 : i32
    %lt3A_60 = arith.cmpi slt, %add3A, %lt3A : i32
    %convert_element_type3A = arith.extui %lt3A_60 : i1 to i32
    %cond3A = arith.constant 0 : i32
    %cond3A_61 = arith.cmpi ne, %convert_element_type3A, %cond3A : i32
    scf.if %cond3A_61 {
      %add3A_66 = arith.constant 1280 : i32
      %add3A_67 = arith.addi %add3A_66, %add3A : i32
      %mul3A_68 = arith.constant 768 : i32
      %mul3A_69 = arith.muli %add3A_67, %mul3A_68 : i32
      "tpu.region"() ({
        %run_scoped3A = tpu.sem_alloc : memref<!tpu.dma_semaphore, #tpu.memory_space<semaphore_mem>>
        %dma_start3A_75 = arith.constant 0 : i32
        %dma_start3A_76 = arith.constant 0 : i32
        %dma_start3A_77 = tpu.memref_slice %arg6[%dma_start3A_75, %dma_start3A_76] : memref<32x769xf32, #tpu.memory_space<vmem>> -> memref<32x768xf32, #tpu.memory_space<vmem>>
        %dma_start3A_78 = arith.constant 0 : i32
        %dma_start3A_79 = tpu.memref_slice %arg2[%dma_start3A_78, %mul3A_69] : memref<32x1000000xf32, #tpu.memory_space<hbm>> -> memref<32x768xf32, #tpu.memory_space<hbm>>
        %dma_start3A_80 = arith.constant 0 : i32
        %dma_start3A_81 = arith.constant 0 : i32
        %dma_start3A_82 = tpu.memref_slice %arg6[%dma_start3A_80, %dma_start3A_81] : memref<32x769xf32, #tpu.memory_space<vmem>> -> memref<32x768xf32, #tpu.memory_space<vmem>>
        %dma_start3A_83 = arith.constant 0 : i32
        %dma_start3A_84 = tpu.memref_slice %arg2[%dma_start3A_83, %mul3A_69] : memref<32x1000000xf32, #tpu.memory_space<hbm>> -> memref<32x768xf32, #tpu.memory_space<hbm>>
        tpu.enqueue_dma source(%dma_start3A_84 : memref<32x768xf32, #tpu.memory_space<hbm>>) target(%dma_start3A_82 : memref<32x768xf32, #tpu.memory_space<vmem>>) target_semaphore(%run_scoped3A : memref<!tpu.dma_semaphore, #tpu.memory_space<semaphore_mem>>)
        %dma_wait3A_85 = arith.constant 0 : i32
        %dma_wait3A_86 = arith.constant 0 : i32
        %dma_wait3A_87 = tpu.memref_slice %arg6[%dma_wait3A_85, %dma_wait3A_86] : memref<32x769xf32, #tpu.memory_space<vmem>> -> memref<32x768xf32, #tpu.memory_space<vmem>>
        %dma_wait3A_88 = arith.constant 0 : i32
        %dma_wait3A_89 = tpu.memref_slice %arg2[%dma_wait3A_88, %mul3A_69] : memref<32x1000000xf32, #tpu.memory_space<hbm>> -> memref<32x768xf32, #tpu.memory_space<hbm>>
        %dma_wait3A_90 = arith.constant 0 : i32
        %dma_wait3A_91 = arith.constant 0 : i32
        %dma_wait3A_92 = tpu.memref_slice %arg6[%dma_wait3A_90, %dma_wait3A_91] : memref<32x769xf32, #tpu.memory_space<vmem>> -> memref<32x768xf32, #tpu.memory_space<vmem>>
        %dma_wait3A_93 = arith.constant 0 : i32
        %dma_wait3A_94 = tpu.memref_slice %arg2[%dma_wait3A_93, %mul3A_69] : memref<32x1000000xf32, #tpu.memory_space<hbm>> -> memref<32x768xf32, #tpu.memory_space<hbm>>
        tpu.wait_dma2 semaphore(%run_scoped3A : memref<!tpu.dma_semaphore, #tpu.memory_space<semaphore_mem>>) src(%dma_wait3A_94 : memref<32x768xf32, #tpu.memory_space<hbm>>) dst(%dma_wait3A_92 : memref<32x768xf32, #tpu.memory_space<vmem>>)
        tpu.yield
      }) : () -> ()
      %parallel_loop3A = arith.constant 0 : i32
      %parallel_loop3A_70 = arith.constant 768 : i32
      %parallel_loop3A_71 = arith.constant 1 : i32
      %parallel_loop3A_72 = scf.for %parallel_loop3A_75 = %parallel_loop3A to %parallel_loop3A_70 step %parallel_loop3A_71 iter_args(%parallel_loop3A_76 = %broadcast_in_dim3A_1) -> (vector<16xi32>)  : i32 {
        %parallel_loop3A_77 = tpu.vector_load_idx %arg6[%iota3A, %parallel_loop3A_76] : memref<32x769xf32, #tpu.memory_space<vmem>>[vector<16xi32>, vector<16xi32>], vector<16xf32>,
        %parallel_loop3A_78 = arith.constant 32 : i32
        %parallel_loop3A_79 = arith.muli %parallel_loop3A_75, %parallel_loop3A_78 : i32
        %parallel_loop3A_80 = arith.index_cast %parallel_loop3A_79 : i32 to index
        %parallel_loop3A_81 = tpu.vector_load %arg8[%parallel_loop3A_80] {strides = array<i32>} : memref<24576xf32, #tpu.memory_space<vmem>>, vector<16xf32>,
        tpu.vector_store %arg8[%parallel_loop3A_80], %parallel_loop3A_77 {strides = array<i32>} : memref<24576xf32, #tpu.memory_space<vmem>>, vector<16xf32>,
        %parallel_loop3A_82 = tpu.vector_load_idx %arg6[%add3A_4, %parallel_loop3A_76] : memref<32x769xf32, #tpu.memory_space<vmem>>[vector<16xi32>, vector<16xi32>], vector<16xf32>,
        %parallel_loop3A_83 = arith.constant 32 : i32
        %parallel_loop3A_84 = arith.muli %parallel_loop3A_75, %parallel_loop3A_83 : i32
        %parallel_loop3A_85 = arith.constant 16 : i32
        %parallel_loop3A_86 = arith.addi %parallel_loop3A_84, %parallel_loop3A_85 : i32
        %parallel_loop3A_87 = arith.index_cast %parallel_loop3A_86 : i32 to index
        %parallel_loop3A_88 = tpu.vector_load %arg8[%parallel_loop3A_87] {strides = array<i32>} : memref<24576xf32, #tpu.memory_space<vmem>>, vector<16xf32>,
        tpu.vector_store %arg8[%parallel_loop3A_87], %parallel_loop3A_82 {strides = array<i32>} : memref<24576xf32, #tpu.memory_space<vmem>>, vector<16xf32>,
        %parallel_loop3A_89 = arith.constant 1 : i32
        %parallel_loop3A_90 = vector.broadcast %parallel_loop3A_89 : i32 to vector<16xi32>
        %parallel_loop3A_91 = arith.addi %parallel_loop3A_76, %parallel_loop3A_90 : vector<16xi32>
        scf.yield %parallel_loop3A_91 : vector<16xi32>
      } {sc.loop_unroll_factor = 8 : i64, sc.parallel_access}
      %mul3A_73 = arith.constant 32 : i32
      %mul3A_74 = arith.muli %mul3A_69, %mul3A_73 : i32
      "tpu.region"() ({
        %run_scoped3A = tpu.sem_alloc : memref<!tpu.dma_semaphore, #tpu.memory_space<semaphore_mem>>
        %dma_start3A_75 = tpu.memref_slice %arg4[%mul3A_74] : memref<32000000xf32, #tpu.memory_space<hbm>> -> memref<24576xf32, #tpu.memory_space<hbm>>
        %dma_start3A_76 = tpu.memref_slice %arg4[%mul3A_74] : memref<32000000xf32, #tpu.memory_space<hbm>> -> memref<24576xf32, #tpu.memory_space<hbm>>
        tpu.enqueue_dma source(%arg8 : memref<24576xf32, #tpu.memory_space<vmem>>) target(%dma_start3A_76 : memref<24576xf32, #tpu.memory_space<hbm>>) target_semaphore(%run_scoped3A : memref<!tpu.dma_semaphore, #tpu.memory_space<semaphore_mem>>)
        %dma_wait3A_77 = tpu.memref_slice %arg4[%mul3A_74] : memref<32000000xf32, #tpu.memory_space<hbm>> -> memref<24576xf32, #tpu.memory_space<hbm>>
        %dma_wait3A_78 = tpu.memref_slice %arg4[%mul3A_74] : memref<32000000xf32, #tpu.memory_space<hbm>> -> memref<24576xf32, #tpu.memory_space<hbm>>
        tpu.wait_dma2 semaphore(%run_scoped3A : memref<!tpu.dma_semaphore, #tpu.memory_space<semaphore_mem>>) src(%arg8 : memref<24576xf32, #tpu.memory_space<vmem>>) dst(%dma_wait3A_78 : memref<24576xf32, #tpu.memory_space<hbm>>)
        tpu.yield
      }) : () -> ()
    } else {
    }
    %eq3A = arith.constant 22 : i32
    %eq3A_62 = arith.cmpi eq, %add3A, %eq3A : i32
    %convert_element_type3A_63 = arith.extui %eq3A_62 : i1 to i32
    %cond3A_64 = arith.constant 0 : i32
    %cond3A_65 = arith.cmpi ne, %convert_element_type3A_63, %cond3A_64 : i32
    scf.if %cond3A_65 {
      "tpu.region"() ({
        %run_scoped3A = tpu.sem_alloc : memref<!tpu.dma_semaphore, #tpu.memory_space<semaphore_mem>>
        %dma_start3A_66 = arith.constant 0 : i32
        %dma_start3A_67 = tpu.memref_slice %arg7[%dma_start3A_66] : memref<24576xf32, #tpu.memory_space<vmem>> -> memref<2048xf32, #tpu.memory_space<vmem>>
        %dma_start3A_68 = arith.constant 0 : i32
        %dma_start3A_69 = tpu.memref_slice %arg7[%dma_start3A_68] : memref<24576xf32, #tpu.memory_space<vmem>> -> memref<2048xf32, #tpu.memory_space<vmem>>
        tpu.enqueue_dma source(%arg3 : memref<2048xf32, #tpu.memory_space<hbm>>) target(%dma_start3A_69 : memref<2048xf32, #tpu.memory_space<vmem>>) target_semaphore(%run_scoped3A : memref<!tpu.dma_semaphore, #tpu.memory_space<semaphore_mem>>)
        %dma_wait3A_70 = arith.constant 0 : i32
        %dma_wait3A_71 = tpu.memref_slice %arg7[%dma_wait3A_70] : memref<24576xf32, #tpu.memory_space<vmem>> -> memref<2048xf32, #tpu.memory_space<vmem>>
        %dma_wait3A_72 = arith.constant 0 : i32
        %dma_wait3A_73 = tpu.memref_slice %arg7[%dma_wait3A_72] : memref<24576xf32, #tpu.memory_space<vmem>> -> memref<2048xf32, #tpu.memory_space<vmem>>
        tpu.wait_dma2 semaphore(%run_scoped3A : memref<!tpu.dma_semaphore, #tpu.memory_space<semaphore_mem>>) src(%arg3 : memref<2048xf32, #tpu.memory_space<hbm>>) dst(%dma_wait3A_73 : memref<2048xf32, #tpu.memory_space<vmem>>)
        tpu.yield
      }) : () -> ()
      "tpu.region"() ({
        %run_scoped3A = tpu.sem_alloc : memref<!tpu.dma_semaphore, #tpu.memory_space<semaphore_mem>>
        %dma_start3A_66 = arith.constant 0 : i32
        %dma_start3A_67 = tpu.memref_slice %arg7[%dma_start3A_66] : memref<24576xf32, #tpu.memory_space<vmem>> -> memref<2048xf32, #tpu.memory_space<vmem>>
        %dma_start3A_68 = arith.constant 31997952 : i32
        %dma_start3A_69 = tpu.memref_slice %arg4[%dma_start3A_68] : memref<32000000xf32, #tpu.memory_space<hbm>> -> memref<2048xf32, #tpu.memory_space<hbm>>
        %dma_start3A_70 = arith.constant 31997952 : i32
        %dma_start3A_71 = tpu.memref_slice %arg4[%dma_start3A_70] : memref<32000000xf32, #tpu.memory_space<hbm>> -> memref<2048xf32, #tpu.memory_space<hbm>>
        %dma_start3A_72 = arith.constant 0 : i32
        %dma_start3A_73 = tpu.memref_slice %arg7[%dma_start3A_72] : memref<24576xf32, #tpu.memory_space<vmem>> -> memref<2048xf32, #tpu.memory_space<vmem>>
        tpu.enqueue_dma source(%dma_start3A_73 : memref<2048xf32, #tpu.memory_space<vmem>>) target(%dma_start3A_71 : memref<2048xf32, #tpu.memory_space<hbm>>) target_semaphore(%run_scoped3A : memref<!tpu.dma_semaphore, #tpu.memory_space<semaphore_mem>>)
        %dma_wait3A_74 = arith.constant 0 : i32
        %dma_wait3A_75 = tpu.memref_slice %arg7[%dma_wait3A_74] : memref<24576xf32, #tpu.memory_space<vmem>> -> memref<2048xf32, #tpu.memory_space<vmem>>
        %dma_wait3A_76 = arith.constant 31997952 : i32
        %dma_wait3A_77 = tpu.memref_slice %arg4[%dma_wait3A_76] : memref<32000000xf32, #tpu.memory_space<hbm>> -> memref<2048xf32, #tpu.memory_space<hbm>>
        %dma_wait3A_78 = arith.constant 31997952 : i32
        %dma_wait3A_79 = tpu.memref_slice %arg4[%dma_wait3A_78] : memref<32000000xf32, #tpu.memory_space<hbm>> -> memref<2048xf32, #tpu.memory_space<hbm>>
        %dma_wait3A_80 = arith.constant 0 : i32
        %dma_wait3A_81 = tpu.memref_slice %arg7[%dma_wait3A_80] : memref<24576xf32, #tpu.memory_space<vmem>> -> memref<2048xf32, #tpu.memory_space<vmem>>
        tpu.wait_dma2 semaphore(%run_scoped3A : memref<!tpu.dma_semaphore, #tpu.memory_space<semaphore_mem>>) src(%dma_wait3A_81 : memref<2048xf32, #tpu.memory_space<vmem>>) dst(%dma_wait3A_79 : memref<2048xf32, #tpu.memory_space<hbm>>)
        tpu.yield
      }) : () -> ()
    } else {
    }
    return
  }
}

#map = affine_map<(d0, d1) -> (0)>
#map1 = affine_map<(d0, d1) -> (0, 0)>
#map2 = affine_map<(d0, d1) -> (0, 0, 0)>
module attributes {stable_mosaic.version = 14 : i64} {
  func.func @k(%arg0: i32, %arg1: i32, %arg2: memref<425984xi32, #tpu.memory_space<hbm>>, %arg3: memref<1000000x32xf32, #tpu.memory_space<hbm>>, %arg4: memref<26x32x16384xf32, #tpu.memory_space<hbm>>, %arg5: memref<13312xi32, #tpu.memory_space<vmem>>, %arg6: memref<512x32xf32, #tpu.memory_space<vmem>>, %arg7: memref<512x32xf32, #tpu.memory_space<vmem>>, %arg8: memref<32x513xf32, #tpu.memory_space<vmem>>, %arg9: memref<32x513xf32, #tpu.memory_space<vmem>>, %arg10: memref<!tpu.dma_semaphore, #tpu.memory_space<semaphore_mem>>, %arg11: memref<!tpu.dma_semaphore, #tpu.memory_space<semaphore_mem>>, %arg12: memref<!tpu.dma_semaphore, #tpu.memory_space<semaphore_mem>>, %arg13: memref<!tpu.dma_semaphore, #tpu.memory_space<semaphore_mem>>, %arg14: memref<!tpu.dma_semaphore, #tpu.memory_space<semaphore_mem>>) attributes {dimension_semantics = [#tpu.dimension_semantics<core_parallel>, #tpu.dimension_semantics<subcore_parallel>], iteration_bounds = array<i64: 2, 16>, scalar_prefetch = 0 : i64, scratch_operands = 10 : i64, tpu.core_type = #tpu.core_type<sc_vector_subcore>, window_params = [{transform_indices = #map}, {transform_indices = #map1}, {transform_indices = #map2}]} {
    %mul3A = arith.constant 2 : i32
    %mul3A_0 = arith.muli %arg1, %mul3A : i32
    %add3A = arith.addi %mul3A_0, %arg0 : i32
    %iota3A = tpu.iota {dimensions = array<i32: 0>} : vector<16xi32>
    %broadcast_in_dim3A = arith.constant 0 : i32
    %broadcast_in_dim3A_1 = vector.broadcast %broadcast_in_dim3A : i32 to vector<16xi32>
    %add3A_2 = arith.constant 0 : i32
    %add3A_3 = arith.addi %add3A, %add3A_2 : i32
    %jit3A = arith.constant 32 : i32
    %div3A = arith.divsi %add3A_3, %jit3A : i32
    %sign3A = arith.constant 0 : i32
    %sign3A_4 = arith.cmpi sgt, %add3A_3, %sign3A : i32
    %sign3A_5 = arith.extui %sign3A_4 : i1 to i32
    %sign3A_6 = arith.constant 0 : i32
    %sign3A_7 = arith.cmpi slt, %add3A_3, %sign3A_6 : i32
    %sign3A_8 = arith.extui %sign3A_7 : i1 to i32
    %sign3A_9 = arith.subi %sign3A_5, %sign3A_8 : i32
    %sign3A_10 = arith.constant 0 : i32
    %sign3A_11 = arith.cmpi sgt, %jit3A, %sign3A_10 : i32
    %sign3A_12 = arith.extui %sign3A_11 : i1 to i32
    %sign3A_13 = arith.constant 0 : i32
    %sign3A_14 = arith.cmpi slt, %jit3A, %sign3A_13 : i32
    %sign3A_15 = arith.extui %sign3A_14 : i1 to i32
    %sign3A_16 = arith.subi %sign3A_12, %sign3A_15 : i32
    %ne3A = arith.cmpi ne, %sign3A_9, %sign3A_16 : i32
    %rem3A = arith.remsi %add3A_3, %jit3A : i32
    %ne3A_17 = arith.constant 0 : i32
    %ne3A_18 = arith.cmpi ne, %rem3A, %ne3A_17 : i32
    %and3A = arith.andi %ne3A, %ne3A_18 : i1
    %sub3A = arith.constant 1 : i32
    %sub3A_19 = arith.subi %div3A, %sub3A : i32
    %select_n3A = arith.select %and3A, %sub3A_19, %div3A : i32
    %jit3A_20 = arith.constant 32 : i32
    %eq3A = arith.constant 0 : i32
    %eq3A_21 = arith.cmpi eq, %jit3A_20, %eq3A : i32
    %jit3A_22 = arith.constant 1 : i32
    %select_n3A_23 = arith.select %eq3A_21, %jit3A_22, %jit3A_20 : i32
    %rem3A_24 = arith.remsi %add3A_3, %select_n3A_23 : i32
    %ne3A_25 = arith.constant 0 : i32
    %ne3A_26 = arith.cmpi ne, %rem3A_24, %ne3A_25 : i32
    %lt3A = arith.constant 0 : i32
    %lt3A_27 = arith.cmpi slt, %rem3A_24, %lt3A : i32
    %lt3A_28 = arith.constant 0 : i32
    %lt3A_29 = arith.cmpi slt, %select_n3A_23, %lt3A_28 : i32
    %ne3A_30 = arith.xori %lt3A_27, %lt3A_29 : i1
    %and3A_31 = arith.andi %ne3A_30, %ne3A_26 : i1
    %add3A_32 = arith.addi %rem3A_24, %select_n3A_23 : i32
    %select_n3A_33 = arith.select %and3A_31, %add3A_32, %rem3A_24 : i32
    %mul3A_34 = arith.constant 16384 : i32
    %mul3A_35 = arith.muli %select_n3A, %mul3A_34 : i32
    %mul3A_36 = arith.constant 512 : i32
    %mul3A_37 = arith.muli %select_n3A_33, %mul3A_36 : i32
    %add3A_38 = arith.addi %mul3A_35, %mul3A_37 : i32
    %dma_start3A = arith.constant 0 : i32
    %dma_start3A_39 = tpu.memref_slice %arg5[%dma_start3A] : memref<13312xi32, #tpu.memory_space<vmem>> -> memref<512xi32, #tpu.memory_space<vmem>>
    %dma_start3A_40 = tpu.memref_slice %arg2[%add3A_38] : memref<425984xi32, #tpu.memory_space<hbm>> -> memref<512xi32, #tpu.memory_space<hbm>>
    %dma_start3A_41 = arith.constant 0 : i32
    %dma_start3A_42 = tpu.memref_slice %arg5[%dma_start3A_41] : memref<13312xi32, #tpu.memory_space<vmem>> -> memref<512xi32, #tpu.memory_space<vmem>>
    %dma_start3A_43 = tpu.memref_slice %arg2[%add3A_38] : memref<425984xi32, #tpu.memory_space<hbm>> -> memref<512xi32, #tpu.memory_space<hbm>>
    tpu.enqueue_dma source(%dma_start3A_43 : memref<512xi32, #tpu.memory_space<hbm>>) target(%dma_start3A_42 : memref<512xi32, #tpu.memory_space<vmem>>) target_semaphore(%arg10 : memref<!tpu.dma_semaphore, #tpu.memory_space<semaphore_mem>>)
    %add3A_44 = arith.constant 32 : i32
    %add3A_45 = arith.addi %add3A, %add3A_44 : i32
    %jit3A_46 = arith.constant 32 : i32
    %div3A_47 = arith.divsi %add3A_45, %jit3A_46 : i32
    %sign3A_48 = arith.constant 0 : i32
    %sign3A_49 = arith.cmpi sgt, %add3A_45, %sign3A_48 : i32
    %sign3A_50 = arith.extui %sign3A_49 : i1 to i32
    %sign3A_51 = arith.constant 0 : i32
    %sign3A_52 = arith.cmpi slt, %add3A_45, %sign3A_51 : i32
    %sign3A_53 = arith.extui %sign3A_52 : i1 to i32
    %sign3A_54 = arith.subi %sign3A_50, %sign3A_53 : i32
    %sign3A_55 = arith.constant 0 : i32
    %sign3A_56 = arith.cmpi sgt, %jit3A_46, %sign3A_55 : i32
    %sign3A_57 = arith.extui %sign3A_56 : i1 to i32
    %sign3A_58 = arith.constant 0 : i32
    %sign3A_59 = arith.cmpi slt, %jit3A_46, %sign3A_58 : i32
    %sign3A_60 = arith.extui %sign3A_59 : i1 to i32
    %sign3A_61 = arith.subi %sign3A_57, %sign3A_60 : i32
    %ne3A_62 = arith.cmpi ne, %sign3A_54, %sign3A_61 : i32
    %rem3A_63 = arith.remsi %add3A_45, %jit3A_46 : i32
    %ne3A_64 = arith.constant 0 : i32
    %ne3A_65 = arith.cmpi ne, %rem3A_63, %ne3A_64 : i32
    %and3A_66 = arith.andi %ne3A_62, %ne3A_65 : i1
    %sub3A_67 = arith.constant 1 : i32
    %sub3A_68 = arith.subi %div3A_47, %sub3A_67 : i32
    %select_n3A_69 = arith.select %and3A_66, %sub3A_68, %div3A_47 : i32
    %jit3A_70 = arith.constant 32 : i32
    %eq3A_71 = arith.constant 0 : i32
    %eq3A_72 = arith.cmpi eq, %jit3A_70, %eq3A_71 : i32
    %jit3A_73 = arith.constant 1 : i32
    %select_n3A_74 = arith.select %eq3A_72, %jit3A_73, %jit3A_70 : i32
    %rem3A_75 = arith.remsi %add3A_45, %select_n3A_74 : i32
    %ne3A_76 = arith.constant 0 : i32
    %ne3A_77 = arith.cmpi ne, %rem3A_75, %ne3A_76 : i32
    %lt3A_78 = arith.constant 0 : i32
    %lt3A_79 = arith.cmpi slt, %rem3A_75, %lt3A_78 : i32
    %lt3A_80 = arith.constant 0 : i32
    %lt3A_81 = arith.cmpi slt, %select_n3A_74, %lt3A_80 : i32
    %ne3A_82 = arith.xori %lt3A_79, %lt3A_81 : i1
    %and3A_83 = arith.andi %ne3A_82, %ne3A_77 : i1
    %add3A_84 = arith.addi %rem3A_75, %select_n3A_74 : i32
    %select_n3A_85 = arith.select %and3A_83, %add3A_84, %rem3A_75 : i32
    %mul3A_86 = arith.constant 16384 : i32
    %mul3A_87 = arith.muli %select_n3A_69, %mul3A_86 : i32
    %mul3A_88 = arith.constant 512 : i32
    %mul3A_89 = arith.muli %select_n3A_85, %mul3A_88 : i32
    %add3A_90 = arith.addi %mul3A_87, %mul3A_89 : i32
    %dma_start3A_91 = arith.constant 512 : i32
    %dma_start3A_92 = tpu.memref_slice %arg5[%dma_start3A_91] : memref<13312xi32, #tpu.memory_space<vmem>> -> memref<512xi32, #tpu.memory_space<vmem>>
    %dma_start3A_93 = tpu.memref_slice %arg2[%add3A_90] : memref<425984xi32, #tpu.memory_space<hbm>> -> memref<512xi32, #tpu.memory_space<hbm>>
    %dma_start3A_94 = arith.constant 512 : i32
    %dma_start3A_95 = tpu.memref_slice %arg5[%dma_start3A_94] : memref<13312xi32, #tpu.memory_space<vmem>> -> memref<512xi32, #tpu.memory_space<vmem>>
    %dma_start3A_96 = tpu.memref_slice %arg2[%add3A_90] : memref<425984xi32, #tpu.memory_space<hbm>> -> memref<512xi32, #tpu.memory_space<hbm>>
    tpu.enqueue_dma source(%dma_start3A_96 : memref<512xi32, #tpu.memory_space<hbm>>) target(%dma_start3A_95 : memref<512xi32, #tpu.memory_space<vmem>>) target_semaphore(%arg10 : memref<!tpu.dma_semaphore, #tpu.memory_space<semaphore_mem>>)
    %add3A_97 = arith.constant 64 : i32
    %add3A_98 = arith.addi %add3A, %add3A_97 : i32
    %jit3A_99 = arith.constant 32 : i32
    %div3A_100 = arith.divsi %add3A_98, %jit3A_99 : i32
    %sign3A_101 = arith.constant 0 : i32
    %sign3A_102 = arith.cmpi sgt, %add3A_98, %sign3A_101 : i32
    %sign3A_103 = arith.extui %sign3A_102 : i1 to i32
    %sign3A_104 = arith.constant 0 : i32
    %sign3A_105 = arith.cmpi slt, %add3A_98, %sign3A_104 : i32
    %sign3A_106 = arith.extui %sign3A_105 : i1 to i32
    %sign3A_107 = arith.subi %sign3A_103, %sign3A_106 : i32
    %sign3A_108 = arith.constant 0 : i32
    %sign3A_109 = arith.cmpi sgt, %jit3A_99, %sign3A_108 : i32
    %sign3A_110 = arith.extui %sign3A_109 : i1 to i32
    %sign3A_111 = arith.constant 0 : i32
    %sign3A_112 = arith.cmpi slt, %jit3A_99, %sign3A_111 : i32
    %sign3A_113 = arith.extui %sign3A_112 : i1 to i32
    %sign3A_114 = arith.subi %sign3A_110, %sign3A_113 : i32
    %ne3A_115 = arith.cmpi ne, %sign3A_107, %sign3A_114 : i32
    %rem3A_116 = arith.remsi %add3A_98, %jit3A_99 : i32
    %ne3A_117 = arith.constant 0 : i32
    %ne3A_118 = arith.cmpi ne, %rem3A_116, %ne3A_117 : i32
    %and3A_119 = arith.andi %ne3A_115, %ne3A_118 : i1
    %sub3A_120 = arith.constant 1 : i32
    %sub3A_121 = arith.subi %div3A_100, %sub3A_120 : i32
    %select_n3A_122 = arith.select %and3A_119, %sub3A_121, %div3A_100 : i32
    %jit3A_123 = arith.constant 32 : i32
    %eq3A_124 = arith.constant 0 : i32
    %eq3A_125 = arith.cmpi eq, %jit3A_123, %eq3A_124 : i32
    %jit3A_126 = arith.constant 1 : i32
    %select_n3A_127 = arith.select %eq3A_125, %jit3A_126, %jit3A_123 : i32
    %rem3A_128 = arith.remsi %add3A_98, %select_n3A_127 : i32
    %ne3A_129 = arith.constant 0 : i32
    %ne3A_130 = arith.cmpi ne, %rem3A_128, %ne3A_129 : i32
    %lt3A_131 = arith.constant 0 : i32
    %lt3A_132 = arith.cmpi slt, %rem3A_128, %lt3A_131 : i32
    %lt3A_133 = arith.constant 0 : i32
    %lt3A_134 = arith.cmpi slt, %select_n3A_127, %lt3A_133 : i32
    %ne3A_135 = arith.xori %lt3A_132, %lt3A_134 : i1
    %and3A_136 = arith.andi %ne3A_135, %ne3A_130 : i1
    %add3A_137 = arith.addi %rem3A_128, %select_n3A_127 : i32
    %select_n3A_138 = arith.select %and3A_136, %add3A_137, %rem3A_128 : i32
    %mul3A_139 = arith.constant 16384 : i32
    %mul3A_140 = arith.muli %select_n3A_122, %mul3A_139 : i32
    %mul3A_141 = arith.constant 512 : i32
    %mul3A_142 = arith.muli %select_n3A_138, %mul3A_141 : i32
    %add3A_143 = arith.addi %mul3A_140, %mul3A_142 : i32
    %dma_start3A_144 = arith.constant 1024 : i32
    %dma_start3A_145 = tpu.memref_slice %arg5[%dma_start3A_144] : memref<13312xi32, #tpu.memory_space<vmem>> -> memref<512xi32, #tpu.memory_space<vmem>>
    %dma_start3A_146 = tpu.memref_slice %arg2[%add3A_143] : memref<425984xi32, #tpu.memory_space<hbm>> -> memref<512xi32, #tpu.memory_space<hbm>>
    %dma_start3A_147 = arith.constant 1024 : i32
    %dma_start3A_148 = tpu.memref_slice %arg5[%dma_start3A_147] : memref<13312xi32, #tpu.memory_space<vmem>> -> memref<512xi32, #tpu.memory_space<vmem>>
    %dma_start3A_149 = tpu.memref_slice %arg2[%add3A_143] : memref<425984xi32, #tpu.memory_space<hbm>> -> memref<512xi32, #tpu.memory_space<hbm>>
    tpu.enqueue_dma source(%dma_start3A_149 : memref<512xi32, #tpu.memory_space<hbm>>) target(%dma_start3A_148 : memref<512xi32, #tpu.memory_space<vmem>>) target_semaphore(%arg10 : memref<!tpu.dma_semaphore, #tpu.memory_space<semaphore_mem>>)
    %add3A_150 = arith.constant 96 : i32
    %add3A_151 = arith.addi %add3A, %add3A_150 : i32
    %jit3A_152 = arith.constant 32 : i32
    %div3A_153 = arith.divsi %add3A_151, %jit3A_152 : i32
    %sign3A_154 = arith.constant 0 : i32
    %sign3A_155 = arith.cmpi sgt, %add3A_151, %sign3A_154 : i32
    %sign3A_156 = arith.extui %sign3A_155 : i1 to i32
    %sign3A_157 = arith.constant 0 : i32
    %sign3A_158 = arith.cmpi slt, %add3A_151, %sign3A_157 : i32
    %sign3A_159 = arith.extui %sign3A_158 : i1 to i32
    %sign3A_160 = arith.subi %sign3A_156, %sign3A_159 : i32
    %sign3A_161 = arith.constant 0 : i32
    %sign3A_162 = arith.cmpi sgt, %jit3A_152, %sign3A_161 : i32
    %sign3A_163 = arith.extui %sign3A_162 : i1 to i32
    %sign3A_164 = arith.constant 0 : i32
    %sign3A_165 = arith.cmpi slt, %jit3A_152, %sign3A_164 : i32
    %sign3A_166 = arith.extui %sign3A_165 : i1 to i32
    %sign3A_167 = arith.subi %sign3A_163, %sign3A_166 : i32
    %ne3A_168 = arith.cmpi ne, %sign3A_160, %sign3A_167 : i32
    %rem3A_169 = arith.remsi %add3A_151, %jit3A_152 : i32
    %ne3A_170 = arith.constant 0 : i32
    %ne3A_171 = arith.cmpi ne, %rem3A_169, %ne3A_170 : i32
    %and3A_172 = arith.andi %ne3A_168, %ne3A_171 : i1
    %sub3A_173 = arith.constant 1 : i32
    %sub3A_174 = arith.subi %div3A_153, %sub3A_173 : i32
    %select_n3A_175 = arith.select %and3A_172, %sub3A_174, %div3A_153 : i32
    %jit3A_176 = arith.constant 32 : i32
    %eq3A_177 = arith.constant 0 : i32
    %eq3A_178 = arith.cmpi eq, %jit3A_176, %eq3A_177 : i32
    %jit3A_179 = arith.constant 1 : i32
    %select_n3A_180 = arith.select %eq3A_178, %jit3A_179, %jit3A_176 : i32
    %rem3A_181 = arith.remsi %add3A_151, %select_n3A_180 : i32
    %ne3A_182 = arith.constant 0 : i32
    %ne3A_183 = arith.cmpi ne, %rem3A_181, %ne3A_182 : i32
    %lt3A_184 = arith.constant 0 : i32
    %lt3A_185 = arith.cmpi slt, %rem3A_181, %lt3A_184 : i32
    %lt3A_186 = arith.constant 0 : i32
    %lt3A_187 = arith.cmpi slt, %select_n3A_180, %lt3A_186 : i32
    %ne3A_188 = arith.xori %lt3A_185, %lt3A_187 : i1
    %and3A_189 = arith.andi %ne3A_188, %ne3A_183 : i1
    %add3A_190 = arith.addi %rem3A_181, %select_n3A_180 : i32
    %select_n3A_191 = arith.select %and3A_189, %add3A_190, %rem3A_181 : i32
    %mul3A_192 = arith.constant 16384 : i32
    %mul3A_193 = arith.muli %select_n3A_175, %mul3A_192 : i32
    %mul3A_194 = arith.constant 512 : i32
    %mul3A_195 = arith.muli %select_n3A_191, %mul3A_194 : i32
    %add3A_196 = arith.addi %mul3A_193, %mul3A_195 : i32
    %dma_start3A_197 = arith.constant 1536 : i32
    %dma_start3A_198 = tpu.memref_slice %arg5[%dma_start3A_197] : memref<13312xi32, #tpu.memory_space<vmem>> -> memref<512xi32, #tpu.memory_space<vmem>>
    %dma_start3A_199 = tpu.memref_slice %arg2[%add3A_196] : memref<425984xi32, #tpu.memory_space<hbm>> -> memref<512xi32, #tpu.memory_space<hbm>>
    %dma_start3A_200 = arith.constant 1536 : i32
    %dma_start3A_201 = tpu.memref_slice %arg5[%dma_start3A_200] : memref<13312xi32, #tpu.memory_space<vmem>> -> memref<512xi32, #tpu.memory_space<vmem>>
    %dma_start3A_202 = tpu.memref_slice %arg2[%add3A_196] : memref<425984xi32, #tpu.memory_space<hbm>> -> memref<512xi32, #tpu.memory_space<hbm>>
    tpu.enqueue_dma source(%dma_start3A_202 : memref<512xi32, #tpu.memory_space<hbm>>) target(%dma_start3A_201 : memref<512xi32, #tpu.memory_space<vmem>>) target_semaphore(%arg10 : memref<!tpu.dma_semaphore, #tpu.memory_space<semaphore_mem>>)
    %add3A_203 = arith.constant 128 : i32
    %add3A_204 = arith.addi %add3A, %add3A_203 : i32
    %jit3A_205 = arith.constant 32 : i32
    %div3A_206 = arith.divsi %add3A_204, %jit3A_205 : i32
    %sign3A_207 = arith.constant 0 : i32
    %sign3A_208 = arith.cmpi sgt, %add3A_204, %sign3A_207 : i32
    %sign3A_209 = arith.extui %sign3A_208 : i1 to i32
    %sign3A_210 = arith.constant 0 : i32
    %sign3A_211 = arith.cmpi slt, %add3A_204, %sign3A_210 : i32
    %sign3A_212 = arith.extui %sign3A_211 : i1 to i32
    %sign3A_213 = arith.subi %sign3A_209, %sign3A_212 : i32
    %sign3A_214 = arith.constant 0 : i32
    %sign3A_215 = arith.cmpi sgt, %jit3A_205, %sign3A_214 : i32
    %sign3A_216 = arith.extui %sign3A_215 : i1 to i32
    %sign3A_217 = arith.constant 0 : i32
    %sign3A_218 = arith.cmpi slt, %jit3A_205, %sign3A_217 : i32
    %sign3A_219 = arith.extui %sign3A_218 : i1 to i32
    %sign3A_220 = arith.subi %sign3A_216, %sign3A_219 : i32
    %ne3A_221 = arith.cmpi ne, %sign3A_213, %sign3A_220 : i32
    %rem3A_222 = arith.remsi %add3A_204, %jit3A_205 : i32
    %ne3A_223 = arith.constant 0 : i32
    %ne3A_224 = arith.cmpi ne, %rem3A_222, %ne3A_223 : i32
    %and3A_225 = arith.andi %ne3A_221, %ne3A_224 : i1
    %sub3A_226 = arith.constant 1 : i32
    %sub3A_227 = arith.subi %div3A_206, %sub3A_226 : i32
    %select_n3A_228 = arith.select %and3A_225, %sub3A_227, %div3A_206 : i32
    %jit3A_229 = arith.constant 32 : i32
    %eq3A_230 = arith.constant 0 : i32
    %eq3A_231 = arith.cmpi eq, %jit3A_229, %eq3A_230 : i32
    %jit3A_232 = arith.constant 1 : i32
    %select_n3A_233 = arith.select %eq3A_231, %jit3A_232, %jit3A_229 : i32
    %rem3A_234 = arith.remsi %add3A_204, %select_n3A_233 : i32
    %ne3A_235 = arith.constant 0 : i32
    %ne3A_236 = arith.cmpi ne, %rem3A_234, %ne3A_235 : i32
    %lt3A_237 = arith.constant 0 : i32
    %lt3A_238 = arith.cmpi slt, %rem3A_234, %lt3A_237 : i32
    %lt3A_239 = arith.constant 0 : i32
    %lt3A_240 = arith.cmpi slt, %select_n3A_233, %lt3A_239 : i32
    %ne3A_241 = arith.xori %lt3A_238, %lt3A_240 : i1
    %and3A_242 = arith.andi %ne3A_241, %ne3A_236 : i1
    %add3A_243 = arith.addi %rem3A_234, %select_n3A_233 : i32
    %select_n3A_244 = arith.select %and3A_242, %add3A_243, %rem3A_234 : i32
    %mul3A_245 = arith.constant 16384 : i32
    %mul3A_246 = arith.muli %select_n3A_228, %mul3A_245 : i32
    %mul3A_247 = arith.constant 512 : i32
    %mul3A_248 = arith.muli %select_n3A_244, %mul3A_247 : i32
    %add3A_249 = arith.addi %mul3A_246, %mul3A_248 : i32
    %dma_start3A_250 = arith.constant 2048 : i32
    %dma_start3A_251 = tpu.memref_slice %arg5[%dma_start3A_250] : memref<13312xi32, #tpu.memory_space<vmem>> -> memref<512xi32, #tpu.memory_space<vmem>>
    %dma_start3A_252 = tpu.memref_slice %arg2[%add3A_249] : memref<425984xi32, #tpu.memory_space<hbm>> -> memref<512xi32, #tpu.memory_space<hbm>>
    %dma_start3A_253 = arith.constant 2048 : i32
    %dma_start3A_254 = tpu.memref_slice %arg5[%dma_start3A_253] : memref<13312xi32, #tpu.memory_space<vmem>> -> memref<512xi32, #tpu.memory_space<vmem>>
    %dma_start3A_255 = tpu.memref_slice %arg2[%add3A_249] : memref<425984xi32, #tpu.memory_space<hbm>> -> memref<512xi32, #tpu.memory_space<hbm>>
    tpu.enqueue_dma source(%dma_start3A_255 : memref<512xi32, #tpu.memory_space<hbm>>) target(%dma_start3A_254 : memref<512xi32, #tpu.memory_space<vmem>>) target_semaphore(%arg10 : memref<!tpu.dma_semaphore, #tpu.memory_space<semaphore_mem>>)
    %add3A_256 = arith.constant 160 : i32
    %add3A_257 = arith.addi %add3A, %add3A_256 : i32
    %jit3A_258 = arith.constant 32 : i32
    %div3A_259 = arith.divsi %add3A_257, %jit3A_258 : i32
    %sign3A_260 = arith.constant 0 : i32
    %sign3A_261 = arith.cmpi sgt, %add3A_257, %sign3A_260 : i32
    %sign3A_262 = arith.extui %sign3A_261 : i1 to i32
    %sign3A_263 = arith.constant 0 : i32
    %sign3A_264 = arith.cmpi slt, %add3A_257, %sign3A_263 : i32
    %sign3A_265 = arith.extui %sign3A_264 : i1 to i32
    %sign3A_266 = arith.subi %sign3A_262, %sign3A_265 : i32
    %sign3A_267 = arith.constant 0 : i32
    %sign3A_268 = arith.cmpi sgt, %jit3A_258, %sign3A_267 : i32
    %sign3A_269 = arith.extui %sign3A_268 : i1 to i32
    %sign3A_270 = arith.constant 0 : i32
    %sign3A_271 = arith.cmpi slt, %jit3A_258, %sign3A_270 : i32
    %sign3A_272 = arith.extui %sign3A_271 : i1 to i32
    %sign3A_273 = arith.subi %sign3A_269, %sign3A_272 : i32
    %ne3A_274 = arith.cmpi ne, %sign3A_266, %sign3A_273 : i32
    %rem3A_275 = arith.remsi %add3A_257, %jit3A_258 : i32
    %ne3A_276 = arith.constant 0 : i32
    %ne3A_277 = arith.cmpi ne, %rem3A_275, %ne3A_276 : i32
    %and3A_278 = arith.andi %ne3A_274, %ne3A_277 : i1
    %sub3A_279 = arith.constant 1 : i32
    %sub3A_280 = arith.subi %div3A_259, %sub3A_279 : i32
    %select_n3A_281 = arith.select %and3A_278, %sub3A_280, %div3A_259 : i32
    %jit3A_282 = arith.constant 32 : i32
    %eq3A_283 = arith.constant 0 : i32
    %eq3A_284 = arith.cmpi eq, %jit3A_282, %eq3A_283 : i32
    %jit3A_285 = arith.constant 1 : i32
    %select_n3A_286 = arith.select %eq3A_284, %jit3A_285, %jit3A_282 : i32
    %rem3A_287 = arith.remsi %add3A_257, %select_n3A_286 : i32
    %ne3A_288 = arith.constant 0 : i32
    %ne3A_289 = arith.cmpi ne, %rem3A_287, %ne3A_288 : i32
    %lt3A_290 = arith.constant 0 : i32
    %lt3A_291 = arith.cmpi slt, %rem3A_287, %lt3A_290 : i32
    %lt3A_292 = arith.constant 0 : i32
    %lt3A_293 = arith.cmpi slt, %select_n3A_286, %lt3A_292 : i32
    %ne3A_294 = arith.xori %lt3A_291, %lt3A_293 : i1
    %and3A_295 = arith.andi %ne3A_294, %ne3A_289 : i1
    %add3A_296 = arith.addi %rem3A_287, %select_n3A_286 : i32
    %select_n3A_297 = arith.select %and3A_295, %add3A_296, %rem3A_287 : i32
    %mul3A_298 = arith.constant 16384 : i32
    %mul3A_299 = arith.muli %select_n3A_281, %mul3A_298 : i32
    %mul3A_300 = arith.constant 512 : i32
    %mul3A_301 = arith.muli %select_n3A_297, %mul3A_300 : i32
    %add3A_302 = arith.addi %mul3A_299, %mul3A_301 : i32
    %dma_start3A_303 = arith.constant 2560 : i32
    %dma_start3A_304 = tpu.memref_slice %arg5[%dma_start3A_303] : memref<13312xi32, #tpu.memory_space<vmem>> -> memref<512xi32, #tpu.memory_space<vmem>>
    %dma_start3A_305 = tpu.memref_slice %arg2[%add3A_302] : memref<425984xi32, #tpu.memory_space<hbm>> -> memref<512xi32, #tpu.memory_space<hbm>>
    %dma_start3A_306 = arith.constant 2560 : i32
    %dma_start3A_307 = tpu.memref_slice %arg5[%dma_start3A_306] : memref<13312xi32, #tpu.memory_space<vmem>> -> memref<512xi32, #tpu.memory_space<vmem>>
    %dma_start3A_308 = tpu.memref_slice %arg2[%add3A_302] : memref<425984xi32, #tpu.memory_space<hbm>> -> memref<512xi32, #tpu.memory_space<hbm>>
    tpu.enqueue_dma source(%dma_start3A_308 : memref<512xi32, #tpu.memory_space<hbm>>) target(%dma_start3A_307 : memref<512xi32, #tpu.memory_space<vmem>>) target_semaphore(%arg10 : memref<!tpu.dma_semaphore, #tpu.memory_space<semaphore_mem>>)
    %add3A_309 = arith.constant 192 : i32
    %add3A_310 = arith.addi %add3A, %add3A_309 : i32
    %jit3A_311 = arith.constant 32 : i32
    %div3A_312 = arith.divsi %add3A_310, %jit3A_311 : i32
    %sign3A_313 = arith.constant 0 : i32
    %sign3A_314 = arith.cmpi sgt, %add3A_310, %sign3A_313 : i32
    %sign3A_315 = arith.extui %sign3A_314 : i1 to i32
    %sign3A_316 = arith.constant 0 : i32
    %sign3A_317 = arith.cmpi slt, %add3A_310, %sign3A_316 : i32
    %sign3A_318 = arith.extui %sign3A_317 : i1 to i32
    %sign3A_319 = arith.subi %sign3A_315, %sign3A_318 : i32
    %sign3A_320 = arith.constant 0 : i32
    %sign3A_321 = arith.cmpi sgt, %jit3A_311, %sign3A_320 : i32
    %sign3A_322 = arith.extui %sign3A_321 : i1 to i32
    %sign3A_323 = arith.constant 0 : i32
    %sign3A_324 = arith.cmpi slt, %jit3A_311, %sign3A_323 : i32
    %sign3A_325 = arith.extui %sign3A_324 : i1 to i32
    %sign3A_326 = arith.subi %sign3A_322, %sign3A_325 : i32
    %ne3A_327 = arith.cmpi ne, %sign3A_319, %sign3A_326 : i32
    %rem3A_328 = arith.remsi %add3A_310, %jit3A_311 : i32
    %ne3A_329 = arith.constant 0 : i32
    %ne3A_330 = arith.cmpi ne, %rem3A_328, %ne3A_329 : i32
    %and3A_331 = arith.andi %ne3A_327, %ne3A_330 : i1
    %sub3A_332 = arith.constant 1 : i32
    %sub3A_333 = arith.subi %div3A_312, %sub3A_332 : i32
    %select_n3A_334 = arith.select %and3A_331, %sub3A_333, %div3A_312 : i32
    %jit3A_335 = arith.constant 32 : i32
    %eq3A_336 = arith.constant 0 : i32
    %eq3A_337 = arith.cmpi eq, %jit3A_335, %eq3A_336 : i32
    %jit3A_338 = arith.constant 1 : i32
    %select_n3A_339 = arith.select %eq3A_337, %jit3A_338, %jit3A_335 : i32
    %rem3A_340 = arith.remsi %add3A_310, %select_n3A_339 : i32
    %ne3A_341 = arith.constant 0 : i32
    %ne3A_342 = arith.cmpi ne, %rem3A_340, %ne3A_341 : i32
    %lt3A_343 = arith.constant 0 : i32
    %lt3A_344 = arith.cmpi slt, %rem3A_340, %lt3A_343 : i32
    %lt3A_345 = arith.constant 0 : i32
    %lt3A_346 = arith.cmpi slt, %select_n3A_339, %lt3A_345 : i32
    %ne3A_347 = arith.xori %lt3A_344, %lt3A_346 : i1
    %and3A_348 = arith.andi %ne3A_347, %ne3A_342 : i1
    %add3A_349 = arith.addi %rem3A_340, %select_n3A_339 : i32
    %select_n3A_350 = arith.select %and3A_348, %add3A_349, %rem3A_340 : i32
    %mul3A_351 = arith.constant 16384 : i32
    %mul3A_352 = arith.muli %select_n3A_334, %mul3A_351 : i32
    %mul3A_353 = arith.constant 512 : i32
    %mul3A_354 = arith.muli %select_n3A_350, %mul3A_353 : i32
    %add3A_355 = arith.addi %mul3A_352, %mul3A_354 : i32
    %dma_start3A_356 = arith.constant 3072 : i32
    %dma_start3A_357 = tpu.memref_slice %arg5[%dma_start3A_356] : memref<13312xi32, #tpu.memory_space<vmem>> -> memref<512xi32, #tpu.memory_space<vmem>>
    %dma_start3A_358 = tpu.memref_slice %arg2[%add3A_355] : memref<425984xi32, #tpu.memory_space<hbm>> -> memref<512xi32, #tpu.memory_space<hbm>>
    %dma_start3A_359 = arith.constant 3072 : i32
    %dma_start3A_360 = tpu.memref_slice %arg5[%dma_start3A_359] : memref<13312xi32, #tpu.memory_space<vmem>> -> memref<512xi32, #tpu.memory_space<vmem>>
    %dma_start3A_361 = tpu.memref_slice %arg2[%add3A_355] : memref<425984xi32, #tpu.memory_space<hbm>> -> memref<512xi32, #tpu.memory_space<hbm>>
    tpu.enqueue_dma source(%dma_start3A_361 : memref<512xi32, #tpu.memory_space<hbm>>) target(%dma_start3A_360 : memref<512xi32, #tpu.memory_space<vmem>>) target_semaphore(%arg10 : memref<!tpu.dma_semaphore, #tpu.memory_space<semaphore_mem>>)
    %add3A_362 = arith.constant 224 : i32
    %add3A_363 = arith.addi %add3A, %add3A_362 : i32
    %jit3A_364 = arith.constant 32 : i32
    %div3A_365 = arith.divsi %add3A_363, %jit3A_364 : i32
    %sign3A_366 = arith.constant 0 : i32
    %sign3A_367 = arith.cmpi sgt, %add3A_363, %sign3A_366 : i32
    %sign3A_368 = arith.extui %sign3A_367 : i1 to i32
    %sign3A_369 = arith.constant 0 : i32
    %sign3A_370 = arith.cmpi slt, %add3A_363, %sign3A_369 : i32
    %sign3A_371 = arith.extui %sign3A_370 : i1 to i32
    %sign3A_372 = arith.subi %sign3A_368, %sign3A_371 : i32
    %sign3A_373 = arith.constant 0 : i32
    %sign3A_374 = arith.cmpi sgt, %jit3A_364, %sign3A_373 : i32
    %sign3A_375 = arith.extui %sign3A_374 : i1 to i32
    %sign3A_376 = arith.constant 0 : i32
    %sign3A_377 = arith.cmpi slt, %jit3A_364, %sign3A_376 : i32
    %sign3A_378 = arith.extui %sign3A_377 : i1 to i32
    %sign3A_379 = arith.subi %sign3A_375, %sign3A_378 : i32
    %ne3A_380 = arith.cmpi ne, %sign3A_372, %sign3A_379 : i32
    %rem3A_381 = arith.remsi %add3A_363, %jit3A_364 : i32
    %ne3A_382 = arith.constant 0 : i32
    %ne3A_383 = arith.cmpi ne, %rem3A_381, %ne3A_382 : i32
    %and3A_384 = arith.andi %ne3A_380, %ne3A_383 : i1
    %sub3A_385 = arith.constant 1 : i32
    %sub3A_386 = arith.subi %div3A_365, %sub3A_385 : i32
    %select_n3A_387 = arith.select %and3A_384, %sub3A_386, %div3A_365 : i32
    %jit3A_388 = arith.constant 32 : i32
    %eq3A_389 = arith.constant 0 : i32
    %eq3A_390 = arith.cmpi eq, %jit3A_388, %eq3A_389 : i32
    %jit3A_391 = arith.constant 1 : i32
    %select_n3A_392 = arith.select %eq3A_390, %jit3A_391, %jit3A_388 : i32
    %rem3A_393 = arith.remsi %add3A_363, %select_n3A_392 : i32
    %ne3A_394 = arith.constant 0 : i32
    %ne3A_395 = arith.cmpi ne, %rem3A_393, %ne3A_394 : i32
    %lt3A_396 = arith.constant 0 : i32
    %lt3A_397 = arith.cmpi slt, %rem3A_393, %lt3A_396 : i32
    %lt3A_398 = arith.constant 0 : i32
    %lt3A_399 = arith.cmpi slt, %select_n3A_392, %lt3A_398 : i32
    %ne3A_400 = arith.xori %lt3A_397, %lt3A_399 : i1
    %and3A_401 = arith.andi %ne3A_400, %ne3A_395 : i1
    %add3A_402 = arith.addi %rem3A_393, %select_n3A_392 : i32
    %select_n3A_403 = arith.select %and3A_401, %add3A_402, %rem3A_393 : i32
    %mul3A_404 = arith.constant 16384 : i32
    %mul3A_405 = arith.muli %select_n3A_387, %mul3A_404 : i32
    %mul3A_406 = arith.constant 512 : i32
    %mul3A_407 = arith.muli %select_n3A_403, %mul3A_406 : i32
    %add3A_408 = arith.addi %mul3A_405, %mul3A_407 : i32
    %dma_start3A_409 = arith.constant 3584 : i32
    %dma_start3A_410 = tpu.memref_slice %arg5[%dma_start3A_409] : memref<13312xi32, #tpu.memory_space<vmem>> -> memref<512xi32, #tpu.memory_space<vmem>>
    %dma_start3A_411 = tpu.memref_slice %arg2[%add3A_408] : memref<425984xi32, #tpu.memory_space<hbm>> -> memref<512xi32, #tpu.memory_space<hbm>>
    %dma_start3A_412 = arith.constant 3584 : i32
    %dma_start3A_413 = tpu.memref_slice %arg5[%dma_start3A_412] : memref<13312xi32, #tpu.memory_space<vmem>> -> memref<512xi32, #tpu.memory_space<vmem>>
    %dma_start3A_414 = tpu.memref_slice %arg2[%add3A_408] : memref<425984xi32, #tpu.memory_space<hbm>> -> memref<512xi32, #tpu.memory_space<hbm>>
    tpu.enqueue_dma source(%dma_start3A_414 : memref<512xi32, #tpu.memory_space<hbm>>) target(%dma_start3A_413 : memref<512xi32, #tpu.memory_space<vmem>>) target_semaphore(%arg10 : memref<!tpu.dma_semaphore, #tpu.memory_space<semaphore_mem>>)
    %add3A_415 = arith.constant 256 : i32
    %add3A_416 = arith.addi %add3A, %add3A_415 : i32
    %jit3A_417 = arith.constant 32 : i32
    %div3A_418 = arith.divsi %add3A_416, %jit3A_417 : i32
    %sign3A_419 = arith.constant 0 : i32
    %sign3A_420 = arith.cmpi sgt, %add3A_416, %sign3A_419 : i32
    %sign3A_421 = arith.extui %sign3A_420 : i1 to i32
    %sign3A_422 = arith.constant 0 : i32
    %sign3A_423 = arith.cmpi slt, %add3A_416, %sign3A_422 : i32
    %sign3A_424 = arith.extui %sign3A_423 : i1 to i32
    %sign3A_425 = arith.subi %sign3A_421, %sign3A_424 : i32
    %sign3A_426 = arith.constant 0 : i32
    %sign3A_427 = arith.cmpi sgt, %jit3A_417, %sign3A_426 : i32
    %sign3A_428 = arith.extui %sign3A_427 : i1 to i32
    %sign3A_429 = arith.constant 0 : i32
    %sign3A_430 = arith.cmpi slt, %jit3A_417, %sign3A_429 : i32
    %sign3A_431 = arith.extui %sign3A_430 : i1 to i32
    %sign3A_432 = arith.subi %sign3A_428, %sign3A_431 : i32
    %ne3A_433 = arith.cmpi ne, %sign3A_425, %sign3A_432 : i32
    %rem3A_434 = arith.remsi %add3A_416, %jit3A_417 : i32
    %ne3A_435 = arith.constant 0 : i32
    %ne3A_436 = arith.cmpi ne, %rem3A_434, %ne3A_435 : i32
    %and3A_437 = arith.andi %ne3A_433, %ne3A_436 : i1
    %sub3A_438 = arith.constant 1 : i32
    %sub3A_439 = arith.subi %div3A_418, %sub3A_438 : i32
    %select_n3A_440 = arith.select %and3A_437, %sub3A_439, %div3A_418 : i32
    %jit3A_441 = arith.constant 32 : i32
    %eq3A_442 = arith.constant 0 : i32
    %eq3A_443 = arith.cmpi eq, %jit3A_441, %eq3A_442 : i32
    %jit3A_444 = arith.constant 1 : i32
    %select_n3A_445 = arith.select %eq3A_443, %jit3A_444, %jit3A_441 : i32
    %rem3A_446 = arith.remsi %add3A_416, %select_n3A_445 : i32
    %ne3A_447 = arith.constant 0 : i32
    %ne3A_448 = arith.cmpi ne, %rem3A_446, %ne3A_447 : i32
    %lt3A_449 = arith.constant 0 : i32
    %lt3A_450 = arith.cmpi slt, %rem3A_446, %lt3A_449 : i32
    %lt3A_451 = arith.constant 0 : i32
    %lt3A_452 = arith.cmpi slt, %select_n3A_445, %lt3A_451 : i32
    %ne3A_453 = arith.xori %lt3A_450, %lt3A_452 : i1
    %and3A_454 = arith.andi %ne3A_453, %ne3A_448 : i1
    %add3A_455 = arith.addi %rem3A_446, %select_n3A_445 : i32
    %select_n3A_456 = arith.select %and3A_454, %add3A_455, %rem3A_446 : i32
    %mul3A_457 = arith.constant 16384 : i32
    %mul3A_458 = arith.muli %select_n3A_440, %mul3A_457 : i32
    %mul3A_459 = arith.constant 512 : i32
    %mul3A_460 = arith.muli %select_n3A_456, %mul3A_459 : i32
    %add3A_461 = arith.addi %mul3A_458, %mul3A_460 : i32
    %dma_start3A_462 = arith.constant 4096 : i32
    %dma_start3A_463 = tpu.memref_slice %arg5[%dma_start3A_462] : memref<13312xi32, #tpu.memory_space<vmem>> -> memref<512xi32, #tpu.memory_space<vmem>>
    %dma_start3A_464 = tpu.memref_slice %arg2[%add3A_461] : memref<425984xi32, #tpu.memory_space<hbm>> -> memref<512xi32, #tpu.memory_space<hbm>>
    %dma_start3A_465 = arith.constant 4096 : i32
    %dma_start3A_466 = tpu.memref_slice %arg5[%dma_start3A_465] : memref<13312xi32, #tpu.memory_space<vmem>> -> memref<512xi32, #tpu.memory_space<vmem>>
    %dma_start3A_467 = tpu.memref_slice %arg2[%add3A_461] : memref<425984xi32, #tpu.memory_space<hbm>> -> memref<512xi32, #tpu.memory_space<hbm>>
    tpu.enqueue_dma source(%dma_start3A_467 : memref<512xi32, #tpu.memory_space<hbm>>) target(%dma_start3A_466 : memref<512xi32, #tpu.memory_space<vmem>>) target_semaphore(%arg10 : memref<!tpu.dma_semaphore, #tpu.memory_space<semaphore_mem>>)
    %add3A_468 = arith.constant 288 : i32
    %add3A_469 = arith.addi %add3A, %add3A_468 : i32
    %jit3A_470 = arith.constant 32 : i32
    %div3A_471 = arith.divsi %add3A_469, %jit3A_470 : i32
    %sign3A_472 = arith.constant 0 : i32
    %sign3A_473 = arith.cmpi sgt, %add3A_469, %sign3A_472 : i32
    %sign3A_474 = arith.extui %sign3A_473 : i1 to i32
    %sign3A_475 = arith.constant 0 : i32
    %sign3A_476 = arith.cmpi slt, %add3A_469, %sign3A_475 : i32
    %sign3A_477 = arith.extui %sign3A_476 : i1 to i32
    %sign3A_478 = arith.subi %sign3A_474, %sign3A_477 : i32
    %sign3A_479 = arith.constant 0 : i32
    %sign3A_480 = arith.cmpi sgt, %jit3A_470, %sign3A_479 : i32
    %sign3A_481 = arith.extui %sign3A_480 : i1 to i32
    %sign3A_482 = arith.constant 0 : i32
    %sign3A_483 = arith.cmpi slt, %jit3A_470, %sign3A_482 : i32
    %sign3A_484 = arith.extui %sign3A_483 : i1 to i32
    %sign3A_485 = arith.subi %sign3A_481, %sign3A_484 : i32
    %ne3A_486 = arith.cmpi ne, %sign3A_478, %sign3A_485 : i32
    %rem3A_487 = arith.remsi %add3A_469, %jit3A_470 : i32
    %ne3A_488 = arith.constant 0 : i32
    %ne3A_489 = arith.cmpi ne, %rem3A_487, %ne3A_488 : i32
    %and3A_490 = arith.andi %ne3A_486, %ne3A_489 : i1
    %sub3A_491 = arith.constant 1 : i32
    %sub3A_492 = arith.subi %div3A_471, %sub3A_491 : i32
    %select_n3A_493 = arith.select %and3A_490, %sub3A_492, %div3A_471 : i32
    %jit3A_494 = arith.constant 32 : i32
    %eq3A_495 = arith.constant 0 : i32
    %eq3A_496 = arith.cmpi eq, %jit3A_494, %eq3A_495 : i32
    %jit3A_497 = arith.constant 1 : i32
    %select_n3A_498 = arith.select %eq3A_496, %jit3A_497, %jit3A_494 : i32
    %rem3A_499 = arith.remsi %add3A_469, %select_n3A_498 : i32
    %ne3A_500 = arith.constant 0 : i32
    %ne3A_501 = arith.cmpi ne, %rem3A_499, %ne3A_500 : i32
    %lt3A_502 = arith.constant 0 : i32
    %lt3A_503 = arith.cmpi slt, %rem3A_499, %lt3A_502 : i32
    %lt3A_504 = arith.constant 0 : i32
    %lt3A_505 = arith.cmpi slt, %select_n3A_498, %lt3A_504 : i32
    %ne3A_506 = arith.xori %lt3A_503, %lt3A_505 : i1
    %and3A_507 = arith.andi %ne3A_506, %ne3A_501 : i1
    %add3A_508 = arith.addi %rem3A_499, %select_n3A_498 : i32
    %select_n3A_509 = arith.select %and3A_507, %add3A_508, %rem3A_499 : i32
    %mul3A_510 = arith.constant 16384 : i32
    %mul3A_511 = arith.muli %select_n3A_493, %mul3A_510 : i32
    %mul3A_512 = arith.constant 512 : i32
    %mul3A_513 = arith.muli %select_n3A_509, %mul3A_512 : i32
    %add3A_514 = arith.addi %mul3A_511, %mul3A_513 : i32
    %dma_start3A_515 = arith.constant 4608 : i32
    %dma_start3A_516 = tpu.memref_slice %arg5[%dma_start3A_515] : memref<13312xi32, #tpu.memory_space<vmem>> -> memref<512xi32, #tpu.memory_space<vmem>>
    %dma_start3A_517 = tpu.memref_slice %arg2[%add3A_514] : memref<425984xi32, #tpu.memory_space<hbm>> -> memref<512xi32, #tpu.memory_space<hbm>>
    %dma_start3A_518 = arith.constant 4608 : i32
    %dma_start3A_519 = tpu.memref_slice %arg5[%dma_start3A_518] : memref<13312xi32, #tpu.memory_space<vmem>> -> memref<512xi32, #tpu.memory_space<vmem>>
    %dma_start3A_520 = tpu.memref_slice %arg2[%add3A_514] : memref<425984xi32, #tpu.memory_space<hbm>> -> memref<512xi32, #tpu.memory_space<hbm>>
    tpu.enqueue_dma source(%dma_start3A_520 : memref<512xi32, #tpu.memory_space<hbm>>) target(%dma_start3A_519 : memref<512xi32, #tpu.memory_space<vmem>>) target_semaphore(%arg10 : memref<!tpu.dma_semaphore, #tpu.memory_space<semaphore_mem>>)
    %add3A_521 = arith.constant 320 : i32
    %add3A_522 = arith.addi %add3A, %add3A_521 : i32
    %jit3A_523 = arith.constant 32 : i32
    %div3A_524 = arith.divsi %add3A_522, %jit3A_523 : i32
    %sign3A_525 = arith.constant 0 : i32
    %sign3A_526 = arith.cmpi sgt, %add3A_522, %sign3A_525 : i32
    %sign3A_527 = arith.extui %sign3A_526 : i1 to i32
    %sign3A_528 = arith.constant 0 : i32
    %sign3A_529 = arith.cmpi slt, %add3A_522, %sign3A_528 : i32
    %sign3A_530 = arith.extui %sign3A_529 : i1 to i32
    %sign3A_531 = arith.subi %sign3A_527, %sign3A_530 : i32
    %sign3A_532 = arith.constant 0 : i32
    %sign3A_533 = arith.cmpi sgt, %jit3A_523, %sign3A_532 : i32
    %sign3A_534 = arith.extui %sign3A_533 : i1 to i32
    %sign3A_535 = arith.constant 0 : i32
    %sign3A_536 = arith.cmpi slt, %jit3A_523, %sign3A_535 : i32
    %sign3A_537 = arith.extui %sign3A_536 : i1 to i32
    %sign3A_538 = arith.subi %sign3A_534, %sign3A_537 : i32
    %ne3A_539 = arith.cmpi ne, %sign3A_531, %sign3A_538 : i32
    %rem3A_540 = arith.remsi %add3A_522, %jit3A_523 : i32
    %ne3A_541 = arith.constant 0 : i32
    %ne3A_542 = arith.cmpi ne, %rem3A_540, %ne3A_541 : i32
    %and3A_543 = arith.andi %ne3A_539, %ne3A_542 : i1
    %sub3A_544 = arith.constant 1 : i32
    %sub3A_545 = arith.subi %div3A_524, %sub3A_544 : i32
    %select_n3A_546 = arith.select %and3A_543, %sub3A_545, %div3A_524 : i32
    %jit3A_547 = arith.constant 32 : i32
    %eq3A_548 = arith.constant 0 : i32
    %eq3A_549 = arith.cmpi eq, %jit3A_547, %eq3A_548 : i32
    %jit3A_550 = arith.constant 1 : i32
    %select_n3A_551 = arith.select %eq3A_549, %jit3A_550, %jit3A_547 : i32
    %rem3A_552 = arith.remsi %add3A_522, %select_n3A_551 : i32
    %ne3A_553 = arith.constant 0 : i32
    %ne3A_554 = arith.cmpi ne, %rem3A_552, %ne3A_553 : i32
    %lt3A_555 = arith.constant 0 : i32
    %lt3A_556 = arith.cmpi slt, %rem3A_552, %lt3A_555 : i32
    %lt3A_557 = arith.constant 0 : i32
    %lt3A_558 = arith.cmpi slt, %select_n3A_551, %lt3A_557 : i32
    %ne3A_559 = arith.xori %lt3A_556, %lt3A_558 : i1
    %and3A_560 = arith.andi %ne3A_559, %ne3A_554 : i1
    %add3A_561 = arith.addi %rem3A_552, %select_n3A_551 : i32
    %select_n3A_562 = arith.select %and3A_560, %add3A_561, %rem3A_552 : i32
    %mul3A_563 = arith.constant 16384 : i32
    %mul3A_564 = arith.muli %select_n3A_546, %mul3A_563 : i32
    %mul3A_565 = arith.constant 512 : i32
    %mul3A_566 = arith.muli %select_n3A_562, %mul3A_565 : i32
    %add3A_567 = arith.addi %mul3A_564, %mul3A_566 : i32
    %dma_start3A_568 = arith.constant 5120 : i32
    %dma_start3A_569 = tpu.memref_slice %arg5[%dma_start3A_568] : memref<13312xi32, #tpu.memory_space<vmem>> -> memref<512xi32, #tpu.memory_space<vmem>>
    %dma_start3A_570 = tpu.memref_slice %arg2[%add3A_567] : memref<425984xi32, #tpu.memory_space<hbm>> -> memref<512xi32, #tpu.memory_space<hbm>>
    %dma_start3A_571 = arith.constant 5120 : i32
    %dma_start3A_572 = tpu.memref_slice %arg5[%dma_start3A_571] : memref<13312xi32, #tpu.memory_space<vmem>> -> memref<512xi32, #tpu.memory_space<vmem>>
    %dma_start3A_573 = tpu.memref_slice %arg2[%add3A_567] : memref<425984xi32, #tpu.memory_space<hbm>> -> memref<512xi32, #tpu.memory_space<hbm>>
    tpu.enqueue_dma source(%dma_start3A_573 : memref<512xi32, #tpu.memory_space<hbm>>) target(%dma_start3A_572 : memref<512xi32, #tpu.memory_space<vmem>>) target_semaphore(%arg10 : memref<!tpu.dma_semaphore, #tpu.memory_space<semaphore_mem>>)
    %add3A_574 = arith.constant 352 : i32
    %add3A_575 = arith.addi %add3A, %add3A_574 : i32
    %jit3A_576 = arith.constant 32 : i32
    %div3A_577 = arith.divsi %add3A_575, %jit3A_576 : i32
    %sign3A_578 = arith.constant 0 : i32
    %sign3A_579 = arith.cmpi sgt, %add3A_575, %sign3A_578 : i32
    %sign3A_580 = arith.extui %sign3A_579 : i1 to i32
    %sign3A_581 = arith.constant 0 : i32
    %sign3A_582 = arith.cmpi slt, %add3A_575, %sign3A_581 : i32
    %sign3A_583 = arith.extui %sign3A_582 : i1 to i32
    %sign3A_584 = arith.subi %sign3A_580, %sign3A_583 : i32
    %sign3A_585 = arith.constant 0 : i32
    %sign3A_586 = arith.cmpi sgt, %jit3A_576, %sign3A_585 : i32
    %sign3A_587 = arith.extui %sign3A_586 : i1 to i32
    %sign3A_588 = arith.constant 0 : i32
    %sign3A_589 = arith.cmpi slt, %jit3A_576, %sign3A_588 : i32
    %sign3A_590 = arith.extui %sign3A_589 : i1 to i32
    %sign3A_591 = arith.subi %sign3A_587, %sign3A_590 : i32
    %ne3A_592 = arith.cmpi ne, %sign3A_584, %sign3A_591 : i32
    %rem3A_593 = arith.remsi %add3A_575, %jit3A_576 : i32
    %ne3A_594 = arith.constant 0 : i32
    %ne3A_595 = arith.cmpi ne, %rem3A_593, %ne3A_594 : i32
    %and3A_596 = arith.andi %ne3A_592, %ne3A_595 : i1
    %sub3A_597 = arith.constant 1 : i32
    %sub3A_598 = arith.subi %div3A_577, %sub3A_597 : i32
    %select_n3A_599 = arith.select %and3A_596, %sub3A_598, %div3A_577 : i32
    %jit3A_600 = arith.constant 32 : i32
    %eq3A_601 = arith.constant 0 : i32
    %eq3A_602 = arith.cmpi eq, %jit3A_600, %eq3A_601 : i32
    %jit3A_603 = arith.constant 1 : i32
    %select_n3A_604 = arith.select %eq3A_602, %jit3A_603, %jit3A_600 : i32
    %rem3A_605 = arith.remsi %add3A_575, %select_n3A_604 : i32
    %ne3A_606 = arith.constant 0 : i32
    %ne3A_607 = arith.cmpi ne, %rem3A_605, %ne3A_606 : i32
    %lt3A_608 = arith.constant 0 : i32
    %lt3A_609 = arith.cmpi slt, %rem3A_605, %lt3A_608 : i32
    %lt3A_610 = arith.constant 0 : i32
    %lt3A_611 = arith.cmpi slt, %select_n3A_604, %lt3A_610 : i32
    %ne3A_612 = arith.xori %lt3A_609, %lt3A_611 : i1
    %and3A_613 = arith.andi %ne3A_612, %ne3A_607 : i1
    %add3A_614 = arith.addi %rem3A_605, %select_n3A_604 : i32
    %select_n3A_615 = arith.select %and3A_613, %add3A_614, %rem3A_605 : i32
    %mul3A_616 = arith.constant 16384 : i32
    %mul3A_617 = arith.muli %select_n3A_599, %mul3A_616 : i32
    %mul3A_618 = arith.constant 512 : i32
    %mul3A_619 = arith.muli %select_n3A_615, %mul3A_618 : i32
    %add3A_620 = arith.addi %mul3A_617, %mul3A_619 : i32
    %dma_start3A_621 = arith.constant 5632 : i32
    %dma_start3A_622 = tpu.memref_slice %arg5[%dma_start3A_621] : memref<13312xi32, #tpu.memory_space<vmem>> -> memref<512xi32, #tpu.memory_space<vmem>>
    %dma_start3A_623 = tpu.memref_slice %arg2[%add3A_620] : memref<425984xi32, #tpu.memory_space<hbm>> -> memref<512xi32, #tpu.memory_space<hbm>>
    %dma_start3A_624 = arith.constant 5632 : i32
    %dma_start3A_625 = tpu.memref_slice %arg5[%dma_start3A_624] : memref<13312xi32, #tpu.memory_space<vmem>> -> memref<512xi32, #tpu.memory_space<vmem>>
    %dma_start3A_626 = tpu.memref_slice %arg2[%add3A_620] : memref<425984xi32, #tpu.memory_space<hbm>> -> memref<512xi32, #tpu.memory_space<hbm>>
    tpu.enqueue_dma source(%dma_start3A_626 : memref<512xi32, #tpu.memory_space<hbm>>) target(%dma_start3A_625 : memref<512xi32, #tpu.memory_space<vmem>>) target_semaphore(%arg10 : memref<!tpu.dma_semaphore, #tpu.memory_space<semaphore_mem>>)
    %add3A_627 = arith.constant 384 : i32
    %add3A_628 = arith.addi %add3A, %add3A_627 : i32
    %jit3A_629 = arith.constant 32 : i32
    %div3A_630 = arith.divsi %add3A_628, %jit3A_629 : i32
    %sign3A_631 = arith.constant 0 : i32
    %sign3A_632 = arith.cmpi sgt, %add3A_628, %sign3A_631 : i32
    %sign3A_633 = arith.extui %sign3A_632 : i1 to i32
    %sign3A_634 = arith.constant 0 : i32
    %sign3A_635 = arith.cmpi slt, %add3A_628, %sign3A_634 : i32
    %sign3A_636 = arith.extui %sign3A_635 : i1 to i32
    %sign3A_637 = arith.subi %sign3A_633, %sign3A_636 : i32
    %sign3A_638 = arith.constant 0 : i32
    %sign3A_639 = arith.cmpi sgt, %jit3A_629, %sign3A_638 : i32
    %sign3A_640 = arith.extui %sign3A_639 : i1 to i32
    %sign3A_641 = arith.constant 0 : i32
    %sign3A_642 = arith.cmpi slt, %jit3A_629, %sign3A_641 : i32
    %sign3A_643 = arith.extui %sign3A_642 : i1 to i32
    %sign3A_644 = arith.subi %sign3A_640, %sign3A_643 : i32
    %ne3A_645 = arith.cmpi ne, %sign3A_637, %sign3A_644 : i32
    %rem3A_646 = arith.remsi %add3A_628, %jit3A_629 : i32
    %ne3A_647 = arith.constant 0 : i32
    %ne3A_648 = arith.cmpi ne, %rem3A_646, %ne3A_647 : i32
    %and3A_649 = arith.andi %ne3A_645, %ne3A_648 : i1
    %sub3A_650 = arith.constant 1 : i32
    %sub3A_651 = arith.subi %div3A_630, %sub3A_650 : i32
    %select_n3A_652 = arith.select %and3A_649, %sub3A_651, %div3A_630 : i32
    %jit3A_653 = arith.constant 32 : i32
    %eq3A_654 = arith.constant 0 : i32
    %eq3A_655 = arith.cmpi eq, %jit3A_653, %eq3A_654 : i32
    %jit3A_656 = arith.constant 1 : i32
    %select_n3A_657 = arith.select %eq3A_655, %jit3A_656, %jit3A_653 : i32
    %rem3A_658 = arith.remsi %add3A_628, %select_n3A_657 : i32
    %ne3A_659 = arith.constant 0 : i32
    %ne3A_660 = arith.cmpi ne, %rem3A_658, %ne3A_659 : i32
    %lt3A_661 = arith.constant 0 : i32
    %lt3A_662 = arith.cmpi slt, %rem3A_658, %lt3A_661 : i32
    %lt3A_663 = arith.constant 0 : i32
    %lt3A_664 = arith.cmpi slt, %select_n3A_657, %lt3A_663 : i32
    %ne3A_665 = arith.xori %lt3A_662, %lt3A_664 : i1
    %and3A_666 = arith.andi %ne3A_665, %ne3A_660 : i1
    %add3A_667 = arith.addi %rem3A_658, %select_n3A_657 : i32
    %select_n3A_668 = arith.select %and3A_666, %add3A_667, %rem3A_658 : i32
    %mul3A_669 = arith.constant 16384 : i32
    %mul3A_670 = arith.muli %select_n3A_652, %mul3A_669 : i32
    %mul3A_671 = arith.constant 512 : i32
    %mul3A_672 = arith.muli %select_n3A_668, %mul3A_671 : i32
    %add3A_673 = arith.addi %mul3A_670, %mul3A_672 : i32
    %dma_start3A_674 = arith.constant 6144 : i32
    %dma_start3A_675 = tpu.memref_slice %arg5[%dma_start3A_674] : memref<13312xi32, #tpu.memory_space<vmem>> -> memref<512xi32, #tpu.memory_space<vmem>>
    %dma_start3A_676 = tpu.memref_slice %arg2[%add3A_673] : memref<425984xi32, #tpu.memory_space<hbm>> -> memref<512xi32, #tpu.memory_space<hbm>>
    %dma_start3A_677 = arith.constant 6144 : i32
    %dma_start3A_678 = tpu.memref_slice %arg5[%dma_start3A_677] : memref<13312xi32, #tpu.memory_space<vmem>> -> memref<512xi32, #tpu.memory_space<vmem>>
    %dma_start3A_679 = tpu.memref_slice %arg2[%add3A_673] : memref<425984xi32, #tpu.memory_space<hbm>> -> memref<512xi32, #tpu.memory_space<hbm>>
    tpu.enqueue_dma source(%dma_start3A_679 : memref<512xi32, #tpu.memory_space<hbm>>) target(%dma_start3A_678 : memref<512xi32, #tpu.memory_space<vmem>>) target_semaphore(%arg10 : memref<!tpu.dma_semaphore, #tpu.memory_space<semaphore_mem>>)
    %add3A_680 = arith.constant 416 : i32
    %add3A_681 = arith.addi %add3A, %add3A_680 : i32
    %jit3A_682 = arith.constant 32 : i32
    %div3A_683 = arith.divsi %add3A_681, %jit3A_682 : i32
    %sign3A_684 = arith.constant 0 : i32
    %sign3A_685 = arith.cmpi sgt, %add3A_681, %sign3A_684 : i32
    %sign3A_686 = arith.extui %sign3A_685 : i1 to i32
    %sign3A_687 = arith.constant 0 : i32
    %sign3A_688 = arith.cmpi slt, %add3A_681, %sign3A_687 : i32
    %sign3A_689 = arith.extui %sign3A_688 : i1 to i32
    %sign3A_690 = arith.subi %sign3A_686, %sign3A_689 : i32
    %sign3A_691 = arith.constant 0 : i32
    %sign3A_692 = arith.cmpi sgt, %jit3A_682, %sign3A_691 : i32
    %sign3A_693 = arith.extui %sign3A_692 : i1 to i32
    %sign3A_694 = arith.constant 0 : i32
    %sign3A_695 = arith.cmpi slt, %jit3A_682, %sign3A_694 : i32
    %sign3A_696 = arith.extui %sign3A_695 : i1 to i32
    %sign3A_697 = arith.subi %sign3A_693, %sign3A_696 : i32
    %ne3A_698 = arith.cmpi ne, %sign3A_690, %sign3A_697 : i32
    %rem3A_699 = arith.remsi %add3A_681, %jit3A_682 : i32
    %ne3A_700 = arith.constant 0 : i32
    %ne3A_701 = arith.cmpi ne, %rem3A_699, %ne3A_700 : i32
    %and3A_702 = arith.andi %ne3A_698, %ne3A_701 : i1
    %sub3A_703 = arith.constant 1 : i32
    %sub3A_704 = arith.subi %div3A_683, %sub3A_703 : i32
    %select_n3A_705 = arith.select %and3A_702, %sub3A_704, %div3A_683 : i32
    %jit3A_706 = arith.constant 32 : i32
    %eq3A_707 = arith.constant 0 : i32
    %eq3A_708 = arith.cmpi eq, %jit3A_706, %eq3A_707 : i32
    %jit3A_709 = arith.constant 1 : i32
    %select_n3A_710 = arith.select %eq3A_708, %jit3A_709, %jit3A_706 : i32
    %rem3A_711 = arith.remsi %add3A_681, %select_n3A_710 : i32
    %ne3A_712 = arith.constant 0 : i32
    %ne3A_713 = arith.cmpi ne, %rem3A_711, %ne3A_712 : i32
    %lt3A_714 = arith.constant 0 : i32
    %lt3A_715 = arith.cmpi slt, %rem3A_711, %lt3A_714 : i32
    %lt3A_716 = arith.constant 0 : i32
    %lt3A_717 = arith.cmpi slt, %select_n3A_710, %lt3A_716 : i32
    %ne3A_718 = arith.xori %lt3A_715, %lt3A_717 : i1
    %and3A_719 = arith.andi %ne3A_718, %ne3A_713 : i1
    %add3A_720 = arith.addi %rem3A_711, %select_n3A_710 : i32
    %select_n3A_721 = arith.select %and3A_719, %add3A_720, %rem3A_711 : i32
    %mul3A_722 = arith.constant 16384 : i32
    %mul3A_723 = arith.muli %select_n3A_705, %mul3A_722 : i32
    %mul3A_724 = arith.constant 512 : i32
    %mul3A_725 = arith.muli %select_n3A_721, %mul3A_724 : i32
    %add3A_726 = arith.addi %mul3A_723, %mul3A_725 : i32
    %dma_start3A_727 = arith.constant 6656 : i32
    %dma_start3A_728 = tpu.memref_slice %arg5[%dma_start3A_727] : memref<13312xi32, #tpu.memory_space<vmem>> -> memref<512xi32, #tpu.memory_space<vmem>>
    %dma_start3A_729 = tpu.memref_slice %arg2[%add3A_726] : memref<425984xi32, #tpu.memory_space<hbm>> -> memref<512xi32, #tpu.memory_space<hbm>>
    %dma_start3A_730 = arith.constant 6656 : i32
    %dma_start3A_731 = tpu.memref_slice %arg5[%dma_start3A_730] : memref<13312xi32, #tpu.memory_space<vmem>> -> memref<512xi32, #tpu.memory_space<vmem>>
    %dma_start3A_732 = tpu.memref_slice %arg2[%add3A_726] : memref<425984xi32, #tpu.memory_space<hbm>> -> memref<512xi32, #tpu.memory_space<hbm>>
    tpu.enqueue_dma source(%dma_start3A_732 : memref<512xi32, #tpu.memory_space<hbm>>) target(%dma_start3A_731 : memref<512xi32, #tpu.memory_space<vmem>>) target_semaphore(%arg10 : memref<!tpu.dma_semaphore, #tpu.memory_space<semaphore_mem>>)
    %add3A_733 = arith.constant 448 : i32
    %add3A_734 = arith.addi %add3A, %add3A_733 : i32
    %jit3A_735 = arith.constant 32 : i32
    %div3A_736 = arith.divsi %add3A_734, %jit3A_735 : i32
    %sign3A_737 = arith.constant 0 : i32
    %sign3A_738 = arith.cmpi sgt, %add3A_734, %sign3A_737 : i32
    %sign3A_739 = arith.extui %sign3A_738 : i1 to i32
    %sign3A_740 = arith.constant 0 : i32
    %sign3A_741 = arith.cmpi slt, %add3A_734, %sign3A_740 : i32
    %sign3A_742 = arith.extui %sign3A_741 : i1 to i32
    %sign3A_743 = arith.subi %sign3A_739, %sign3A_742 : i32
    %sign3A_744 = arith.constant 0 : i32
    %sign3A_745 = arith.cmpi sgt, %jit3A_735, %sign3A_744 : i32
    %sign3A_746 = arith.extui %sign3A_745 : i1 to i32
    %sign3A_747 = arith.constant 0 : i32
    %sign3A_748 = arith.cmpi slt, %jit3A_735, %sign3A_747 : i32
    %sign3A_749 = arith.extui %sign3A_748 : i1 to i32
    %sign3A_750 = arith.subi %sign3A_746, %sign3A_749 : i32
    %ne3A_751 = arith.cmpi ne, %sign3A_743, %sign3A_750 : i32
    %rem3A_752 = arith.remsi %add3A_734, %jit3A_735 : i32
    %ne3A_753 = arith.constant 0 : i32
    %ne3A_754 = arith.cmpi ne, %rem3A_752, %ne3A_753 : i32
    %and3A_755 = arith.andi %ne3A_751, %ne3A_754 : i1
    %sub3A_756 = arith.constant 1 : i32
    %sub3A_757 = arith.subi %div3A_736, %sub3A_756 : i32
    %select_n3A_758 = arith.select %and3A_755, %sub3A_757, %div3A_736 : i32
    %jit3A_759 = arith.constant 32 : i32
    %eq3A_760 = arith.constant 0 : i32
    %eq3A_761 = arith.cmpi eq, %jit3A_759, %eq3A_760 : i32
    %jit3A_762 = arith.constant 1 : i32
    %select_n3A_763 = arith.select %eq3A_761, %jit3A_762, %jit3A_759 : i32
    %rem3A_764 = arith.remsi %add3A_734, %select_n3A_763 : i32
    %ne3A_765 = arith.constant 0 : i32
    %ne3A_766 = arith.cmpi ne, %rem3A_764, %ne3A_765 : i32
    %lt3A_767 = arith.constant 0 : i32
    %lt3A_768 = arith.cmpi slt, %rem3A_764, %lt3A_767 : i32
    %lt3A_769 = arith.constant 0 : i32
    %lt3A_770 = arith.cmpi slt, %select_n3A_763, %lt3A_769 : i32
    %ne3A_771 = arith.xori %lt3A_768, %lt3A_770 : i1
    %and3A_772 = arith.andi %ne3A_771, %ne3A_766 : i1
    %add3A_773 = arith.addi %rem3A_764, %select_n3A_763 : i32
    %select_n3A_774 = arith.select %and3A_772, %add3A_773, %rem3A_764 : i32
    %mul3A_775 = arith.constant 16384 : i32
    %mul3A_776 = arith.muli %select_n3A_758, %mul3A_775 : i32
    %mul3A_777 = arith.constant 512 : i32
    %mul3A_778 = arith.muli %select_n3A_774, %mul3A_777 : i32
    %add3A_779 = arith.addi %mul3A_776, %mul3A_778 : i32
    %dma_start3A_780 = arith.constant 7168 : i32
    %dma_start3A_781 = tpu.memref_slice %arg5[%dma_start3A_780] : memref<13312xi32, #tpu.memory_space<vmem>> -> memref<512xi32, #tpu.memory_space<vmem>>
    %dma_start3A_782 = tpu.memref_slice %arg2[%add3A_779] : memref<425984xi32, #tpu.memory_space<hbm>> -> memref<512xi32, #tpu.memory_space<hbm>>
    %dma_start3A_783 = arith.constant 7168 : i32
    %dma_start3A_784 = tpu.memref_slice %arg5[%dma_start3A_783] : memref<13312xi32, #tpu.memory_space<vmem>> -> memref<512xi32, #tpu.memory_space<vmem>>
    %dma_start3A_785 = tpu.memref_slice %arg2[%add3A_779] : memref<425984xi32, #tpu.memory_space<hbm>> -> memref<512xi32, #tpu.memory_space<hbm>>
    tpu.enqueue_dma source(%dma_start3A_785 : memref<512xi32, #tpu.memory_space<hbm>>) target(%dma_start3A_784 : memref<512xi32, #tpu.memory_space<vmem>>) target_semaphore(%arg10 : memref<!tpu.dma_semaphore, #tpu.memory_space<semaphore_mem>>)
    %add3A_786 = arith.constant 480 : i32
    %add3A_787 = arith.addi %add3A, %add3A_786 : i32
    %jit3A_788 = arith.constant 32 : i32
    %div3A_789 = arith.divsi %add3A_787, %jit3A_788 : i32
    %sign3A_790 = arith.constant 0 : i32
    %sign3A_791 = arith.cmpi sgt, %add3A_787, %sign3A_790 : i32
    %sign3A_792 = arith.extui %sign3A_791 : i1 to i32
    %sign3A_793 = arith.constant 0 : i32
    %sign3A_794 = arith.cmpi slt, %add3A_787, %sign3A_793 : i32
    %sign3A_795 = arith.extui %sign3A_794 : i1 to i32
    %sign3A_796 = arith.subi %sign3A_792, %sign3A_795 : i32
    %sign3A_797 = arith.constant 0 : i32
    %sign3A_798 = arith.cmpi sgt, %jit3A_788, %sign3A_797 : i32
    %sign3A_799 = arith.extui %sign3A_798 : i1 to i32
    %sign3A_800 = arith.constant 0 : i32
    %sign3A_801 = arith.cmpi slt, %jit3A_788, %sign3A_800 : i32
    %sign3A_802 = arith.extui %sign3A_801 : i1 to i32
    %sign3A_803 = arith.subi %sign3A_799, %sign3A_802 : i32
    %ne3A_804 = arith.cmpi ne, %sign3A_796, %sign3A_803 : i32
    %rem3A_805 = arith.remsi %add3A_787, %jit3A_788 : i32
    %ne3A_806 = arith.constant 0 : i32
    %ne3A_807 = arith.cmpi ne, %rem3A_805, %ne3A_806 : i32
    %and3A_808 = arith.andi %ne3A_804, %ne3A_807 : i1
    %sub3A_809 = arith.constant 1 : i32
    %sub3A_810 = arith.subi %div3A_789, %sub3A_809 : i32
    %select_n3A_811 = arith.select %and3A_808, %sub3A_810, %div3A_789 : i32
    %jit3A_812 = arith.constant 32 : i32
    %eq3A_813 = arith.constant 0 : i32
    %eq3A_814 = arith.cmpi eq, %jit3A_812, %eq3A_813 : i32
    %jit3A_815 = arith.constant 1 : i32
    %select_n3A_816 = arith.select %eq3A_814, %jit3A_815, %jit3A_812 : i32
    %rem3A_817 = arith.remsi %add3A_787, %select_n3A_816 : i32
    %ne3A_818 = arith.constant 0 : i32
    %ne3A_819 = arith.cmpi ne, %rem3A_817, %ne3A_818 : i32
    %lt3A_820 = arith.constant 0 : i32
    %lt3A_821 = arith.cmpi slt, %rem3A_817, %lt3A_820 : i32
    %lt3A_822 = arith.constant 0 : i32
    %lt3A_823 = arith.cmpi slt, %select_n3A_816, %lt3A_822 : i32
    %ne3A_824 = arith.xori %lt3A_821, %lt3A_823 : i1
    %and3A_825 = arith.andi %ne3A_824, %ne3A_819 : i1
    %add3A_826 = arith.addi %rem3A_817, %select_n3A_816 : i32
    %select_n3A_827 = arith.select %and3A_825, %add3A_826, %rem3A_817 : i32
    %mul3A_828 = arith.constant 16384 : i32
    %mul3A_829 = arith.muli %select_n3A_811, %mul3A_828 : i32
    %mul3A_830 = arith.constant 512 : i32
    %mul3A_831 = arith.muli %select_n3A_827, %mul3A_830 : i32
    %add3A_832 = arith.addi %mul3A_829, %mul3A_831 : i32
    %dma_start3A_833 = arith.constant 7680 : i32
    %dma_start3A_834 = tpu.memref_slice %arg5[%dma_start3A_833] : memref<13312xi32, #tpu.memory_space<vmem>> -> memref<512xi32, #tpu.memory_space<vmem>>
    %dma_start3A_835 = tpu.memref_slice %arg2[%add3A_832] : memref<425984xi32, #tpu.memory_space<hbm>> -> memref<512xi32, #tpu.memory_space<hbm>>
    %dma_start3A_836 = arith.constant 7680 : i32
    %dma_start3A_837 = tpu.memref_slice %arg5[%dma_start3A_836] : memref<13312xi32, #tpu.memory_space<vmem>> -> memref<512xi32, #tpu.memory_space<vmem>>
    %dma_start3A_838 = tpu.memref_slice %arg2[%add3A_832] : memref<425984xi32, #tpu.memory_space<hbm>> -> memref<512xi32, #tpu.memory_space<hbm>>
    tpu.enqueue_dma source(%dma_start3A_838 : memref<512xi32, #tpu.memory_space<hbm>>) target(%dma_start3A_837 : memref<512xi32, #tpu.memory_space<vmem>>) target_semaphore(%arg10 : memref<!tpu.dma_semaphore, #tpu.memory_space<semaphore_mem>>)
    %add3A_839 = arith.constant 512 : i32
    %add3A_840 = arith.addi %add3A, %add3A_839 : i32
    %jit3A_841 = arith.constant 32 : i32
    %div3A_842 = arith.divsi %add3A_840, %jit3A_841 : i32
    %sign3A_843 = arith.constant 0 : i32
    %sign3A_844 = arith.cmpi sgt, %add3A_840, %sign3A_843 : i32
    %sign3A_845 = arith.extui %sign3A_844 : i1 to i32
    %sign3A_846 = arith.constant 0 : i32
    %sign3A_847 = arith.cmpi slt, %add3A_840, %sign3A_846 : i32
    %sign3A_848 = arith.extui %sign3A_847 : i1 to i32
    %sign3A_849 = arith.subi %sign3A_845, %sign3A_848 : i32
    %sign3A_850 = arith.constant 0 : i32
    %sign3A_851 = arith.cmpi sgt, %jit3A_841, %sign3A_850 : i32
    %sign3A_852 = arith.extui %sign3A_851 : i1 to i32
    %sign3A_853 = arith.constant 0 : i32
    %sign3A_854 = arith.cmpi slt, %jit3A_841, %sign3A_853 : i32
    %sign3A_855 = arith.extui %sign3A_854 : i1 to i32
    %sign3A_856 = arith.subi %sign3A_852, %sign3A_855 : i32
    %ne3A_857 = arith.cmpi ne, %sign3A_849, %sign3A_856 : i32
    %rem3A_858 = arith.remsi %add3A_840, %jit3A_841 : i32
    %ne3A_859 = arith.constant 0 : i32
    %ne3A_860 = arith.cmpi ne, %rem3A_858, %ne3A_859 : i32
    %and3A_861 = arith.andi %ne3A_857, %ne3A_860 : i1
    %sub3A_862 = arith.constant 1 : i32
    %sub3A_863 = arith.subi %div3A_842, %sub3A_862 : i32
    %select_n3A_864 = arith.select %and3A_861, %sub3A_863, %div3A_842 : i32
    %jit3A_865 = arith.constant 32 : i32
    %eq3A_866 = arith.constant 0 : i32
    %eq3A_867 = arith.cmpi eq, %jit3A_865, %eq3A_866 : i32
    %jit3A_868 = arith.constant 1 : i32
    %select_n3A_869 = arith.select %eq3A_867, %jit3A_868, %jit3A_865 : i32
    %rem3A_870 = arith.remsi %add3A_840, %select_n3A_869 : i32
    %ne3A_871 = arith.constant 0 : i32
    %ne3A_872 = arith.cmpi ne, %rem3A_870, %ne3A_871 : i32
    %lt3A_873 = arith.constant 0 : i32
    %lt3A_874 = arith.cmpi slt, %rem3A_870, %lt3A_873 : i32
    %lt3A_875 = arith.constant 0 : i32
    %lt3A_876 = arith.cmpi slt, %select_n3A_869, %lt3A_875 : i32
    %ne3A_877 = arith.xori %lt3A_874, %lt3A_876 : i1
    %and3A_878 = arith.andi %ne3A_877, %ne3A_872 : i1
    %add3A_879 = arith.addi %rem3A_870, %select_n3A_869 : i32
    %select_n3A_880 = arith.select %and3A_878, %add3A_879, %rem3A_870 : i32
    %mul3A_881 = arith.constant 16384 : i32
    %mul3A_882 = arith.muli %select_n3A_864, %mul3A_881 : i32
    %mul3A_883 = arith.constant 512 : i32
    %mul3A_884 = arith.muli %select_n3A_880, %mul3A_883 : i32
    %add3A_885 = arith.addi %mul3A_882, %mul3A_884 : i32
    %dma_start3A_886 = arith.constant 8192 : i32
    %dma_start3A_887 = tpu.memref_slice %arg5[%dma_start3A_886] : memref<13312xi32, #tpu.memory_space<vmem>> -> memref<512xi32, #tpu.memory_space<vmem>>
    %dma_start3A_888 = tpu.memref_slice %arg2[%add3A_885] : memref<425984xi32, #tpu.memory_space<hbm>> -> memref<512xi32, #tpu.memory_space<hbm>>
    %dma_start3A_889 = arith.constant 8192 : i32
    %dma_start3A_890 = tpu.memref_slice %arg5[%dma_start3A_889] : memref<13312xi32, #tpu.memory_space<vmem>> -> memref<512xi32, #tpu.memory_space<vmem>>
    %dma_start3A_891 = tpu.memref_slice %arg2[%add3A_885] : memref<425984xi32, #tpu.memory_space<hbm>> -> memref<512xi32, #tpu.memory_space<hbm>>
    tpu.enqueue_dma source(%dma_start3A_891 : memref<512xi32, #tpu.memory_space<hbm>>) target(%dma_start3A_890 : memref<512xi32, #tpu.memory_space<vmem>>) target_semaphore(%arg10 : memref<!tpu.dma_semaphore, #tpu.memory_space<semaphore_mem>>)
    %add3A_892 = arith.constant 544 : i32
    %add3A_893 = arith.addi %add3A, %add3A_892 : i32
    %jit3A_894 = arith.constant 32 : i32
    %div3A_895 = arith.divsi %add3A_893, %jit3A_894 : i32
    %sign3A_896 = arith.constant 0 : i32
    %sign3A_897 = arith.cmpi sgt, %add3A_893, %sign3A_896 : i32
    %sign3A_898 = arith.extui %sign3A_897 : i1 to i32
    %sign3A_899 = arith.constant 0 : i32
    %sign3A_900 = arith.cmpi slt, %add3A_893, %sign3A_899 : i32
    %sign3A_901 = arith.extui %sign3A_900 : i1 to i32
    %sign3A_902 = arith.subi %sign3A_898, %sign3A_901 : i32
    %sign3A_903 = arith.constant 0 : i32
    %sign3A_904 = arith.cmpi sgt, %jit3A_894, %sign3A_903 : i32
    %sign3A_905 = arith.extui %sign3A_904 : i1 to i32
    %sign3A_906 = arith.constant 0 : i32
    %sign3A_907 = arith.cmpi slt, %jit3A_894, %sign3A_906 : i32
    %sign3A_908 = arith.extui %sign3A_907 : i1 to i32
    %sign3A_909 = arith.subi %sign3A_905, %sign3A_908 : i32
    %ne3A_910 = arith.cmpi ne, %sign3A_902, %sign3A_909 : i32
    %rem3A_911 = arith.remsi %add3A_893, %jit3A_894 : i32
    %ne3A_912 = arith.constant 0 : i32
    %ne3A_913 = arith.cmpi ne, %rem3A_911, %ne3A_912 : i32
    %and3A_914 = arith.andi %ne3A_910, %ne3A_913 : i1
    %sub3A_915 = arith.constant 1 : i32
    %sub3A_916 = arith.subi %div3A_895, %sub3A_915 : i32
    %select_n3A_917 = arith.select %and3A_914, %sub3A_916, %div3A_895 : i32
    %jit3A_918 = arith.constant 32 : i32
    %eq3A_919 = arith.constant 0 : i32
    %eq3A_920 = arith.cmpi eq, %jit3A_918, %eq3A_919 : i32
    %jit3A_921 = arith.constant 1 : i32
    %select_n3A_922 = arith.select %eq3A_920, %jit3A_921, %jit3A_918 : i32
    %rem3A_923 = arith.remsi %add3A_893, %select_n3A_922 : i32
    %ne3A_924 = arith.constant 0 : i32
    %ne3A_925 = arith.cmpi ne, %rem3A_923, %ne3A_924 : i32
    %lt3A_926 = arith.constant 0 : i32
    %lt3A_927 = arith.cmpi slt, %rem3A_923, %lt3A_926 : i32
    %lt3A_928 = arith.constant 0 : i32
    %lt3A_929 = arith.cmpi slt, %select_n3A_922, %lt3A_928 : i32
    %ne3A_930 = arith.xori %lt3A_927, %lt3A_929 : i1
    %and3A_931 = arith.andi %ne3A_930, %ne3A_925 : i1
    %add3A_932 = arith.addi %rem3A_923, %select_n3A_922 : i32
    %select_n3A_933 = arith.select %and3A_931, %add3A_932, %rem3A_923 : i32
    %mul3A_934 = arith.constant 16384 : i32
    %mul3A_935 = arith.muli %select_n3A_917, %mul3A_934 : i32
    %mul3A_936 = arith.constant 512 : i32
    %mul3A_937 = arith.muli %select_n3A_933, %mul3A_936 : i32
    %add3A_938 = arith.addi %mul3A_935, %mul3A_937 : i32
    %dma_start3A_939 = arith.constant 8704 : i32
    %dma_start3A_940 = tpu.memref_slice %arg5[%dma_start3A_939] : memref<13312xi32, #tpu.memory_space<vmem>> -> memref<512xi32, #tpu.memory_space<vmem>>
    %dma_start3A_941 = tpu.memref_slice %arg2[%add3A_938] : memref<425984xi32, #tpu.memory_space<hbm>> -> memref<512xi32, #tpu.memory_space<hbm>>
    %dma_start3A_942 = arith.constant 8704 : i32
    %dma_start3A_943 = tpu.memref_slice %arg5[%dma_start3A_942] : memref<13312xi32, #tpu.memory_space<vmem>> -> memref<512xi32, #tpu.memory_space<vmem>>
    %dma_start3A_944 = tpu.memref_slice %arg2[%add3A_938] : memref<425984xi32, #tpu.memory_space<hbm>> -> memref<512xi32, #tpu.memory_space<hbm>>
    tpu.enqueue_dma source(%dma_start3A_944 : memref<512xi32, #tpu.memory_space<hbm>>) target(%dma_start3A_943 : memref<512xi32, #tpu.memory_space<vmem>>) target_semaphore(%arg10 : memref<!tpu.dma_semaphore, #tpu.memory_space<semaphore_mem>>)
    %add3A_945 = arith.constant 576 : i32
    %add3A_946 = arith.addi %add3A, %add3A_945 : i32
    %jit3A_947 = arith.constant 32 : i32
    %div3A_948 = arith.divsi %add3A_946, %jit3A_947 : i32
    %sign3A_949 = arith.constant 0 : i32
    %sign3A_950 = arith.cmpi sgt, %add3A_946, %sign3A_949 : i32
    %sign3A_951 = arith.extui %sign3A_950 : i1 to i32
    %sign3A_952 = arith.constant 0 : i32
    %sign3A_953 = arith.cmpi slt, %add3A_946, %sign3A_952 : i32
    %sign3A_954 = arith.extui %sign3A_953 : i1 to i32
    %sign3A_955 = arith.subi %sign3A_951, %sign3A_954 : i32
    %sign3A_956 = arith.constant 0 : i32
    %sign3A_957 = arith.cmpi sgt, %jit3A_947, %sign3A_956 : i32
    %sign3A_958 = arith.extui %sign3A_957 : i1 to i32
    %sign3A_959 = arith.constant 0 : i32
    %sign3A_960 = arith.cmpi slt, %jit3A_947, %sign3A_959 : i32
    %sign3A_961 = arith.extui %sign3A_960 : i1 to i32
    %sign3A_962 = arith.subi %sign3A_958, %sign3A_961 : i32
    %ne3A_963 = arith.cmpi ne, %sign3A_955, %sign3A_962 : i32
    %rem3A_964 = arith.remsi %add3A_946, %jit3A_947 : i32
    %ne3A_965 = arith.constant 0 : i32
    %ne3A_966 = arith.cmpi ne, %rem3A_964, %ne3A_965 : i32
    %and3A_967 = arith.andi %ne3A_963, %ne3A_966 : i1
    %sub3A_968 = arith.constant 1 : i32
    %sub3A_969 = arith.subi %div3A_948, %sub3A_968 : i32
    %select_n3A_970 = arith.select %and3A_967, %sub3A_969, %div3A_948 : i32
    %jit3A_971 = arith.constant 32 : i32
    %eq3A_972 = arith.constant 0 : i32
    %eq3A_973 = arith.cmpi eq, %jit3A_971, %eq3A_972 : i32
    %jit3A_974 = arith.constant 1 : i32
    %select_n3A_975 = arith.select %eq3A_973, %jit3A_974, %jit3A_971 : i32
    %rem3A_976 = arith.remsi %add3A_946, %select_n3A_975 : i32
    %ne3A_977 = arith.constant 0 : i32
    %ne3A_978 = arith.cmpi ne, %rem3A_976, %ne3A_977 : i32
    %lt3A_979 = arith.constant 0 : i32
    %lt3A_980 = arith.cmpi slt, %rem3A_976, %lt3A_979 : i32
    %lt3A_981 = arith.constant 0 : i32
    %lt3A_982 = arith.cmpi slt, %select_n3A_975, %lt3A_981 : i32
    %ne3A_983 = arith.xori %lt3A_980, %lt3A_982 : i1
    %and3A_984 = arith.andi %ne3A_983, %ne3A_978 : i1
    %add3A_985 = arith.addi %rem3A_976, %select_n3A_975 : i32
    %select_n3A_986 = arith.select %and3A_984, %add3A_985, %rem3A_976 : i32
    %mul3A_987 = arith.constant 16384 : i32
    %mul3A_988 = arith.muli %select_n3A_970, %mul3A_987 : i32
    %mul3A_989 = arith.constant 512 : i32
    %mul3A_990 = arith.muli %select_n3A_986, %mul3A_989 : i32
    %add3A_991 = arith.addi %mul3A_988, %mul3A_990 : i32
    %dma_start3A_992 = arith.constant 9216 : i32
    %dma_start3A_993 = tpu.memref_slice %arg5[%dma_start3A_992] : memref<13312xi32, #tpu.memory_space<vmem>> -> memref<512xi32, #tpu.memory_space<vmem>>
    %dma_start3A_994 = tpu.memref_slice %arg2[%add3A_991] : memref<425984xi32, #tpu.memory_space<hbm>> -> memref<512xi32, #tpu.memory_space<hbm>>
    %dma_start3A_995 = arith.constant 9216 : i32
    %dma_start3A_996 = tpu.memref_slice %arg5[%dma_start3A_995] : memref<13312xi32, #tpu.memory_space<vmem>> -> memref<512xi32, #tpu.memory_space<vmem>>
    %dma_start3A_997 = tpu.memref_slice %arg2[%add3A_991] : memref<425984xi32, #tpu.memory_space<hbm>> -> memref<512xi32, #tpu.memory_space<hbm>>
    tpu.enqueue_dma source(%dma_start3A_997 : memref<512xi32, #tpu.memory_space<hbm>>) target(%dma_start3A_996 : memref<512xi32, #tpu.memory_space<vmem>>) target_semaphore(%arg10 : memref<!tpu.dma_semaphore, #tpu.memory_space<semaphore_mem>>)
    %add3A_998 = arith.constant 608 : i32
    %add3A_999 = arith.addi %add3A, %add3A_998 : i32
    %jit3A_1000 = arith.constant 32 : i32
    %div3A_1001 = arith.divsi %add3A_999, %jit3A_1000 : i32
    %sign3A_1002 = arith.constant 0 : i32
    %sign3A_1003 = arith.cmpi sgt, %add3A_999, %sign3A_1002 : i32
    %sign3A_1004 = arith.extui %sign3A_1003 : i1 to i32
    %sign3A_1005 = arith.constant 0 : i32
    %sign3A_1006 = arith.cmpi slt, %add3A_999, %sign3A_1005 : i32
    %sign3A_1007 = arith.extui %sign3A_1006 : i1 to i32
    %sign3A_1008 = arith.subi %sign3A_1004, %sign3A_1007 : i32
    %sign3A_1009 = arith.constant 0 : i32
    %sign3A_1010 = arith.cmpi sgt, %jit3A_1000, %sign3A_1009 : i32
    %sign3A_1011 = arith.extui %sign3A_1010 : i1 to i32
    %sign3A_1012 = arith.constant 0 : i32
    %sign3A_1013 = arith.cmpi slt, %jit3A_1000, %sign3A_1012 : i32
    %sign3A_1014 = arith.extui %sign3A_1013 : i1 to i32
    %sign3A_1015 = arith.subi %sign3A_1011, %sign3A_1014 : i32
    %ne3A_1016 = arith.cmpi ne, %sign3A_1008, %sign3A_1015 : i32
    %rem3A_1017 = arith.remsi %add3A_999, %jit3A_1000 : i32
    %ne3A_1018 = arith.constant 0 : i32
    %ne3A_1019 = arith.cmpi ne, %rem3A_1017, %ne3A_1018 : i32
    %and3A_1020 = arith.andi %ne3A_1016, %ne3A_1019 : i1
    %sub3A_1021 = arith.constant 1 : i32
    %sub3A_1022 = arith.subi %div3A_1001, %sub3A_1021 : i32
    %select_n3A_1023 = arith.select %and3A_1020, %sub3A_1022, %div3A_1001 : i32
    %jit3A_1024 = arith.constant 32 : i32
    %eq3A_1025 = arith.constant 0 : i32
    %eq3A_1026 = arith.cmpi eq, %jit3A_1024, %eq3A_1025 : i32
    %jit3A_1027 = arith.constant 1 : i32
    %select_n3A_1028 = arith.select %eq3A_1026, %jit3A_1027, %jit3A_1024 : i32
    %rem3A_1029 = arith.remsi %add3A_999, %select_n3A_1028 : i32
    %ne3A_1030 = arith.constant 0 : i32
    %ne3A_1031 = arith.cmpi ne, %rem3A_1029, %ne3A_1030 : i32
    %lt3A_1032 = arith.constant 0 : i32
    %lt3A_1033 = arith.cmpi slt, %rem3A_1029, %lt3A_1032 : i32
    %lt3A_1034 = arith.constant 0 : i32
    %lt3A_1035 = arith.cmpi slt, %select_n3A_1028, %lt3A_1034 : i32
    %ne3A_1036 = arith.xori %lt3A_1033, %lt3A_1035 : i1
    %and3A_1037 = arith.andi %ne3A_1036, %ne3A_1031 : i1
    %add3A_1038 = arith.addi %rem3A_1029, %select_n3A_1028 : i32
    %select_n3A_1039 = arith.select %and3A_1037, %add3A_1038, %rem3A_1029 : i32
    %mul3A_1040 = arith.constant 16384 : i32
    %mul3A_1041 = arith.muli %select_n3A_1023, %mul3A_1040 : i32
    %mul3A_1042 = arith.constant 512 : i32
    %mul3A_1043 = arith.muli %select_n3A_1039, %mul3A_1042 : i32
    %add3A_1044 = arith.addi %mul3A_1041, %mul3A_1043 : i32
    %dma_start3A_1045 = arith.constant 9728 : i32
    %dma_start3A_1046 = tpu.memref_slice %arg5[%dma_start3A_1045] : memref<13312xi32, #tpu.memory_space<vmem>> -> memref<512xi32, #tpu.memory_space<vmem>>
    %dma_start3A_1047 = tpu.memref_slice %arg2[%add3A_1044] : memref<425984xi32, #tpu.memory_space<hbm>> -> memref<512xi32, #tpu.memory_space<hbm>>
    %dma_start3A_1048 = arith.constant 9728 : i32
    %dma_start3A_1049 = tpu.memref_slice %arg5[%dma_start3A_1048] : memref<13312xi32, #tpu.memory_space<vmem>> -> memref<512xi32, #tpu.memory_space<vmem>>
    %dma_start3A_1050 = tpu.memref_slice %arg2[%add3A_1044] : memref<425984xi32, #tpu.memory_space<hbm>> -> memref<512xi32, #tpu.memory_space<hbm>>
    tpu.enqueue_dma source(%dma_start3A_1050 : memref<512xi32, #tpu.memory_space<hbm>>) target(%dma_start3A_1049 : memref<512xi32, #tpu.memory_space<vmem>>) target_semaphore(%arg10 : memref<!tpu.dma_semaphore, #tpu.memory_space<semaphore_mem>>)
    %add3A_1051 = arith.constant 640 : i32
    %add3A_1052 = arith.addi %add3A, %add3A_1051 : i32
    %jit3A_1053 = arith.constant 32 : i32
    %div3A_1054 = arith.divsi %add3A_1052, %jit3A_1053 : i32
    %sign3A_1055 = arith.constant 0 : i32
    %sign3A_1056 = arith.cmpi sgt, %add3A_1052, %sign3A_1055 : i32
    %sign3A_1057 = arith.extui %sign3A_1056 : i1 to i32
    %sign3A_1058 = arith.constant 0 : i32
    %sign3A_1059 = arith.cmpi slt, %add3A_1052, %sign3A_1058 : i32
    %sign3A_1060 = arith.extui %sign3A_1059 : i1 to i32
    %sign3A_1061 = arith.subi %sign3A_1057, %sign3A_1060 : i32
    %sign3A_1062 = arith.constant 0 : i32
    %sign3A_1063 = arith.cmpi sgt, %jit3A_1053, %sign3A_1062 : i32
    %sign3A_1064 = arith.extui %sign3A_1063 : i1 to i32
    %sign3A_1065 = arith.constant 0 : i32
    %sign3A_1066 = arith.cmpi slt, %jit3A_1053, %sign3A_1065 : i32
    %sign3A_1067 = arith.extui %sign3A_1066 : i1 to i32
    %sign3A_1068 = arith.subi %sign3A_1064, %sign3A_1067 : i32
    %ne3A_1069 = arith.cmpi ne, %sign3A_1061, %sign3A_1068 : i32
    %rem3A_1070 = arith.remsi %add3A_1052, %jit3A_1053 : i32
    %ne3A_1071 = arith.constant 0 : i32
    %ne3A_1072 = arith.cmpi ne, %rem3A_1070, %ne3A_1071 : i32
    %and3A_1073 = arith.andi %ne3A_1069, %ne3A_1072 : i1
    %sub3A_1074 = arith.constant 1 : i32
    %sub3A_1075 = arith.subi %div3A_1054, %sub3A_1074 : i32
    %select_n3A_1076 = arith.select %and3A_1073, %sub3A_1075, %div3A_1054 : i32
    %jit3A_1077 = arith.constant 32 : i32
    %eq3A_1078 = arith.constant 0 : i32
    %eq3A_1079 = arith.cmpi eq, %jit3A_1077, %eq3A_1078 : i32
    %jit3A_1080 = arith.constant 1 : i32
    %select_n3A_1081 = arith.select %eq3A_1079, %jit3A_1080, %jit3A_1077 : i32
    %rem3A_1082 = arith.remsi %add3A_1052, %select_n3A_1081 : i32
    %ne3A_1083 = arith.constant 0 : i32
    %ne3A_1084 = arith.cmpi ne, %rem3A_1082, %ne3A_1083 : i32
    %lt3A_1085 = arith.constant 0 : i32
    %lt3A_1086 = arith.cmpi slt, %rem3A_1082, %lt3A_1085 : i32
    %lt3A_1087 = arith.constant 0 : i32
    %lt3A_1088 = arith.cmpi slt, %select_n3A_1081, %lt3A_1087 : i32
    %ne3A_1089 = arith.xori %lt3A_1086, %lt3A_1088 : i1
    %and3A_1090 = arith.andi %ne3A_1089, %ne3A_1084 : i1
    %add3A_1091 = arith.addi %rem3A_1082, %select_n3A_1081 : i32
    %select_n3A_1092 = arith.select %and3A_1090, %add3A_1091, %rem3A_1082 : i32
    %mul3A_1093 = arith.constant 16384 : i32
    %mul3A_1094 = arith.muli %select_n3A_1076, %mul3A_1093 : i32
    %mul3A_1095 = arith.constant 512 : i32
    %mul3A_1096 = arith.muli %select_n3A_1092, %mul3A_1095 : i32
    %add3A_1097 = arith.addi %mul3A_1094, %mul3A_1096 : i32
    %dma_start3A_1098 = arith.constant 10240 : i32
    %dma_start3A_1099 = tpu.memref_slice %arg5[%dma_start3A_1098] : memref<13312xi32, #tpu.memory_space<vmem>> -> memref<512xi32, #tpu.memory_space<vmem>>
    %dma_start3A_1100 = tpu.memref_slice %arg2[%add3A_1097] : memref<425984xi32, #tpu.memory_space<hbm>> -> memref<512xi32, #tpu.memory_space<hbm>>
    %dma_start3A_1101 = arith.constant 10240 : i32
    %dma_start3A_1102 = tpu.memref_slice %arg5[%dma_start3A_1101] : memref<13312xi32, #tpu.memory_space<vmem>> -> memref<512xi32, #tpu.memory_space<vmem>>
    %dma_start3A_1103 = tpu.memref_slice %arg2[%add3A_1097] : memref<425984xi32, #tpu.memory_space<hbm>> -> memref<512xi32, #tpu.memory_space<hbm>>
    tpu.enqueue_dma source(%dma_start3A_1103 : memref<512xi32, #tpu.memory_space<hbm>>) target(%dma_start3A_1102 : memref<512xi32, #tpu.memory_space<vmem>>) target_semaphore(%arg10 : memref<!tpu.dma_semaphore, #tpu.memory_space<semaphore_mem>>)
    %add3A_1104 = arith.constant 672 : i32
    %add3A_1105 = arith.addi %add3A, %add3A_1104 : i32
    %jit3A_1106 = arith.constant 32 : i32
    %div3A_1107 = arith.divsi %add3A_1105, %jit3A_1106 : i32
    %sign3A_1108 = arith.constant 0 : i32
    %sign3A_1109 = arith.cmpi sgt, %add3A_1105, %sign3A_1108 : i32
    %sign3A_1110 = arith.extui %sign3A_1109 : i1 to i32
    %sign3A_1111 = arith.constant 0 : i32
    %sign3A_1112 = arith.cmpi slt, %add3A_1105, %sign3A_1111 : i32
    %sign3A_1113 = arith.extui %sign3A_1112 : i1 to i32
    %sign3A_1114 = arith.subi %sign3A_1110, %sign3A_1113 : i32
    %sign3A_1115 = arith.constant 0 : i32
    %sign3A_1116 = arith.cmpi sgt, %jit3A_1106, %sign3A_1115 : i32
    %sign3A_1117 = arith.extui %sign3A_1116 : i1 to i32
    %sign3A_1118 = arith.constant 0 : i32
    %sign3A_1119 = arith.cmpi slt, %jit3A_1106, %sign3A_1118 : i32
    %sign3A_1120 = arith.extui %sign3A_1119 : i1 to i32
    %sign3A_1121 = arith.subi %sign3A_1117, %sign3A_1120 : i32
    %ne3A_1122 = arith.cmpi ne, %sign3A_1114, %sign3A_1121 : i32
    %rem3A_1123 = arith.remsi %add3A_1105, %jit3A_1106 : i32
    %ne3A_1124 = arith.constant 0 : i32
    %ne3A_1125 = arith.cmpi ne, %rem3A_1123, %ne3A_1124 : i32
    %and3A_1126 = arith.andi %ne3A_1122, %ne3A_1125 : i1
    %sub3A_1127 = arith.constant 1 : i32
    %sub3A_1128 = arith.subi %div3A_1107, %sub3A_1127 : i32
    %select_n3A_1129 = arith.select %and3A_1126, %sub3A_1128, %div3A_1107 : i32
    %jit3A_1130 = arith.constant 32 : i32
    %eq3A_1131 = arith.constant 0 : i32
    %eq3A_1132 = arith.cmpi eq, %jit3A_1130, %eq3A_1131 : i32
    %jit3A_1133 = arith.constant 1 : i32
    %select_n3A_1134 = arith.select %eq3A_1132, %jit3A_1133, %jit3A_1130 : i32
    %rem3A_1135 = arith.remsi %add3A_1105, %select_n3A_1134 : i32
    %ne3A_1136 = arith.constant 0 : i32
    %ne3A_1137 = arith.cmpi ne, %rem3A_1135, %ne3A_1136 : i32
    %lt3A_1138 = arith.constant 0 : i32
    %lt3A_1139 = arith.cmpi slt, %rem3A_1135, %lt3A_1138 : i32
    %lt3A_1140 = arith.constant 0 : i32
    %lt3A_1141 = arith.cmpi slt, %select_n3A_1134, %lt3A_1140 : i32
    %ne3A_1142 = arith.xori %lt3A_1139, %lt3A_1141 : i1
    %and3A_1143 = arith.andi %ne3A_1142, %ne3A_1137 : i1
    %add3A_1144 = arith.addi %rem3A_1135, %select_n3A_1134 : i32
    %select_n3A_1145 = arith.select %and3A_1143, %add3A_1144, %rem3A_1135 : i32
    %mul3A_1146 = arith.constant 16384 : i32
    %mul3A_1147 = arith.muli %select_n3A_1129, %mul3A_1146 : i32
    %mul3A_1148 = arith.constant 512 : i32
    %mul3A_1149 = arith.muli %select_n3A_1145, %mul3A_1148 : i32
    %add3A_1150 = arith.addi %mul3A_1147, %mul3A_1149 : i32
    %dma_start3A_1151 = arith.constant 10752 : i32
    %dma_start3A_1152 = tpu.memref_slice %arg5[%dma_start3A_1151] : memref<13312xi32, #tpu.memory_space<vmem>> -> memref<512xi32, #tpu.memory_space<vmem>>
    %dma_start3A_1153 = tpu.memref_slice %arg2[%add3A_1150] : memref<425984xi32, #tpu.memory_space<hbm>> -> memref<512xi32, #tpu.memory_space<hbm>>
    %dma_start3A_1154 = arith.constant 10752 : i32
    %dma_start3A_1155 = tpu.memref_slice %arg5[%dma_start3A_1154] : memref<13312xi32, #tpu.memory_space<vmem>> -> memref<512xi32, #tpu.memory_space<vmem>>
    %dma_start3A_1156 = tpu.memref_slice %arg2[%add3A_1150] : memref<425984xi32, #tpu.memory_space<hbm>> -> memref<512xi32, #tpu.memory_space<hbm>>
    tpu.enqueue_dma source(%dma_start3A_1156 : memref<512xi32, #tpu.memory_space<hbm>>) target(%dma_start3A_1155 : memref<512xi32, #tpu.memory_space<vmem>>) target_semaphore(%arg10 : memref<!tpu.dma_semaphore, #tpu.memory_space<semaphore_mem>>)
    %add3A_1157 = arith.constant 704 : i32
    %add3A_1158 = arith.addi %add3A, %add3A_1157 : i32
    %jit3A_1159 = arith.constant 32 : i32
    %div3A_1160 = arith.divsi %add3A_1158, %jit3A_1159 : i32
    %sign3A_1161 = arith.constant 0 : i32
    %sign3A_1162 = arith.cmpi sgt, %add3A_1158, %sign3A_1161 : i32
    %sign3A_1163 = arith.extui %sign3A_1162 : i1 to i32
    %sign3A_1164 = arith.constant 0 : i32
    %sign3A_1165 = arith.cmpi slt, %add3A_1158, %sign3A_1164 : i32
    %sign3A_1166 = arith.extui %sign3A_1165 : i1 to i32
    %sign3A_1167 = arith.subi %sign3A_1163, %sign3A_1166 : i32
    %sign3A_1168 = arith.constant 0 : i32
    %sign3A_1169 = arith.cmpi sgt, %jit3A_1159, %sign3A_1168 : i32
    %sign3A_1170 = arith.extui %sign3A_1169 : i1 to i32
    %sign3A_1171 = arith.constant 0 : i32
    %sign3A_1172 = arith.cmpi slt, %jit3A_1159, %sign3A_1171 : i32
    %sign3A_1173 = arith.extui %sign3A_1172 : i1 to i32
    %sign3A_1174 = arith.subi %sign3A_1170, %sign3A_1173 : i32
    %ne3A_1175 = arith.cmpi ne, %sign3A_1167, %sign3A_1174 : i32
    %rem3A_1176 = arith.remsi %add3A_1158, %jit3A_1159 : i32
    %ne3A_1177 = arith.constant 0 : i32
    %ne3A_1178 = arith.cmpi ne, %rem3A_1176, %ne3A_1177 : i32
    %and3A_1179 = arith.andi %ne3A_1175, %ne3A_1178 : i1
    %sub3A_1180 = arith.constant 1 : i32
    %sub3A_1181 = arith.subi %div3A_1160, %sub3A_1180 : i32
    %select_n3A_1182 = arith.select %and3A_1179, %sub3A_1181, %div3A_1160 : i32
    %jit3A_1183 = arith.constant 32 : i32
    %eq3A_1184 = arith.constant 0 : i32
    %eq3A_1185 = arith.cmpi eq, %jit3A_1183, %eq3A_1184 : i32
    %jit3A_1186 = arith.constant 1 : i32
    %select_n3A_1187 = arith.select %eq3A_1185, %jit3A_1186, %jit3A_1183 : i32
    %rem3A_1188 = arith.remsi %add3A_1158, %select_n3A_1187 : i32
    %ne3A_1189 = arith.constant 0 : i32
    %ne3A_1190 = arith.cmpi ne, %rem3A_1188, %ne3A_1189 : i32
    %lt3A_1191 = arith.constant 0 : i32
    %lt3A_1192 = arith.cmpi slt, %rem3A_1188, %lt3A_1191 : i32
    %lt3A_1193 = arith.constant 0 : i32
    %lt3A_1194 = arith.cmpi slt, %select_n3A_1187, %lt3A_1193 : i32
    %ne3A_1195 = arith.xori %lt3A_1192, %lt3A_1194 : i1
    %and3A_1196 = arith.andi %ne3A_1195, %ne3A_1190 : i1
    %add3A_1197 = arith.addi %rem3A_1188, %select_n3A_1187 : i32
    %select_n3A_1198 = arith.select %and3A_1196, %add3A_1197, %rem3A_1188 : i32
    %mul3A_1199 = arith.constant 16384 : i32
    %mul3A_1200 = arith.muli %select_n3A_1182, %mul3A_1199 : i32
    %mul3A_1201 = arith.constant 512 : i32
    %mul3A_1202 = arith.muli %select_n3A_1198, %mul3A_1201 : i32
    %add3A_1203 = arith.addi %mul3A_1200, %mul3A_1202 : i32
    %dma_start3A_1204 = arith.constant 11264 : i32
    %dma_start3A_1205 = tpu.memref_slice %arg5[%dma_start3A_1204] : memref<13312xi32, #tpu.memory_space<vmem>> -> memref<512xi32, #tpu.memory_space<vmem>>
    %dma_start3A_1206 = tpu.memref_slice %arg2[%add3A_1203] : memref<425984xi32, #tpu.memory_space<hbm>> -> memref<512xi32, #tpu.memory_space<hbm>>
    %dma_start3A_1207 = arith.constant 11264 : i32
    %dma_start3A_1208 = tpu.memref_slice %arg5[%dma_start3A_1207] : memref<13312xi32, #tpu.memory_space<vmem>> -> memref<512xi32, #tpu.memory_space<vmem>>
    %dma_start3A_1209 = tpu.memref_slice %arg2[%add3A_1203] : memref<425984xi32, #tpu.memory_space<hbm>> -> memref<512xi32, #tpu.memory_space<hbm>>
    tpu.enqueue_dma source(%dma_start3A_1209 : memref<512xi32, #tpu.memory_space<hbm>>) target(%dma_start3A_1208 : memref<512xi32, #tpu.memory_space<vmem>>) target_semaphore(%arg10 : memref<!tpu.dma_semaphore, #tpu.memory_space<semaphore_mem>>)
    %add3A_1210 = arith.constant 736 : i32
    %add3A_1211 = arith.addi %add3A, %add3A_1210 : i32
    %jit3A_1212 = arith.constant 32 : i32
    %div3A_1213 = arith.divsi %add3A_1211, %jit3A_1212 : i32
    %sign3A_1214 = arith.constant 0 : i32
    %sign3A_1215 = arith.cmpi sgt, %add3A_1211, %sign3A_1214 : i32
    %sign3A_1216 = arith.extui %sign3A_1215 : i1 to i32
    %sign3A_1217 = arith.constant 0 : i32
    %sign3A_1218 = arith.cmpi slt, %add3A_1211, %sign3A_1217 : i32
    %sign3A_1219 = arith.extui %sign3A_1218 : i1 to i32
    %sign3A_1220 = arith.subi %sign3A_1216, %sign3A_1219 : i32
    %sign3A_1221 = arith.constant 0 : i32
    %sign3A_1222 = arith.cmpi sgt, %jit3A_1212, %sign3A_1221 : i32
    %sign3A_1223 = arith.extui %sign3A_1222 : i1 to i32
    %sign3A_1224 = arith.constant 0 : i32
    %sign3A_1225 = arith.cmpi slt, %jit3A_1212, %sign3A_1224 : i32
    %sign3A_1226 = arith.extui %sign3A_1225 : i1 to i32
    %sign3A_1227 = arith.subi %sign3A_1223, %sign3A_1226 : i32
    %ne3A_1228 = arith.cmpi ne, %sign3A_1220, %sign3A_1227 : i32
    %rem3A_1229 = arith.remsi %add3A_1211, %jit3A_1212 : i32
    %ne3A_1230 = arith.constant 0 : i32
    %ne3A_1231 = arith.cmpi ne, %rem3A_1229, %ne3A_1230 : i32
    %and3A_1232 = arith.andi %ne3A_1228, %ne3A_1231 : i1
    %sub3A_1233 = arith.constant 1 : i32
    %sub3A_1234 = arith.subi %div3A_1213, %sub3A_1233 : i32
    %select_n3A_1235 = arith.select %and3A_1232, %sub3A_1234, %div3A_1213 : i32
    %jit3A_1236 = arith.constant 32 : i32
    %eq3A_1237 = arith.constant 0 : i32
    %eq3A_1238 = arith.cmpi eq, %jit3A_1236, %eq3A_1237 : i32
    %jit3A_1239 = arith.constant 1 : i32
    %select_n3A_1240 = arith.select %eq3A_1238, %jit3A_1239, %jit3A_1236 : i32
    %rem3A_1241 = arith.remsi %add3A_1211, %select_n3A_1240 : i32
    %ne3A_1242 = arith.constant 0 : i32
    %ne3A_1243 = arith.cmpi ne, %rem3A_1241, %ne3A_1242 : i32
    %lt3A_1244 = arith.constant 0 : i32
    %lt3A_1245 = arith.cmpi slt, %rem3A_1241, %lt3A_1244 : i32
    %lt3A_1246 = arith.constant 0 : i32
    %lt3A_1247 = arith.cmpi slt, %select_n3A_1240, %lt3A_1246 : i32
    %ne3A_1248 = arith.xori %lt3A_1245, %lt3A_1247 : i1
    %and3A_1249 = arith.andi %ne3A_1248, %ne3A_1243 : i1
    %add3A_1250 = arith.addi %rem3A_1241, %select_n3A_1240 : i32
    %select_n3A_1251 = arith.select %and3A_1249, %add3A_1250, %rem3A_1241 : i32
    %mul3A_1252 = arith.constant 16384 : i32
    %mul3A_1253 = arith.muli %select_n3A_1235, %mul3A_1252 : i32
    %mul3A_1254 = arith.constant 512 : i32
    %mul3A_1255 = arith.muli %select_n3A_1251, %mul3A_1254 : i32
    %add3A_1256 = arith.addi %mul3A_1253, %mul3A_1255 : i32
    %dma_start3A_1257 = arith.constant 11776 : i32
    %dma_start3A_1258 = tpu.memref_slice %arg5[%dma_start3A_1257] : memref<13312xi32, #tpu.memory_space<vmem>> -> memref<512xi32, #tpu.memory_space<vmem>>
    %dma_start3A_1259 = tpu.memref_slice %arg2[%add3A_1256] : memref<425984xi32, #tpu.memory_space<hbm>> -> memref<512xi32, #tpu.memory_space<hbm>>
    %dma_start3A_1260 = arith.constant 11776 : i32
    %dma_start3A_1261 = tpu.memref_slice %arg5[%dma_start3A_1260] : memref<13312xi32, #tpu.memory_space<vmem>> -> memref<512xi32, #tpu.memory_space<vmem>>
    %dma_start3A_1262 = tpu.memref_slice %arg2[%add3A_1256] : memref<425984xi32, #tpu.memory_space<hbm>> -> memref<512xi32, #tpu.memory_space<hbm>>
    tpu.enqueue_dma source(%dma_start3A_1262 : memref<512xi32, #tpu.memory_space<hbm>>) target(%dma_start3A_1261 : memref<512xi32, #tpu.memory_space<vmem>>) target_semaphore(%arg10 : memref<!tpu.dma_semaphore, #tpu.memory_space<semaphore_mem>>)
    %add3A_1263 = arith.constant 768 : i32
    %add3A_1264 = arith.addi %add3A, %add3A_1263 : i32
    %jit3A_1265 = arith.constant 32 : i32
    %div3A_1266 = arith.divsi %add3A_1264, %jit3A_1265 : i32
    %sign3A_1267 = arith.constant 0 : i32
    %sign3A_1268 = arith.cmpi sgt, %add3A_1264, %sign3A_1267 : i32
    %sign3A_1269 = arith.extui %sign3A_1268 : i1 to i32
    %sign3A_1270 = arith.constant 0 : i32
    %sign3A_1271 = arith.cmpi slt, %add3A_1264, %sign3A_1270 : i32
    %sign3A_1272 = arith.extui %sign3A_1271 : i1 to i32
    %sign3A_1273 = arith.subi %sign3A_1269, %sign3A_1272 : i32
    %sign3A_1274 = arith.constant 0 : i32
    %sign3A_1275 = arith.cmpi sgt, %jit3A_1265, %sign3A_1274 : i32
    %sign3A_1276 = arith.extui %sign3A_1275 : i1 to i32
    %sign3A_1277 = arith.constant 0 : i32
    %sign3A_1278 = arith.cmpi slt, %jit3A_1265, %sign3A_1277 : i32
    %sign3A_1279 = arith.extui %sign3A_1278 : i1 to i32
    %sign3A_1280 = arith.subi %sign3A_1276, %sign3A_1279 : i32
    %ne3A_1281 = arith.cmpi ne, %sign3A_1273, %sign3A_1280 : i32
    %rem3A_1282 = arith.remsi %add3A_1264, %jit3A_1265 : i32
    %ne3A_1283 = arith.constant 0 : i32
    %ne3A_1284 = arith.cmpi ne, %rem3A_1282, %ne3A_1283 : i32
    %and3A_1285 = arith.andi %ne3A_1281, %ne3A_1284 : i1
    %sub3A_1286 = arith.constant 1 : i32
    %sub3A_1287 = arith.subi %div3A_1266, %sub3A_1286 : i32
    %select_n3A_1288 = arith.select %and3A_1285, %sub3A_1287, %div3A_1266 : i32
    %jit3A_1289 = arith.constant 32 : i32
    %eq3A_1290 = arith.constant 0 : i32
    %eq3A_1291 = arith.cmpi eq, %jit3A_1289, %eq3A_1290 : i32
    %jit3A_1292 = arith.constant 1 : i32
    %select_n3A_1293 = arith.select %eq3A_1291, %jit3A_1292, %jit3A_1289 : i32
    %rem3A_1294 = arith.remsi %add3A_1264, %select_n3A_1293 : i32
    %ne3A_1295 = arith.constant 0 : i32
    %ne3A_1296 = arith.cmpi ne, %rem3A_1294, %ne3A_1295 : i32
    %lt3A_1297 = arith.constant 0 : i32
    %lt3A_1298 = arith.cmpi slt, %rem3A_1294, %lt3A_1297 : i32
    %lt3A_1299 = arith.constant 0 : i32
    %lt3A_1300 = arith.cmpi slt, %select_n3A_1293, %lt3A_1299 : i32
    %ne3A_1301 = arith.xori %lt3A_1298, %lt3A_1300 : i1
    %and3A_1302 = arith.andi %ne3A_1301, %ne3A_1296 : i1
    %add3A_1303 = arith.addi %rem3A_1294, %select_n3A_1293 : i32
    %select_n3A_1304 = arith.select %and3A_1302, %add3A_1303, %rem3A_1294 : i32
    %mul3A_1305 = arith.constant 16384 : i32
    %mul3A_1306 = arith.muli %select_n3A_1288, %mul3A_1305 : i32
    %mul3A_1307 = arith.constant 512 : i32
    %mul3A_1308 = arith.muli %select_n3A_1304, %mul3A_1307 : i32
    %add3A_1309 = arith.addi %mul3A_1306, %mul3A_1308 : i32
    %dma_start3A_1310 = arith.constant 12288 : i32
    %dma_start3A_1311 = tpu.memref_slice %arg5[%dma_start3A_1310] : memref<13312xi32, #tpu.memory_space<vmem>> -> memref<512xi32, #tpu.memory_space<vmem>>
    %dma_start3A_1312 = tpu.memref_slice %arg2[%add3A_1309] : memref<425984xi32, #tpu.memory_space<hbm>> -> memref<512xi32, #tpu.memory_space<hbm>>
    %dma_start3A_1313 = arith.constant 12288 : i32
    %dma_start3A_1314 = tpu.memref_slice %arg5[%dma_start3A_1313] : memref<13312xi32, #tpu.memory_space<vmem>> -> memref<512xi32, #tpu.memory_space<vmem>>
    %dma_start3A_1315 = tpu.memref_slice %arg2[%add3A_1309] : memref<425984xi32, #tpu.memory_space<hbm>> -> memref<512xi32, #tpu.memory_space<hbm>>
    tpu.enqueue_dma source(%dma_start3A_1315 : memref<512xi32, #tpu.memory_space<hbm>>) target(%dma_start3A_1314 : memref<512xi32, #tpu.memory_space<vmem>>) target_semaphore(%arg10 : memref<!tpu.dma_semaphore, #tpu.memory_space<semaphore_mem>>)
    %add3A_1316 = arith.constant 800 : i32
    %add3A_1317 = arith.addi %add3A, %add3A_1316 : i32
    %jit3A_1318 = arith.constant 32 : i32
    %div3A_1319 = arith.divsi %add3A_1317, %jit3A_1318 : i32
    %sign3A_1320 = arith.constant 0 : i32
    %sign3A_1321 = arith.cmpi sgt, %add3A_1317, %sign3A_1320 : i32
    %sign3A_1322 = arith.extui %sign3A_1321 : i1 to i32
    %sign3A_1323 = arith.constant 0 : i32
    %sign3A_1324 = arith.cmpi slt, %add3A_1317, %sign3A_1323 : i32
    %sign3A_1325 = arith.extui %sign3A_1324 : i1 to i32
    %sign3A_1326 = arith.subi %sign3A_1322, %sign3A_1325 : i32
    %sign3A_1327 = arith.constant 0 : i32
    %sign3A_1328 = arith.cmpi sgt, %jit3A_1318, %sign3A_1327 : i32
    %sign3A_1329 = arith.extui %sign3A_1328 : i1 to i32
    %sign3A_1330 = arith.constant 0 : i32
    %sign3A_1331 = arith.cmpi slt, %jit3A_1318, %sign3A_1330 : i32
    %sign3A_1332 = arith.extui %sign3A_1331 : i1 to i32
    %sign3A_1333 = arith.subi %sign3A_1329, %sign3A_1332 : i32
    %ne3A_1334 = arith.cmpi ne, %sign3A_1326, %sign3A_1333 : i32
    %rem3A_1335 = arith.remsi %add3A_1317, %jit3A_1318 : i32
    %ne3A_1336 = arith.constant 0 : i32
    %ne3A_1337 = arith.cmpi ne, %rem3A_1335, %ne3A_1336 : i32
    %and3A_1338 = arith.andi %ne3A_1334, %ne3A_1337 : i1
    %sub3A_1339 = arith.constant 1 : i32
    %sub3A_1340 = arith.subi %div3A_1319, %sub3A_1339 : i32
    %select_n3A_1341 = arith.select %and3A_1338, %sub3A_1340, %div3A_1319 : i32
    %jit3A_1342 = arith.constant 32 : i32
    %eq3A_1343 = arith.constant 0 : i32
    %eq3A_1344 = arith.cmpi eq, %jit3A_1342, %eq3A_1343 : i32
    %jit3A_1345 = arith.constant 1 : i32
    %select_n3A_1346 = arith.select %eq3A_1344, %jit3A_1345, %jit3A_1342 : i32
    %rem3A_1347 = arith.remsi %add3A_1317, %select_n3A_1346 : i32
    %ne3A_1348 = arith.constant 0 : i32
    %ne3A_1349 = arith.cmpi ne, %rem3A_1347, %ne3A_1348 : i32
    %lt3A_1350 = arith.constant 0 : i32
    %lt3A_1351 = arith.cmpi slt, %rem3A_1347, %lt3A_1350 : i32
    %lt3A_1352 = arith.constant 0 : i32
    %lt3A_1353 = arith.cmpi slt, %select_n3A_1346, %lt3A_1352 : i32
    %ne3A_1354 = arith.xori %lt3A_1351, %lt3A_1353 : i1
    %and3A_1355 = arith.andi %ne3A_1354, %ne3A_1349 : i1
    %add3A_1356 = arith.addi %rem3A_1347, %select_n3A_1346 : i32
    %select_n3A_1357 = arith.select %and3A_1355, %add3A_1356, %rem3A_1347 : i32
    %mul3A_1358 = arith.constant 16384 : i32
    %mul3A_1359 = arith.muli %select_n3A_1341, %mul3A_1358 : i32
    %mul3A_1360 = arith.constant 512 : i32
    %mul3A_1361 = arith.muli %select_n3A_1357, %mul3A_1360 : i32
    %add3A_1362 = arith.addi %mul3A_1359, %mul3A_1361 : i32
    %dma_start3A_1363 = arith.constant 12800 : i32
    %dma_start3A_1364 = tpu.memref_slice %arg5[%dma_start3A_1363] : memref<13312xi32, #tpu.memory_space<vmem>> -> memref<512xi32, #tpu.memory_space<vmem>>
    %dma_start3A_1365 = tpu.memref_slice %arg2[%add3A_1362] : memref<425984xi32, #tpu.memory_space<hbm>> -> memref<512xi32, #tpu.memory_space<hbm>>
    %dma_start3A_1366 = arith.constant 12800 : i32
    %dma_start3A_1367 = tpu.memref_slice %arg5[%dma_start3A_1366] : memref<13312xi32, #tpu.memory_space<vmem>> -> memref<512xi32, #tpu.memory_space<vmem>>
    %dma_start3A_1368 = tpu.memref_slice %arg2[%add3A_1362] : memref<425984xi32, #tpu.memory_space<hbm>> -> memref<512xi32, #tpu.memory_space<hbm>>
    tpu.enqueue_dma source(%dma_start3A_1368 : memref<512xi32, #tpu.memory_space<hbm>>) target(%dma_start3A_1367 : memref<512xi32, #tpu.memory_space<vmem>>) target_semaphore(%arg10 : memref<!tpu.dma_semaphore, #tpu.memory_space<semaphore_mem>>)
    %add3A_1369 = arith.constant 0 : i32
    %add3A_1370 = arith.addi %add3A, %add3A_1369 : i32
    %jit3A_1371 = arith.constant 32 : i32
    %div3A_1372 = arith.divsi %add3A_1370, %jit3A_1371 : i32
    %sign3A_1373 = arith.constant 0 : i32
    %sign3A_1374 = arith.cmpi sgt, %add3A_1370, %sign3A_1373 : i32
    %sign3A_1375 = arith.extui %sign3A_1374 : i1 to i32
    %sign3A_1376 = arith.constant 0 : i32
    %sign3A_1377 = arith.cmpi slt, %add3A_1370, %sign3A_1376 : i32
    %sign3A_1378 = arith.extui %sign3A_1377 : i1 to i32
    %sign3A_1379 = arith.subi %sign3A_1375, %sign3A_1378 : i32
    %sign3A_1380 = arith.constant 0 : i32
    %sign3A_1381 = arith.cmpi sgt, %jit3A_1371, %sign3A_1380 : i32
    %sign3A_1382 = arith.extui %sign3A_1381 : i1 to i32
    %sign3A_1383 = arith.constant 0 : i32
    %sign3A_1384 = arith.cmpi slt, %jit3A_1371, %sign3A_1383 : i32
    %sign3A_1385 = arith.extui %sign3A_1384 : i1 to i32
    %sign3A_1386 = arith.subi %sign3A_1382, %sign3A_1385 : i32
    %ne3A_1387 = arith.cmpi ne, %sign3A_1379, %sign3A_1386 : i32
    %rem3A_1388 = arith.remsi %add3A_1370, %jit3A_1371 : i32
    %ne3A_1389 = arith.constant 0 : i32
    %ne3A_1390 = arith.cmpi ne, %rem3A_1388, %ne3A_1389 : i32
    %and3A_1391 = arith.andi %ne3A_1387, %ne3A_1390 : i1
    %sub3A_1392 = arith.constant 1 : i32
    %sub3A_1393 = arith.subi %div3A_1372, %sub3A_1392 : i32
    %select_n3A_1394 = arith.select %and3A_1391, %sub3A_1393, %div3A_1372 : i32
    %jit3A_1395 = arith.constant 32 : i32
    %eq3A_1396 = arith.constant 0 : i32
    %eq3A_1397 = arith.cmpi eq, %jit3A_1395, %eq3A_1396 : i32
    %jit3A_1398 = arith.constant 1 : i32
    %select_n3A_1399 = arith.select %eq3A_1397, %jit3A_1398, %jit3A_1395 : i32
    %rem3A_1400 = arith.remsi %add3A_1370, %select_n3A_1399 : i32
    %ne3A_1401 = arith.constant 0 : i32
    %ne3A_1402 = arith.cmpi ne, %rem3A_1400, %ne3A_1401 : i32
    %lt3A_1403 = arith.constant 0 : i32
    %lt3A_1404 = arith.cmpi slt, %rem3A_1400, %lt3A_1403 : i32
    %lt3A_1405 = arith.constant 0 : i32
    %lt3A_1406 = arith.cmpi slt, %select_n3A_1399, %lt3A_1405 : i32
    %ne3A_1407 = arith.xori %lt3A_1404, %lt3A_1406 : i1
    %and3A_1408 = arith.andi %ne3A_1407, %ne3A_1402 : i1
    %add3A_1409 = arith.addi %rem3A_1400, %select_n3A_1399 : i32
    %select_n3A_1410 = arith.select %and3A_1408, %add3A_1409, %rem3A_1400 : i32
    %mul3A_1411 = arith.constant 16384 : i32
    %mul3A_1412 = arith.muli %select_n3A_1394, %mul3A_1411 : i32
    %mul3A_1413 = arith.constant 512 : i32
    %mul3A_1414 = arith.muli %select_n3A_1410, %mul3A_1413 : i32
    %add3A_1415 = arith.addi %mul3A_1412, %mul3A_1414 : i32
    %dma_wait3A = arith.constant 0 : i32
    %dma_wait3A_1416 = tpu.memref_slice %arg5[%dma_wait3A] : memref<13312xi32, #tpu.memory_space<vmem>> -> memref<512xi32, #tpu.memory_space<vmem>>
    %dma_wait3A_1417 = tpu.memref_slice %arg2[%add3A_1415] : memref<425984xi32, #tpu.memory_space<hbm>> -> memref<512xi32, #tpu.memory_space<hbm>>
    %dma_wait3A_1418 = arith.constant 0 : i32
    %dma_wait3A_1419 = tpu.memref_slice %arg5[%dma_wait3A_1418] : memref<13312xi32, #tpu.memory_space<vmem>> -> memref<512xi32, #tpu.memory_space<vmem>>
    %dma_wait3A_1420 = tpu.memref_slice %arg2[%add3A_1415] : memref<425984xi32, #tpu.memory_space<hbm>> -> memref<512xi32, #tpu.memory_space<hbm>>
    tpu.wait_dma2 semaphore(%arg10 : memref<!tpu.dma_semaphore, #tpu.memory_space<semaphore_mem>>) src(%dma_wait3A_1420 : memref<512xi32, #tpu.memory_space<hbm>>) dst(%dma_wait3A_1419 : memref<512xi32, #tpu.memory_space<vmem>>)
    %add3A_1421 = arith.constant 32 : i32
    %add3A_1422 = arith.addi %add3A, %add3A_1421 : i32
    %jit3A_1423 = arith.constant 32 : i32
    %div3A_1424 = arith.divsi %add3A_1422, %jit3A_1423 : i32
    %sign3A_1425 = arith.constant 0 : i32
    %sign3A_1426 = arith.cmpi sgt, %add3A_1422, %sign3A_1425 : i32
    %sign3A_1427 = arith.extui %sign3A_1426 : i1 to i32
    %sign3A_1428 = arith.constant 0 : i32
    %sign3A_1429 = arith.cmpi slt, %add3A_1422, %sign3A_1428 : i32
    %sign3A_1430 = arith.extui %sign3A_1429 : i1 to i32
    %sign3A_1431 = arith.subi %sign3A_1427, %sign3A_1430 : i32
    %sign3A_1432 = arith.constant 0 : i32
    %sign3A_1433 = arith.cmpi sgt, %jit3A_1423, %sign3A_1432 : i32
    %sign3A_1434 = arith.extui %sign3A_1433 : i1 to i32
    %sign3A_1435 = arith.constant 0 : i32
    %sign3A_1436 = arith.cmpi slt, %jit3A_1423, %sign3A_1435 : i32
    %sign3A_1437 = arith.extui %sign3A_1436 : i1 to i32
    %sign3A_1438 = arith.subi %sign3A_1434, %sign3A_1437 : i32
    %ne3A_1439 = arith.cmpi ne, %sign3A_1431, %sign3A_1438 : i32
    %rem3A_1440 = arith.remsi %add3A_1422, %jit3A_1423 : i32
    %ne3A_1441 = arith.constant 0 : i32
    %ne3A_1442 = arith.cmpi ne, %rem3A_1440, %ne3A_1441 : i32
    %and3A_1443 = arith.andi %ne3A_1439, %ne3A_1442 : i1
    %sub3A_1444 = arith.constant 1 : i32
    %sub3A_1445 = arith.subi %div3A_1424, %sub3A_1444 : i32
    %select_n3A_1446 = arith.select %and3A_1443, %sub3A_1445, %div3A_1424 : i32
    %jit3A_1447 = arith.constant 32 : i32
    %eq3A_1448 = arith.constant 0 : i32
    %eq3A_1449 = arith.cmpi eq, %jit3A_1447, %eq3A_1448 : i32
    %jit3A_1450 = arith.constant 1 : i32
    %select_n3A_1451 = arith.select %eq3A_1449, %jit3A_1450, %jit3A_1447 : i32
    %rem3A_1452 = arith.remsi %add3A_1422, %select_n3A_1451 : i32
    %ne3A_1453 = arith.constant 0 : i32
    %ne3A_1454 = arith.cmpi ne, %rem3A_1452, %ne3A_1453 : i32
    %lt3A_1455 = arith.constant 0 : i32
    %lt3A_1456 = arith.cmpi slt, %rem3A_1452, %lt3A_1455 : i32
    %lt3A_1457 = arith.constant 0 : i32
    %lt3A_1458 = arith.cmpi slt, %select_n3A_1451, %lt3A_1457 : i32
    %ne3A_1459 = arith.xori %lt3A_1456, %lt3A_1458 : i1
    %and3A_1460 = arith.andi %ne3A_1459, %ne3A_1454 : i1
    %add3A_1461 = arith.addi %rem3A_1452, %select_n3A_1451 : i32
    %select_n3A_1462 = arith.select %and3A_1460, %add3A_1461, %rem3A_1452 : i32
    %mul3A_1463 = arith.constant 16384 : i32
    %mul3A_1464 = arith.muli %select_n3A_1446, %mul3A_1463 : i32
    %mul3A_1465 = arith.constant 512 : i32
    %mul3A_1466 = arith.muli %select_n3A_1462, %mul3A_1465 : i32
    %add3A_1467 = arith.addi %mul3A_1464, %mul3A_1466 : i32
    %dma_wait3A_1468 = arith.constant 512 : i32
    %dma_wait3A_1469 = tpu.memref_slice %arg5[%dma_wait3A_1468] : memref<13312xi32, #tpu.memory_space<vmem>> -> memref<512xi32, #tpu.memory_space<vmem>>
    %dma_wait3A_1470 = tpu.memref_slice %arg2[%add3A_1467] : memref<425984xi32, #tpu.memory_space<hbm>> -> memref<512xi32, #tpu.memory_space<hbm>>
    %dma_wait3A_1471 = arith.constant 512 : i32
    %dma_wait3A_1472 = tpu.memref_slice %arg5[%dma_wait3A_1471] : memref<13312xi32, #tpu.memory_space<vmem>> -> memref<512xi32, #tpu.memory_space<vmem>>
    %dma_wait3A_1473 = tpu.memref_slice %arg2[%add3A_1467] : memref<425984xi32, #tpu.memory_space<hbm>> -> memref<512xi32, #tpu.memory_space<hbm>>
    tpu.wait_dma2 semaphore(%arg10 : memref<!tpu.dma_semaphore, #tpu.memory_space<semaphore_mem>>) src(%dma_wait3A_1473 : memref<512xi32, #tpu.memory_space<hbm>>) dst(%dma_wait3A_1472 : memref<512xi32, #tpu.memory_space<vmem>>)
    %add3A_1474 = arith.constant 64 : i32
    %add3A_1475 = arith.addi %add3A, %add3A_1474 : i32
    %jit3A_1476 = arith.constant 32 : i32
    %div3A_1477 = arith.divsi %add3A_1475, %jit3A_1476 : i32
    %sign3A_1478 = arith.constant 0 : i32
    %sign3A_1479 = arith.cmpi sgt, %add3A_1475, %sign3A_1478 : i32
    %sign3A_1480 = arith.extui %sign3A_1479 : i1 to i32
    %sign3A_1481 = arith.constant 0 : i32
    %sign3A_1482 = arith.cmpi slt, %add3A_1475, %sign3A_1481 : i32
    %sign3A_1483 = arith.extui %sign3A_1482 : i1 to i32
    %sign3A_1484 = arith.subi %sign3A_1480, %sign3A_1483 : i32
    %sign3A_1485 = arith.constant 0 : i32
    %sign3A_1486 = arith.cmpi sgt, %jit3A_1476, %sign3A_1485 : i32
    %sign3A_1487 = arith.extui %sign3A_1486 : i1 to i32
    %sign3A_1488 = arith.constant 0 : i32
    %sign3A_1489 = arith.cmpi slt, %jit3A_1476, %sign3A_1488 : i32
    %sign3A_1490 = arith.extui %sign3A_1489 : i1 to i32
    %sign3A_1491 = arith.subi %sign3A_1487, %sign3A_1490 : i32
    %ne3A_1492 = arith.cmpi ne, %sign3A_1484, %sign3A_1491 : i32
    %rem3A_1493 = arith.remsi %add3A_1475, %jit3A_1476 : i32
    %ne3A_1494 = arith.constant 0 : i32
    %ne3A_1495 = arith.cmpi ne, %rem3A_1493, %ne3A_1494 : i32
    %and3A_1496 = arith.andi %ne3A_1492, %ne3A_1495 : i1
    %sub3A_1497 = arith.constant 1 : i32
    %sub3A_1498 = arith.subi %div3A_1477, %sub3A_1497 : i32
    %select_n3A_1499 = arith.select %and3A_1496, %sub3A_1498, %div3A_1477 : i32
    %jit3A_1500 = arith.constant 32 : i32
    %eq3A_1501 = arith.constant 0 : i32
    %eq3A_1502 = arith.cmpi eq, %jit3A_1500, %eq3A_1501 : i32
    %jit3A_1503 = arith.constant 1 : i32
    %select_n3A_1504 = arith.select %eq3A_1502, %jit3A_1503, %jit3A_1500 : i32
    %rem3A_1505 = arith.remsi %add3A_1475, %select_n3A_1504 : i32
    %ne3A_1506 = arith.constant 0 : i32
    %ne3A_1507 = arith.cmpi ne, %rem3A_1505, %ne3A_1506 : i32
    %lt3A_1508 = arith.constant 0 : i32
    %lt3A_1509 = arith.cmpi slt, %rem3A_1505, %lt3A_1508 : i32
    %lt3A_1510 = arith.constant 0 : i32
    %lt3A_1511 = arith.cmpi slt, %select_n3A_1504, %lt3A_1510 : i32
    %ne3A_1512 = arith.xori %lt3A_1509, %lt3A_1511 : i1
    %and3A_1513 = arith.andi %ne3A_1512, %ne3A_1507 : i1
    %add3A_1514 = arith.addi %rem3A_1505, %select_n3A_1504 : i32
    %select_n3A_1515 = arith.select %and3A_1513, %add3A_1514, %rem3A_1505 : i32
    %mul3A_1516 = arith.constant 16384 : i32
    %mul3A_1517 = arith.muli %select_n3A_1499, %mul3A_1516 : i32
    %mul3A_1518 = arith.constant 512 : i32
    %mul3A_1519 = arith.muli %select_n3A_1515, %mul3A_1518 : i32
    %add3A_1520 = arith.addi %mul3A_1517, %mul3A_1519 : i32
    %dma_wait3A_1521 = arith.constant 1024 : i32
    %dma_wait3A_1522 = tpu.memref_slice %arg5[%dma_wait3A_1521] : memref<13312xi32, #tpu.memory_space<vmem>> -> memref<512xi32, #tpu.memory_space<vmem>>
    %dma_wait3A_1523 = tpu.memref_slice %arg2[%add3A_1520] : memref<425984xi32, #tpu.memory_space<hbm>> -> memref<512xi32, #tpu.memory_space<hbm>>
    %dma_wait3A_1524 = arith.constant 1024 : i32
    %dma_wait3A_1525 = tpu.memref_slice %arg5[%dma_wait3A_1524] : memref<13312xi32, #tpu.memory_space<vmem>> -> memref<512xi32, #tpu.memory_space<vmem>>
    %dma_wait3A_1526 = tpu.memref_slice %arg2[%add3A_1520] : memref<425984xi32, #tpu.memory_space<hbm>> -> memref<512xi32, #tpu.memory_space<hbm>>
    tpu.wait_dma2 semaphore(%arg10 : memref<!tpu.dma_semaphore, #tpu.memory_space<semaphore_mem>>) src(%dma_wait3A_1526 : memref<512xi32, #tpu.memory_space<hbm>>) dst(%dma_wait3A_1525 : memref<512xi32, #tpu.memory_space<vmem>>)
    %add3A_1527 = arith.constant 96 : i32
    %add3A_1528 = arith.addi %add3A, %add3A_1527 : i32
    %jit3A_1529 = arith.constant 32 : i32
    %div3A_1530 = arith.divsi %add3A_1528, %jit3A_1529 : i32
    %sign3A_1531 = arith.constant 0 : i32
    %sign3A_1532 = arith.cmpi sgt, %add3A_1528, %sign3A_1531 : i32
    %sign3A_1533 = arith.extui %sign3A_1532 : i1 to i32
    %sign3A_1534 = arith.constant 0 : i32
    %sign3A_1535 = arith.cmpi slt, %add3A_1528, %sign3A_1534 : i32
    %sign3A_1536 = arith.extui %sign3A_1535 : i1 to i32
    %sign3A_1537 = arith.subi %sign3A_1533, %sign3A_1536 : i32
    %sign3A_1538 = arith.constant 0 : i32
    %sign3A_1539 = arith.cmpi sgt, %jit3A_1529, %sign3A_1538 : i32
    %sign3A_1540 = arith.extui %sign3A_1539 : i1 to i32
    %sign3A_1541 = arith.constant 0 : i32
    %sign3A_1542 = arith.cmpi slt, %jit3A_1529, %sign3A_1541 : i32
    %sign3A_1543 = arith.extui %sign3A_1542 : i1 to i32
    %sign3A_1544 = arith.subi %sign3A_1540, %sign3A_1543 : i32
    %ne3A_1545 = arith.cmpi ne, %sign3A_1537, %sign3A_1544 : i32
    %rem3A_1546 = arith.remsi %add3A_1528, %jit3A_1529 : i32
    %ne3A_1547 = arith.constant 0 : i32
    %ne3A_1548 = arith.cmpi ne, %rem3A_1546, %ne3A_1547 : i32
    %and3A_1549 = arith.andi %ne3A_1545, %ne3A_1548 : i1
    %sub3A_1550 = arith.constant 1 : i32
    %sub3A_1551 = arith.subi %div3A_1530, %sub3A_1550 : i32
    %select_n3A_1552 = arith.select %and3A_1549, %sub3A_1551, %div3A_1530 : i32
    %jit3A_1553 = arith.constant 32 : i32
    %eq3A_1554 = arith.constant 0 : i32
    %eq3A_1555 = arith.cmpi eq, %jit3A_1553, %eq3A_1554 : i32
    %jit3A_1556 = arith.constant 1 : i32
    %select_n3A_1557 = arith.select %eq3A_1555, %jit3A_1556, %jit3A_1553 : i32
    %rem3A_1558 = arith.remsi %add3A_1528, %select_n3A_1557 : i32
    %ne3A_1559 = arith.constant 0 : i32
    %ne3A_1560 = arith.cmpi ne, %rem3A_1558, %ne3A_1559 : i32
    %lt3A_1561 = arith.constant 0 : i32
    %lt3A_1562 = arith.cmpi slt, %rem3A_1558, %lt3A_1561 : i32
    %lt3A_1563 = arith.constant 0 : i32
    %lt3A_1564 = arith.cmpi slt, %select_n3A_1557, %lt3A_1563 : i32
    %ne3A_1565 = arith.xori %lt3A_1562, %lt3A_1564 : i1
    %and3A_1566 = arith.andi %ne3A_1565, %ne3A_1560 : i1
    %add3A_1567 = arith.addi %rem3A_1558, %select_n3A_1557 : i32
    %select_n3A_1568 = arith.select %and3A_1566, %add3A_1567, %rem3A_1558 : i32
    %mul3A_1569 = arith.constant 16384 : i32
    %mul3A_1570 = arith.muli %select_n3A_1552, %mul3A_1569 : i32
    %mul3A_1571 = arith.constant 512 : i32
    %mul3A_1572 = arith.muli %select_n3A_1568, %mul3A_1571 : i32
    %add3A_1573 = arith.addi %mul3A_1570, %mul3A_1572 : i32
    %dma_wait3A_1574 = arith.constant 1536 : i32
    %dma_wait3A_1575 = tpu.memref_slice %arg5[%dma_wait3A_1574] : memref<13312xi32, #tpu.memory_space<vmem>> -> memref<512xi32, #tpu.memory_space<vmem>>
    %dma_wait3A_1576 = tpu.memref_slice %arg2[%add3A_1573] : memref<425984xi32, #tpu.memory_space<hbm>> -> memref<512xi32, #tpu.memory_space<hbm>>
    %dma_wait3A_1577 = arith.constant 1536 : i32
    %dma_wait3A_1578 = tpu.memref_slice %arg5[%dma_wait3A_1577] : memref<13312xi32, #tpu.memory_space<vmem>> -> memref<512xi32, #tpu.memory_space<vmem>>
    %dma_wait3A_1579 = tpu.memref_slice %arg2[%add3A_1573] : memref<425984xi32, #tpu.memory_space<hbm>> -> memref<512xi32, #tpu.memory_space<hbm>>
    tpu.wait_dma2 semaphore(%arg10 : memref<!tpu.dma_semaphore, #tpu.memory_space<semaphore_mem>>) src(%dma_wait3A_1579 : memref<512xi32, #tpu.memory_space<hbm>>) dst(%dma_wait3A_1578 : memref<512xi32, #tpu.memory_space<vmem>>)
    %add3A_1580 = arith.constant 128 : i32
    %add3A_1581 = arith.addi %add3A, %add3A_1580 : i32
    %jit3A_1582 = arith.constant 32 : i32
    %div3A_1583 = arith.divsi %add3A_1581, %jit3A_1582 : i32
    %sign3A_1584 = arith.constant 0 : i32
    %sign3A_1585 = arith.cmpi sgt, %add3A_1581, %sign3A_1584 : i32
    %sign3A_1586 = arith.extui %sign3A_1585 : i1 to i32
    %sign3A_1587 = arith.constant 0 : i32
    %sign3A_1588 = arith.cmpi slt, %add3A_1581, %sign3A_1587 : i32
    %sign3A_1589 = arith.extui %sign3A_1588 : i1 to i32
    %sign3A_1590 = arith.subi %sign3A_1586, %sign3A_1589 : i32
    %sign3A_1591 = arith.constant 0 : i32
    %sign3A_1592 = arith.cmpi sgt, %jit3A_1582, %sign3A_1591 : i32
    %sign3A_1593 = arith.extui %sign3A_1592 : i1 to i32
    %sign3A_1594 = arith.constant 0 : i32
    %sign3A_1595 = arith.cmpi slt, %jit3A_1582, %sign3A_1594 : i32
    %sign3A_1596 = arith.extui %sign3A_1595 : i1 to i32
    %sign3A_1597 = arith.subi %sign3A_1593, %sign3A_1596 : i32
    %ne3A_1598 = arith.cmpi ne, %sign3A_1590, %sign3A_1597 : i32
    %rem3A_1599 = arith.remsi %add3A_1581, %jit3A_1582 : i32
    %ne3A_1600 = arith.constant 0 : i32
    %ne3A_1601 = arith.cmpi ne, %rem3A_1599, %ne3A_1600 : i32
    %and3A_1602 = arith.andi %ne3A_1598, %ne3A_1601 : i1
    %sub3A_1603 = arith.constant 1 : i32
    %sub3A_1604 = arith.subi %div3A_1583, %sub3A_1603 : i32
    %select_n3A_1605 = arith.select %and3A_1602, %sub3A_1604, %div3A_1583 : i32
    %jit3A_1606 = arith.constant 32 : i32
    %eq3A_1607 = arith.constant 0 : i32
    %eq3A_1608 = arith.cmpi eq, %jit3A_1606, %eq3A_1607 : i32
    %jit3A_1609 = arith.constant 1 : i32
    %select_n3A_1610 = arith.select %eq3A_1608, %jit3A_1609, %jit3A_1606 : i32
    %rem3A_1611 = arith.remsi %add3A_1581, %select_n3A_1610 : i32
    %ne3A_1612 = arith.constant 0 : i32
    %ne3A_1613 = arith.cmpi ne, %rem3A_1611, %ne3A_1612 : i32
    %lt3A_1614 = arith.constant 0 : i32
    %lt3A_1615 = arith.cmpi slt, %rem3A_1611, %lt3A_1614 : i32
    %lt3A_1616 = arith.constant 0 : i32
    %lt3A_1617 = arith.cmpi slt, %select_n3A_1610, %lt3A_1616 : i32
    %ne3A_1618 = arith.xori %lt3A_1615, %lt3A_1617 : i1
    %and3A_1619 = arith.andi %ne3A_1618, %ne3A_1613 : i1
    %add3A_1620 = arith.addi %rem3A_1611, %select_n3A_1610 : i32
    %select_n3A_1621 = arith.select %and3A_1619, %add3A_1620, %rem3A_1611 : i32
    %mul3A_1622 = arith.constant 16384 : i32
    %mul3A_1623 = arith.muli %select_n3A_1605, %mul3A_1622 : i32
    %mul3A_1624 = arith.constant 512 : i32
    %mul3A_1625 = arith.muli %select_n3A_1621, %mul3A_1624 : i32
    %add3A_1626 = arith.addi %mul3A_1623, %mul3A_1625 : i32
    %dma_wait3A_1627 = arith.constant 2048 : i32
    %dma_wait3A_1628 = tpu.memref_slice %arg5[%dma_wait3A_1627] : memref<13312xi32, #tpu.memory_space<vmem>> -> memref<512xi32, #tpu.memory_space<vmem>>
    %dma_wait3A_1629 = tpu.memref_slice %arg2[%add3A_1626] : memref<425984xi32, #tpu.memory_space<hbm>> -> memref<512xi32, #tpu.memory_space<hbm>>
    %dma_wait3A_1630 = arith.constant 2048 : i32
    %dma_wait3A_1631 = tpu.memref_slice %arg5[%dma_wait3A_1630] : memref<13312xi32, #tpu.memory_space<vmem>> -> memref<512xi32, #tpu.memory_space<vmem>>
    %dma_wait3A_1632 = tpu.memref_slice %arg2[%add3A_1626] : memref<425984xi32, #tpu.memory_space<hbm>> -> memref<512xi32, #tpu.memory_space<hbm>>
    tpu.wait_dma2 semaphore(%arg10 : memref<!tpu.dma_semaphore, #tpu.memory_space<semaphore_mem>>) src(%dma_wait3A_1632 : memref<512xi32, #tpu.memory_space<hbm>>) dst(%dma_wait3A_1631 : memref<512xi32, #tpu.memory_space<vmem>>)
    %add3A_1633 = arith.constant 160 : i32
    %add3A_1634 = arith.addi %add3A, %add3A_1633 : i32
    %jit3A_1635 = arith.constant 32 : i32
    %div3A_1636 = arith.divsi %add3A_1634, %jit3A_1635 : i32
    %sign3A_1637 = arith.constant 0 : i32
    %sign3A_1638 = arith.cmpi sgt, %add3A_1634, %sign3A_1637 : i32
    %sign3A_1639 = arith.extui %sign3A_1638 : i1 to i32
    %sign3A_1640 = arith.constant 0 : i32
    %sign3A_1641 = arith.cmpi slt, %add3A_1634, %sign3A_1640 : i32
    %sign3A_1642 = arith.extui %sign3A_1641 : i1 to i32
    %sign3A_1643 = arith.subi %sign3A_1639, %sign3A_1642 : i32
    %sign3A_1644 = arith.constant 0 : i32
    %sign3A_1645 = arith.cmpi sgt, %jit3A_1635, %sign3A_1644 : i32
    %sign3A_1646 = arith.extui %sign3A_1645 : i1 to i32
    %sign3A_1647 = arith.constant 0 : i32
    %sign3A_1648 = arith.cmpi slt, %jit3A_1635, %sign3A_1647 : i32
    %sign3A_1649 = arith.extui %sign3A_1648 : i1 to i32
    %sign3A_1650 = arith.subi %sign3A_1646, %sign3A_1649 : i32
    %ne3A_1651 = arith.cmpi ne, %sign3A_1643, %sign3A_1650 : i32
    %rem3A_1652 = arith.remsi %add3A_1634, %jit3A_1635 : i32
    %ne3A_1653 = arith.constant 0 : i32
    %ne3A_1654 = arith.cmpi ne, %rem3A_1652, %ne3A_1653 : i32
    %and3A_1655 = arith.andi %ne3A_1651, %ne3A_1654 : i1
    %sub3A_1656 = arith.constant 1 : i32
    %sub3A_1657 = arith.subi %div3A_1636, %sub3A_1656 : i32
    %select_n3A_1658 = arith.select %and3A_1655, %sub3A_1657, %div3A_1636 : i32
    %jit3A_1659 = arith.constant 32 : i32
    %eq3A_1660 = arith.constant 0 : i32
    %eq3A_1661 = arith.cmpi eq, %jit3A_1659, %eq3A_1660 : i32
    %jit3A_1662 = arith.constant 1 : i32
    %select_n3A_1663 = arith.select %eq3A_1661, %jit3A_1662, %jit3A_1659 : i32
    %rem3A_1664 = arith.remsi %add3A_1634, %select_n3A_1663 : i32
    %ne3A_1665 = arith.constant 0 : i32
    %ne3A_1666 = arith.cmpi ne, %rem3A_1664, %ne3A_1665 : i32
    %lt3A_1667 = arith.constant 0 : i32
    %lt3A_1668 = arith.cmpi slt, %rem3A_1664, %lt3A_1667 : i32
    %lt3A_1669 = arith.constant 0 : i32
    %lt3A_1670 = arith.cmpi slt, %select_n3A_1663, %lt3A_1669 : i32
    %ne3A_1671 = arith.xori %lt3A_1668, %lt3A_1670 : i1
    %and3A_1672 = arith.andi %ne3A_1671, %ne3A_1666 : i1
    %add3A_1673 = arith.addi %rem3A_1664, %select_n3A_1663 : i32
    %select_n3A_1674 = arith.select %and3A_1672, %add3A_1673, %rem3A_1664 : i32
    %mul3A_1675 = arith.constant 16384 : i32
    %mul3A_1676 = arith.muli %select_n3A_1658, %mul3A_1675 : i32
    %mul3A_1677 = arith.constant 512 : i32
    %mul3A_1678 = arith.muli %select_n3A_1674, %mul3A_1677 : i32
    %add3A_1679 = arith.addi %mul3A_1676, %mul3A_1678 : i32
    %dma_wait3A_1680 = arith.constant 2560 : i32
    %dma_wait3A_1681 = tpu.memref_slice %arg5[%dma_wait3A_1680] : memref<13312xi32, #tpu.memory_space<vmem>> -> memref<512xi32, #tpu.memory_space<vmem>>
    %dma_wait3A_1682 = tpu.memref_slice %arg2[%add3A_1679] : memref<425984xi32, #tpu.memory_space<hbm>> -> memref<512xi32, #tpu.memory_space<hbm>>
    %dma_wait3A_1683 = arith.constant 2560 : i32
    %dma_wait3A_1684 = tpu.memref_slice %arg5[%dma_wait3A_1683] : memref<13312xi32, #tpu.memory_space<vmem>> -> memref<512xi32, #tpu.memory_space<vmem>>
    %dma_wait3A_1685 = tpu.memref_slice %arg2[%add3A_1679] : memref<425984xi32, #tpu.memory_space<hbm>> -> memref<512xi32, #tpu.memory_space<hbm>>
    tpu.wait_dma2 semaphore(%arg10 : memref<!tpu.dma_semaphore, #tpu.memory_space<semaphore_mem>>) src(%dma_wait3A_1685 : memref<512xi32, #tpu.memory_space<hbm>>) dst(%dma_wait3A_1684 : memref<512xi32, #tpu.memory_space<vmem>>)
    %add3A_1686 = arith.constant 192 : i32
    %add3A_1687 = arith.addi %add3A, %add3A_1686 : i32
    %jit3A_1688 = arith.constant 32 : i32
    %div3A_1689 = arith.divsi %add3A_1687, %jit3A_1688 : i32
    %sign3A_1690 = arith.constant 0 : i32
    %sign3A_1691 = arith.cmpi sgt, %add3A_1687, %sign3A_1690 : i32
    %sign3A_1692 = arith.extui %sign3A_1691 : i1 to i32
    %sign3A_1693 = arith.constant 0 : i32
    %sign3A_1694 = arith.cmpi slt, %add3A_1687, %sign3A_1693 : i32
    %sign3A_1695 = arith.extui %sign3A_1694 : i1 to i32
    %sign3A_1696 = arith.subi %sign3A_1692, %sign3A_1695 : i32
    %sign3A_1697 = arith.constant 0 : i32
    %sign3A_1698 = arith.cmpi sgt, %jit3A_1688, %sign3A_1697 : i32
    %sign3A_1699 = arith.extui %sign3A_1698 : i1 to i32
    %sign3A_1700 = arith.constant 0 : i32
    %sign3A_1701 = arith.cmpi slt, %jit3A_1688, %sign3A_1700 : i32
    %sign3A_1702 = arith.extui %sign3A_1701 : i1 to i32
    %sign3A_1703 = arith.subi %sign3A_1699, %sign3A_1702 : i32
    %ne3A_1704 = arith.cmpi ne, %sign3A_1696, %sign3A_1703 : i32
    %rem3A_1705 = arith.remsi %add3A_1687, %jit3A_1688 : i32
    %ne3A_1706 = arith.constant 0 : i32
    %ne3A_1707 = arith.cmpi ne, %rem3A_1705, %ne3A_1706 : i32
    %and3A_1708 = arith.andi %ne3A_1704, %ne3A_1707 : i1
    %sub3A_1709 = arith.constant 1 : i32
    %sub3A_1710 = arith.subi %div3A_1689, %sub3A_1709 : i32
    %select_n3A_1711 = arith.select %and3A_1708, %sub3A_1710, %div3A_1689 : i32
    %jit3A_1712 = arith.constant 32 : i32
    %eq3A_1713 = arith.constant 0 : i32
    %eq3A_1714 = arith.cmpi eq, %jit3A_1712, %eq3A_1713 : i32
    %jit3A_1715 = arith.constant 1 : i32
    %select_n3A_1716 = arith.select %eq3A_1714, %jit3A_1715, %jit3A_1712 : i32
    %rem3A_1717 = arith.remsi %add3A_1687, %select_n3A_1716 : i32
    %ne3A_1718 = arith.constant 0 : i32
    %ne3A_1719 = arith.cmpi ne, %rem3A_1717, %ne3A_1718 : i32
    %lt3A_1720 = arith.constant 0 : i32
    %lt3A_1721 = arith.cmpi slt, %rem3A_1717, %lt3A_1720 : i32
    %lt3A_1722 = arith.constant 0 : i32
    %lt3A_1723 = arith.cmpi slt, %select_n3A_1716, %lt3A_1722 : i32
    %ne3A_1724 = arith.xori %lt3A_1721, %lt3A_1723 : i1
    %and3A_1725 = arith.andi %ne3A_1724, %ne3A_1719 : i1
    %add3A_1726 = arith.addi %rem3A_1717, %select_n3A_1716 : i32
    %select_n3A_1727 = arith.select %and3A_1725, %add3A_1726, %rem3A_1717 : i32
    %mul3A_1728 = arith.constant 16384 : i32
    %mul3A_1729 = arith.muli %select_n3A_1711, %mul3A_1728 : i32
    %mul3A_1730 = arith.constant 512 : i32
    %mul3A_1731 = arith.muli %select_n3A_1727, %mul3A_1730 : i32
    %add3A_1732 = arith.addi %mul3A_1729, %mul3A_1731 : i32
    %dma_wait3A_1733 = arith.constant 3072 : i32
    %dma_wait3A_1734 = tpu.memref_slice %arg5[%dma_wait3A_1733] : memref<13312xi32, #tpu.memory_space<vmem>> -> memref<512xi32, #tpu.memory_space<vmem>>
    %dma_wait3A_1735 = tpu.memref_slice %arg2[%add3A_1732] : memref<425984xi32, #tpu.memory_space<hbm>> -> memref<512xi32, #tpu.memory_space<hbm>>
    %dma_wait3A_1736 = arith.constant 3072 : i32
    %dma_wait3A_1737 = tpu.memref_slice %arg5[%dma_wait3A_1736] : memref<13312xi32, #tpu.memory_space<vmem>> -> memref<512xi32, #tpu.memory_space<vmem>>
    %dma_wait3A_1738 = tpu.memref_slice %arg2[%add3A_1732] : memref<425984xi32, #tpu.memory_space<hbm>> -> memref<512xi32, #tpu.memory_space<hbm>>
    tpu.wait_dma2 semaphore(%arg10 : memref<!tpu.dma_semaphore, #tpu.memory_space<semaphore_mem>>) src(%dma_wait3A_1738 : memref<512xi32, #tpu.memory_space<hbm>>) dst(%dma_wait3A_1737 : memref<512xi32, #tpu.memory_space<vmem>>)
    %add3A_1739 = arith.constant 224 : i32
    %add3A_1740 = arith.addi %add3A, %add3A_1739 : i32
    %jit3A_1741 = arith.constant 32 : i32
    %div3A_1742 = arith.divsi %add3A_1740, %jit3A_1741 : i32
    %sign3A_1743 = arith.constant 0 : i32
    %sign3A_1744 = arith.cmpi sgt, %add3A_1740, %sign3A_1743 : i32
    %sign3A_1745 = arith.extui %sign3A_1744 : i1 to i32
    %sign3A_1746 = arith.constant 0 : i32
    %sign3A_1747 = arith.cmpi slt, %add3A_1740, %sign3A_1746 : i32
    %sign3A_1748 = arith.extui %sign3A_1747 : i1 to i32
    %sign3A_1749 = arith.subi %sign3A_1745, %sign3A_1748 : i32
    %sign3A_1750 = arith.constant 0 : i32
    %sign3A_1751 = arith.cmpi sgt, %jit3A_1741, %sign3A_1750 : i32
    %sign3A_1752 = arith.extui %sign3A_1751 : i1 to i32
    %sign3A_1753 = arith.constant 0 : i32
    %sign3A_1754 = arith.cmpi slt, %jit3A_1741, %sign3A_1753 : i32
    %sign3A_1755 = arith.extui %sign3A_1754 : i1 to i32
    %sign3A_1756 = arith.subi %sign3A_1752, %sign3A_1755 : i32
    %ne3A_1757 = arith.cmpi ne, %sign3A_1749, %sign3A_1756 : i32
    %rem3A_1758 = arith.remsi %add3A_1740, %jit3A_1741 : i32
    %ne3A_1759 = arith.constant 0 : i32
    %ne3A_1760 = arith.cmpi ne, %rem3A_1758, %ne3A_1759 : i32
    %and3A_1761 = arith.andi %ne3A_1757, %ne3A_1760 : i1
    %sub3A_1762 = arith.constant 1 : i32
    %sub3A_1763 = arith.subi %div3A_1742, %sub3A_1762 : i32
    %select_n3A_1764 = arith.select %and3A_1761, %sub3A_1763, %div3A_1742 : i32
    %jit3A_1765 = arith.constant 32 : i32
    %eq3A_1766 = arith.constant 0 : i32
    %eq3A_1767 = arith.cmpi eq, %jit3A_1765, %eq3A_1766 : i32
    %jit3A_1768 = arith.constant 1 : i32
    %select_n3A_1769 = arith.select %eq3A_1767, %jit3A_1768, %jit3A_1765 : i32
    %rem3A_1770 = arith.remsi %add3A_1740, %select_n3A_1769 : i32
    %ne3A_1771 = arith.constant 0 : i32
    %ne3A_1772 = arith.cmpi ne, %rem3A_1770, %ne3A_1771 : i32
    %lt3A_1773 = arith.constant 0 : i32
    %lt3A_1774 = arith.cmpi slt, %rem3A_1770, %lt3A_1773 : i32
    %lt3A_1775 = arith.constant 0 : i32
    %lt3A_1776 = arith.cmpi slt, %select_n3A_1769, %lt3A_1775 : i32
    %ne3A_1777 = arith.xori %lt3A_1774, %lt3A_1776 : i1
    %and3A_1778 = arith.andi %ne3A_1777, %ne3A_1772 : i1
    %add3A_1779 = arith.addi %rem3A_1770, %select_n3A_1769 : i32
    %select_n3A_1780 = arith.select %and3A_1778, %add3A_1779, %rem3A_1770 : i32
    %mul3A_1781 = arith.constant 16384 : i32
    %mul3A_1782 = arith.muli %select_n3A_1764, %mul3A_1781 : i32
    %mul3A_1783 = arith.constant 512 : i32
    %mul3A_1784 = arith.muli %select_n3A_1780, %mul3A_1783 : i32
    %add3A_1785 = arith.addi %mul3A_1782, %mul3A_1784 : i32
    %dma_wait3A_1786 = arith.constant 3584 : i32
    %dma_wait3A_1787 = tpu.memref_slice %arg5[%dma_wait3A_1786] : memref<13312xi32, #tpu.memory_space<vmem>> -> memref<512xi32, #tpu.memory_space<vmem>>
    %dma_wait3A_1788 = tpu.memref_slice %arg2[%add3A_1785] : memref<425984xi32, #tpu.memory_space<hbm>> -> memref<512xi32, #tpu.memory_space<hbm>>
    %dma_wait3A_1789 = arith.constant 3584 : i32
    %dma_wait3A_1790 = tpu.memref_slice %arg5[%dma_wait3A_1789] : memref<13312xi32, #tpu.memory_space<vmem>> -> memref<512xi32, #tpu.memory_space<vmem>>
    %dma_wait3A_1791 = tpu.memref_slice %arg2[%add3A_1785] : memref<425984xi32, #tpu.memory_space<hbm>> -> memref<512xi32, #tpu.memory_space<hbm>>
    tpu.wait_dma2 semaphore(%arg10 : memref<!tpu.dma_semaphore, #tpu.memory_space<semaphore_mem>>) src(%dma_wait3A_1791 : memref<512xi32, #tpu.memory_space<hbm>>) dst(%dma_wait3A_1790 : memref<512xi32, #tpu.memory_space<vmem>>)
    %add3A_1792 = arith.constant 256 : i32
    %add3A_1793 = arith.addi %add3A, %add3A_1792 : i32
    %jit3A_1794 = arith.constant 32 : i32
    %div3A_1795 = arith.divsi %add3A_1793, %jit3A_1794 : i32
    %sign3A_1796 = arith.constant 0 : i32
    %sign3A_1797 = arith.cmpi sgt, %add3A_1793, %sign3A_1796 : i32
    %sign3A_1798 = arith.extui %sign3A_1797 : i1 to i32
    %sign3A_1799 = arith.constant 0 : i32
    %sign3A_1800 = arith.cmpi slt, %add3A_1793, %sign3A_1799 : i32
    %sign3A_1801 = arith.extui %sign3A_1800 : i1 to i32
    %sign3A_1802 = arith.subi %sign3A_1798, %sign3A_1801 : i32
    %sign3A_1803 = arith.constant 0 : i32
    %sign3A_1804 = arith.cmpi sgt, %jit3A_1794, %sign3A_1803 : i32
    %sign3A_1805 = arith.extui %sign3A_1804 : i1 to i32
    %sign3A_1806 = arith.constant 0 : i32
    %sign3A_1807 = arith.cmpi slt, %jit3A_1794, %sign3A_1806 : i32
    %sign3A_1808 = arith.extui %sign3A_1807 : i1 to i32
    %sign3A_1809 = arith.subi %sign3A_1805, %sign3A_1808 : i32
    %ne3A_1810 = arith.cmpi ne, %sign3A_1802, %sign3A_1809 : i32
    %rem3A_1811 = arith.remsi %add3A_1793, %jit3A_1794 : i32
    %ne3A_1812 = arith.constant 0 : i32
    %ne3A_1813 = arith.cmpi ne, %rem3A_1811, %ne3A_1812 : i32
    %and3A_1814 = arith.andi %ne3A_1810, %ne3A_1813 : i1
    %sub3A_1815 = arith.constant 1 : i32
    %sub3A_1816 = arith.subi %div3A_1795, %sub3A_1815 : i32
    %select_n3A_1817 = arith.select %and3A_1814, %sub3A_1816, %div3A_1795 : i32
    %jit3A_1818 = arith.constant 32 : i32
    %eq3A_1819 = arith.constant 0 : i32
    %eq3A_1820 = arith.cmpi eq, %jit3A_1818, %eq3A_1819 : i32
    %jit3A_1821 = arith.constant 1 : i32
    %select_n3A_1822 = arith.select %eq3A_1820, %jit3A_1821, %jit3A_1818 : i32
    %rem3A_1823 = arith.remsi %add3A_1793, %select_n3A_1822 : i32
    %ne3A_1824 = arith.constant 0 : i32
    %ne3A_1825 = arith.cmpi ne, %rem3A_1823, %ne3A_1824 : i32
    %lt3A_1826 = arith.constant 0 : i32
    %lt3A_1827 = arith.cmpi slt, %rem3A_1823, %lt3A_1826 : i32
    %lt3A_1828 = arith.constant 0 : i32
    %lt3A_1829 = arith.cmpi slt, %select_n3A_1822, %lt3A_1828 : i32
    %ne3A_1830 = arith.xori %lt3A_1827, %lt3A_1829 : i1
    %and3A_1831 = arith.andi %ne3A_1830, %ne3A_1825 : i1
    %add3A_1832 = arith.addi %rem3A_1823, %select_n3A_1822 : i32
    %select_n3A_1833 = arith.select %and3A_1831, %add3A_1832, %rem3A_1823 : i32
    %mul3A_1834 = arith.constant 16384 : i32
    %mul3A_1835 = arith.muli %select_n3A_1817, %mul3A_1834 : i32
    %mul3A_1836 = arith.constant 512 : i32
    %mul3A_1837 = arith.muli %select_n3A_1833, %mul3A_1836 : i32
    %add3A_1838 = arith.addi %mul3A_1835, %mul3A_1837 : i32
    %dma_wait3A_1839 = arith.constant 4096 : i32
    %dma_wait3A_1840 = tpu.memref_slice %arg5[%dma_wait3A_1839] : memref<13312xi32, #tpu.memory_space<vmem>> -> memref<512xi32, #tpu.memory_space<vmem>>
    %dma_wait3A_1841 = tpu.memref_slice %arg2[%add3A_1838] : memref<425984xi32, #tpu.memory_space<hbm>> -> memref<512xi32, #tpu.memory_space<hbm>>
    %dma_wait3A_1842 = arith.constant 4096 : i32
    %dma_wait3A_1843 = tpu.memref_slice %arg5[%dma_wait3A_1842] : memref<13312xi32, #tpu.memory_space<vmem>> -> memref<512xi32, #tpu.memory_space<vmem>>
    %dma_wait3A_1844 = tpu.memref_slice %arg2[%add3A_1838] : memref<425984xi32, #tpu.memory_space<hbm>> -> memref<512xi32, #tpu.memory_space<hbm>>
    tpu.wait_dma2 semaphore(%arg10 : memref<!tpu.dma_semaphore, #tpu.memory_space<semaphore_mem>>) src(%dma_wait3A_1844 : memref<512xi32, #tpu.memory_space<hbm>>) dst(%dma_wait3A_1843 : memref<512xi32, #tpu.memory_space<vmem>>)
    %add3A_1845 = arith.constant 288 : i32
    %add3A_1846 = arith.addi %add3A, %add3A_1845 : i32
    %jit3A_1847 = arith.constant 32 : i32
    %div3A_1848 = arith.divsi %add3A_1846, %jit3A_1847 : i32
    %sign3A_1849 = arith.constant 0 : i32
    %sign3A_1850 = arith.cmpi sgt, %add3A_1846, %sign3A_1849 : i32
    %sign3A_1851 = arith.extui %sign3A_1850 : i1 to i32
    %sign3A_1852 = arith.constant 0 : i32
    %sign3A_1853 = arith.cmpi slt, %add3A_1846, %sign3A_1852 : i32
    %sign3A_1854 = arith.extui %sign3A_1853 : i1 to i32
    %sign3A_1855 = arith.subi %sign3A_1851, %sign3A_1854 : i32
    %sign3A_1856 = arith.constant 0 : i32
    %sign3A_1857 = arith.cmpi sgt, %jit3A_1847, %sign3A_1856 : i32
    %sign3A_1858 = arith.extui %sign3A_1857 : i1 to i32
    %sign3A_1859 = arith.constant 0 : i32
    %sign3A_1860 = arith.cmpi slt, %jit3A_1847, %sign3A_1859 : i32
    %sign3A_1861 = arith.extui %sign3A_1860 : i1 to i32
    %sign3A_1862 = arith.subi %sign3A_1858, %sign3A_1861 : i32
    %ne3A_1863 = arith.cmpi ne, %sign3A_1855, %sign3A_1862 : i32
    %rem3A_1864 = arith.remsi %add3A_1846, %jit3A_1847 : i32
    %ne3A_1865 = arith.constant 0 : i32
    %ne3A_1866 = arith.cmpi ne, %rem3A_1864, %ne3A_1865 : i32
    %and3A_1867 = arith.andi %ne3A_1863, %ne3A_1866 : i1
    %sub3A_1868 = arith.constant 1 : i32
    %sub3A_1869 = arith.subi %div3A_1848, %sub3A_1868 : i32
    %select_n3A_1870 = arith.select %and3A_1867, %sub3A_1869, %div3A_1848 : i32
    %jit3A_1871 = arith.constant 32 : i32
    %eq3A_1872 = arith.constant 0 : i32
    %eq3A_1873 = arith.cmpi eq, %jit3A_1871, %eq3A_1872 : i32
    %jit3A_1874 = arith.constant 1 : i32
    %select_n3A_1875 = arith.select %eq3A_1873, %jit3A_1874, %jit3A_1871 : i32
    %rem3A_1876 = arith.remsi %add3A_1846, %select_n3A_1875 : i32
    %ne3A_1877 = arith.constant 0 : i32
    %ne3A_1878 = arith.cmpi ne, %rem3A_1876, %ne3A_1877 : i32
    %lt3A_1879 = arith.constant 0 : i32
    %lt3A_1880 = arith.cmpi slt, %rem3A_1876, %lt3A_1879 : i32
    %lt3A_1881 = arith.constant 0 : i32
    %lt3A_1882 = arith.cmpi slt, %select_n3A_1875, %lt3A_1881 : i32
    %ne3A_1883 = arith.xori %lt3A_1880, %lt3A_1882 : i1
    %and3A_1884 = arith.andi %ne3A_1883, %ne3A_1878 : i1
    %add3A_1885 = arith.addi %rem3A_1876, %select_n3A_1875 : i32
    %select_n3A_1886 = arith.select %and3A_1884, %add3A_1885, %rem3A_1876 : i32
    %mul3A_1887 = arith.constant 16384 : i32
    %mul3A_1888 = arith.muli %select_n3A_1870, %mul3A_1887 : i32
    %mul3A_1889 = arith.constant 512 : i32
    %mul3A_1890 = arith.muli %select_n3A_1886, %mul3A_1889 : i32
    %add3A_1891 = arith.addi %mul3A_1888, %mul3A_1890 : i32
    %dma_wait3A_1892 = arith.constant 4608 : i32
    %dma_wait3A_1893 = tpu.memref_slice %arg5[%dma_wait3A_1892] : memref<13312xi32, #tpu.memory_space<vmem>> -> memref<512xi32, #tpu.memory_space<vmem>>
    %dma_wait3A_1894 = tpu.memref_slice %arg2[%add3A_1891] : memref<425984xi32, #tpu.memory_space<hbm>> -> memref<512xi32, #tpu.memory_space<hbm>>
    %dma_wait3A_1895 = arith.constant 4608 : i32
    %dma_wait3A_1896 = tpu.memref_slice %arg5[%dma_wait3A_1895] : memref<13312xi32, #tpu.memory_space<vmem>> -> memref<512xi32, #tpu.memory_space<vmem>>
    %dma_wait3A_1897 = tpu.memref_slice %arg2[%add3A_1891] : memref<425984xi32, #tpu.memory_space<hbm>> -> memref<512xi32, #tpu.memory_space<hbm>>
    tpu.wait_dma2 semaphore(%arg10 : memref<!tpu.dma_semaphore, #tpu.memory_space<semaphore_mem>>) src(%dma_wait3A_1897 : memref<512xi32, #tpu.memory_space<hbm>>) dst(%dma_wait3A_1896 : memref<512xi32, #tpu.memory_space<vmem>>)
    %add3A_1898 = arith.constant 320 : i32
    %add3A_1899 = arith.addi %add3A, %add3A_1898 : i32
    %jit3A_1900 = arith.constant 32 : i32
    %div3A_1901 = arith.divsi %add3A_1899, %jit3A_1900 : i32
    %sign3A_1902 = arith.constant 0 : i32
    %sign3A_1903 = arith.cmpi sgt, %add3A_1899, %sign3A_1902 : i32
    %sign3A_1904 = arith.extui %sign3A_1903 : i1 to i32
    %sign3A_1905 = arith.constant 0 : i32
    %sign3A_1906 = arith.cmpi slt, %add3A_1899, %sign3A_1905 : i32
    %sign3A_1907 = arith.extui %sign3A_1906 : i1 to i32
    %sign3A_1908 = arith.subi %sign3A_1904, %sign3A_1907 : i32
    %sign3A_1909 = arith.constant 0 : i32
    %sign3A_1910 = arith.cmpi sgt, %jit3A_1900, %sign3A_1909 : i32
    %sign3A_1911 = arith.extui %sign3A_1910 : i1 to i32
    %sign3A_1912 = arith.constant 0 : i32
    %sign3A_1913 = arith.cmpi slt, %jit3A_1900, %sign3A_1912 : i32
    %sign3A_1914 = arith.extui %sign3A_1913 : i1 to i32
    %sign3A_1915 = arith.subi %sign3A_1911, %sign3A_1914 : i32
    %ne3A_1916 = arith.cmpi ne, %sign3A_1908, %sign3A_1915 : i32
    %rem3A_1917 = arith.remsi %add3A_1899, %jit3A_1900 : i32
    %ne3A_1918 = arith.constant 0 : i32
    %ne3A_1919 = arith.cmpi ne, %rem3A_1917, %ne3A_1918 : i32
    %and3A_1920 = arith.andi %ne3A_1916, %ne3A_1919 : i1
    %sub3A_1921 = arith.constant 1 : i32
    %sub3A_1922 = arith.subi %div3A_1901, %sub3A_1921 : i32
    %select_n3A_1923 = arith.select %and3A_1920, %sub3A_1922, %div3A_1901 : i32
    %jit3A_1924 = arith.constant 32 : i32
    %eq3A_1925 = arith.constant 0 : i32
    %eq3A_1926 = arith.cmpi eq, %jit3A_1924, %eq3A_1925 : i32
    %jit3A_1927 = arith.constant 1 : i32
    %select_n3A_1928 = arith.select %eq3A_1926, %jit3A_1927, %jit3A_1924 : i32
    %rem3A_1929 = arith.remsi %add3A_1899, %select_n3A_1928 : i32
    %ne3A_1930 = arith.constant 0 : i32
    %ne3A_1931 = arith.cmpi ne, %rem3A_1929, %ne3A_1930 : i32
    %lt3A_1932 = arith.constant 0 : i32
    %lt3A_1933 = arith.cmpi slt, %rem3A_1929, %lt3A_1932 : i32
    %lt3A_1934 = arith.constant 0 : i32
    %lt3A_1935 = arith.cmpi slt, %select_n3A_1928, %lt3A_1934 : i32
    %ne3A_1936 = arith.xori %lt3A_1933, %lt3A_1935 : i1
    %and3A_1937 = arith.andi %ne3A_1936, %ne3A_1931 : i1
    %add3A_1938 = arith.addi %rem3A_1929, %select_n3A_1928 : i32
    %select_n3A_1939 = arith.select %and3A_1937, %add3A_1938, %rem3A_1929 : i32
    %mul3A_1940 = arith.constant 16384 : i32
    %mul3A_1941 = arith.muli %select_n3A_1923, %mul3A_1940 : i32
    %mul3A_1942 = arith.constant 512 : i32
    %mul3A_1943 = arith.muli %select_n3A_1939, %mul3A_1942 : i32
    %add3A_1944 = arith.addi %mul3A_1941, %mul3A_1943 : i32
    %dma_wait3A_1945 = arith.constant 5120 : i32
    %dma_wait3A_1946 = tpu.memref_slice %arg5[%dma_wait3A_1945] : memref<13312xi32, #tpu.memory_space<vmem>> -> memref<512xi32, #tpu.memory_space<vmem>>
    %dma_wait3A_1947 = tpu.memref_slice %arg2[%add3A_1944] : memref<425984xi32, #tpu.memory_space<hbm>> -> memref<512xi32, #tpu.memory_space<hbm>>
    %dma_wait3A_1948 = arith.constant 5120 : i32
    %dma_wait3A_1949 = tpu.memref_slice %arg5[%dma_wait3A_1948] : memref<13312xi32, #tpu.memory_space<vmem>> -> memref<512xi32, #tpu.memory_space<vmem>>
    %dma_wait3A_1950 = tpu.memref_slice %arg2[%add3A_1944] : memref<425984xi32, #tpu.memory_space<hbm>> -> memref<512xi32, #tpu.memory_space<hbm>>
    tpu.wait_dma2 semaphore(%arg10 : memref<!tpu.dma_semaphore, #tpu.memory_space<semaphore_mem>>) src(%dma_wait3A_1950 : memref<512xi32, #tpu.memory_space<hbm>>) dst(%dma_wait3A_1949 : memref<512xi32, #tpu.memory_space<vmem>>)
    %add3A_1951 = arith.constant 352 : i32
    %add3A_1952 = arith.addi %add3A, %add3A_1951 : i32
    %jit3A_1953 = arith.constant 32 : i32
    %div3A_1954 = arith.divsi %add3A_1952, %jit3A_1953 : i32
    %sign3A_1955 = arith.constant 0 : i32
    %sign3A_1956 = arith.cmpi sgt, %add3A_1952, %sign3A_1955 : i32
    %sign3A_1957 = arith.extui %sign3A_1956 : i1 to i32
    %sign3A_1958 = arith.constant 0 : i32
    %sign3A_1959 = arith.cmpi slt, %add3A_1952, %sign3A_1958 : i32
    %sign3A_1960 = arith.extui %sign3A_1959 : i1 to i32
    %sign3A_1961 = arith.subi %sign3A_1957, %sign3A_1960 : i32
    %sign3A_1962 = arith.constant 0 : i32
    %sign3A_1963 = arith.cmpi sgt, %jit3A_1953, %sign3A_1962 : i32
    %sign3A_1964 = arith.extui %sign3A_1963 : i1 to i32
    %sign3A_1965 = arith.constant 0 : i32
    %sign3A_1966 = arith.cmpi slt, %jit3A_1953, %sign3A_1965 : i32
    %sign3A_1967 = arith.extui %sign3A_1966 : i1 to i32
    %sign3A_1968 = arith.subi %sign3A_1964, %sign3A_1967 : i32
    %ne3A_1969 = arith.cmpi ne, %sign3A_1961, %sign3A_1968 : i32
    %rem3A_1970 = arith.remsi %add3A_1952, %jit3A_1953 : i32
    %ne3A_1971 = arith.constant 0 : i32
    %ne3A_1972 = arith.cmpi ne, %rem3A_1970, %ne3A_1971 : i32
    %and3A_1973 = arith.andi %ne3A_1969, %ne3A_1972 : i1
    %sub3A_1974 = arith.constant 1 : i32
    %sub3A_1975 = arith.subi %div3A_1954, %sub3A_1974 : i32
    %select_n3A_1976 = arith.select %and3A_1973, %sub3A_1975, %div3A_1954 : i32
    %jit3A_1977 = arith.constant 32 : i32
    %eq3A_1978 = arith.constant 0 : i32
    %eq3A_1979 = arith.cmpi eq, %jit3A_1977, %eq3A_1978 : i32
    %jit3A_1980 = arith.constant 1 : i32
    %select_n3A_1981 = arith.select %eq3A_1979, %jit3A_1980, %jit3A_1977 : i32
    %rem3A_1982 = arith.remsi %add3A_1952, %select_n3A_1981 : i32
    %ne3A_1983 = arith.constant 0 : i32
    %ne3A_1984 = arith.cmpi ne, %rem3A_1982, %ne3A_1983 : i32
    %lt3A_1985 = arith.constant 0 : i32
    %lt3A_1986 = arith.cmpi slt, %rem3A_1982, %lt3A_1985 : i32
    %lt3A_1987 = arith.constant 0 : i32
    %lt3A_1988 = arith.cmpi slt, %select_n3A_1981, %lt3A_1987 : i32
    %ne3A_1989 = arith.xori %lt3A_1986, %lt3A_1988 : i1
    %and3A_1990 = arith.andi %ne3A_1989, %ne3A_1984 : i1
    %add3A_1991 = arith.addi %rem3A_1982, %select_n3A_1981 : i32
    %select_n3A_1992 = arith.select %and3A_1990, %add3A_1991, %rem3A_1982 : i32
    %mul3A_1993 = arith.constant 16384 : i32
    %mul3A_1994 = arith.muli %select_n3A_1976, %mul3A_1993 : i32
    %mul3A_1995 = arith.constant 512 : i32
    %mul3A_1996 = arith.muli %select_n3A_1992, %mul3A_1995 : i32
    %add3A_1997 = arith.addi %mul3A_1994, %mul3A_1996 : i32
    %dma_wait3A_1998 = arith.constant 5632 : i32
    %dma_wait3A_1999 = tpu.memref_slice %arg5[%dma_wait3A_1998] : memref<13312xi32, #tpu.memory_space<vmem>> -> memref<512xi32, #tpu.memory_space<vmem>>
    %dma_wait3A_2000 = tpu.memref_slice %arg2[%add3A_1997] : memref<425984xi32, #tpu.memory_space<hbm>> -> memref<512xi32, #tpu.memory_space<hbm>>
    %dma_wait3A_2001 = arith.constant 5632 : i32
    %dma_wait3A_2002 = tpu.memref_slice %arg5[%dma_wait3A_2001] : memref<13312xi32, #tpu.memory_space<vmem>> -> memref<512xi32, #tpu.memory_space<vmem>>
    %dma_wait3A_2003 = tpu.memref_slice %arg2[%add3A_1997] : memref<425984xi32, #tpu.memory_space<hbm>> -> memref<512xi32, #tpu.memory_space<hbm>>
    tpu.wait_dma2 semaphore(%arg10 : memref<!tpu.dma_semaphore, #tpu.memory_space<semaphore_mem>>) src(%dma_wait3A_2003 : memref<512xi32, #tpu.memory_space<hbm>>) dst(%dma_wait3A_2002 : memref<512xi32, #tpu.memory_space<vmem>>)
    %add3A_2004 = arith.constant 384 : i32
    %add3A_2005 = arith.addi %add3A, %add3A_2004 : i32
    %jit3A_2006 = arith.constant 32 : i32
    %div3A_2007 = arith.divsi %add3A_2005, %jit3A_2006 : i32
    %sign3A_2008 = arith.constant 0 : i32
    %sign3A_2009 = arith.cmpi sgt, %add3A_2005, %sign3A_2008 : i32
    %sign3A_2010 = arith.extui %sign3A_2009 : i1 to i32
    %sign3A_2011 = arith.constant 0 : i32
    %sign3A_2012 = arith.cmpi slt, %add3A_2005, %sign3A_2011 : i32
    %sign3A_2013 = arith.extui %sign3A_2012 : i1 to i32
    %sign3A_2014 = arith.subi %sign3A_2010, %sign3A_2013 : i32
    %sign3A_2015 = arith.constant 0 : i32
    %sign3A_2016 = arith.cmpi sgt, %jit3A_2006, %sign3A_2015 : i32
    %sign3A_2017 = arith.extui %sign3A_2016 : i1 to i32
    %sign3A_2018 = arith.constant 0 : i32
    %sign3A_2019 = arith.cmpi slt, %jit3A_2006, %sign3A_2018 : i32
    %sign3A_2020 = arith.extui %sign3A_2019 : i1 to i32
    %sign3A_2021 = arith.subi %sign3A_2017, %sign3A_2020 : i32
    %ne3A_2022 = arith.cmpi ne, %sign3A_2014, %sign3A_2021 : i32
    %rem3A_2023 = arith.remsi %add3A_2005, %jit3A_2006 : i32
    %ne3A_2024 = arith.constant 0 : i32
    %ne3A_2025 = arith.cmpi ne, %rem3A_2023, %ne3A_2024 : i32
    %and3A_2026 = arith.andi %ne3A_2022, %ne3A_2025 : i1
    %sub3A_2027 = arith.constant 1 : i32
    %sub3A_2028 = arith.subi %div3A_2007, %sub3A_2027 : i32
    %select_n3A_2029 = arith.select %and3A_2026, %sub3A_2028, %div3A_2007 : i32
    %jit3A_2030 = arith.constant 32 : i32
    %eq3A_2031 = arith.constant 0 : i32
    %eq3A_2032 = arith.cmpi eq, %jit3A_2030, %eq3A_2031 : i32
    %jit3A_2033 = arith.constant 1 : i32
    %select_n3A_2034 = arith.select %eq3A_2032, %jit3A_2033, %jit3A_2030 : i32
    %rem3A_2035 = arith.remsi %add3A_2005, %select_n3A_2034 : i32
    %ne3A_2036 = arith.constant 0 : i32
    %ne3A_2037 = arith.cmpi ne, %rem3A_2035, %ne3A_2036 : i32
    %lt3A_2038 = arith.constant 0 : i32
    %lt3A_2039 = arith.cmpi slt, %rem3A_2035, %lt3A_2038 : i32
    %lt3A_2040 = arith.constant 0 : i32
    %lt3A_2041 = arith.cmpi slt, %select_n3A_2034, %lt3A_2040 : i32
    %ne3A_2042 = arith.xori %lt3A_2039, %lt3A_2041 : i1
    %and3A_2043 = arith.andi %ne3A_2042, %ne3A_2037 : i1
    %add3A_2044 = arith.addi %rem3A_2035, %select_n3A_2034 : i32
    %select_n3A_2045 = arith.select %and3A_2043, %add3A_2044, %rem3A_2035 : i32
    %mul3A_2046 = arith.constant 16384 : i32
    %mul3A_2047 = arith.muli %select_n3A_2029, %mul3A_2046 : i32
    %mul3A_2048 = arith.constant 512 : i32
    %mul3A_2049 = arith.muli %select_n3A_2045, %mul3A_2048 : i32
    %add3A_2050 = arith.addi %mul3A_2047, %mul3A_2049 : i32
    %dma_wait3A_2051 = arith.constant 6144 : i32
    %dma_wait3A_2052 = tpu.memref_slice %arg5[%dma_wait3A_2051] : memref<13312xi32, #tpu.memory_space<vmem>> -> memref<512xi32, #tpu.memory_space<vmem>>
    %dma_wait3A_2053 = tpu.memref_slice %arg2[%add3A_2050] : memref<425984xi32, #tpu.memory_space<hbm>> -> memref<512xi32, #tpu.memory_space<hbm>>
    %dma_wait3A_2054 = arith.constant 6144 : i32
    %dma_wait3A_2055 = tpu.memref_slice %arg5[%dma_wait3A_2054] : memref<13312xi32, #tpu.memory_space<vmem>> -> memref<512xi32, #tpu.memory_space<vmem>>
    %dma_wait3A_2056 = tpu.memref_slice %arg2[%add3A_2050] : memref<425984xi32, #tpu.memory_space<hbm>> -> memref<512xi32, #tpu.memory_space<hbm>>
    tpu.wait_dma2 semaphore(%arg10 : memref<!tpu.dma_semaphore, #tpu.memory_space<semaphore_mem>>) src(%dma_wait3A_2056 : memref<512xi32, #tpu.memory_space<hbm>>) dst(%dma_wait3A_2055 : memref<512xi32, #tpu.memory_space<vmem>>)
    %add3A_2057 = arith.constant 416 : i32
    %add3A_2058 = arith.addi %add3A, %add3A_2057 : i32
    %jit3A_2059 = arith.constant 32 : i32
    %div3A_2060 = arith.divsi %add3A_2058, %jit3A_2059 : i32
    %sign3A_2061 = arith.constant 0 : i32
    %sign3A_2062 = arith.cmpi sgt, %add3A_2058, %sign3A_2061 : i32
    %sign3A_2063 = arith.extui %sign3A_2062 : i1 to i32
    %sign3A_2064 = arith.constant 0 : i32
    %sign3A_2065 = arith.cmpi slt, %add3A_2058, %sign3A_2064 : i32
    %sign3A_2066 = arith.extui %sign3A_2065 : i1 to i32
    %sign3A_2067 = arith.subi %sign3A_2063, %sign3A_2066 : i32
    %sign3A_2068 = arith.constant 0 : i32
    %sign3A_2069 = arith.cmpi sgt, %jit3A_2059, %sign3A_2068 : i32
    %sign3A_2070 = arith.extui %sign3A_2069 : i1 to i32
    %sign3A_2071 = arith.constant 0 : i32
    %sign3A_2072 = arith.cmpi slt, %jit3A_2059, %sign3A_2071 : i32
    %sign3A_2073 = arith.extui %sign3A_2072 : i1 to i32
    %sign3A_2074 = arith.subi %sign3A_2070, %sign3A_2073 : i32
    %ne3A_2075 = arith.cmpi ne, %sign3A_2067, %sign3A_2074 : i32
    %rem3A_2076 = arith.remsi %add3A_2058, %jit3A_2059 : i32
    %ne3A_2077 = arith.constant 0 : i32
    %ne3A_2078 = arith.cmpi ne, %rem3A_2076, %ne3A_2077 : i32
    %and3A_2079 = arith.andi %ne3A_2075, %ne3A_2078 : i1
    %sub3A_2080 = arith.constant 1 : i32
    %sub3A_2081 = arith.subi %div3A_2060, %sub3A_2080 : i32
    %select_n3A_2082 = arith.select %and3A_2079, %sub3A_2081, %div3A_2060 : i32
    %jit3A_2083 = arith.constant 32 : i32
    %eq3A_2084 = arith.constant 0 : i32
    %eq3A_2085 = arith.cmpi eq, %jit3A_2083, %eq3A_2084 : i32
    %jit3A_2086 = arith.constant 1 : i32
    %select_n3A_2087 = arith.select %eq3A_2085, %jit3A_2086, %jit3A_2083 : i32
    %rem3A_2088 = arith.remsi %add3A_2058, %select_n3A_2087 : i32
    %ne3A_2089 = arith.constant 0 : i32
    %ne3A_2090 = arith.cmpi ne, %rem3A_2088, %ne3A_2089 : i32
    %lt3A_2091 = arith.constant 0 : i32
    %lt3A_2092 = arith.cmpi slt, %rem3A_2088, %lt3A_2091 : i32
    %lt3A_2093 = arith.constant 0 : i32
    %lt3A_2094 = arith.cmpi slt, %select_n3A_2087, %lt3A_2093 : i32
    %ne3A_2095 = arith.xori %lt3A_2092, %lt3A_2094 : i1
    %and3A_2096 = arith.andi %ne3A_2095, %ne3A_2090 : i1
    %add3A_2097 = arith.addi %rem3A_2088, %select_n3A_2087 : i32
    %select_n3A_2098 = arith.select %and3A_2096, %add3A_2097, %rem3A_2088 : i32
    %mul3A_2099 = arith.constant 16384 : i32
    %mul3A_2100 = arith.muli %select_n3A_2082, %mul3A_2099 : i32
    %mul3A_2101 = arith.constant 512 : i32
    %mul3A_2102 = arith.muli %select_n3A_2098, %mul3A_2101 : i32
    %add3A_2103 = arith.addi %mul3A_2100, %mul3A_2102 : i32
    %dma_wait3A_2104 = arith.constant 6656 : i32
    %dma_wait3A_2105 = tpu.memref_slice %arg5[%dma_wait3A_2104] : memref<13312xi32, #tpu.memory_space<vmem>> -> memref<512xi32, #tpu.memory_space<vmem>>
    %dma_wait3A_2106 = tpu.memref_slice %arg2[%add3A_2103] : memref<425984xi32, #tpu.memory_space<hbm>> -> memref<512xi32, #tpu.memory_space<hbm>>
    %dma_wait3A_2107 = arith.constant 6656 : i32
    %dma_wait3A_2108 = tpu.memref_slice %arg5[%dma_wait3A_2107] : memref<13312xi32, #tpu.memory_space<vmem>> -> memref<512xi32, #tpu.memory_space<vmem>>
    %dma_wait3A_2109 = tpu.memref_slice %arg2[%add3A_2103] : memref<425984xi32, #tpu.memory_space<hbm>> -> memref<512xi32, #tpu.memory_space<hbm>>
    tpu.wait_dma2 semaphore(%arg10 : memref<!tpu.dma_semaphore, #tpu.memory_space<semaphore_mem>>) src(%dma_wait3A_2109 : memref<512xi32, #tpu.memory_space<hbm>>) dst(%dma_wait3A_2108 : memref<512xi32, #tpu.memory_space<vmem>>)
    %add3A_2110 = arith.constant 448 : i32
    %add3A_2111 = arith.addi %add3A, %add3A_2110 : i32
    %jit3A_2112 = arith.constant 32 : i32
    %div3A_2113 = arith.divsi %add3A_2111, %jit3A_2112 : i32
    %sign3A_2114 = arith.constant 0 : i32
    %sign3A_2115 = arith.cmpi sgt, %add3A_2111, %sign3A_2114 : i32
    %sign3A_2116 = arith.extui %sign3A_2115 : i1 to i32
    %sign3A_2117 = arith.constant 0 : i32
    %sign3A_2118 = arith.cmpi slt, %add3A_2111, %sign3A_2117 : i32
    %sign3A_2119 = arith.extui %sign3A_2118 : i1 to i32
    %sign3A_2120 = arith.subi %sign3A_2116, %sign3A_2119 : i32
    %sign3A_2121 = arith.constant 0 : i32
    %sign3A_2122 = arith.cmpi sgt, %jit3A_2112, %sign3A_2121 : i32
    %sign3A_2123 = arith.extui %sign3A_2122 : i1 to i32
    %sign3A_2124 = arith.constant 0 : i32
    %sign3A_2125 = arith.cmpi slt, %jit3A_2112, %sign3A_2124 : i32
    %sign3A_2126 = arith.extui %sign3A_2125 : i1 to i32
    %sign3A_2127 = arith.subi %sign3A_2123, %sign3A_2126 : i32
    %ne3A_2128 = arith.cmpi ne, %sign3A_2120, %sign3A_2127 : i32
    %rem3A_2129 = arith.remsi %add3A_2111, %jit3A_2112 : i32
    %ne3A_2130 = arith.constant 0 : i32
    %ne3A_2131 = arith.cmpi ne, %rem3A_2129, %ne3A_2130 : i32
    %and3A_2132 = arith.andi %ne3A_2128, %ne3A_2131 : i1
    %sub3A_2133 = arith.constant 1 : i32
    %sub3A_2134 = arith.subi %div3A_2113, %sub3A_2133 : i32
    %select_n3A_2135 = arith.select %and3A_2132, %sub3A_2134, %div3A_2113 : i32
    %jit3A_2136 = arith.constant 32 : i32
    %eq3A_2137 = arith.constant 0 : i32
    %eq3A_2138 = arith.cmpi eq, %jit3A_2136, %eq3A_2137 : i32
    %jit3A_2139 = arith.constant 1 : i32
    %select_n3A_2140 = arith.select %eq3A_2138, %jit3A_2139, %jit3A_2136 : i32
    %rem3A_2141 = arith.remsi %add3A_2111, %select_n3A_2140 : i32
    %ne3A_2142 = arith.constant 0 : i32
    %ne3A_2143 = arith.cmpi ne, %rem3A_2141, %ne3A_2142 : i32
    %lt3A_2144 = arith.constant 0 : i32
    %lt3A_2145 = arith.cmpi slt, %rem3A_2141, %lt3A_2144 : i32
    %lt3A_2146 = arith.constant 0 : i32
    %lt3A_2147 = arith.cmpi slt, %select_n3A_2140, %lt3A_2146 : i32
    %ne3A_2148 = arith.xori %lt3A_2145, %lt3A_2147 : i1
    %and3A_2149 = arith.andi %ne3A_2148, %ne3A_2143 : i1
    %add3A_2150 = arith.addi %rem3A_2141, %select_n3A_2140 : i32
    %select_n3A_2151 = arith.select %and3A_2149, %add3A_2150, %rem3A_2141 : i32
    %mul3A_2152 = arith.constant 16384 : i32
    %mul3A_2153 = arith.muli %select_n3A_2135, %mul3A_2152 : i32
    %mul3A_2154 = arith.constant 512 : i32
    %mul3A_2155 = arith.muli %select_n3A_2151, %mul3A_2154 : i32
    %add3A_2156 = arith.addi %mul3A_2153, %mul3A_2155 : i32
    %dma_wait3A_2157 = arith.constant 7168 : i32
    %dma_wait3A_2158 = tpu.memref_slice %arg5[%dma_wait3A_2157] : memref<13312xi32, #tpu.memory_space<vmem>> -> memref<512xi32, #tpu.memory_space<vmem>>
    %dma_wait3A_2159 = tpu.memref_slice %arg2[%add3A_2156] : memref<425984xi32, #tpu.memory_space<hbm>> -> memref<512xi32, #tpu.memory_space<hbm>>
    %dma_wait3A_2160 = arith.constant 7168 : i32
    %dma_wait3A_2161 = tpu.memref_slice %arg5[%dma_wait3A_2160] : memref<13312xi32, #tpu.memory_space<vmem>> -> memref<512xi32, #tpu.memory_space<vmem>>
    %dma_wait3A_2162 = tpu.memref_slice %arg2[%add3A_2156] : memref<425984xi32, #tpu.memory_space<hbm>> -> memref<512xi32, #tpu.memory_space<hbm>>
    tpu.wait_dma2 semaphore(%arg10 : memref<!tpu.dma_semaphore, #tpu.memory_space<semaphore_mem>>) src(%dma_wait3A_2162 : memref<512xi32, #tpu.memory_space<hbm>>) dst(%dma_wait3A_2161 : memref<512xi32, #tpu.memory_space<vmem>>)
    %add3A_2163 = arith.constant 480 : i32
    %add3A_2164 = arith.addi %add3A, %add3A_2163 : i32
    %jit3A_2165 = arith.constant 32 : i32
    %div3A_2166 = arith.divsi %add3A_2164, %jit3A_2165 : i32
    %sign3A_2167 = arith.constant 0 : i32
    %sign3A_2168 = arith.cmpi sgt, %add3A_2164, %sign3A_2167 : i32
    %sign3A_2169 = arith.extui %sign3A_2168 : i1 to i32
    %sign3A_2170 = arith.constant 0 : i32
    %sign3A_2171 = arith.cmpi slt, %add3A_2164, %sign3A_2170 : i32
    %sign3A_2172 = arith.extui %sign3A_2171 : i1 to i32
    %sign3A_2173 = arith.subi %sign3A_2169, %sign3A_2172 : i32
    %sign3A_2174 = arith.constant 0 : i32
    %sign3A_2175 = arith.cmpi sgt, %jit3A_2165, %sign3A_2174 : i32
    %sign3A_2176 = arith.extui %sign3A_2175 : i1 to i32
    %sign3A_2177 = arith.constant 0 : i32
    %sign3A_2178 = arith.cmpi slt, %jit3A_2165, %sign3A_2177 : i32
    %sign3A_2179 = arith.extui %sign3A_2178 : i1 to i32
    %sign3A_2180 = arith.subi %sign3A_2176, %sign3A_2179 : i32
    %ne3A_2181 = arith.cmpi ne, %sign3A_2173, %sign3A_2180 : i32
    %rem3A_2182 = arith.remsi %add3A_2164, %jit3A_2165 : i32
    %ne3A_2183 = arith.constant 0 : i32
    %ne3A_2184 = arith.cmpi ne, %rem3A_2182, %ne3A_2183 : i32
    %and3A_2185 = arith.andi %ne3A_2181, %ne3A_2184 : i1
    %sub3A_2186 = arith.constant 1 : i32
    %sub3A_2187 = arith.subi %div3A_2166, %sub3A_2186 : i32
    %select_n3A_2188 = arith.select %and3A_2185, %sub3A_2187, %div3A_2166 : i32
    %jit3A_2189 = arith.constant 32 : i32
    %eq3A_2190 = arith.constant 0 : i32
    %eq3A_2191 = arith.cmpi eq, %jit3A_2189, %eq3A_2190 : i32
    %jit3A_2192 = arith.constant 1 : i32
    %select_n3A_2193 = arith.select %eq3A_2191, %jit3A_2192, %jit3A_2189 : i32
    %rem3A_2194 = arith.remsi %add3A_2164, %select_n3A_2193 : i32
    %ne3A_2195 = arith.constant 0 : i32
    %ne3A_2196 = arith.cmpi ne, %rem3A_2194, %ne3A_2195 : i32
    %lt3A_2197 = arith.constant 0 : i32
    %lt3A_2198 = arith.cmpi slt, %rem3A_2194, %lt3A_2197 : i32
    %lt3A_2199 = arith.constant 0 : i32
    %lt3A_2200 = arith.cmpi slt, %select_n3A_2193, %lt3A_2199 : i32
    %ne3A_2201 = arith.xori %lt3A_2198, %lt3A_2200 : i1
    %and3A_2202 = arith.andi %ne3A_2201, %ne3A_2196 : i1
    %add3A_2203 = arith.addi %rem3A_2194, %select_n3A_2193 : i32
    %select_n3A_2204 = arith.select %and3A_2202, %add3A_2203, %rem3A_2194 : i32
    %mul3A_2205 = arith.constant 16384 : i32
    %mul3A_2206 = arith.muli %select_n3A_2188, %mul3A_2205 : i32
    %mul3A_2207 = arith.constant 512 : i32
    %mul3A_2208 = arith.muli %select_n3A_2204, %mul3A_2207 : i32
    %add3A_2209 = arith.addi %mul3A_2206, %mul3A_2208 : i32
    %dma_wait3A_2210 = arith.constant 7680 : i32
    %dma_wait3A_2211 = tpu.memref_slice %arg5[%dma_wait3A_2210] : memref<13312xi32, #tpu.memory_space<vmem>> -> memref<512xi32, #tpu.memory_space<vmem>>
    %dma_wait3A_2212 = tpu.memref_slice %arg2[%add3A_2209] : memref<425984xi32, #tpu.memory_space<hbm>> -> memref<512xi32, #tpu.memory_space<hbm>>
    %dma_wait3A_2213 = arith.constant 7680 : i32
    %dma_wait3A_2214 = tpu.memref_slice %arg5[%dma_wait3A_2213] : memref<13312xi32, #tpu.memory_space<vmem>> -> memref<512xi32, #tpu.memory_space<vmem>>
    %dma_wait3A_2215 = tpu.memref_slice %arg2[%add3A_2209] : memref<425984xi32, #tpu.memory_space<hbm>> -> memref<512xi32, #tpu.memory_space<hbm>>
    tpu.wait_dma2 semaphore(%arg10 : memref<!tpu.dma_semaphore, #tpu.memory_space<semaphore_mem>>) src(%dma_wait3A_2215 : memref<512xi32, #tpu.memory_space<hbm>>) dst(%dma_wait3A_2214 : memref<512xi32, #tpu.memory_space<vmem>>)
    %add3A_2216 = arith.constant 512 : i32
    %add3A_2217 = arith.addi %add3A, %add3A_2216 : i32
    %jit3A_2218 = arith.constant 32 : i32
    %div3A_2219 = arith.divsi %add3A_2217, %jit3A_2218 : i32
    %sign3A_2220 = arith.constant 0 : i32
    %sign3A_2221 = arith.cmpi sgt, %add3A_2217, %sign3A_2220 : i32
    %sign3A_2222 = arith.extui %sign3A_2221 : i1 to i32
    %sign3A_2223 = arith.constant 0 : i32
    %sign3A_2224 = arith.cmpi slt, %add3A_2217, %sign3A_2223 : i32
    %sign3A_2225 = arith.extui %sign3A_2224 : i1 to i32
    %sign3A_2226 = arith.subi %sign3A_2222, %sign3A_2225 : i32
    %sign3A_2227 = arith.constant 0 : i32
    %sign3A_2228 = arith.cmpi sgt, %jit3A_2218, %sign3A_2227 : i32
    %sign3A_2229 = arith.extui %sign3A_2228 : i1 to i32
    %sign3A_2230 = arith.constant 0 : i32
    %sign3A_2231 = arith.cmpi slt, %jit3A_2218, %sign3A_2230 : i32
    %sign3A_2232 = arith.extui %sign3A_2231 : i1 to i32
    %sign3A_2233 = arith.subi %sign3A_2229, %sign3A_2232 : i32
    %ne3A_2234 = arith.cmpi ne, %sign3A_2226, %sign3A_2233 : i32
    %rem3A_2235 = arith.remsi %add3A_2217, %jit3A_2218 : i32
    %ne3A_2236 = arith.constant 0 : i32
    %ne3A_2237 = arith.cmpi ne, %rem3A_2235, %ne3A_2236 : i32
    %and3A_2238 = arith.andi %ne3A_2234, %ne3A_2237 : i1
    %sub3A_2239 = arith.constant 1 : i32
    %sub3A_2240 = arith.subi %div3A_2219, %sub3A_2239 : i32
    %select_n3A_2241 = arith.select %and3A_2238, %sub3A_2240, %div3A_2219 : i32
    %jit3A_2242 = arith.constant 32 : i32
    %eq3A_2243 = arith.constant 0 : i32
    %eq3A_2244 = arith.cmpi eq, %jit3A_2242, %eq3A_2243 : i32
    %jit3A_2245 = arith.constant 1 : i32
    %select_n3A_2246 = arith.select %eq3A_2244, %jit3A_2245, %jit3A_2242 : i32
    %rem3A_2247 = arith.remsi %add3A_2217, %select_n3A_2246 : i32
    %ne3A_2248 = arith.constant 0 : i32
    %ne3A_2249 = arith.cmpi ne, %rem3A_2247, %ne3A_2248 : i32
    %lt3A_2250 = arith.constant 0 : i32
    %lt3A_2251 = arith.cmpi slt, %rem3A_2247, %lt3A_2250 : i32
    %lt3A_2252 = arith.constant 0 : i32
    %lt3A_2253 = arith.cmpi slt, %select_n3A_2246, %lt3A_2252 : i32
    %ne3A_2254 = arith.xori %lt3A_2251, %lt3A_2253 : i1
    %and3A_2255 = arith.andi %ne3A_2254, %ne3A_2249 : i1
    %add3A_2256 = arith.addi %rem3A_2247, %select_n3A_2246 : i32
    %select_n3A_2257 = arith.select %and3A_2255, %add3A_2256, %rem3A_2247 : i32
    %mul3A_2258 = arith.constant 16384 : i32
    %mul3A_2259 = arith.muli %select_n3A_2241, %mul3A_2258 : i32
    %mul3A_2260 = arith.constant 512 : i32
    %mul3A_2261 = arith.muli %select_n3A_2257, %mul3A_2260 : i32
    %add3A_2262 = arith.addi %mul3A_2259, %mul3A_2261 : i32
    %dma_wait3A_2263 = arith.constant 8192 : i32
    %dma_wait3A_2264 = tpu.memref_slice %arg5[%dma_wait3A_2263] : memref<13312xi32, #tpu.memory_space<vmem>> -> memref<512xi32, #tpu.memory_space<vmem>>
    %dma_wait3A_2265 = tpu.memref_slice %arg2[%add3A_2262] : memref<425984xi32, #tpu.memory_space<hbm>> -> memref<512xi32, #tpu.memory_space<hbm>>
    %dma_wait3A_2266 = arith.constant 8192 : i32
    %dma_wait3A_2267 = tpu.memref_slice %arg5[%dma_wait3A_2266] : memref<13312xi32, #tpu.memory_space<vmem>> -> memref<512xi32, #tpu.memory_space<vmem>>
    %dma_wait3A_2268 = tpu.memref_slice %arg2[%add3A_2262] : memref<425984xi32, #tpu.memory_space<hbm>> -> memref<512xi32, #tpu.memory_space<hbm>>
    tpu.wait_dma2 semaphore(%arg10 : memref<!tpu.dma_semaphore, #tpu.memory_space<semaphore_mem>>) src(%dma_wait3A_2268 : memref<512xi32, #tpu.memory_space<hbm>>) dst(%dma_wait3A_2267 : memref<512xi32, #tpu.memory_space<vmem>>)
    %add3A_2269 = arith.constant 544 : i32
    %add3A_2270 = arith.addi %add3A, %add3A_2269 : i32
    %jit3A_2271 = arith.constant 32 : i32
    %div3A_2272 = arith.divsi %add3A_2270, %jit3A_2271 : i32
    %sign3A_2273 = arith.constant 0 : i32
    %sign3A_2274 = arith.cmpi sgt, %add3A_2270, %sign3A_2273 : i32
    %sign3A_2275 = arith.extui %sign3A_2274 : i1 to i32
    %sign3A_2276 = arith.constant 0 : i32
    %sign3A_2277 = arith.cmpi slt, %add3A_2270, %sign3A_2276 : i32
    %sign3A_2278 = arith.extui %sign3A_2277 : i1 to i32
    %sign3A_2279 = arith.subi %sign3A_2275, %sign3A_2278 : i32
    %sign3A_2280 = arith.constant 0 : i32
    %sign3A_2281 = arith.cmpi sgt, %jit3A_2271, %sign3A_2280 : i32
    %sign3A_2282 = arith.extui %sign3A_2281 : i1 to i32
    %sign3A_2283 = arith.constant 0 : i32
    %sign3A_2284 = arith.cmpi slt, %jit3A_2271, %sign3A_2283 : i32
    %sign3A_2285 = arith.extui %sign3A_2284 : i1 to i32
    %sign3A_2286 = arith.subi %sign3A_2282, %sign3A_2285 : i32
    %ne3A_2287 = arith.cmpi ne, %sign3A_2279, %sign3A_2286 : i32
    %rem3A_2288 = arith.remsi %add3A_2270, %jit3A_2271 : i32
    %ne3A_2289 = arith.constant 0 : i32
    %ne3A_2290 = arith.cmpi ne, %rem3A_2288, %ne3A_2289 : i32
    %and3A_2291 = arith.andi %ne3A_2287, %ne3A_2290 : i1
    %sub3A_2292 = arith.constant 1 : i32
    %sub3A_2293 = arith.subi %div3A_2272, %sub3A_2292 : i32
    %select_n3A_2294 = arith.select %and3A_2291, %sub3A_2293, %div3A_2272 : i32
    %jit3A_2295 = arith.constant 32 : i32
    %eq3A_2296 = arith.constant 0 : i32
    %eq3A_2297 = arith.cmpi eq, %jit3A_2295, %eq3A_2296 : i32
    %jit3A_2298 = arith.constant 1 : i32
    %select_n3A_2299 = arith.select %eq3A_2297, %jit3A_2298, %jit3A_2295 : i32
    %rem3A_2300 = arith.remsi %add3A_2270, %select_n3A_2299 : i32
    %ne3A_2301 = arith.constant 0 : i32
    %ne3A_2302 = arith.cmpi ne, %rem3A_2300, %ne3A_2301 : i32
    %lt3A_2303 = arith.constant 0 : i32
    %lt3A_2304 = arith.cmpi slt, %rem3A_2300, %lt3A_2303 : i32
    %lt3A_2305 = arith.constant 0 : i32
    %lt3A_2306 = arith.cmpi slt, %select_n3A_2299, %lt3A_2305 : i32
    %ne3A_2307 = arith.xori %lt3A_2304, %lt3A_2306 : i1
    %and3A_2308 = arith.andi %ne3A_2307, %ne3A_2302 : i1
    %add3A_2309 = arith.addi %rem3A_2300, %select_n3A_2299 : i32
    %select_n3A_2310 = arith.select %and3A_2308, %add3A_2309, %rem3A_2300 : i32
    %mul3A_2311 = arith.constant 16384 : i32
    %mul3A_2312 = arith.muli %select_n3A_2294, %mul3A_2311 : i32
    %mul3A_2313 = arith.constant 512 : i32
    %mul3A_2314 = arith.muli %select_n3A_2310, %mul3A_2313 : i32
    %add3A_2315 = arith.addi %mul3A_2312, %mul3A_2314 : i32
    %dma_wait3A_2316 = arith.constant 8704 : i32
    %dma_wait3A_2317 = tpu.memref_slice %arg5[%dma_wait3A_2316] : memref<13312xi32, #tpu.memory_space<vmem>> -> memref<512xi32, #tpu.memory_space<vmem>>
    %dma_wait3A_2318 = tpu.memref_slice %arg2[%add3A_2315] : memref<425984xi32, #tpu.memory_space<hbm>> -> memref<512xi32, #tpu.memory_space<hbm>>
    %dma_wait3A_2319 = arith.constant 8704 : i32
    %dma_wait3A_2320 = tpu.memref_slice %arg5[%dma_wait3A_2319] : memref<13312xi32, #tpu.memory_space<vmem>> -> memref<512xi32, #tpu.memory_space<vmem>>
    %dma_wait3A_2321 = tpu.memref_slice %arg2[%add3A_2315] : memref<425984xi32, #tpu.memory_space<hbm>> -> memref<512xi32, #tpu.memory_space<hbm>>
    tpu.wait_dma2 semaphore(%arg10 : memref<!tpu.dma_semaphore, #tpu.memory_space<semaphore_mem>>) src(%dma_wait3A_2321 : memref<512xi32, #tpu.memory_space<hbm>>) dst(%dma_wait3A_2320 : memref<512xi32, #tpu.memory_space<vmem>>)
    %add3A_2322 = arith.constant 576 : i32
    %add3A_2323 = arith.addi %add3A, %add3A_2322 : i32
    %jit3A_2324 = arith.constant 32 : i32
    %div3A_2325 = arith.divsi %add3A_2323, %jit3A_2324 : i32
    %sign3A_2326 = arith.constant 0 : i32
    %sign3A_2327 = arith.cmpi sgt, %add3A_2323, %sign3A_2326 : i32
    %sign3A_2328 = arith.extui %sign3A_2327 : i1 to i32
    %sign3A_2329 = arith.constant 0 : i32
    %sign3A_2330 = arith.cmpi slt, %add3A_2323, %sign3A_2329 : i32
    %sign3A_2331 = arith.extui %sign3A_2330 : i1 to i32
    %sign3A_2332 = arith.subi %sign3A_2328, %sign3A_2331 : i32
    %sign3A_2333 = arith.constant 0 : i32
    %sign3A_2334 = arith.cmpi sgt, %jit3A_2324, %sign3A_2333 : i32
    %sign3A_2335 = arith.extui %sign3A_2334 : i1 to i32
    %sign3A_2336 = arith.constant 0 : i32
    %sign3A_2337 = arith.cmpi slt, %jit3A_2324, %sign3A_2336 : i32
    %sign3A_2338 = arith.extui %sign3A_2337 : i1 to i32
    %sign3A_2339 = arith.subi %sign3A_2335, %sign3A_2338 : i32
    %ne3A_2340 = arith.cmpi ne, %sign3A_2332, %sign3A_2339 : i32
    %rem3A_2341 = arith.remsi %add3A_2323, %jit3A_2324 : i32
    %ne3A_2342 = arith.constant 0 : i32
    %ne3A_2343 = arith.cmpi ne, %rem3A_2341, %ne3A_2342 : i32
    %and3A_2344 = arith.andi %ne3A_2340, %ne3A_2343 : i1
    %sub3A_2345 = arith.constant 1 : i32
    %sub3A_2346 = arith.subi %div3A_2325, %sub3A_2345 : i32
    %select_n3A_2347 = arith.select %and3A_2344, %sub3A_2346, %div3A_2325 : i32
    %jit3A_2348 = arith.constant 32 : i32
    %eq3A_2349 = arith.constant 0 : i32
    %eq3A_2350 = arith.cmpi eq, %jit3A_2348, %eq3A_2349 : i32
    %jit3A_2351 = arith.constant 1 : i32
    %select_n3A_2352 = arith.select %eq3A_2350, %jit3A_2351, %jit3A_2348 : i32
    %rem3A_2353 = arith.remsi %add3A_2323, %select_n3A_2352 : i32
    %ne3A_2354 = arith.constant 0 : i32
    %ne3A_2355 = arith.cmpi ne, %rem3A_2353, %ne3A_2354 : i32
    %lt3A_2356 = arith.constant 0 : i32
    %lt3A_2357 = arith.cmpi slt, %rem3A_2353, %lt3A_2356 : i32
    %lt3A_2358 = arith.constant 0 : i32
    %lt3A_2359 = arith.cmpi slt, %select_n3A_2352, %lt3A_2358 : i32
    %ne3A_2360 = arith.xori %lt3A_2357, %lt3A_2359 : i1
    %and3A_2361 = arith.andi %ne3A_2360, %ne3A_2355 : i1
    %add3A_2362 = arith.addi %rem3A_2353, %select_n3A_2352 : i32
    %select_n3A_2363 = arith.select %and3A_2361, %add3A_2362, %rem3A_2353 : i32
    %mul3A_2364 = arith.constant 16384 : i32
    %mul3A_2365 = arith.muli %select_n3A_2347, %mul3A_2364 : i32
    %mul3A_2366 = arith.constant 512 : i32
    %mul3A_2367 = arith.muli %select_n3A_2363, %mul3A_2366 : i32
    %add3A_2368 = arith.addi %mul3A_2365, %mul3A_2367 : i32
    %dma_wait3A_2369 = arith.constant 9216 : i32
    %dma_wait3A_2370 = tpu.memref_slice %arg5[%dma_wait3A_2369] : memref<13312xi32, #tpu.memory_space<vmem>> -> memref<512xi32, #tpu.memory_space<vmem>>
    %dma_wait3A_2371 = tpu.memref_slice %arg2[%add3A_2368] : memref<425984xi32, #tpu.memory_space<hbm>> -> memref<512xi32, #tpu.memory_space<hbm>>
    %dma_wait3A_2372 = arith.constant 9216 : i32
    %dma_wait3A_2373 = tpu.memref_slice %arg5[%dma_wait3A_2372] : memref<13312xi32, #tpu.memory_space<vmem>> -> memref<512xi32, #tpu.memory_space<vmem>>
    %dma_wait3A_2374 = tpu.memref_slice %arg2[%add3A_2368] : memref<425984xi32, #tpu.memory_space<hbm>> -> memref<512xi32, #tpu.memory_space<hbm>>
    tpu.wait_dma2 semaphore(%arg10 : memref<!tpu.dma_semaphore, #tpu.memory_space<semaphore_mem>>) src(%dma_wait3A_2374 : memref<512xi32, #tpu.memory_space<hbm>>) dst(%dma_wait3A_2373 : memref<512xi32, #tpu.memory_space<vmem>>)
    %add3A_2375 = arith.constant 608 : i32
    %add3A_2376 = arith.addi %add3A, %add3A_2375 : i32
    %jit3A_2377 = arith.constant 32 : i32
    %div3A_2378 = arith.divsi %add3A_2376, %jit3A_2377 : i32
    %sign3A_2379 = arith.constant 0 : i32
    %sign3A_2380 = arith.cmpi sgt, %add3A_2376, %sign3A_2379 : i32
    %sign3A_2381 = arith.extui %sign3A_2380 : i1 to i32
    %sign3A_2382 = arith.constant 0 : i32
    %sign3A_2383 = arith.cmpi slt, %add3A_2376, %sign3A_2382 : i32
    %sign3A_2384 = arith.extui %sign3A_2383 : i1 to i32
    %sign3A_2385 = arith.subi %sign3A_2381, %sign3A_2384 : i32
    %sign3A_2386 = arith.constant 0 : i32
    %sign3A_2387 = arith.cmpi sgt, %jit3A_2377, %sign3A_2386 : i32
    %sign3A_2388 = arith.extui %sign3A_2387 : i1 to i32
    %sign3A_2389 = arith.constant 0 : i32
    %sign3A_2390 = arith.cmpi slt, %jit3A_2377, %sign3A_2389 : i32
    %sign3A_2391 = arith.extui %sign3A_2390 : i1 to i32
    %sign3A_2392 = arith.subi %sign3A_2388, %sign3A_2391 : i32
    %ne3A_2393 = arith.cmpi ne, %sign3A_2385, %sign3A_2392 : i32
    %rem3A_2394 = arith.remsi %add3A_2376, %jit3A_2377 : i32
    %ne3A_2395 = arith.constant 0 : i32
    %ne3A_2396 = arith.cmpi ne, %rem3A_2394, %ne3A_2395 : i32
    %and3A_2397 = arith.andi %ne3A_2393, %ne3A_2396 : i1
    %sub3A_2398 = arith.constant 1 : i32
    %sub3A_2399 = arith.subi %div3A_2378, %sub3A_2398 : i32
    %select_n3A_2400 = arith.select %and3A_2397, %sub3A_2399, %div3A_2378 : i32
    %jit3A_2401 = arith.constant 32 : i32
    %eq3A_2402 = arith.constant 0 : i32
    %eq3A_2403 = arith.cmpi eq, %jit3A_2401, %eq3A_2402 : i32
    %jit3A_2404 = arith.constant 1 : i32
    %select_n3A_2405 = arith.select %eq3A_2403, %jit3A_2404, %jit3A_2401 : i32
    %rem3A_2406 = arith.remsi %add3A_2376, %select_n3A_2405 : i32
    %ne3A_2407 = arith.constant 0 : i32
    %ne3A_2408 = arith.cmpi ne, %rem3A_2406, %ne3A_2407 : i32
    %lt3A_2409 = arith.constant 0 : i32
    %lt3A_2410 = arith.cmpi slt, %rem3A_2406, %lt3A_2409 : i32
    %lt3A_2411 = arith.constant 0 : i32
    %lt3A_2412 = arith.cmpi slt, %select_n3A_2405, %lt3A_2411 : i32
    %ne3A_2413 = arith.xori %lt3A_2410, %lt3A_2412 : i1
    %and3A_2414 = arith.andi %ne3A_2413, %ne3A_2408 : i1
    %add3A_2415 = arith.addi %rem3A_2406, %select_n3A_2405 : i32
    %select_n3A_2416 = arith.select %and3A_2414, %add3A_2415, %rem3A_2406 : i32
    %mul3A_2417 = arith.constant 16384 : i32
    %mul3A_2418 = arith.muli %select_n3A_2400, %mul3A_2417 : i32
    %mul3A_2419 = arith.constant 512 : i32
    %mul3A_2420 = arith.muli %select_n3A_2416, %mul3A_2419 : i32
    %add3A_2421 = arith.addi %mul3A_2418, %mul3A_2420 : i32
    %dma_wait3A_2422 = arith.constant 9728 : i32
    %dma_wait3A_2423 = tpu.memref_slice %arg5[%dma_wait3A_2422] : memref<13312xi32, #tpu.memory_space<vmem>> -> memref<512xi32, #tpu.memory_space<vmem>>
    %dma_wait3A_2424 = tpu.memref_slice %arg2[%add3A_2421] : memref<425984xi32, #tpu.memory_space<hbm>> -> memref<512xi32, #tpu.memory_space<hbm>>
    %dma_wait3A_2425 = arith.constant 9728 : i32
    %dma_wait3A_2426 = tpu.memref_slice %arg5[%dma_wait3A_2425] : memref<13312xi32, #tpu.memory_space<vmem>> -> memref<512xi32, #tpu.memory_space<vmem>>
    %dma_wait3A_2427 = tpu.memref_slice %arg2[%add3A_2421] : memref<425984xi32, #tpu.memory_space<hbm>> -> memref<512xi32, #tpu.memory_space<hbm>>
    tpu.wait_dma2 semaphore(%arg10 : memref<!tpu.dma_semaphore, #tpu.memory_space<semaphore_mem>>) src(%dma_wait3A_2427 : memref<512xi32, #tpu.memory_space<hbm>>) dst(%dma_wait3A_2426 : memref<512xi32, #tpu.memory_space<vmem>>)
    %add3A_2428 = arith.constant 640 : i32
    %add3A_2429 = arith.addi %add3A, %add3A_2428 : i32
    %jit3A_2430 = arith.constant 32 : i32
    %div3A_2431 = arith.divsi %add3A_2429, %jit3A_2430 : i32
    %sign3A_2432 = arith.constant 0 : i32
    %sign3A_2433 = arith.cmpi sgt, %add3A_2429, %sign3A_2432 : i32
    %sign3A_2434 = arith.extui %sign3A_2433 : i1 to i32
    %sign3A_2435 = arith.constant 0 : i32
    %sign3A_2436 = arith.cmpi slt, %add3A_2429, %sign3A_2435 : i32
    %sign3A_2437 = arith.extui %sign3A_2436 : i1 to i32
    %sign3A_2438 = arith.subi %sign3A_2434, %sign3A_2437 : i32
    %sign3A_2439 = arith.constant 0 : i32
    %sign3A_2440 = arith.cmpi sgt, %jit3A_2430, %sign3A_2439 : i32
    %sign3A_2441 = arith.extui %sign3A_2440 : i1 to i32
    %sign3A_2442 = arith.constant 0 : i32
    %sign3A_2443 = arith.cmpi slt, %jit3A_2430, %sign3A_2442 : i32
    %sign3A_2444 = arith.extui %sign3A_2443 : i1 to i32
    %sign3A_2445 = arith.subi %sign3A_2441, %sign3A_2444 : i32
    %ne3A_2446 = arith.cmpi ne, %sign3A_2438, %sign3A_2445 : i32
    %rem3A_2447 = arith.remsi %add3A_2429, %jit3A_2430 : i32
    %ne3A_2448 = arith.constant 0 : i32
    %ne3A_2449 = arith.cmpi ne, %rem3A_2447, %ne3A_2448 : i32
    %and3A_2450 = arith.andi %ne3A_2446, %ne3A_2449 : i1
    %sub3A_2451 = arith.constant 1 : i32
    %sub3A_2452 = arith.subi %div3A_2431, %sub3A_2451 : i32
    %select_n3A_2453 = arith.select %and3A_2450, %sub3A_2452, %div3A_2431 : i32
    %jit3A_2454 = arith.constant 32 : i32
    %eq3A_2455 = arith.constant 0 : i32
    %eq3A_2456 = arith.cmpi eq, %jit3A_2454, %eq3A_2455 : i32
    %jit3A_2457 = arith.constant 1 : i32
    %select_n3A_2458 = arith.select %eq3A_2456, %jit3A_2457, %jit3A_2454 : i32
    %rem3A_2459 = arith.remsi %add3A_2429, %select_n3A_2458 : i32
    %ne3A_2460 = arith.constant 0 : i32
    %ne3A_2461 = arith.cmpi ne, %rem3A_2459, %ne3A_2460 : i32
    %lt3A_2462 = arith.constant 0 : i32
    %lt3A_2463 = arith.cmpi slt, %rem3A_2459, %lt3A_2462 : i32
    %lt3A_2464 = arith.constant 0 : i32
    %lt3A_2465 = arith.cmpi slt, %select_n3A_2458, %lt3A_2464 : i32
    %ne3A_2466 = arith.xori %lt3A_2463, %lt3A_2465 : i1
    %and3A_2467 = arith.andi %ne3A_2466, %ne3A_2461 : i1
    %add3A_2468 = arith.addi %rem3A_2459, %select_n3A_2458 : i32
    %select_n3A_2469 = arith.select %and3A_2467, %add3A_2468, %rem3A_2459 : i32
    %mul3A_2470 = arith.constant 16384 : i32
    %mul3A_2471 = arith.muli %select_n3A_2453, %mul3A_2470 : i32
    %mul3A_2472 = arith.constant 512 : i32
    %mul3A_2473 = arith.muli %select_n3A_2469, %mul3A_2472 : i32
    %add3A_2474 = arith.addi %mul3A_2471, %mul3A_2473 : i32
    %dma_wait3A_2475 = arith.constant 10240 : i32
    %dma_wait3A_2476 = tpu.memref_slice %arg5[%dma_wait3A_2475] : memref<13312xi32, #tpu.memory_space<vmem>> -> memref<512xi32, #tpu.memory_space<vmem>>
    %dma_wait3A_2477 = tpu.memref_slice %arg2[%add3A_2474] : memref<425984xi32, #tpu.memory_space<hbm>> -> memref<512xi32, #tpu.memory_space<hbm>>
    %dma_wait3A_2478 = arith.constant 10240 : i32
    %dma_wait3A_2479 = tpu.memref_slice %arg5[%dma_wait3A_2478] : memref<13312xi32, #tpu.memory_space<vmem>> -> memref<512xi32, #tpu.memory_space<vmem>>
    %dma_wait3A_2480 = tpu.memref_slice %arg2[%add3A_2474] : memref<425984xi32, #tpu.memory_space<hbm>> -> memref<512xi32, #tpu.memory_space<hbm>>
    tpu.wait_dma2 semaphore(%arg10 : memref<!tpu.dma_semaphore, #tpu.memory_space<semaphore_mem>>) src(%dma_wait3A_2480 : memref<512xi32, #tpu.memory_space<hbm>>) dst(%dma_wait3A_2479 : memref<512xi32, #tpu.memory_space<vmem>>)
    %add3A_2481 = arith.constant 672 : i32
    %add3A_2482 = arith.addi %add3A, %add3A_2481 : i32
    %jit3A_2483 = arith.constant 32 : i32
    %div3A_2484 = arith.divsi %add3A_2482, %jit3A_2483 : i32
    %sign3A_2485 = arith.constant 0 : i32
    %sign3A_2486 = arith.cmpi sgt, %add3A_2482, %sign3A_2485 : i32
    %sign3A_2487 = arith.extui %sign3A_2486 : i1 to i32
    %sign3A_2488 = arith.constant 0 : i32
    %sign3A_2489 = arith.cmpi slt, %add3A_2482, %sign3A_2488 : i32
    %sign3A_2490 = arith.extui %sign3A_2489 : i1 to i32
    %sign3A_2491 = arith.subi %sign3A_2487, %sign3A_2490 : i32
    %sign3A_2492 = arith.constant 0 : i32
    %sign3A_2493 = arith.cmpi sgt, %jit3A_2483, %sign3A_2492 : i32
    %sign3A_2494 = arith.extui %sign3A_2493 : i1 to i32
    %sign3A_2495 = arith.constant 0 : i32
    %sign3A_2496 = arith.cmpi slt, %jit3A_2483, %sign3A_2495 : i32
    %sign3A_2497 = arith.extui %sign3A_2496 : i1 to i32
    %sign3A_2498 = arith.subi %sign3A_2494, %sign3A_2497 : i32
    %ne3A_2499 = arith.cmpi ne, %sign3A_2491, %sign3A_2498 : i32
    %rem3A_2500 = arith.remsi %add3A_2482, %jit3A_2483 : i32
    %ne3A_2501 = arith.constant 0 : i32
    %ne3A_2502 = arith.cmpi ne, %rem3A_2500, %ne3A_2501 : i32
    %and3A_2503 = arith.andi %ne3A_2499, %ne3A_2502 : i1
    %sub3A_2504 = arith.constant 1 : i32
    %sub3A_2505 = arith.subi %div3A_2484, %sub3A_2504 : i32
    %select_n3A_2506 = arith.select %and3A_2503, %sub3A_2505, %div3A_2484 : i32
    %jit3A_2507 = arith.constant 32 : i32
    %eq3A_2508 = arith.constant 0 : i32
    %eq3A_2509 = arith.cmpi eq, %jit3A_2507, %eq3A_2508 : i32
    %jit3A_2510 = arith.constant 1 : i32
    %select_n3A_2511 = arith.select %eq3A_2509, %jit3A_2510, %jit3A_2507 : i32
    %rem3A_2512 = arith.remsi %add3A_2482, %select_n3A_2511 : i32
    %ne3A_2513 = arith.constant 0 : i32
    %ne3A_2514 = arith.cmpi ne, %rem3A_2512, %ne3A_2513 : i32
    %lt3A_2515 = arith.constant 0 : i32
    %lt3A_2516 = arith.cmpi slt, %rem3A_2512, %lt3A_2515 : i32
    %lt3A_2517 = arith.constant 0 : i32
    %lt3A_2518 = arith.cmpi slt, %select_n3A_2511, %lt3A_2517 : i32
    %ne3A_2519 = arith.xori %lt3A_2516, %lt3A_2518 : i1
    %and3A_2520 = arith.andi %ne3A_2519, %ne3A_2514 : i1
    %add3A_2521 = arith.addi %rem3A_2512, %select_n3A_2511 : i32
    %select_n3A_2522 = arith.select %and3A_2520, %add3A_2521, %rem3A_2512 : i32
    %mul3A_2523 = arith.constant 16384 : i32
    %mul3A_2524 = arith.muli %select_n3A_2506, %mul3A_2523 : i32
    %mul3A_2525 = arith.constant 512 : i32
    %mul3A_2526 = arith.muli %select_n3A_2522, %mul3A_2525 : i32
    %add3A_2527 = arith.addi %mul3A_2524, %mul3A_2526 : i32
    %dma_wait3A_2528 = arith.constant 10752 : i32
    %dma_wait3A_2529 = tpu.memref_slice %arg5[%dma_wait3A_2528] : memref<13312xi32, #tpu.memory_space<vmem>> -> memref<512xi32, #tpu.memory_space<vmem>>
    %dma_wait3A_2530 = tpu.memref_slice %arg2[%add3A_2527] : memref<425984xi32, #tpu.memory_space<hbm>> -> memref<512xi32, #tpu.memory_space<hbm>>
    %dma_wait3A_2531 = arith.constant 10752 : i32
    %dma_wait3A_2532 = tpu.memref_slice %arg5[%dma_wait3A_2531] : memref<13312xi32, #tpu.memory_space<vmem>> -> memref<512xi32, #tpu.memory_space<vmem>>
    %dma_wait3A_2533 = tpu.memref_slice %arg2[%add3A_2527] : memref<425984xi32, #tpu.memory_space<hbm>> -> memref<512xi32, #tpu.memory_space<hbm>>
    tpu.wait_dma2 semaphore(%arg10 : memref<!tpu.dma_semaphore, #tpu.memory_space<semaphore_mem>>) src(%dma_wait3A_2533 : memref<512xi32, #tpu.memory_space<hbm>>) dst(%dma_wait3A_2532 : memref<512xi32, #tpu.memory_space<vmem>>)
    %add3A_2534 = arith.constant 704 : i32
    %add3A_2535 = arith.addi %add3A, %add3A_2534 : i32
    %jit3A_2536 = arith.constant 32 : i32
    %div3A_2537 = arith.divsi %add3A_2535, %jit3A_2536 : i32
    %sign3A_2538 = arith.constant 0 : i32
    %sign3A_2539 = arith.cmpi sgt, %add3A_2535, %sign3A_2538 : i32
    %sign3A_2540 = arith.extui %sign3A_2539 : i1 to i32
    %sign3A_2541 = arith.constant 0 : i32
    %sign3A_2542 = arith.cmpi slt, %add3A_2535, %sign3A_2541 : i32
    %sign3A_2543 = arith.extui %sign3A_2542 : i1 to i32
    %sign3A_2544 = arith.subi %sign3A_2540, %sign3A_2543 : i32
    %sign3A_2545 = arith.constant 0 : i32
    %sign3A_2546 = arith.cmpi sgt, %jit3A_2536, %sign3A_2545 : i32
    %sign3A_2547 = arith.extui %sign3A_2546 : i1 to i32
    %sign3A_2548 = arith.constant 0 : i32
    %sign3A_2549 = arith.cmpi slt, %jit3A_2536, %sign3A_2548 : i32
    %sign3A_2550 = arith.extui %sign3A_2549 : i1 to i32
    %sign3A_2551 = arith.subi %sign3A_2547, %sign3A_2550 : i32
    %ne3A_2552 = arith.cmpi ne, %sign3A_2544, %sign3A_2551 : i32
    %rem3A_2553 = arith.remsi %add3A_2535, %jit3A_2536 : i32
    %ne3A_2554 = arith.constant 0 : i32
    %ne3A_2555 = arith.cmpi ne, %rem3A_2553, %ne3A_2554 : i32
    %and3A_2556 = arith.andi %ne3A_2552, %ne3A_2555 : i1
    %sub3A_2557 = arith.constant 1 : i32
    %sub3A_2558 = arith.subi %div3A_2537, %sub3A_2557 : i32
    %select_n3A_2559 = arith.select %and3A_2556, %sub3A_2558, %div3A_2537 : i32
    %jit3A_2560 = arith.constant 32 : i32
    %eq3A_2561 = arith.constant 0 : i32
    %eq3A_2562 = arith.cmpi eq, %jit3A_2560, %eq3A_2561 : i32
    %jit3A_2563 = arith.constant 1 : i32
    %select_n3A_2564 = arith.select %eq3A_2562, %jit3A_2563, %jit3A_2560 : i32
    %rem3A_2565 = arith.remsi %add3A_2535, %select_n3A_2564 : i32
    %ne3A_2566 = arith.constant 0 : i32
    %ne3A_2567 = arith.cmpi ne, %rem3A_2565, %ne3A_2566 : i32
    %lt3A_2568 = arith.constant 0 : i32
    %lt3A_2569 = arith.cmpi slt, %rem3A_2565, %lt3A_2568 : i32
    %lt3A_2570 = arith.constant 0 : i32
    %lt3A_2571 = arith.cmpi slt, %select_n3A_2564, %lt3A_2570 : i32
    %ne3A_2572 = arith.xori %lt3A_2569, %lt3A_2571 : i1
    %and3A_2573 = arith.andi %ne3A_2572, %ne3A_2567 : i1
    %add3A_2574 = arith.addi %rem3A_2565, %select_n3A_2564 : i32
    %select_n3A_2575 = arith.select %and3A_2573, %add3A_2574, %rem3A_2565 : i32
    %mul3A_2576 = arith.constant 16384 : i32
    %mul3A_2577 = arith.muli %select_n3A_2559, %mul3A_2576 : i32
    %mul3A_2578 = arith.constant 512 : i32
    %mul3A_2579 = arith.muli %select_n3A_2575, %mul3A_2578 : i32
    %add3A_2580 = arith.addi %mul3A_2577, %mul3A_2579 : i32
    %dma_wait3A_2581 = arith.constant 11264 : i32
    %dma_wait3A_2582 = tpu.memref_slice %arg5[%dma_wait3A_2581] : memref<13312xi32, #tpu.memory_space<vmem>> -> memref<512xi32, #tpu.memory_space<vmem>>
    %dma_wait3A_2583 = tpu.memref_slice %arg2[%add3A_2580] : memref<425984xi32, #tpu.memory_space<hbm>> -> memref<512xi32, #tpu.memory_space<hbm>>
    %dma_wait3A_2584 = arith.constant 11264 : i32
    %dma_wait3A_2585 = tpu.memref_slice %arg5[%dma_wait3A_2584] : memref<13312xi32, #tpu.memory_space<vmem>> -> memref<512xi32, #tpu.memory_space<vmem>>
    %dma_wait3A_2586 = tpu.memref_slice %arg2[%add3A_2580] : memref<425984xi32, #tpu.memory_space<hbm>> -> memref<512xi32, #tpu.memory_space<hbm>>
    tpu.wait_dma2 semaphore(%arg10 : memref<!tpu.dma_semaphore, #tpu.memory_space<semaphore_mem>>) src(%dma_wait3A_2586 : memref<512xi32, #tpu.memory_space<hbm>>) dst(%dma_wait3A_2585 : memref<512xi32, #tpu.memory_space<vmem>>)
    %add3A_2587 = arith.constant 736 : i32
    %add3A_2588 = arith.addi %add3A, %add3A_2587 : i32
    %jit3A_2589 = arith.constant 32 : i32
    %div3A_2590 = arith.divsi %add3A_2588, %jit3A_2589 : i32
    %sign3A_2591 = arith.constant 0 : i32
    %sign3A_2592 = arith.cmpi sgt, %add3A_2588, %sign3A_2591 : i32
    %sign3A_2593 = arith.extui %sign3A_2592 : i1 to i32
    %sign3A_2594 = arith.constant 0 : i32
    %sign3A_2595 = arith.cmpi slt, %add3A_2588, %sign3A_2594 : i32
    %sign3A_2596 = arith.extui %sign3A_2595 : i1 to i32
    %sign3A_2597 = arith.subi %sign3A_2593, %sign3A_2596 : i32
    %sign3A_2598 = arith.constant 0 : i32
    %sign3A_2599 = arith.cmpi sgt, %jit3A_2589, %sign3A_2598 : i32
    %sign3A_2600 = arith.extui %sign3A_2599 : i1 to i32
    %sign3A_2601 = arith.constant 0 : i32
    %sign3A_2602 = arith.cmpi slt, %jit3A_2589, %sign3A_2601 : i32
    %sign3A_2603 = arith.extui %sign3A_2602 : i1 to i32
    %sign3A_2604 = arith.subi %sign3A_2600, %sign3A_2603 : i32
    %ne3A_2605 = arith.cmpi ne, %sign3A_2597, %sign3A_2604 : i32
    %rem3A_2606 = arith.remsi %add3A_2588, %jit3A_2589 : i32
    %ne3A_2607 = arith.constant 0 : i32
    %ne3A_2608 = arith.cmpi ne, %rem3A_2606, %ne3A_2607 : i32
    %and3A_2609 = arith.andi %ne3A_2605, %ne3A_2608 : i1
    %sub3A_2610 = arith.constant 1 : i32
    %sub3A_2611 = arith.subi %div3A_2590, %sub3A_2610 : i32
    %select_n3A_2612 = arith.select %and3A_2609, %sub3A_2611, %div3A_2590 : i32
    %jit3A_2613 = arith.constant 32 : i32
    %eq3A_2614 = arith.constant 0 : i32
    %eq3A_2615 = arith.cmpi eq, %jit3A_2613, %eq3A_2614 : i32
    %jit3A_2616 = arith.constant 1 : i32
    %select_n3A_2617 = arith.select %eq3A_2615, %jit3A_2616, %jit3A_2613 : i32
    %rem3A_2618 = arith.remsi %add3A_2588, %select_n3A_2617 : i32
    %ne3A_2619 = arith.constant 0 : i32
    %ne3A_2620 = arith.cmpi ne, %rem3A_2618, %ne3A_2619 : i32
    %lt3A_2621 = arith.constant 0 : i32
    %lt3A_2622 = arith.cmpi slt, %rem3A_2618, %lt3A_2621 : i32
    %lt3A_2623 = arith.constant 0 : i32
    %lt3A_2624 = arith.cmpi slt, %select_n3A_2617, %lt3A_2623 : i32
    %ne3A_2625 = arith.xori %lt3A_2622, %lt3A_2624 : i1
    %and3A_2626 = arith.andi %ne3A_2625, %ne3A_2620 : i1
    %add3A_2627 = arith.addi %rem3A_2618, %select_n3A_2617 : i32
    %select_n3A_2628 = arith.select %and3A_2626, %add3A_2627, %rem3A_2618 : i32
    %mul3A_2629 = arith.constant 16384 : i32
    %mul3A_2630 = arith.muli %select_n3A_2612, %mul3A_2629 : i32
    %mul3A_2631 = arith.constant 512 : i32
    %mul3A_2632 = arith.muli %select_n3A_2628, %mul3A_2631 : i32
    %add3A_2633 = arith.addi %mul3A_2630, %mul3A_2632 : i32
    %dma_wait3A_2634 = arith.constant 11776 : i32
    %dma_wait3A_2635 = tpu.memref_slice %arg5[%dma_wait3A_2634] : memref<13312xi32, #tpu.memory_space<vmem>> -> memref<512xi32, #tpu.memory_space<vmem>>
    %dma_wait3A_2636 = tpu.memref_slice %arg2[%add3A_2633] : memref<425984xi32, #tpu.memory_space<hbm>> -> memref<512xi32, #tpu.memory_space<hbm>>
    %dma_wait3A_2637 = arith.constant 11776 : i32
    %dma_wait3A_2638 = tpu.memref_slice %arg5[%dma_wait3A_2637] : memref<13312xi32, #tpu.memory_space<vmem>> -> memref<512xi32, #tpu.memory_space<vmem>>
    %dma_wait3A_2639 = tpu.memref_slice %arg2[%add3A_2633] : memref<425984xi32, #tpu.memory_space<hbm>> -> memref<512xi32, #tpu.memory_space<hbm>>
    tpu.wait_dma2 semaphore(%arg10 : memref<!tpu.dma_semaphore, #tpu.memory_space<semaphore_mem>>) src(%dma_wait3A_2639 : memref<512xi32, #tpu.memory_space<hbm>>) dst(%dma_wait3A_2638 : memref<512xi32, #tpu.memory_space<vmem>>)
    %add3A_2640 = arith.constant 768 : i32
    %add3A_2641 = arith.addi %add3A, %add3A_2640 : i32
    %jit3A_2642 = arith.constant 32 : i32
    %div3A_2643 = arith.divsi %add3A_2641, %jit3A_2642 : i32
    %sign3A_2644 = arith.constant 0 : i32
    %sign3A_2645 = arith.cmpi sgt, %add3A_2641, %sign3A_2644 : i32
    %sign3A_2646 = arith.extui %sign3A_2645 : i1 to i32
    %sign3A_2647 = arith.constant 0 : i32
    %sign3A_2648 = arith.cmpi slt, %add3A_2641, %sign3A_2647 : i32
    %sign3A_2649 = arith.extui %sign3A_2648 : i1 to i32
    %sign3A_2650 = arith.subi %sign3A_2646, %sign3A_2649 : i32
    %sign3A_2651 = arith.constant 0 : i32
    %sign3A_2652 = arith.cmpi sgt, %jit3A_2642, %sign3A_2651 : i32
    %sign3A_2653 = arith.extui %sign3A_2652 : i1 to i32
    %sign3A_2654 = arith.constant 0 : i32
    %sign3A_2655 = arith.cmpi slt, %jit3A_2642, %sign3A_2654 : i32
    %sign3A_2656 = arith.extui %sign3A_2655 : i1 to i32
    %sign3A_2657 = arith.subi %sign3A_2653, %sign3A_2656 : i32
    %ne3A_2658 = arith.cmpi ne, %sign3A_2650, %sign3A_2657 : i32
    %rem3A_2659 = arith.remsi %add3A_2641, %jit3A_2642 : i32
    %ne3A_2660 = arith.constant 0 : i32
    %ne3A_2661 = arith.cmpi ne, %rem3A_2659, %ne3A_2660 : i32
    %and3A_2662 = arith.andi %ne3A_2658, %ne3A_2661 : i1
    %sub3A_2663 = arith.constant 1 : i32
    %sub3A_2664 = arith.subi %div3A_2643, %sub3A_2663 : i32
    %select_n3A_2665 = arith.select %and3A_2662, %sub3A_2664, %div3A_2643 : i32
    %jit3A_2666 = arith.constant 32 : i32
    %eq3A_2667 = arith.constant 0 : i32
    %eq3A_2668 = arith.cmpi eq, %jit3A_2666, %eq3A_2667 : i32
    %jit3A_2669 = arith.constant 1 : i32
    %select_n3A_2670 = arith.select %eq3A_2668, %jit3A_2669, %jit3A_2666 : i32
    %rem3A_2671 = arith.remsi %add3A_2641, %select_n3A_2670 : i32
    %ne3A_2672 = arith.constant 0 : i32
    %ne3A_2673 = arith.cmpi ne, %rem3A_2671, %ne3A_2672 : i32
    %lt3A_2674 = arith.constant 0 : i32
    %lt3A_2675 = arith.cmpi slt, %rem3A_2671, %lt3A_2674 : i32
    %lt3A_2676 = arith.constant 0 : i32
    %lt3A_2677 = arith.cmpi slt, %select_n3A_2670, %lt3A_2676 : i32
    %ne3A_2678 = arith.xori %lt3A_2675, %lt3A_2677 : i1
    %and3A_2679 = arith.andi %ne3A_2678, %ne3A_2673 : i1
    %add3A_2680 = arith.addi %rem3A_2671, %select_n3A_2670 : i32
    %select_n3A_2681 = arith.select %and3A_2679, %add3A_2680, %rem3A_2671 : i32
    %mul3A_2682 = arith.constant 16384 : i32
    %mul3A_2683 = arith.muli %select_n3A_2665, %mul3A_2682 : i32
    %mul3A_2684 = arith.constant 512 : i32
    %mul3A_2685 = arith.muli %select_n3A_2681, %mul3A_2684 : i32
    %add3A_2686 = arith.addi %mul3A_2683, %mul3A_2685 : i32
    %dma_wait3A_2687 = arith.constant 12288 : i32
    %dma_wait3A_2688 = tpu.memref_slice %arg5[%dma_wait3A_2687] : memref<13312xi32, #tpu.memory_space<vmem>> -> memref<512xi32, #tpu.memory_space<vmem>>
    %dma_wait3A_2689 = tpu.memref_slice %arg2[%add3A_2686] : memref<425984xi32, #tpu.memory_space<hbm>> -> memref<512xi32, #tpu.memory_space<hbm>>
    %dma_wait3A_2690 = arith.constant 12288 : i32
    %dma_wait3A_2691 = tpu.memref_slice %arg5[%dma_wait3A_2690] : memref<13312xi32, #tpu.memory_space<vmem>> -> memref<512xi32, #tpu.memory_space<vmem>>
    %dma_wait3A_2692 = tpu.memref_slice %arg2[%add3A_2686] : memref<425984xi32, #tpu.memory_space<hbm>> -> memref<512xi32, #tpu.memory_space<hbm>>
    tpu.wait_dma2 semaphore(%arg10 : memref<!tpu.dma_semaphore, #tpu.memory_space<semaphore_mem>>) src(%dma_wait3A_2692 : memref<512xi32, #tpu.memory_space<hbm>>) dst(%dma_wait3A_2691 : memref<512xi32, #tpu.memory_space<vmem>>)
    %add3A_2693 = arith.constant 800 : i32
    %add3A_2694 = arith.addi %add3A, %add3A_2693 : i32
    %jit3A_2695 = arith.constant 32 : i32
    %div3A_2696 = arith.divsi %add3A_2694, %jit3A_2695 : i32
    %sign3A_2697 = arith.constant 0 : i32
    %sign3A_2698 = arith.cmpi sgt, %add3A_2694, %sign3A_2697 : i32
    %sign3A_2699 = arith.extui %sign3A_2698 : i1 to i32
    %sign3A_2700 = arith.constant 0 : i32
    %sign3A_2701 = arith.cmpi slt, %add3A_2694, %sign3A_2700 : i32
    %sign3A_2702 = arith.extui %sign3A_2701 : i1 to i32
    %sign3A_2703 = arith.subi %sign3A_2699, %sign3A_2702 : i32
    %sign3A_2704 = arith.constant 0 : i32
    %sign3A_2705 = arith.cmpi sgt, %jit3A_2695, %sign3A_2704 : i32
    %sign3A_2706 = arith.extui %sign3A_2705 : i1 to i32
    %sign3A_2707 = arith.constant 0 : i32
    %sign3A_2708 = arith.cmpi slt, %jit3A_2695, %sign3A_2707 : i32
    %sign3A_2709 = arith.extui %sign3A_2708 : i1 to i32
    %sign3A_2710 = arith.subi %sign3A_2706, %sign3A_2709 : i32
    %ne3A_2711 = arith.cmpi ne, %sign3A_2703, %sign3A_2710 : i32
    %rem3A_2712 = arith.remsi %add3A_2694, %jit3A_2695 : i32
    %ne3A_2713 = arith.constant 0 : i32
    %ne3A_2714 = arith.cmpi ne, %rem3A_2712, %ne3A_2713 : i32
    %and3A_2715 = arith.andi %ne3A_2711, %ne3A_2714 : i1
    %sub3A_2716 = arith.constant 1 : i32
    %sub3A_2717 = arith.subi %div3A_2696, %sub3A_2716 : i32
    %select_n3A_2718 = arith.select %and3A_2715, %sub3A_2717, %div3A_2696 : i32
    %jit3A_2719 = arith.constant 32 : i32
    %eq3A_2720 = arith.constant 0 : i32
    %eq3A_2721 = arith.cmpi eq, %jit3A_2719, %eq3A_2720 : i32
    %jit3A_2722 = arith.constant 1 : i32
    %select_n3A_2723 = arith.select %eq3A_2721, %jit3A_2722, %jit3A_2719 : i32
    %rem3A_2724 = arith.remsi %add3A_2694, %select_n3A_2723 : i32
    %ne3A_2725 = arith.constant 0 : i32
    %ne3A_2726 = arith.cmpi ne, %rem3A_2724, %ne3A_2725 : i32
    %lt3A_2727 = arith.constant 0 : i32
    %lt3A_2728 = arith.cmpi slt, %rem3A_2724, %lt3A_2727 : i32
    %lt3A_2729 = arith.constant 0 : i32
    %lt3A_2730 = arith.cmpi slt, %select_n3A_2723, %lt3A_2729 : i32
    %ne3A_2731 = arith.xori %lt3A_2728, %lt3A_2730 : i1
    %and3A_2732 = arith.andi %ne3A_2731, %ne3A_2726 : i1
    %add3A_2733 = arith.addi %rem3A_2724, %select_n3A_2723 : i32
    %select_n3A_2734 = arith.select %and3A_2732, %add3A_2733, %rem3A_2724 : i32
    %mul3A_2735 = arith.constant 16384 : i32
    %mul3A_2736 = arith.muli %select_n3A_2718, %mul3A_2735 : i32
    %mul3A_2737 = arith.constant 512 : i32
    %mul3A_2738 = arith.muli %select_n3A_2734, %mul3A_2737 : i32
    %add3A_2739 = arith.addi %mul3A_2736, %mul3A_2738 : i32
    %dma_wait3A_2740 = arith.constant 12800 : i32
    %dma_wait3A_2741 = tpu.memref_slice %arg5[%dma_wait3A_2740] : memref<13312xi32, #tpu.memory_space<vmem>> -> memref<512xi32, #tpu.memory_space<vmem>>
    %dma_wait3A_2742 = tpu.memref_slice %arg2[%add3A_2739] : memref<425984xi32, #tpu.memory_space<hbm>> -> memref<512xi32, #tpu.memory_space<hbm>>
    %dma_wait3A_2743 = arith.constant 12800 : i32
    %dma_wait3A_2744 = tpu.memref_slice %arg5[%dma_wait3A_2743] : memref<13312xi32, #tpu.memory_space<vmem>> -> memref<512xi32, #tpu.memory_space<vmem>>
    %dma_wait3A_2745 = tpu.memref_slice %arg2[%add3A_2739] : memref<425984xi32, #tpu.memory_space<hbm>> -> memref<512xi32, #tpu.memory_space<hbm>>
    tpu.wait_dma2 semaphore(%arg10 : memref<!tpu.dma_semaphore, #tpu.memory_space<semaphore_mem>>) src(%dma_wait3A_2745 : memref<512xi32, #tpu.memory_space<hbm>>) dst(%dma_wait3A_2744 : memref<512xi32, #tpu.memory_space<vmem>>)
    %add3A_2746 = arith.constant 16 : i32
    %add3A_2747 = vector.broadcast %add3A_2746 : i32 to vector<16xi32>
    %add3A_2748 = arith.addi %iota3A, %add3A_2747 : vector<16xi32>
    %dma_start3A_2749 = arith.constant 0 : i32
    %dma_start3A_2750 = tpu.memref_slice %arg5[%dma_start3A_2749] : memref<13312xi32, #tpu.memory_space<vmem>> -> memref<512xi32, #tpu.memory_space<vmem>>
    %dma_start3A_2751 = arith.constant 0 : i32
    %dma_start3A_2752 = arith.constant 0 : i32
    %dma_start3A_2753 = tpu.memref_slice %arg3[%dma_start3A_2751, %dma_start3A_2752] : memref<1000000x32xf32, #tpu.memory_space<hbm>> -> memref<1000000x32xf32, #tpu.memory_space<hbm>>
    tpu.enqueue_indirect_dma source(%dma_start3A_2753 : memref<1000000x32xf32, #tpu.memory_space<hbm>>) target(%arg6 : memref<512x32xf32, #tpu.memory_space<vmem>>) offsets(%dma_start3A_2750 : memref<512xi32, #tpu.memory_space<vmem>>) semaphore(%arg11 : memref<!tpu.dma_semaphore, #tpu.memory_space<semaphore_mem>>)
    %dma_start3A_2754 = arith.constant 512 : i32
    %dma_start3A_2755 = tpu.memref_slice %arg5[%dma_start3A_2754] : memref<13312xi32, #tpu.memory_space<vmem>> -> memref<512xi32, #tpu.memory_space<vmem>>
    %dma_start3A_2756 = arith.constant 0 : i32
    %dma_start3A_2757 = arith.constant 0 : i32
    %dma_start3A_2758 = tpu.memref_slice %arg3[%dma_start3A_2756, %dma_start3A_2757] : memref<1000000x32xf32, #tpu.memory_space<hbm>> -> memref<1000000x32xf32, #tpu.memory_space<hbm>>
    tpu.enqueue_indirect_dma source(%dma_start3A_2758 : memref<1000000x32xf32, #tpu.memory_space<hbm>>) target(%arg7 : memref<512x32xf32, #tpu.memory_space<vmem>>) offsets(%dma_start3A_2755 : memref<512xi32, #tpu.memory_space<vmem>>) semaphore(%arg12 : memref<!tpu.dma_semaphore, #tpu.memory_space<semaphore_mem>>)
    %scan3A = arith.constant 0 : i32
    %scan3A_2759 = arith.constant 0 : i32
    %scan3A_2760 = arith.constant 13 : i32
    %scan3A_2761 = arith.addi %scan3A_2759, %scan3A_2760 : i32
    %scan3A_2762 = arith.constant 1 : i32
    scf.for %scan3A_2876 = %scan3A_2759 to %scan3A_2761 step %scan3A_2762  : i32 {
      %mul3A_2877 = arith.constant 2 : i32
      %mul3A_2878 = arith.muli %scan3A_2876, %mul3A_2877 : i32
      %add3A_2879 = arith.constant 0 : i32
      %add3A_2880 = arith.addi %mul3A_2878, %add3A_2879 : i32
      %mul3A_2881 = arith.constant 512 : i32
      %mul3A_2882 = arith.muli %add3A_2880, %mul3A_2881 : i32
      %dma_wait3A_2883 = tpu.memref_slice %arg5[%mul3A_2882] : memref<13312xi32, #tpu.memory_space<vmem>> -> memref<512xi32, #tpu.memory_space<vmem>>
      %dma_wait3A_2884 = arith.constant 0 : i32
      %dma_wait3A_2885 = arith.constant 0 : i32
      %dma_wait3A_2886 = tpu.memref_slice %arg3[%dma_wait3A_2884, %dma_wait3A_2885] : memref<1000000x32xf32, #tpu.memory_space<hbm>> -> memref<1000000x32xf32, #tpu.memory_space<hbm>>
      tpu.wait_indirect_dma semaphore(%arg11 : memref<!tpu.dma_semaphore, #tpu.memory_space<semaphore_mem>>) src(%dma_wait3A_2886 : memref<1000000x32xf32, #tpu.memory_space<hbm>>) dst(%arg6 : memref<512x32xf32, #tpu.memory_space<vmem>>)
      %gt3A = arith.constant 0 : i32
      %gt3A_2887 = arith.cmpi sgt, %scan3A_2876, %gt3A : i32
      %convert_element_type3A = arith.extui %gt3A_2887 : i1 to i32
      %cond3A = arith.constant 0 : i32
      %cond3A_2888 = arith.cmpi ne, %convert_element_type3A, %cond3A : i32
      scf.if %cond3A_2888 {
        %sub3A_3035 = arith.constant 2 : i32
        %sub3A_3036 = arith.subi %add3A_2880, %sub3A_3035 : i32
        %mul3A_3037 = arith.constant 32 : i32
        %mul3A_3038 = arith.muli %mul3A_3037, %sub3A_3036 : i32
        %add3A_3039 = arith.addi %add3A, %mul3A_3038 : i32
        %jit3A_3040 = arith.constant 32 : i32
        %div3A_3041 = arith.divsi %add3A_3039, %jit3A_3040 : i32
        %sign3A_3042 = arith.constant 0 : i32
        %sign3A_3043 = arith.cmpi sgt, %add3A_3039, %sign3A_3042 : i32
        %sign3A_3044 = arith.extui %sign3A_3043 : i1 to i32
        %sign3A_3045 = arith.constant 0 : i32
        %sign3A_3046 = arith.cmpi slt, %add3A_3039, %sign3A_3045 : i32
        %sign3A_3047 = arith.extui %sign3A_3046 : i1 to i32
        %sign3A_3048 = arith.subi %sign3A_3044, %sign3A_3047 : i32
        %sign3A_3049 = arith.constant 0 : i32
        %sign3A_3050 = arith.cmpi sgt, %jit3A_3040, %sign3A_3049 : i32
        %sign3A_3051 = arith.extui %sign3A_3050 : i1 to i32
        %sign3A_3052 = arith.constant 0 : i32
        %sign3A_3053 = arith.cmpi slt, %jit3A_3040, %sign3A_3052 : i32
        %sign3A_3054 = arith.extui %sign3A_3053 : i1 to i32
        %sign3A_3055 = arith.subi %sign3A_3051, %sign3A_3054 : i32
        %ne3A_3056 = arith.cmpi ne, %sign3A_3048, %sign3A_3055 : i32
        %rem3A_3057 = arith.remsi %add3A_3039, %jit3A_3040 : i32
        %ne3A_3058 = arith.constant 0 : i32
        %ne3A_3059 = arith.cmpi ne, %rem3A_3057, %ne3A_3058 : i32
        %and3A_3060 = arith.andi %ne3A_3056, %ne3A_3059 : i1
        %sub3A_3061 = arith.constant 1 : i32
        %sub3A_3062 = arith.subi %div3A_3041, %sub3A_3061 : i32
        %select_n3A_3063 = arith.select %and3A_3060, %sub3A_3062, %div3A_3041 : i32
        %jit3A_3064 = arith.constant 32 : i32
        %eq3A_3065 = arith.constant 0 : i32
        %eq3A_3066 = arith.cmpi eq, %jit3A_3064, %eq3A_3065 : i32
        %jit3A_3067 = arith.constant 1 : i32
        %select_n3A_3068 = arith.select %eq3A_3066, %jit3A_3067, %jit3A_3064 : i32
        %rem3A_3069 = arith.remsi %add3A_3039, %select_n3A_3068 : i32
        %ne3A_3070 = arith.constant 0 : i32
        %ne3A_3071 = arith.cmpi ne, %rem3A_3069, %ne3A_3070 : i32
        %lt3A_3072 = arith.constant 0 : i32
        %lt3A_3073 = arith.cmpi slt, %rem3A_3069, %lt3A_3072 : i32
        %lt3A_3074 = arith.constant 0 : i32
        %lt3A_3075 = arith.cmpi slt, %select_n3A_3068, %lt3A_3074 : i32
        %ne3A_3076 = arith.xori %lt3A_3073, %lt3A_3075 : i1
        %and3A_3077 = arith.andi %ne3A_3076, %ne3A_3071 : i1
        %add3A_3078 = arith.addi %rem3A_3069, %select_n3A_3068 : i32
        %select_n3A_3079 = arith.select %and3A_3077, %add3A_3078, %rem3A_3069 : i32
        %mul3A_3080 = arith.constant 512 : i32
        %mul3A_3081 = arith.muli %select_n3A_3079, %mul3A_3080 : i32
        %dma_wait3A_3082 = arith.constant 0 : i32
        %dma_wait3A_3083 = arith.constant 0 : i32
        %dma_wait3A_3084 = tpu.memref_slice %arg8[%dma_wait3A_3082, %dma_wait3A_3083] : memref<32x513xf32, #tpu.memory_space<vmem>> -> memref<32x512xf32, #tpu.memory_space<vmem>>
        %dma_wait3A_3085 = arith.constant 0 : i32
        %dma_wait3A_3086 = tpu.memref_slice %arg4[%select_n3A_3063, %dma_wait3A_3085, %mul3A_3081] : memref<26x32x16384xf32, #tpu.memory_space<hbm>> -> memref<1x32x512xf32, #tpu.memory_space<hbm>>
        %dma_wait3A_3087 = tpu.memref_squeeze %dma_wait3A_3086 : memref<1x32x512xf32, #tpu.memory_space<hbm>> -> memref<32x512xf32, #tpu.memory_space<hbm>>
        %dma_wait3A_3088 = arith.constant 0 : i32
        %dma_wait3A_3089 = tpu.memref_slice %arg4[%select_n3A_3063, %dma_wait3A_3088, %mul3A_3081] : memref<26x32x16384xf32, #tpu.memory_space<hbm>> -> memref<1x32x512xf32, #tpu.memory_space<hbm>>
        %dma_wait3A_3090 = tpu.memref_squeeze %dma_wait3A_3089 : memref<1x32x512xf32, #tpu.memory_space<hbm>> -> memref<32x512xf32, #tpu.memory_space<hbm>>
        %dma_wait3A_3091 = arith.constant 0 : i32
        %dma_wait3A_3092 = arith.constant 0 : i32
        %dma_wait3A_3093 = tpu.memref_slice %arg8[%dma_wait3A_3091, %dma_wait3A_3092] : memref<32x513xf32, #tpu.memory_space<vmem>> -> memref<32x512xf32, #tpu.memory_space<vmem>>
        tpu.wait_dma2 semaphore(%arg13 : memref<!tpu.dma_semaphore, #tpu.memory_space<semaphore_mem>>) src(%dma_wait3A_3093 : memref<32x512xf32, #tpu.memory_space<vmem>>) dst(%dma_wait3A_3090 : memref<32x512xf32, #tpu.memory_space<hbm>>)
      } else {
      }
      %parallel_loop3A = arith.constant 0 : i32
      %parallel_loop3A_2889 = arith.constant 512 : i32
      %parallel_loop3A_2890 = arith.constant 1 : i32
      %parallel_loop3A_2891 = scf.for %parallel_loop3A_3035 = %parallel_loop3A to %parallel_loop3A_2889 step %parallel_loop3A_2890 iter_args(%parallel_loop3A_3036 = %broadcast_in_dim3A_1) -> (vector<16xi32>)  : i32 {
        %parallel_loop3A_3037 = arith.index_cast %parallel_loop3A_3035 : i32 to index
        %parallel_loop3A_3038 = arith.constant 0 : index
        %parallel_loop3A_3039 = tpu.vector_load %arg6[%parallel_loop3A_3037, %parallel_loop3A_3038] {strides = array<i32>} : memref<512x32xf32, #tpu.memory_space<vmem>>, vector<16xf32>,
        tpu.vector_store_idx %arg8[%iota3A, %parallel_loop3A_3036], %parallel_loop3A_3039 : memref<32x513xf32, #tpu.memory_space<vmem>>[vector<16xi32>, vector<16xi32>], vector<16xf32>,
        %parallel_loop3A_3040 = arith.index_cast %parallel_loop3A_3035 : i32 to index
        %parallel_loop3A_3041 = arith.constant 16 : index
        %parallel_loop3A_3042 = tpu.vector_load %arg6[%parallel_loop3A_3040, %parallel_loop3A_3041] {strides = array<i32>} : memref<512x32xf32, #tpu.memory_space<vmem>>, vector<16xf32>,
        tpu.vector_store_idx %arg8[%add3A_2748, %parallel_loop3A_3036], %parallel_loop3A_3042 : memref<32x513xf32, #tpu.memory_space<vmem>>[vector<16xi32>, vector<16xi32>], vector<16xf32>,
        %parallel_loop3A_3043 = arith.constant 1 : i32
        %parallel_loop3A_3044 = vector.broadcast %parallel_loop3A_3043 : i32 to vector<16xi32>
        %parallel_loop3A_3045 = arith.addi %parallel_loop3A_3036, %parallel_loop3A_3044 : vector<16xi32>
        scf.yield %parallel_loop3A_3045 : vector<16xi32>
      } {sc.loop_unroll_factor = 8 : i64, sc.parallel_access}
      %mul3A_2892 = arith.constant 32 : i32
      %mul3A_2893 = arith.muli %mul3A_2892, %add3A_2880 : i32
      %add3A_2894 = arith.addi %add3A, %mul3A_2893 : i32
      %jit3A_2895 = arith.constant 32 : i32
      %div3A_2896 = arith.divsi %add3A_2894, %jit3A_2895 : i32
      %sign3A_2897 = arith.constant 0 : i32
      %sign3A_2898 = arith.cmpi sgt, %add3A_2894, %sign3A_2897 : i32
      %sign3A_2899 = arith.extui %sign3A_2898 : i1 to i32
      %sign3A_2900 = arith.constant 0 : i32
      %sign3A_2901 = arith.cmpi slt, %add3A_2894, %sign3A_2900 : i32
      %sign3A_2902 = arith.extui %sign3A_2901 : i1 to i32
      %sign3A_2903 = arith.subi %sign3A_2899, %sign3A_2902 : i32
      %sign3A_2904 = arith.constant 0 : i32
      %sign3A_2905 = arith.cmpi sgt, %jit3A_2895, %sign3A_2904 : i32
      %sign3A_2906 = arith.extui %sign3A_2905 : i1 to i32
      %sign3A_2907 = arith.constant 0 : i32
      %sign3A_2908 = arith.cmpi slt, %jit3A_2895, %sign3A_2907 : i32
      %sign3A_2909 = arith.extui %sign3A_2908 : i1 to i32
      %sign3A_2910 = arith.subi %sign3A_2906, %sign3A_2909 : i32
      %ne3A_2911 = arith.cmpi ne, %sign3A_2903, %sign3A_2910 : i32
      %rem3A_2912 = arith.remsi %add3A_2894, %jit3A_2895 : i32
      %ne3A_2913 = arith.constant 0 : i32
      %ne3A_2914 = arith.cmpi ne, %rem3A_2912, %ne3A_2913 : i32
      %and3A_2915 = arith.andi %ne3A_2911, %ne3A_2914 : i1
      %sub3A_2916 = arith.constant 1 : i32
      %sub3A_2917 = arith.subi %div3A_2896, %sub3A_2916 : i32
      %select_n3A_2918 = arith.select %and3A_2915, %sub3A_2917, %div3A_2896 : i32
      %jit3A_2919 = arith.constant 32 : i32
      %eq3A_2920 = arith.constant 0 : i32
      %eq3A_2921 = arith.cmpi eq, %jit3A_2919, %eq3A_2920 : i32
      %jit3A_2922 = arith.constant 1 : i32
      %select_n3A_2923 = arith.select %eq3A_2921, %jit3A_2922, %jit3A_2919 : i32
      %rem3A_2924 = arith.remsi %add3A_2894, %select_n3A_2923 : i32
      %ne3A_2925 = arith.constant 0 : i32
      %ne3A_2926 = arith.cmpi ne, %rem3A_2924, %ne3A_2925 : i32
      %lt3A_2927 = arith.constant 0 : i32
      %lt3A_2928 = arith.cmpi slt, %rem3A_2924, %lt3A_2927 : i32
      %lt3A_2929 = arith.constant 0 : i32
      %lt3A_2930 = arith.cmpi slt, %select_n3A_2923, %lt3A_2929 : i32
      %ne3A_2931 = arith.xori %lt3A_2928, %lt3A_2930 : i1
      %and3A_2932 = arith.andi %ne3A_2931, %ne3A_2926 : i1
      %add3A_2933 = arith.addi %rem3A_2924, %select_n3A_2923 : i32
      %select_n3A_2934 = arith.select %and3A_2932, %add3A_2933, %rem3A_2924 : i32
      %mul3A_2935 = arith.constant 512 : i32
      %mul3A_2936 = arith.muli %select_n3A_2934, %mul3A_2935 : i32
      %dma_start3A_2937 = arith.constant 0 : i32
      %dma_start3A_2938 = arith.constant 0 : i32
      %dma_start3A_2939 = tpu.memref_slice %arg8[%dma_start3A_2937, %dma_start3A_2938] : memref<32x513xf32, #tpu.memory_space<vmem>> -> memref<32x512xf32, #tpu.memory_space<vmem>>
      %dma_start3A_2940 = arith.constant 0 : i32
      %dma_start3A_2941 = tpu.memref_slice %arg4[%select_n3A_2918, %dma_start3A_2940, %mul3A_2936] : memref<26x32x16384xf32, #tpu.memory_space<hbm>> -> memref<1x32x512xf32, #tpu.memory_space<hbm>>
      %dma_start3A_2942 = tpu.memref_squeeze %dma_start3A_2941 : memref<1x32x512xf32, #tpu.memory_space<hbm>> -> memref<32x512xf32, #tpu.memory_space<hbm>>
      %dma_start3A_2943 = arith.constant 0 : i32
      %dma_start3A_2944 = tpu.memref_slice %arg4[%select_n3A_2918, %dma_start3A_2943, %mul3A_2936] : memref<26x32x16384xf32, #tpu.memory_space<hbm>> -> memref<1x32x512xf32, #tpu.memory_space<hbm>>
      %dma_start3A_2945 = tpu.memref_squeeze %dma_start3A_2944 : memref<1x32x512xf32, #tpu.memory_space<hbm>> -> memref<32x512xf32, #tpu.memory_space<hbm>>
      %dma_start3A_2946 = arith.constant 0 : i32
      %dma_start3A_2947 = arith.constant 0 : i32
      %dma_start3A_2948 = tpu.memref_slice %arg8[%dma_start3A_2946, %dma_start3A_2947] : memref<32x513xf32, #tpu.memory_space<vmem>> -> memref<32x512xf32, #tpu.memory_space<vmem>>
      tpu.enqueue_dma source(%dma_start3A_2948 : memref<32x512xf32, #tpu.memory_space<vmem>>) target(%dma_start3A_2945 : memref<32x512xf32, #tpu.memory_space<hbm>>) target_semaphore(%arg13 : memref<!tpu.dma_semaphore, #tpu.memory_space<semaphore_mem>>)
      %lt3A_2949 = arith.constant 12 : i32
      %lt3A_2950 = arith.cmpi slt, %scan3A_2876, %lt3A_2949 : i32
      %convert_element_type3A_2951 = arith.extui %lt3A_2950 : i1 to i32
      %cond3A_2952 = arith.constant 0 : i32
      %cond3A_2953 = arith.cmpi ne, %convert_element_type3A_2951, %cond3A_2952 : i32
      scf.if %cond3A_2953 {
        %add3A_3035 = arith.constant 2 : i32
        %add3A_3036 = arith.addi %add3A_2880, %add3A_3035 : i32
        %mul3A_3037 = arith.constant 512 : i32
        %mul3A_3038 = arith.muli %add3A_3036, %mul3A_3037 : i32
        %dma_start3A_3039 = tpu.memref_slice %arg5[%mul3A_3038] : memref<13312xi32, #tpu.memory_space<vmem>> -> memref<512xi32, #tpu.memory_space<vmem>>
        %dma_start3A_3040 = arith.constant 0 : i32
        %dma_start3A_3041 = arith.constant 0 : i32
        %dma_start3A_3042 = tpu.memref_slice %arg3[%dma_start3A_3040, %dma_start3A_3041] : memref<1000000x32xf32, #tpu.memory_space<hbm>> -> memref<1000000x32xf32, #tpu.memory_space<hbm>>
        tpu.enqueue_indirect_dma source(%dma_start3A_3042 : memref<1000000x32xf32, #tpu.memory_space<hbm>>) target(%arg6 : memref<512x32xf32, #tpu.memory_space<vmem>>) offsets(%dma_start3A_3039 : memref<512xi32, #tpu.memory_space<vmem>>) semaphore(%arg11 : memref<!tpu.dma_semaphore, #tpu.memory_space<semaphore_mem>>)
      } else {
      }
      %mul3A_2954 = arith.constant 2 : i32
      %mul3A_2955 = arith.muli %scan3A_2876, %mul3A_2954 : i32
      %add3A_2956 = arith.constant 1 : i32
      %add3A_2957 = arith.addi %mul3A_2955, %add3A_2956 : i32
      %mul3A_2958 = arith.constant 512 : i32
      %mul3A_2959 = arith.muli %add3A_2957, %mul3A_2958 : i32
      %dma_wait3A_2960 = tpu.memref_slice %arg5[%mul3A_2959] : memref<13312xi32, #tpu.memory_space<vmem>> -> memref<512xi32, #tpu.memory_space<vmem>>
      %dma_wait3A_2961 = arith.constant 0 : i32
      %dma_wait3A_2962 = arith.constant 0 : i32
      %dma_wait3A_2963 = tpu.memref_slice %arg3[%dma_wait3A_2961, %dma_wait3A_2962] : memref<1000000x32xf32, #tpu.memory_space<hbm>> -> memref<1000000x32xf32, #tpu.memory_space<hbm>>
      tpu.wait_indirect_dma semaphore(%arg12 : memref<!tpu.dma_semaphore, #tpu.memory_space<semaphore_mem>>) src(%dma_wait3A_2963 : memref<1000000x32xf32, #tpu.memory_space<hbm>>) dst(%arg7 : memref<512x32xf32, #tpu.memory_space<vmem>>)
      %gt3A_2964 = arith.constant 0 : i32
      %gt3A_2965 = arith.cmpi sgt, %scan3A_2876, %gt3A_2964 : i32
      %convert_element_type3A_2966 = arith.extui %gt3A_2965 : i1 to i32
      %cond3A_2967 = arith.constant 0 : i32
      %cond3A_2968 = arith.cmpi ne, %convert_element_type3A_2966, %cond3A_2967 : i32
      scf.if %cond3A_2968 {
        %sub3A_3035 = arith.constant 2 : i32
        %sub3A_3036 = arith.subi %add3A_2957, %sub3A_3035 : i32
        %mul3A_3037 = arith.constant 32 : i32
        %mul3A_3038 = arith.muli %mul3A_3037, %sub3A_3036 : i32
        %add3A_3039 = arith.addi %add3A, %mul3A_3038 : i32
        %jit3A_3040 = arith.constant 32 : i32
        %div3A_3041 = arith.divsi %add3A_3039, %jit3A_3040 : i32
        %sign3A_3042 = arith.constant 0 : i32
        %sign3A_3043 = arith.cmpi sgt, %add3A_3039, %sign3A_3042 : i32
        %sign3A_3044 = arith.extui %sign3A_3043 : i1 to i32
        %sign3A_3045 = arith.constant 0 : i32
        %sign3A_3046 = arith.cmpi slt, %add3A_3039, %sign3A_3045 : i32
        %sign3A_3047 = arith.extui %sign3A_3046 : i1 to i32
        %sign3A_3048 = arith.subi %sign3A_3044, %sign3A_3047 : i32
        %sign3A_3049 = arith.constant 0 : i32
        %sign3A_3050 = arith.cmpi sgt, %jit3A_3040, %sign3A_3049 : i32
        %sign3A_3051 = arith.extui %sign3A_3050 : i1 to i32
        %sign3A_3052 = arith.constant 0 : i32
        %sign3A_3053 = arith.cmpi slt, %jit3A_3040, %sign3A_3052 : i32
        %sign3A_3054 = arith.extui %sign3A_3053 : i1 to i32
        %sign3A_3055 = arith.subi %sign3A_3051, %sign3A_3054 : i32
        %ne3A_3056 = arith.cmpi ne, %sign3A_3048, %sign3A_3055 : i32
        %rem3A_3057 = arith.remsi %add3A_3039, %jit3A_3040 : i32
        %ne3A_3058 = arith.constant 0 : i32
        %ne3A_3059 = arith.cmpi ne, %rem3A_3057, %ne3A_3058 : i32
        %and3A_3060 = arith.andi %ne3A_3056, %ne3A_3059 : i1
        %sub3A_3061 = arith.constant 1 : i32
        %sub3A_3062 = arith.subi %div3A_3041, %sub3A_3061 : i32
        %select_n3A_3063 = arith.select %and3A_3060, %sub3A_3062, %div3A_3041 : i32
        %jit3A_3064 = arith.constant 32 : i32
        %eq3A_3065 = arith.constant 0 : i32
        %eq3A_3066 = arith.cmpi eq, %jit3A_3064, %eq3A_3065 : i32
        %jit3A_3067 = arith.constant 1 : i32
        %select_n3A_3068 = arith.select %eq3A_3066, %jit3A_3067, %jit3A_3064 : i32
        %rem3A_3069 = arith.remsi %add3A_3039, %select_n3A_3068 : i32
        %ne3A_3070 = arith.constant 0 : i32
        %ne3A_3071 = arith.cmpi ne, %rem3A_3069, %ne3A_3070 : i32
        %lt3A_3072 = arith.constant 0 : i32
        %lt3A_3073 = arith.cmpi slt, %rem3A_3069, %lt3A_3072 : i32
        %lt3A_3074 = arith.constant 0 : i32
        %lt3A_3075 = arith.cmpi slt, %select_n3A_3068, %lt3A_3074 : i32
        %ne3A_3076 = arith.xori %lt3A_3073, %lt3A_3075 : i1
        %and3A_3077 = arith.andi %ne3A_3076, %ne3A_3071 : i1
        %add3A_3078 = arith.addi %rem3A_3069, %select_n3A_3068 : i32
        %select_n3A_3079 = arith.select %and3A_3077, %add3A_3078, %rem3A_3069 : i32
        %mul3A_3080 = arith.constant 512 : i32
        %mul3A_3081 = arith.muli %select_n3A_3079, %mul3A_3080 : i32
        %dma_wait3A_3082 = arith.constant 0 : i32
        %dma_wait3A_3083 = arith.constant 0 : i32
        %dma_wait3A_3084 = tpu.memref_slice %arg9[%dma_wait3A_3082, %dma_wait3A_3083] : memref<32x513xf32, #tpu.memory_space<vmem>> -> memref<32x512xf32, #tpu.memory_space<vmem>>
        %dma_wait3A_3085 = arith.constant 0 : i32
        %dma_wait3A_3086 = tpu.memref_slice %arg4[%select_n3A_3063, %dma_wait3A_3085, %mul3A_3081] : memref<26x32x16384xf32, #tpu.memory_space<hbm>> -> memref<1x32x512xf32, #tpu.memory_space<hbm>>
        %dma_wait3A_3087 = tpu.memref_squeeze %dma_wait3A_3086 : memref<1x32x512xf32, #tpu.memory_space<hbm>> -> memref<32x512xf32, #tpu.memory_space<hbm>>
        %dma_wait3A_3088 = arith.constant 0 : i32
        %dma_wait3A_3089 = tpu.memref_slice %arg4[%select_n3A_3063, %dma_wait3A_3088, %mul3A_3081] : memref<26x32x16384xf32, #tpu.memory_space<hbm>> -> memref<1x32x512xf32, #tpu.memory_space<hbm>>
        %dma_wait3A_3090 = tpu.memref_squeeze %dma_wait3A_3089 : memref<1x32x512xf32, #tpu.memory_space<hbm>> -> memref<32x512xf32, #tpu.memory_space<hbm>>
        %dma_wait3A_3091 = arith.constant 0 : i32
        %dma_wait3A_3092 = arith.constant 0 : i32
        %dma_wait3A_3093 = tpu.memref_slice %arg9[%dma_wait3A_3091, %dma_wait3A_3092] : memref<32x513xf32, #tpu.memory_space<vmem>> -> memref<32x512xf32, #tpu.memory_space<vmem>>
        tpu.wait_dma2 semaphore(%arg14 : memref<!tpu.dma_semaphore, #tpu.memory_space<semaphore_mem>>) src(%dma_wait3A_3093 : memref<32x512xf32, #tpu.memory_space<vmem>>) dst(%dma_wait3A_3090 : memref<32x512xf32, #tpu.memory_space<hbm>>)
      } else {
      }
      %parallel_loop3A_2969 = arith.constant 0 : i32
      %parallel_loop3A_2970 = arith.constant 512 : i32
      %parallel_loop3A_2971 = arith.constant 1 : i32
      %parallel_loop3A_2972 = scf.for %parallel_loop3A_3035 = %parallel_loop3A_2969 to %parallel_loop3A_2970 step %parallel_loop3A_2971 iter_args(%parallel_loop3A_3036 = %broadcast_in_dim3A_1) -> (vector<16xi32>)  : i32 {
        %parallel_loop3A_3037 = arith.index_cast %parallel_loop3A_3035 : i32 to index
        %parallel_loop3A_3038 = arith.constant 0 : index
        %parallel_loop3A_3039 = tpu.vector_load %arg7[%parallel_loop3A_3037, %parallel_loop3A_3038] {strides = array<i32>} : memref<512x32xf32, #tpu.memory_space<vmem>>, vector<16xf32>,
        tpu.vector_store_idx %arg9[%iota3A, %parallel_loop3A_3036], %parallel_loop3A_3039 : memref<32x513xf32, #tpu.memory_space<vmem>>[vector<16xi32>, vector<16xi32>], vector<16xf32>,
        %parallel_loop3A_3040 = arith.index_cast %parallel_loop3A_3035 : i32 to index
        %parallel_loop3A_3041 = arith.constant 16 : index
        %parallel_loop3A_3042 = tpu.vector_load %arg7[%parallel_loop3A_3040, %parallel_loop3A_3041] {strides = array<i32>} : memref<512x32xf32, #tpu.memory_space<vmem>>, vector<16xf32>,
        tpu.vector_store_idx %arg9[%add3A_2748, %parallel_loop3A_3036], %parallel_loop3A_3042 : memref<32x513xf32, #tpu.memory_space<vmem>>[vector<16xi32>, vector<16xi32>], vector<16xf32>,
        %parallel_loop3A_3043 = arith.constant 1 : i32
        %parallel_loop3A_3044 = vector.broadcast %parallel_loop3A_3043 : i32 to vector<16xi32>
        %parallel_loop3A_3045 = arith.addi %parallel_loop3A_3036, %parallel_loop3A_3044 : vector<16xi32>
        scf.yield %parallel_loop3A_3045 : vector<16xi32>
      } {sc.loop_unroll_factor = 8 : i64, sc.parallel_access}
      %mul3A_2973 = arith.constant 32 : i32
      %mul3A_2974 = arith.muli %mul3A_2973, %add3A_2957 : i32
      %add3A_2975 = arith.addi %add3A, %mul3A_2974 : i32
      %jit3A_2976 = arith.constant 32 : i32
      %div3A_2977 = arith.divsi %add3A_2975, %jit3A_2976 : i32
      %sign3A_2978 = arith.constant 0 : i32
      %sign3A_2979 = arith.cmpi sgt, %add3A_2975, %sign3A_2978 : i32
      %sign3A_2980 = arith.extui %sign3A_2979 : i1 to i32
      %sign3A_2981 = arith.constant 0 : i32
      %sign3A_2982 = arith.cmpi slt, %add3A_2975, %sign3A_2981 : i32
      %sign3A_2983 = arith.extui %sign3A_2982 : i1 to i32
      %sign3A_2984 = arith.subi %sign3A_2980, %sign3A_2983 : i32
      %sign3A_2985 = arith.constant 0 : i32
      %sign3A_2986 = arith.cmpi sgt, %jit3A_2976, %sign3A_2985 : i32
      %sign3A_2987 = arith.extui %sign3A_2986 : i1 to i32
      %sign3A_2988 = arith.constant 0 : i32
      %sign3A_2989 = arith.cmpi slt, %jit3A_2976, %sign3A_2988 : i32
      %sign3A_2990 = arith.extui %sign3A_2989 : i1 to i32
      %sign3A_2991 = arith.subi %sign3A_2987, %sign3A_2990 : i32
      %ne3A_2992 = arith.cmpi ne, %sign3A_2984, %sign3A_2991 : i32
      %rem3A_2993 = arith.remsi %add3A_2975, %jit3A_2976 : i32
      %ne3A_2994 = arith.constant 0 : i32
      %ne3A_2995 = arith.cmpi ne, %rem3A_2993, %ne3A_2994 : i32
      %and3A_2996 = arith.andi %ne3A_2992, %ne3A_2995 : i1
      %sub3A_2997 = arith.constant 1 : i32
      %sub3A_2998 = arith.subi %div3A_2977, %sub3A_2997 : i32
      %select_n3A_2999 = arith.select %and3A_2996, %sub3A_2998, %div3A_2977 : i32
      %jit3A_3000 = arith.constant 32 : i32
      %eq3A_3001 = arith.constant 0 : i32
      %eq3A_3002 = arith.cmpi eq, %jit3A_3000, %eq3A_3001 : i32
      %jit3A_3003 = arith.constant 1 : i32
      %select_n3A_3004 = arith.select %eq3A_3002, %jit3A_3003, %jit3A_3000 : i32
      %rem3A_3005 = arith.remsi %add3A_2975, %select_n3A_3004 : i32
      %ne3A_3006 = arith.constant 0 : i32
      %ne3A_3007 = arith.cmpi ne, %rem3A_3005, %ne3A_3006 : i32
      %lt3A_3008 = arith.constant 0 : i32
      %lt3A_3009 = arith.cmpi slt, %rem3A_3005, %lt3A_3008 : i32
      %lt3A_3010 = arith.constant 0 : i32
      %lt3A_3011 = arith.cmpi slt, %select_n3A_3004, %lt3A_3010 : i32
      %ne3A_3012 = arith.xori %lt3A_3009, %lt3A_3011 : i1
      %and3A_3013 = arith.andi %ne3A_3012, %ne3A_3007 : i1
      %add3A_3014 = arith.addi %rem3A_3005, %select_n3A_3004 : i32
      %select_n3A_3015 = arith.select %and3A_3013, %add3A_3014, %rem3A_3005 : i32
      %mul3A_3016 = arith.constant 512 : i32
      %mul3A_3017 = arith.muli %select_n3A_3015, %mul3A_3016 : i32
      %dma_start3A_3018 = arith.constant 0 : i32
      %dma_start3A_3019 = arith.constant 0 : i32
      %dma_start3A_3020 = tpu.memref_slice %arg9[%dma_start3A_3018, %dma_start3A_3019] : memref<32x513xf32, #tpu.memory_space<vmem>> -> memref<32x512xf32, #tpu.memory_space<vmem>>
      %dma_start3A_3021 = arith.constant 0 : i32
      %dma_start3A_3022 = tpu.memref_slice %arg4[%select_n3A_2999, %dma_start3A_3021, %mul3A_3017] : memref<26x32x16384xf32, #tpu.memory_space<hbm>> -> memref<1x32x512xf32, #tpu.memory_space<hbm>>
      %dma_start3A_3023 = tpu.memref_squeeze %dma_start3A_3022 : memref<1x32x512xf32, #tpu.memory_space<hbm>> -> memref<32x512xf32, #tpu.memory_space<hbm>>
      %dma_start3A_3024 = arith.constant 0 : i32
      %dma_start3A_3025 = tpu.memref_slice %arg4[%select_n3A_2999, %dma_start3A_3024, %mul3A_3017] : memref<26x32x16384xf32, #tpu.memory_space<hbm>> -> memref<1x32x512xf32, #tpu.memory_space<hbm>>
      %dma_start3A_3026 = tpu.memref_squeeze %dma_start3A_3025 : memref<1x32x512xf32, #tpu.memory_space<hbm>> -> memref<32x512xf32, #tpu.memory_space<hbm>>
      %dma_start3A_3027 = arith.constant 0 : i32
      %dma_start3A_3028 = arith.constant 0 : i32
      %dma_start3A_3029 = tpu.memref_slice %arg9[%dma_start3A_3027, %dma_start3A_3028] : memref<32x513xf32, #tpu.memory_space<vmem>> -> memref<32x512xf32, #tpu.memory_space<vmem>>
      tpu.enqueue_dma source(%dma_start3A_3029 : memref<32x512xf32, #tpu.memory_space<vmem>>) target(%dma_start3A_3026 : memref<32x512xf32, #tpu.memory_space<hbm>>) target_semaphore(%arg14 : memref<!tpu.dma_semaphore, #tpu.memory_space<semaphore_mem>>)
      %lt3A_3030 = arith.constant 12 : i32
      %lt3A_3031 = arith.cmpi slt, %scan3A_2876, %lt3A_3030 : i32
      %convert_element_type3A_3032 = arith.extui %lt3A_3031 : i1 to i32
      %cond3A_3033 = arith.constant 0 : i32
      %cond3A_3034 = arith.cmpi ne, %convert_element_type3A_3032, %cond3A_3033 : i32
      scf.if %cond3A_3034 {
        %add3A_3035 = arith.constant 2 : i32
        %add3A_3036 = arith.addi %add3A_2957, %add3A_3035 : i32
        %mul3A_3037 = arith.constant 512 : i32
        %mul3A_3038 = arith.muli %add3A_3036, %mul3A_3037 : i32
        %dma_start3A_3039 = tpu.memref_slice %arg5[%mul3A_3038] : memref<13312xi32, #tpu.memory_space<vmem>> -> memref<512xi32, #tpu.memory_space<vmem>>
        %dma_start3A_3040 = arith.constant 0 : i32
        %dma_start3A_3041 = arith.constant 0 : i32
        %dma_start3A_3042 = tpu.memref_slice %arg3[%dma_start3A_3040, %dma_start3A_3041] : memref<1000000x32xf32, #tpu.memory_space<hbm>> -> memref<1000000x32xf32, #tpu.memory_space<hbm>>
        tpu.enqueue_indirect_dma source(%dma_start3A_3042 : memref<1000000x32xf32, #tpu.memory_space<hbm>>) target(%arg7 : memref<512x32xf32, #tpu.memory_space<vmem>>) offsets(%dma_start3A_3039 : memref<512xi32, #tpu.memory_space<vmem>>) semaphore(%arg12 : memref<!tpu.dma_semaphore, #tpu.memory_space<semaphore_mem>>)
      } else {
      }
    }
    %scan3A_2763 = arith.constant 13 : i32
    %add3A_2764 = arith.constant 768 : i32
    %add3A_2765 = arith.addi %add3A, %add3A_2764 : i32
    %jit3A_2766 = arith.constant 32 : i32
    %div3A_2767 = arith.divsi %add3A_2765, %jit3A_2766 : i32
    %sign3A_2768 = arith.constant 0 : i32
    %sign3A_2769 = arith.cmpi sgt, %add3A_2765, %sign3A_2768 : i32
    %sign3A_2770 = arith.extui %sign3A_2769 : i1 to i32
    %sign3A_2771 = arith.constant 0 : i32
    %sign3A_2772 = arith.cmpi slt, %add3A_2765, %sign3A_2771 : i32
    %sign3A_2773 = arith.extui %sign3A_2772 : i1 to i32
    %sign3A_2774 = arith.subi %sign3A_2770, %sign3A_2773 : i32
    %sign3A_2775 = arith.constant 0 : i32
    %sign3A_2776 = arith.cmpi sgt, %jit3A_2766, %sign3A_2775 : i32
    %sign3A_2777 = arith.extui %sign3A_2776 : i1 to i32
    %sign3A_2778 = arith.constant 0 : i32
    %sign3A_2779 = arith.cmpi slt, %jit3A_2766, %sign3A_2778 : i32
    %sign3A_2780 = arith.extui %sign3A_2779 : i1 to i32
    %sign3A_2781 = arith.subi %sign3A_2777, %sign3A_2780 : i32
    %ne3A_2782 = arith.cmpi ne, %sign3A_2774, %sign3A_2781 : i32
    %rem3A_2783 = arith.remsi %add3A_2765, %jit3A_2766 : i32
    %ne3A_2784 = arith.constant 0 : i32
    %ne3A_2785 = arith.cmpi ne, %rem3A_2783, %ne3A_2784 : i32
    %and3A_2786 = arith.andi %ne3A_2782, %ne3A_2785 : i1
    %sub3A_2787 = arith.constant 1 : i32
    %sub3A_2788 = arith.subi %div3A_2767, %sub3A_2787 : i32
    %select_n3A_2789 = arith.select %and3A_2786, %sub3A_2788, %div3A_2767 : i32
    %jit3A_2790 = arith.constant 32 : i32
    %eq3A_2791 = arith.constant 0 : i32
    %eq3A_2792 = arith.cmpi eq, %jit3A_2790, %eq3A_2791 : i32
    %jit3A_2793 = arith.constant 1 : i32
    %select_n3A_2794 = arith.select %eq3A_2792, %jit3A_2793, %jit3A_2790 : i32
    %rem3A_2795 = arith.remsi %add3A_2765, %select_n3A_2794 : i32
    %ne3A_2796 = arith.constant 0 : i32
    %ne3A_2797 = arith.cmpi ne, %rem3A_2795, %ne3A_2796 : i32
    %lt3A_2798 = arith.constant 0 : i32
    %lt3A_2799 = arith.cmpi slt, %rem3A_2795, %lt3A_2798 : i32
    %lt3A_2800 = arith.constant 0 : i32
    %lt3A_2801 = arith.cmpi slt, %select_n3A_2794, %lt3A_2800 : i32
    %ne3A_2802 = arith.xori %lt3A_2799, %lt3A_2801 : i1
    %and3A_2803 = arith.andi %ne3A_2802, %ne3A_2797 : i1
    %add3A_2804 = arith.addi %rem3A_2795, %select_n3A_2794 : i32
    %select_n3A_2805 = arith.select %and3A_2803, %add3A_2804, %rem3A_2795 : i32
    %mul3A_2806 = arith.constant 512 : i32
    %mul3A_2807 = arith.muli %select_n3A_2805, %mul3A_2806 : i32
    %dma_wait3A_2808 = arith.constant 0 : i32
    %dma_wait3A_2809 = arith.constant 0 : i32
    %dma_wait3A_2810 = tpu.memref_slice %arg8[%dma_wait3A_2808, %dma_wait3A_2809] : memref<32x513xf32, #tpu.memory_space<vmem>> -> memref<32x512xf32, #tpu.memory_space<vmem>>
    %dma_wait3A_2811 = arith.constant 0 : i32
    %dma_wait3A_2812 = tpu.memref_slice %arg4[%select_n3A_2789, %dma_wait3A_2811, %mul3A_2807] : memref<26x32x16384xf32, #tpu.memory_space<hbm>> -> memref<1x32x512xf32, #tpu.memory_space<hbm>>
    %dma_wait3A_2813 = tpu.memref_squeeze %dma_wait3A_2812 : memref<1x32x512xf32, #tpu.memory_space<hbm>> -> memref<32x512xf32, #tpu.memory_space<hbm>>
    %dma_wait3A_2814 = arith.constant 0 : i32
    %dma_wait3A_2815 = tpu.memref_slice %arg4[%select_n3A_2789, %dma_wait3A_2814, %mul3A_2807] : memref<26x32x16384xf32, #tpu.memory_space<hbm>> -> memref<1x32x512xf32, #tpu.memory_space<hbm>>
    %dma_wait3A_2816 = tpu.memref_squeeze %dma_wait3A_2815 : memref<1x32x512xf32, #tpu.memory_space<hbm>> -> memref<32x512xf32, #tpu.memory_space<hbm>>
    %dma_wait3A_2817 = arith.constant 0 : i32
    %dma_wait3A_2818 = arith.constant 0 : i32
    %dma_wait3A_2819 = tpu.memref_slice %arg8[%dma_wait3A_2817, %dma_wait3A_2818] : memref<32x513xf32, #tpu.memory_space<vmem>> -> memref<32x512xf32, #tpu.memory_space<vmem>>
    tpu.wait_dma2 semaphore(%arg13 : memref<!tpu.dma_semaphore, #tpu.memory_space<semaphore_mem>>) src(%dma_wait3A_2819 : memref<32x512xf32, #tpu.memory_space<vmem>>) dst(%dma_wait3A_2816 : memref<32x512xf32, #tpu.memory_space<hbm>>)
    %add3A_2820 = arith.constant 800 : i32
    %add3A_2821 = arith.addi %add3A, %add3A_2820 : i32
    %jit3A_2822 = arith.constant 32 : i32
    %div3A_2823 = arith.divsi %add3A_2821, %jit3A_2822 : i32
    %sign3A_2824 = arith.constant 0 : i32
    %sign3A_2825 = arith.cmpi sgt, %add3A_2821, %sign3A_2824 : i32
    %sign3A_2826 = arith.extui %sign3A_2825 : i1 to i32
    %sign3A_2827 = arith.constant 0 : i32
    %sign3A_2828 = arith.cmpi slt, %add3A_2821, %sign3A_2827 : i32
    %sign3A_2829 = arith.extui %sign3A_2828 : i1 to i32
    %sign3A_2830 = arith.subi %sign3A_2826, %sign3A_2829 : i32
    %sign3A_2831 = arith.constant 0 : i32
    %sign3A_2832 = arith.cmpi sgt, %jit3A_2822, %sign3A_2831 : i32
    %sign3A_2833 = arith.extui %sign3A_2832 : i1 to i32
    %sign3A_2834 = arith.constant 0 : i32
    %sign3A_2835 = arith.cmpi slt, %jit3A_2822, %sign3A_2834 : i32
    %sign3A_2836 = arith.extui %sign3A_2835 : i1 to i32
    %sign3A_2837 = arith.subi %sign3A_2833, %sign3A_2836 : i32
    %ne3A_2838 = arith.cmpi ne, %sign3A_2830, %sign3A_2837 : i32
    %rem3A_2839 = arith.remsi %add3A_2821, %jit3A_2822 : i32
    %ne3A_2840 = arith.constant 0 : i32
    %ne3A_2841 = arith.cmpi ne, %rem3A_2839, %ne3A_2840 : i32
    %and3A_2842 = arith.andi %ne3A_2838, %ne3A_2841 : i1
    %sub3A_2843 = arith.constant 1 : i32
    %sub3A_2844 = arith.subi %div3A_2823, %sub3A_2843 : i32
    %select_n3A_2845 = arith.select %and3A_2842, %sub3A_2844, %div3A_2823 : i32
    %jit3A_2846 = arith.constant 32 : i32
    %eq3A_2847 = arith.constant 0 : i32
    %eq3A_2848 = arith.cmpi eq, %jit3A_2846, %eq3A_2847 : i32
    %jit3A_2849 = arith.constant 1 : i32
    %select_n3A_2850 = arith.select %eq3A_2848, %jit3A_2849, %jit3A_2846 : i32
    %rem3A_2851 = arith.remsi %add3A_2821, %select_n3A_2850 : i32
    %ne3A_2852 = arith.constant 0 : i32
    %ne3A_2853 = arith.cmpi ne, %rem3A_2851, %ne3A_2852 : i32
    %lt3A_2854 = arith.constant 0 : i32
    %lt3A_2855 = arith.cmpi slt, %rem3A_2851, %lt3A_2854 : i32
    %lt3A_2856 = arith.constant 0 : i32
    %lt3A_2857 = arith.cmpi slt, %select_n3A_2850, %lt3A_2856 : i32
    %ne3A_2858 = arith.xori %lt3A_2855, %lt3A_2857 : i1
    %and3A_2859 = arith.andi %ne3A_2858, %ne3A_2853 : i1
    %add3A_2860 = arith.addi %rem3A_2851, %select_n3A_2850 : i32
    %select_n3A_2861 = arith.select %and3A_2859, %add3A_2860, %rem3A_2851 : i32
    %mul3A_2862 = arith.constant 512 : i32
    %mul3A_2863 = arith.muli %select_n3A_2861, %mul3A_2862 : i32
    %dma_wait3A_2864 = arith.constant 0 : i32
    %dma_wait3A_2865 = arith.constant 0 : i32
    %dma_wait3A_2866 = tpu.memref_slice %arg9[%dma_wait3A_2864, %dma_wait3A_2865] : memref<32x513xf32, #tpu.memory_space<vmem>> -> memref<32x512xf32, #tpu.memory_space<vmem>>
    %dma_wait3A_2867 = arith.constant 0 : i32
    %dma_wait3A_2868 = tpu.memref_slice %arg4[%select_n3A_2845, %dma_wait3A_2867, %mul3A_2863] : memref<26x32x16384xf32, #tpu.memory_space<hbm>> -> memref<1x32x512xf32, #tpu.memory_space<hbm>>
    %dma_wait3A_2869 = tpu.memref_squeeze %dma_wait3A_2868 : memref<1x32x512xf32, #tpu.memory_space<hbm>> -> memref<32x512xf32, #tpu.memory_space<hbm>>
    %dma_wait3A_2870 = arith.constant 0 : i32
    %dma_wait3A_2871 = tpu.memref_slice %arg4[%select_n3A_2845, %dma_wait3A_2870, %mul3A_2863] : memref<26x32x16384xf32, #tpu.memory_space<hbm>> -> memref<1x32x512xf32, #tpu.memory_space<hbm>>
    %dma_wait3A_2872 = tpu.memref_squeeze %dma_wait3A_2871 : memref<1x32x512xf32, #tpu.memory_space<hbm>> -> memref<32x512xf32, #tpu.memory_space<hbm>>
    %dma_wait3A_2873 = arith.constant 0 : i32
    %dma_wait3A_2874 = arith.constant 0 : i32
    %dma_wait3A_2875 = tpu.memref_slice %arg9[%dma_wait3A_2873, %dma_wait3A_2874] : memref<32x513xf32, #tpu.memory_space<vmem>> -> memref<32x512xf32, #tpu.memory_space<vmem>>
    tpu.wait_dma2 semaphore(%arg14 : memref<!tpu.dma_semaphore, #tpu.memory_space<semaphore_mem>>) src(%dma_wait3A_2875 : memref<32x512xf32, #tpu.memory_space<vmem>>) dst(%dma_wait3A_2872 : memref<32x512xf32, #tpu.memory_space<hbm>>)
    return
  }
}

</mosaic_0001>

<sc_bundles>
// kernel: kernel.4.cloned.1.call-start
scs
__scs_entry_jumppad:
0x0: {  	(pc) =	sbr.rel $0x88, $3  }
0x1: {  	(tag) =	ssettag $0x0;
	lr =	simm.s32 $0x1  }
0x2: {  	[smem:$0x3F9F] =	sst lr;
	_ =	strace $0xD0000000  }
0x3: {  	_ = 	snop  }
0x4: {  	_ = 	snop  }
0x5: {  	_ = 	snop  }
0x6: {  	_ = 	snop  }
0x7: {  	_ = 	snop  }
__scs_overlays_trampoline_lowered:
0x8: {  	[smem:$0x3FAE] =	sst s0  }
0x9: {  	[smem:$0x3FAF] =	sst s1  }
0xa: {  	[smem:$0x3FB0] =	sst s2  }
0xb: {  	[smem:$0x3FB1] =	sst s3  }
0xc: {  	[smem:$0x3FB2] =	sst s4  }
0xd: {  	[smem:$0x3FB3] =	sst s5  }
0xe: {  	[smem:$0x3FB4] =	sst s6  }
0xf: {  	[smem:$0x3FB5] =	sst s7  }
0x10: {  	[smem:$0x3FB6] =	sst s8  }
0x11: {  	[smem:$0x3FB7] =	sst s9;
	s0 =	simm.s32 @!p0 $0x0  }
0x12: {  	s1 =	sld [smem:$0x3F9D];
	s0 =	simm.s32 @p0 $0x1  }
0x13: {  	[smem:$0x3FB8] =	sst s0;
	s0 =	simm.s32 @!p1 $0x0  }
0x14: {  	s2 =	sld [smem:$0x3F9C];
	s0 =	simm.s32 @p1 $0x1  }
0x15: {  	[smem:$0x3FB9] =	sst s0;
	s0 =	simm.s32 @!p2 $0x0  }
0x16: {  	s3 =	sld [smem:$0x3FDB];
	s0 =	simm.s32 @p2 $0x1  }
0x17: {  	s4 =	simm.s32 $0x1BF5;
	[smem:$0x3FBB] =	sst s0  }
0x18: {  	s0 =	sld [smem:$0x3F9E];
	_ =	swait.ge [sflag:s4], $0x0  }
0x19: {  	s7 =	sld [smem:$0x3F9F]  }
0x1a: {  	s8 =	sadd.s32 $0xFFFFE003, lr  }
0x1b: {  	s9 =	sadd.s32 $0xFFFFFEF7, lr;
	s5 =	simm.s32 $0xFFFFFFFF;
	p2 =	slt.u32 s8, $0xFFFFF086  }
0x1c: {  	p1 =	slt.u32 s9, $0xF7A;
	s5 =	simm.s32 @!p2 $0x0  }
0x1d: {  	s5 =	simm.s32 @p1 $0x1;
	p0 =	seq.s32 s7, s2  }
0x1e: {  	s7 =	smul.u32 @!p0 $0xF7A, s2;
	p2 =	seq.s32 @!p0 s5, $0x0  }
0x1f: {  	s9 =	smul.u32 $0xF7A, s1;
	s8 =	simm.s32 @!p0 $0x1BF5;
	p2 =	por !p2, p0  }
0x20: {  	[sflag:s8] =	ssyncset.s32 @!p0 $0xFFFFF086;
	s6 =	sadd.s32 @!p0 s3, s7;
	s7 =	simm.s32 @!p0 $0x108  }
0x21: {  	s3 =	sadd.s32 s3, s9;
	s6 =	sadd.s32 @!p0 $0x88, s6;
	s7 =	simm.s32 @p2 $0x1082  }
0x22: {  	[simem:s7], [sflag:s8] =	dma.local @!p0 [hbm:s6], $0xF7A  }
0x23: {  	s9 =	sor.u32 $0xD0000000, s2;
	s6 =	simm.s32 $0x108;
	_ =	swait.ge @!p0 [sflag:s8], $0x0  }
0x24: {  	s3 =	sadd.s32 $0x88, s3;
	s6 =	simm.s32 @!p1 $0x1082;
	[sflag:s4] =	ssyncset.s32 $0xFFFFF086  }
0x25: {  	[simem:s6], [sflag:s4] =	dma.local [hbm:s3], $0xF7A  }
0x26: {  	[smem:$0x3F9F] =	sst s1;
	(tag) =	ssettag s2;
	_ =	strace s9  }
0x27: {  	s1 =	sld [smem:$0x3FAF]  }
0x28: {  	s2 =	sld [smem:$0x3FB0]  }
0x29: {  	s4 =	sld [smem:$0x3FB2]  }
0x2a: {  	p0 =	seq.s32 s5, $0x0;
	s5 =	sld [smem:$0x3FB3]  }
0x2b: {  	s6 =	sld [smem:$0x3FB4]  }
0x2c: {  	s7 =	sld [smem:$0x3FB5]  }
0x2d: {  	s3 =	simm.s32 $0x108;
	s8 =	sld [smem:$0x3FB6]  }
0x2e: {  	s3 =	simm.s32 @!p0 $0x1082;
	s9 =	sld [smem:$0x3FB7]  }
0x2f: {  	lr =	sadd.s32 s0, s3;
	s0 =	sld [smem:$0x3FAE]  }
0x30: {  	s3 =	sld [smem:$0x3FB1]  }
0x31: {  	[smem:$0x3FBA] =	sst s10  }
0x32: {  	s10 =	sld [smem:$0x3FB8];
	_ =	sdelay $0x3  }
0x33: {  	p0 =	seq.s32 s10, $0x1;
	s10 =	sld [smem:$0x3FBA];
	_ =	sdelay $0x3  }
0x34: {  	[smem:$0x3FBA] =	sst s10  }
0x35: {  	s10 =	sld [smem:$0x3FB9];
	_ =	sdelay $0x3  }
0x36: {  	p1 =	seq.s32 s10, $0x1;
	s10 =	sld [smem:$0x3FBA];
	_ =	sdelay $0x3  }
0x37: {  	[smem:$0x3FBA] =	sst s10  }
0x38: {  	s10 =	sld [smem:$0x3FBB]  }
0x39: {  	_ = 	snop;
	(pc) =	sbr.ind lr, $3  }
0x3a: {  	_ = 	snop  }
0x3b: {  	_ = 	snop  }
0x3c: {  	p2 =	seq.s32 s10, $0x1;
	s10 =	sld [smem:$0x3FBA]  }
0x3d: {  	_ =	shalt  }
0x3e: {  	_ =	shalt  }
0x3f: {  	_ =	shalt  }
0x40: {  	_ =	shalt  }
0x41: {  	_ =	shalt  }
0x42: {  	_ =	shalt  }
0x43: {  	_ =	shalt  }
0x44: {  	_ =	shalt  }
0x45: {  	_ =	shalt  }
0x46: {  	_ =	shalt  }
0x47: {  	_ =	shalt  }
0x48: {  	_ =	shalt  }
0x49: {  	_ =	shalt  }
0x4a: {  	_ =	shalt  }
0x4b: {  	_ =	shalt  }
0x4c: {  	_ =	shalt  }
0x4d: {  	_ =	shalt  }
0x4e: {  	_ =	shalt  }
0x4f: {  	_ =	shalt  }
0x50: {  	_ =	shalt  }
0x51: {  	_ =	shalt  }
0x52: {  	_ =	shalt  }
0x53: {  	_ =	shalt  }
0x54: {  	_ =	shalt  }
0x55: {  	_ =	shalt  }
0x56: {  	_ =	shalt  }
0x57: {  	_ =	shalt  }
0x58: {  	_ =	shalt  }
0x59: {  	_ =	shalt  }
0x5a: {  	_ =	shalt  }
0x5b: {  	_ =	shalt  }
0x5c: {  	_ =	shalt  }
0x5d: {  	_ =	shalt  }
0x5e: {  	_ =	shalt  }
0x5f: {  	_ =	shalt  }
0x60: {  	_ =	shalt  }
0x61: {  	_ =	shalt  }
0x62: {  	_ =	shalt  }
0x63: {  	_ =	shalt  }
0x64: {  	_ =	shalt  }
0x65: {  	_ =	shalt  }
0x66: {  	_ =	shalt  }
0x67: {  	_ =	shalt  }
0x68: {  	_ =	shalt  }
0x69: {  	_ =	shalt  }
0x6a: {  	_ =	shalt  }
0x6b: {  	_ =	shalt  }
0x6c: {  	_ =	shalt  }
0x6d: {  	_ =	shalt  }
0x6e: {  	_ =	shalt  }
0x6f: {  	_ =	shalt  }
0x70: {  	_ =	shalt  }
0x71: {  	_ =	shalt  }
0x72: {  	_ =	shalt  }
0x73: {  	_ =	shalt  }
0x74: {  	_ =	shalt  }
0x75: {  	_ =	shalt  }
0x76: {  	_ =	shalt  }
0x77: {  	_ =	shalt  }
0x78: {  	_ =	shalt  }
0x79: {  	_ =	shalt  }
0x7a: {  	_ =	shalt  }
0x7b: {  	_ =	shalt  }
0x7c: {  	_ =	shalt  }
0x7d: {  	_ =	shalt  }
0x7e: {  	_ =	shalt  }
0x7f: {  	_ =	shalt  }
0x80: {  	_ =	shalt  }
0x81: {  	_ =	shalt  }
0x82: {  	_ =	shalt  }
0x83: {  	_ =	shalt  }
0x84: {  	_ =	shalt  }
0x85: {  	_ =	shalt  }
0x86: {  	_ =	shalt  }
0x87: {  	_ =	shalt  }
.Lfunc_end0:
.L_simem_size_0:
called_computation_lowered:
.L_overlay_start_0:
0x88: {  	s2 =	sld [smem:$0x3FD9]  }
0x89: {  	s3 =	sld [smem:$0x3FFE];
	_ =	sdelay $0x1  }
0x8a: {  	s1 =	srdreg.scid  }
0x8b: {  	s0 =	sand.u32 $0x1, s1  }
0x8c: {  	s17 =	sshll.u32 s0, $0xA;
	s2 =	sadd.s32 s3, s2  }
0x8d: {  	s2 =	sadd.s32 s2, s17  }
0x8e: {  	[smem:$0x3FC6] =	sst s2  }
0x8f: {  	_ = 	snop  }
0x90: {  	s2 =	sld [smem:$0x3FC8];
	(tm) =	ssettm $0x1  }
0x91: {  	s18 =	sld [smem:$0x3FFB];
	_ =	sdelay $0x3  }
0x92: {  	_ =	strace s18  }
0x93: {  	s3 =	sld [smem:$0x3FFC];
	_ =	sdelay $0x3  }
0x94: {  	_ =	strace s3  }
0x95: {  	s3 =	sld [smem:$0x3FFD];
	_ =	sdelay $0x3  }
0x96: {  	_ =	strace s3  }
0x97: {  	_ =	strace $0x8FFFFFFF  }
0x98: {  	s19 =	sld [smem:$0x3FDB];
	_ =	sdelay $0x1  }
0x99: {  	s4 =	simm.s32 $_scs_section_size  }
0x9a: {  	s5 =	simm.s32 $_size__tile_overlayer_lowered;
	s6 =	simm.s32 $_tile_overlayer_lowered  }
0x9b: {  	s22 =	simm.s32 $0x1BFF;
	s21 =	sshll.u32 s6, $0x1;
	s3 =	sadd.s32 s4, s19  }
0x9c: {  	s7 =	simm.s32 $0x0;
	s20 =	sshll.u32 s5, $0x1;
	s5 =	sadd.s32 s21, s3  }
0x9d: {  	[timem:s7], [sflag:s22] =	dma.local [hbm:s5], s20  }
0x9e: {  	_ =	swait.ge [sflag:s22], s20  }
0x9f: {  	s4 =	ssub.s32 $0x0, s20;
	[sflag:s22] =	ssyncset.done $0x0  }
0xa0: {  	[sflag:s22] =	ssyncadd.s32 s4;
	_ =	sdelay $0x1  }
0xa1: {  	s23 =	simm.s32 $0x1B8B  }
0xa2: {  	_ =	swait.ge [sflag:s23], $0x1  }
0xa3: {  	[sflag:s23] =	ssyncset.done $0x0  }
0xa4: {  	s25 =	simm.s32 $0x1B8E;
	s24 =	sld [smem:$0x3FFE];
	[sflag:s23] =	ssyncadd.s32 $0xFFFFFFFF  }
0xa5: {  	s26 =	simm.s32 $execute0_lowered;
	[smem:$0x3FD2] =	sst s25  }
0xa6: {  	s5 =	sshll.u32 s26, $0x1;
	_ =	strace $0x80000046;
	[dreg:$0x1] =	wrdreg $0xFFFFFFFF  }
0xa7: {  	s28 =	simm.s32 $_size_execute0_lowered;
	s3 =	sadd.s32 s3, s5;
	[dreg:$0x0] =	wrdreg $0x0  }
0xa8: {  	s5 =	sshll.u32 s28, $0x1;
	[dreg:$0x2] =	wrdreg s3  }
0xa9: {  	[dreg:$0x3] =	wrdreg s5  }
0xaa: {  	[dreg:$0x4] =	wrdreg $0xC0  }
0xab: {  	_ =	task [dreg:s7], $0x5FFFF  }
0xac: {  	[dreg:$0x1] =	wrdreg $0xFFFFFFFF  }
0xad: {  	[dreg:$0x0] =	wrdreg $0x60  }
0xae: {  	[dreg:$0x2] =	wrdreg s2  }
0xaf: {  	[dreg:$0x3] =	wrdreg s24  }
0xb0: {  	[dreg:$0x4] =	wrdreg $0x9  }
0xb1: {  	_ =	task.clear_ibuf [dreg:s7], $0x5FFFF;
	_ =	strace $0x90000046  }
0xb2: {  	s29 =	simm.s32 $0x9;
	_ =	strace $0x80000048  }
0xb3: {  	_ =	swait.ge [sflag:s29], $0x1  }
0xb4: {  	[sflag:s29] =	ssyncadd.s32 $0xFFFFFFFF  }
0xb5: {  	_ =	strace $0x90000048  }
0xb6: {  	_ =	sfence  }
0xb7: {  	s30 =	sld [smem:$0x0];
	_ =	sdelay $0x2  }
0xb8: {  	s31 =	sshll.u32 s1, $0xD;
	s1 =	sshrl.u32 s1, $0x2  }
0xb9: {  	s3 =	sand.u32 $0x4000, s31;
	s1 =	sadd.s32 s1, s30  }
0xba: {  	s0 =	sor.u32 s3, s0;
	s1 =	sshll.u32 s1, $0x11  }
0xbb: {  	s0 =	sor.u32 s1, s0  }
0xbc: {  	s0 =	sadd.s32 $0x8F2B, s0  }
0xbd: {  	[sflag:s0] =	ssyncadd.remote.s32 $0x1  }
0xbe: {  	_ =	sfence.sel $0xFFFF  }
0xbf: {  	[dreg:$0x0] =	wrdreg $0xFFFFFFFF;
	(pc) =	sbr.abs _section_cstart, $3  }
0xc0: {  	[dreg:$0x1] =	wrdreg $0xFFFFFFFF  }
0xc1: {  	_ =	task.clear_ibuf [dreg:s7], $0x2FFFF;
	_ =	strace $0x9FFFFFFF  }
0xc2: {  	(tm) =	ssettm $0x7FFFFFFF  }
0xc3: {  	_ =	shalt  }
tec
execute0_lowered:
.L_overlay_start_1:
0x0: {  	(tag) =	ssettag $0x1  }
0x1: {  	s2 =	rddreg [dreg:$0x0]  }
0x2: {  	s0 =	rddreg [dreg:$0x1];
	s1 =	srdreg.scid  }
0x3: {  	s11 =	stileid.u32;
	s3 =	simm.s32 $0x0;
	s28 =	simm.s32 $0xA800  }
0x4: {  	v0 =	vimm.s32 $0x1F80;
	s29 =	simm.s32 $0xC400;
	s30 =	simm.s32 $0x1;
	s31 =	simm.s32 $0xE000  }
0x5: {  	vm0 =	vcmask $0x300;
	v1 =	vimm.s32 $0x5780;
	vm1 =	vcmask $0x704;
	s16 =	simm.s32 $0x0;
	s1 =	sand.u32 $0x1, s1;
	s4 =	sshll.u32 s11, $0x1  }
0x6: {  	vm15 =	vcmask $0xB08;
	[smem:$0x7FF] =	sst s3;
	v0 =	vsel vm0, $0x0, v0;
	v1 =	vsel vm0, $0x3800, v1;
	s5 =	sadd.s32 $0xA00, s0;
	p1 =	sgt.u32 s11, $0xA  }
0x7: {  	vm4 =	vcmask $0xF0C;
	s6 =	ssub.s32 $0x2, s1;
	s1 =	sor.u32 s1, s4;
	_ =	strace $0x80000047;
	v0 =	vsel vm1, $0x80, v0;
	v1 =	vsel vm1, $0x3880, v1  }
0x8: {  	vm5 =	vcmask $0x1310;
	[dreg:$0x3] =	wrdreg s5;
	s5 =	sadd.s32 $0xC00, s0;
	s0 =	sadd.s32 $0x3D1400, s0;
	v0 =	vsel vm15, $0x100, v0;
	v1 =	vsel vm15, $0x3900, v1  }
0x9: {  	vm6 =	vcmask $0x1714;
	s21 =	sshrl.u32 s6, $0x1;
	s7 =	smul.u32 $0x7800, s1;
	s8 =	sor.u32 $0x500, s1;
	v0 =	vsel vm4, $0x180, v0;
	v1 =	vsel vm4, $0x3980, v1  }
0xa: {  	vm7 =	vcmask $0x1B18;
	[dreg:$0x5] =	wrdreg s0;
	p0 =	sne.s32 s1, $0x16;
	s22 =	smul.u32 $0x300, s8;
	v0 =	vsel vm5, $0x200, v0;
	v1 =	vsel vm5, $0x3A00, v1  }
0xb: {  	vm8 =	vcmask $0x1F1C;
	s4 =	ssub.s32 s6, s21;
	s23 =	smul.u32 $0xC00, s8;
	s6 =	sadd.s32 s2, s7;
	v0 =	vsel vm6, $0x280, v0;
	v1 =	vsel vm6, $0x3A80, v1  }
0xc: {  	vm9 =	vcmask $0x2320;
	s7 =	smul.u32 $0x28, s1;
	s1 =	simm.s32 $0x14000;
	s9 =	sadd.s32 $0x300, s6;
	v0 =	vsel vm7, $0x300, v0;
	v1 =	vsel vm7, $0x3B00, v1  }
0xd: {  	s18 =	smax.u32 s4, $0x1;
	s24 =	sadd.s32 $0x1E8500, s6;
	s25 =	sadd.s32 $0x2DC780, s6;
	v0 =	vsel vm8, $0x380, v0;
	v1 =	vsel vm8, $0x3B80, v1  }
0xe: {  	vm10 =	vcmask $0x2724;
	s15 =	sadd.s32 s2, s22;
	s0 =	sadd.s32 s5, s23;
	s26 =	sadd.s32 $0x1E8800, s6;
	v0 =	vsel vm9, $0x1C00, v0;
	v1 =	vsel vm9, $0x5400, v1  }
0xf: {  	vm11 =	vcmask $0x2B28;
	s19 =	sadd.s32 $0xF4280, s6;
	s20 =	sadd.s32 $0x2DCA80, s6;
	[dreg:$0x4] =	wrdreg s9;
	v0 =	vsel vm10, $0x1C80, v0;
	v1 =	vsel vm10, $0x5480, v1  }
.Ltmp0:
0x10: {  	vm12 =	vcmask $0x2F2C;
	s21 =	sadd.s32 $0xF4580, s6;
	[dreg:$0x6] =	wrdreg s24;
	v0 =	vsel vm11, $0x1D00, v0;
	v1 =	vsel vm11, $0x5500, v1;
	(pc) =	sbr.rel .LBB2_1-.Ltmp0, $4  }
0x11: {  	vm13 =	vcmask $0x3330;
	s22 =	simm.s32 $0x3;
	s23 =	simm.s32 $0x4;
	[dreg:$0x7] =	wrdreg s25;
	v0 =	vsel vm12, $0x1D80, v0;
	v1 =	vsel vm12, $0x5580, v1  }
0x12: {  	vm14 =	vcmask $0x3734;
	s10 =	sor.u32 $0x2, s7;
	s12 =	sor.u32 $0x1, s7;
	[dreg:$0x8] =	wrdreg s0;
	v0 =	vsel vm13, $0x1E00, v0;
	v1 =	vsel vm13, $0x5600, v1  }
0x13: {  	vm15 =	vcmask $0x3B38;
	s13 =	sor.u32 $0x3, s7;
	[dreg:$0x9] =	wrdreg s26;
	s25 =	simm.s32 $0x7000;
	v0 =	vsel vm14, $0x1E80, v0;
	v1 =	vsel vm14, $0x5680, v1  }
0x14: {  	s26 =	simm.s32 $0x8C00;
	s0 =	simm.s32 $0x2;
	s24 =	simm.s32 $0x5;
	v0 =	vsel vm15, $0x1F00, v0;
	v1 =	vsel vm15, $0x5700, v1  }
.LBB2_12:
0x15: {  	s4 =	simm.s32 @!p0 $0x0;
	s8 =	simm.s32 @!p0 $0xE000;
	s9 =	rddreg [dreg:$0x3]  }
0x16: {  	[tilespmem:s8], [sflag:$0x5] =	stream.linear.gather @!p0 [hbm4b:s9+s4], $0x800, $0x38;
	[tilespmem:$0x1A000] =	vst v63  }
0x17: {  	s9 =	simm.s32 @!p0 $0x5  }
0x18: {  	s16 =	sadd.s32 $0x1, s16;
	_ =	swait.ge @!p0 [sflag:s9], $0x800  }
0x19: {  	p2 =	sne.s32 s16, s18;
	[sflag:s9] =	ssyncset.done @!p0 $0x0  }
.Ltmp1:
0x1a: {  	s11 =	rddreg [dreg:$0x5];
	[sflag:s9] =	ssyncadd.s32 @!p0 $0xFFFFF800;
	(pc) =	sbr.rel @!p2 .LBB2_13-.Ltmp1, $4  }
0x1b: {  	[hbm4b:s11+s4] =	stream.linear.scatter @!p0 [tilespmem:s8], [sflag:$0x5], $0x800, $0x38;
	[tilespmem:$0x1A000] =	vst v63  }
0x1c: {  	_ =	swait.ge @!p0 [sflag:s9], $0x800  }
0x1d: {  	[sflag:s9] =	ssyncset.done @!p0 $0x0  }
0x1e: {  	[sflag:s9] =	ssyncadd.s32 @!p0 $0xFFFFF800  }
.LBB2_1:
0x1f: {  	[tilespmem:s3], [sflag:$0x1] =	stream.linear.gather [hbm4b:s6+s3], $0x1800, $0x38;
	[tilespmem:$0x1A000] =	vst v63  }
0x20: {  	s4 =	simm.s32 $0x1C00  }
0x21: {  	[tilespmem:s4], [sflag:$0x1] =	stream.linear.gather [hbm4b:s19+s3], $0x1800, $0x38;
	[tilespmem:$0x1A000] =	vst v63  }
0x22: {  	s17 =	rddreg [dreg:$0x6];
	s8 =	simm.s32 $0x3800  }
0x23: {  	[tilespmem:s8], [sflag:$0x1] =	stream.linear.gather [hbm4b:s17+s3], $0x1800, $0x38;
	[tilespmem:$0x1A000] =	vst v63  }
0x24: {  	s9 =	rddreg [dreg:$0x7];
	s11 =	simm.s32 $0x5400  }
0x25: {  	[tilespmem:s11], [sflag:$0x1] =	stream.linear.gather [hbm4b:s9+s3], $0x1800, $0x38;
	[tilespmem:$0x1A000] =	vst v63  }
0x26: {  	s14 =	rddreg [dreg:$0x4]  }
0x27: {  	[tilespmem:s25], [sflag:$0x2] =	stream.linear.gather [hbm4b:s14+s3], $0x1800, $0x38;
	[tilespmem:$0x1A000] =	vst v63  }
0x28: {  	_ = 	snop  }
0x29: {  	[tilespmem:s26], [sflag:$0x2] =	stream.linear.gather [hbm4b:s21+s3], $0x1800, $0x38;
	[tilespmem:$0x1A000] =	vst v63  }
0x2a: {  	s17 =	rddreg [dreg:$0x9]  }
0x2b: {  	[tilespmem:s28], [sflag:$0x2] =	stream.linear.gather [hbm4b:s17+s3], $0x1800, $0x38;
	[tilespmem:$0x1A000] =	vst v63  }
0x2c: {  	s4 =	simm.s32 $0x0  }
0x2d: {  	[tilespmem:s29], [sflag:$0x2] =	stream.linear.gather [hbm4b:s20+s3], $0x1800, $0x38;
	[tilespmem:$0x1A000] =	vst v63  }
.LBB2_2:
0x2e: {  	v7 =	vimm.s32 $0x0  }
0x2f: {  	v2 =	vshll.u32 v7, $0x3  }
0x30: {  	v3 =	vand.u32 $0xFFFFFC00, v2  }
0x31: {  	_ =	swait.ge [sflag:s30], $0x6000;
	v5 =	vand.u32 $0x78, v7;
	v4 =	vadd.s32 v0, v3  }
0x32: {  	p2 =	seq.s32 s4, $0x0;
	[sflag:s30] =	ssyncset.done $0x0;
	v15 =	vor.u32 $0x2, v5;
	v2 =	vor.u32 v5, v4  }
0x33: {  	s8 =	simm.s32 @!p2 $0x3;
	[sflag:s30] =	ssyncadd.s32 $0xFFFFA000;
	v8 =	vor.u32 $0x3, v5;
	v6 =	vor.u32 v15, v4  }
0x34: {  	v16 =	vor.u32 $0x4, v5;
	_ =	swait.ge @!p2 [sflag:s8], $0x6000;
	v10 =	vor.u32 v8, v4  }
0x35: {  	v17 =	vor.u32 $0x5, v5;
	[sflag:s8] =	ssyncset.done @!p2 $0x0;
	v11 =	vor.u32 v16, v4  }
0x36: {  	v18 =	vor.u32 $0x6, v5;
	v14 =	vor.u32 v17, v4;
	[sflag:s8] =	ssyncadd.s32 @!p2 $0xFFFFA000  }
0x37: {  	v20 =	vor.u32 $0x7, v5;
	v19 =	vor.u32 v18, v4;
	v9 =	vld.idx.msk [tilespmem:v2+s3+$0x0], $0xffff  }
0x38: {  	v22 =	vor.u32 $0x1, v5;
	v21 =	vor.u32 v20, v4;
	v2 =	vld.idx.msk [tilespmem:v6+s3+$0x0], $0xffff  }
0x39: {  	v23 =	vadd.s32 v1, v3;
	v12 =	vld.idx.msk [tilespmem:v10+s3+$0x0], $0xffff;
	v6 =	vor.u32 v22, v4  }
0x3a: {  	v13 =	vld.idx.msk [tilespmem:v11+s3+$0x0], $0xffff;
	v11 =	vor.u32 v5, v23  }
0x3b: {  	v7 =	vadd.s32 $0x8, v7;
	v10 =	vor.u32 v8, v23;
	v14 =	vld.idx.msk [tilespmem:v14+s3+$0x0], $0xffff  }
0x3c: {  	v3 =	vor.u32 v15, v23;
	s8 =	sshll.u32 s4, $0x1;
	v4 =	vor.u32 v18, v23;
	v15 =	vld.idx.msk [tilespmem:v19+s3+$0x0], $0xffff;
	v18 =	vor.u32 v16, v23  }
0x3d: {  	s9 =	simm.s32 $0xE080;
	s14 =	simm.s32 $0x0;
	v17 =	vor.u32 v17, v23;
	s11 =	sadd.s32 s7, s8;
	v8 =	vor.u32 v20, v23;
	v5 =	vor.u32 v22, v23;
	v16 =	vld.idx.msk [tilespmem:v21+s3+$0x0], $0xffff  }
.LBB2_3:
0x3e: {  	v19 =	vand.u32 $0x78, v7;
	v20 =	vshll.u32 v7, $0x3;
	s14 =	sadd.s32 $0x8, s14;
	[tilespmem:s9+$0xFFFFFF80] =	vst v9;
	v9 =	vld.idx.msk [tilespmem:v6+s3+$0x0], $0xffff  }
0x3f: {  	v20 =	vand.u32 $0xFFFFFC00, v20;
	v21 =	vor.u32 $0x2, v19;
	v22 =	vor.u32 $0x3, v19;
	p3 =	slt.u32 s14, $0x2F8;
	v11 =	vld.idx.msk [tilespmem:v11+s3+$0x0], $0xffff;
	[tilespmem:s9+$0xFFFFFFE0] =	vst v12  }
0x40: {  	v12 =	vadd.s32 v0, v20;
	v23 =	vld.idx.msk [tilespmem:v10+s3+$0x0], $0xffff;
	[tilespmem:s9+$0x0] =	vst v13  }
0x41: {  	v13 =	vor.u32 $0x1, v19;
	v10 =	vor.u32 v19, v12;
	v24 =	vor.u32 v22, v12;
	v18 =	vld.idx.msk [tilespmem:v18+s3+$0x0], $0xffff;
	[tilespmem:s9+$0x20] =	vst v14  }
0x42: {  	v6 =	vor.u32 v13, v12;
	v14 =	vld.idx.msk [tilespmem:v17+s3+$0x0], $0xffff;
	[tilespmem:s9+$0x40] =	vst v15  }
0x43: {  	v15 =	vor.u32 v21, v12;
	v17 =	vld.idx.msk [tilespmem:v4+s3+$0x0], $0xffff;
	[tilespmem:s9+$0x60] =	vst v16  }
0x44: {  	v16 =	vor.u32 $0x4, v19;
	[tilespmem:s9+$0xFFFFFFA0] =	vst v9;
	v25 =	vld.idx.msk [tilespmem:v8+s3+$0x0], $0xffff  }
0x45: {  	v27 =	vor.u32 $0x5, v19;
	v26 =	vor.u32 v16, v12;
	[tilespmem:s9+$0xFFFFFF90] =	vst v11;
	v28 =	vld.idx.msk [tilespmem:v5+s3+$0x0], $0xffff  }
0x46: {  	v20 =	vadd.s32 v1, v20;
	v29 =	vor.u32 v27, v12;
	v4 =	vor.u32 $0x6, v19;
	v9 =	vld.idx.msk [tilespmem:v10+s3+$0x0], $0xffff;
	[tilespmem:s9+$0xFFFFFFC0] =	vst v2  }
0x47: {  	v30 =	vor.u32 v4, v12;
	v4 =	vor.u32 v4, v20;
	v5 =	vor.u32 $0x7, v19;
	v31 =	vld.idx.msk [tilespmem:v3+s3+$0x0], $0xffff;
	[tilespmem:s9+$0x10] =	vst v18  }
0x48: {  	v11 =	vor.u32 v19, v20;
	v19 =	vor.u32 v5, v12;
	v2 =	vld.idx.msk [tilespmem:v15+s3+$0x0], $0xffff;
	[tilespmem:s9+$0x30] =	vst v14  }
.Ltmp2:
0x49: {  	v10 =	vor.u32 v22, v20;
	v8 =	vor.u32 v5, v20;
	v12 =	vld.idx.msk [tilespmem:v24+s3+$0x0], $0xffff;
	[tilespmem:s9+$0x50] =	vst v17;
	(pc) =	sbr.rel @p3 .LBB2_3-.Ltmp2, $4  }
0x4a: {  	v5 =	vor.u32 v13, v20;
	v3 =	vor.u32 v21, v20;
	v13 =	vld.idx.msk [tilespmem:v26+s3+$0x0], $0xffff;
	[tilespmem:s9+$0x70] =	vst v25  }
0x4b: {  	v14 =	vld.idx.msk [tilespmem:v29+s3+$0x0], $0xffff;
	[tilespmem:s9+$0xFFFFFFF0] =	vst v23  }
0x4c: {  	v18 =	vor.u32 v16, v20;
	v15 =	vld.idx.msk [tilespmem:v30+s3+$0x0], $0xffff;
	[tilespmem:s9+$0xFFFFFFB0] =	vst v28  }
0x4d: {  	v7 =	vadd.s32 $0x8, v7;
	v17 =	vor.u32 v27, v20;
	v16 =	vld.idx.msk [tilespmem:v19+s3+$0x0], $0xffff;
	[tilespmem:s9+$0xFFFFFFD0] =	vst v31;
	s9 =	sadd.s32 $0x100, s9  }
0x4e: {  	_ =	sdelay $0x1  }
0x4f: {  	[tilespmem:s9+$0xFFFFFF80] =	vst v9  }
0x50: {  	[tilespmem:s9+$0xFFFFFFE0] =	vst v12  }
0x51: {  	v6 =	vld.idx.msk [tilespmem:v6+s3+$0x0], $0xffff;
	[tilespmem:s9+$0xFFFFFFC0] =	vst v2  }
0x52: {  	v7 =	vld.idx.msk [tilespmem:v11+s3+$0x0], $0xffff;
	[tilespmem:s9+$0x0] =	vst v13  }
0x53: {  	v3 =	vld.idx.msk [tilespmem:v3+s3+$0x0], $0xffff;
	[tilespmem:s9+$0x20] =	vst v14  }
0x54: {  	v9 =	vld.idx.msk [tilespmem:v18+s3+$0x0], $0xffff;
	[tilespmem:s9+$0x40] =	vst v15  }
0x55: {  	v11 =	vld.idx.msk [tilespmem:v17+s3+$0x0], $0xffff;
	[tilespmem:s9+$0x60] =	vst v16  }
0x56: {  	v4 =	vld.idx.msk [tilespmem:v4+s3+$0x0], $0xffff;
	[tilespmem:s9+$0xFFFFFFA0] =	vst v6  }
0x57: {  	v6 =	vld.idx.msk [tilespmem:v8+s3+$0x0], $0xffff;
	[tilespmem:s9+$0xFFFFFF90] =	vst v7  }
0x58: {  	v7 =	vld.idx.msk [tilespmem:v10+s3+$0x0], $0xffff;
	[tilespmem:s9+$0xFFFFFFD0] =	vst v3  }
0x59: {  	v2 =	vld.idx.msk [tilespmem:v5+s3+$0x0], $0xffff;
	[tilespmem:s9+$0x10] =	vst v9  }
0x5a: {  	[tilespmem:s9+$0x30] =	vst v11  }
0x5b: {  	[tilespmem:s9+$0x50] =	vst v4  }
0x5c: {  	s11 =	smul.u32 $0xC00, s11;
	p3 =	seq.s32 s4, $0x13;
	[tilespmem:s9+$0x70] =	vst v6  }
0x5d: {  	s14 =	sadd.s32 @!p3 s8, s10;
	[tilespmem:s9+$0xFFFFFFF0] =	vst v7  }
0x5e: {  	s17 =	sadd.s32 s5, s11;
	s11 =	smul.u32 @!p3 $0x300, s14;
	[tilespmem:s9+$0xFFFFFFB0] =	vst v2  }
0x5f: {  	[hbm4b:s17+s3] =	stream.linear.scatter [tilespmem:s31], [sflag:$0x3], $0x6000, $0x38;
	[tilespmem:$0x1A000] =	vst v63  }
0x60: {  	s9 =	sadd.s32 @!p3 s2, s11;
	s11 =	simm.s32 @!p3 $0x0  }
0x61: {  	[tilespmem:s11], [sflag:$0x1] =	stream.linear.gather @!p3 [hbm4b:s9+s11], $0x1800, $0x38;
	[tilespmem:$0x1A000] =	vst v63  }
0x62: {  	s14 =	sadd.s32 @!p3 $0xF4280, s9;
	s17 =	simm.s32 @!p3 $0x1C00  }
0x63: {  	[tilespmem:s17], [sflag:$0x1] =	stream.linear.gather @!p3 [hbm4b:s14+s11], $0x1800, $0x38;
	[tilespmem:$0x1A000] =	vst v63  }
0x64: {  	s14 =	sadd.s32 @!p3 $0x1E8500, s9;
	s17 =	simm.s32 @!p3 $0x3800  }
0x65: {  	v7 =	vimm.s32 $0x0;
	[tilespmem:s17], [sflag:$0x1] =	stream.linear.gather @!p3 [hbm4b:s14+s11], $0x1800, $0x38;
	[tilespmem:$0x1A000] =	vst v63  }
0x66: {  	v2 =	vshll.u32 v7, $0x3;
	s9 =	sadd.s32 @!p3 $0x2DC780, s9;
	s14 =	simm.s32 @!p3 $0x5400  }
0x67: {  	v3 =	vand.u32 $0xFFFFFC00, v2;
	[tilespmem:s14], [sflag:$0x1] =	stream.linear.gather @!p3 [hbm4b:s9+s11], $0x1800, $0x38;
	[tilespmem:$0x1A000] =	vst v63  }
0x68: {  	v5 =	vand.u32 $0x78, v7;
	v4 =	vadd.s32 v0, v3;
	_ =	swait.ge [sflag:s0], $0x6000  }
0x69: {  	v15 =	vor.u32 $0x2, v5;
	v2 =	vor.u32 v5, v4;
	[sflag:s0] =	ssyncset.done $0x0  }
0x6a: {  	v8 =	vor.u32 $0x3, v5;
	v6 =	vor.u32 v15, v4;
	s9 =	simm.s32 @!p2 $0x4;
	[sflag:s0] =	ssyncadd.s32 $0xFFFFA000  }
0x6b: {  	v16 =	vor.u32 $0x4, v5;
	v10 =	vor.u32 v8, v4;
	_ =	swait.ge @!p2 [sflag:s9], $0x6000  }
0x6c: {  	v17 =	vor.u32 $0x5, v5;
	v11 =	vor.u32 v16, v4;
	[sflag:s9] =	ssyncset.done @!p2 $0x0  }
0x6d: {  	v18 =	vor.u32 $0x6, v5;
	v14 =	vor.u32 v17, v4;
	[sflag:s9] =	ssyncadd.s32 @!p2 $0xFFFFA000  }
0x6e: {  	v20 =	vor.u32 $0x7, v5;
	v19 =	vor.u32 v18, v4;
	v9 =	vld.idx.msk [tilespmem:v2+s25+$0x0], $0xffff  }
0x6f: {  	v22 =	vor.u32 $0x1, v5;
	v21 =	vor.u32 v20, v4;
	v2 =	vld.idx.msk [tilespmem:v6+s25+$0x0], $0xffff  }
0x70: {  	v23 =	vadd.s32 v1, v3;
	v12 =	vld.idx.msk [tilespmem:v10+s25+$0x0], $0xffff;
	v6 =	vor.u32 v22, v4  }
0x71: {  	v13 =	vld.idx.msk [tilespmem:v11+s25+$0x0], $0xffff;
	v11 =	vor.u32 v5, v23  }
0x72: {  	v7 =	vadd.s32 $0x8, v7;
	v10 =	vor.u32 v8, v23;
	v14 =	vld.idx.msk [tilespmem:v14+s25+$0x0], $0xffff  }
0x73: {  	v3 =	vor.u32 v15, v23;
	v4 =	vor.u32 v18, v23;
	v15 =	vld.idx.msk [tilespmem:v19+s25+$0x0], $0xffff;
	v18 =	vor.u32 v16, v23  }
0x74: {  	v17 =	vor.u32 v17, v23;
	s11 =	sadd.s32 s8, s12;
	s14 =	simm.s32 $0x0;
	s9 =	simm.s32 $0x14080;
	v8 =	vor.u32 v20, v23;
	v5 =	vor.u32 v22, v23;
	v16 =	vld.idx.msk [tilespmem:v21+s25+$0x0], $0xffff  }
.LBB2_5:
0x75: {  	v19 =	vand.u32 $0x78, v7;
	v20 =	vshll.u32 v7, $0x3;
	s14 =	sadd.s32 $0x8, s14;
	[tilespmem:s9+$0xFFFFFF80] =	vst v9;
	v9 =	vld.idx.msk [tilespmem:v6+s25+$0x0], $0xffff  }
0x76: {  	v20 =	vand.u32 $0xFFFFFC00, v20;
	v21 =	vor.u32 $0x2, v19;
	v22 =	vor.u32 $0x3, v19;
	p2 =	slt.u32 s14, $0x2F8;
	v11 =	vld.idx.msk [tilespmem:v11+s25+$0x0], $0xffff;
	[tilespmem:s9+$0xFFFFFFE0] =	vst v12  }
0x77: {  	v12 =	vadd.s32 v0, v20;
	v23 =	vld.idx.msk [tilespmem:v10+s25+$0x0], $0xffff;
	[tilespmem:s9+$0x0] =	vst v13  }
0x78: {  	v13 =	vor.u32 $0x1, v19;
	v10 =	vor.u32 v19, v12;
	v24 =	vor.u32 v22, v12;
	v18 =	vld.idx.msk [tilespmem:v18+s25+$0x0], $0xffff;
	[tilespmem:s9+$0x20] =	vst v14  }
0x79: {  	v6 =	vor.u32 v13, v12;
	v14 =	vld.idx.msk [tilespmem:v17+s25+$0x0], $0xffff;
	[tilespmem:s9+$0x40] =	vst v15  }
0x7a: {  	v15 =	vor.u32 v21, v12;
	v17 =	vld.idx.msk [tilespmem:v4+s25+$0x0], $0xffff;
	[tilespmem:s9+$0x60] =	vst v16  }
0x7b: {  	v16 =	vor.u32 $0x4, v19;
	[tilespmem:s9+$0xFFFFFFA0] =	vst v9;
	v25 =	vld.idx.msk [tilespmem:v8+s25+$0x0], $0xffff  }
0x7c: {  	v27 =	vor.u32 $0x5, v19;
	v26 =	vor.u32 v16, v12;
	[tilespmem:s9+$0xFFFFFF90] =	vst v11;
	v28 =	vld.idx.msk [tilespmem:v5+s25+$0x0], $0xffff  }
0x7d: {  	v20 =	vadd.s32 v1, v20;
	v29 =	vor.u32 v27, v12;
	v4 =	vor.u32 $0x6, v19;
	v9 =	vld.idx.msk [tilespmem:v10+s25+$0x0], $0xffff;
	[tilespmem:s9+$0xFFFFFFC0] =	vst v2  }
0x7e: {  	v30 =	vor.u32 v4, v12;
	v4 =	vor.u32 v4, v20;
	v5 =	vor.u32 $0x7, v19;
	v31 =	vld.idx.msk [tilespmem:v3+s25+$0x0], $0xffff;
	[tilespmem:s9+$0x10] =	vst v18  }
0x7f: {  	v11 =	vor.u32 v19, v20;
	v19 =	vor.u32 v5, v12;
	v2 =	vld.idx.msk [tilespmem:v15+s25+$0x0], $0xffff;
	[tilespmem:s9+$0x30] =	vst v14  }
.Ltmp3:
0x80: {  	v10 =	vor.u32 v22, v20;
	v8 =	vor.u32 v5, v20;
	v12 =	vld.idx.msk [tilespmem:v24+s25+$0x0], $0xffff;
	[tilespmem:s9+$0x50] =	vst v17;
	(pc) =	sbr.rel @p2 .LBB2_5-.Ltmp3, $4  }
0x81: {  	v5 =	vor.u32 v13, v20;
	v3 =	vor.u32 v21, v20;
	v13 =	vld.idx.msk [tilespmem:v26+s25+$0x0], $0xffff;
	[tilespmem:s9+$0x70] =	vst v25  }
0x82: {  	v14 =	vld.idx.msk [tilespmem:v29+s25+$0x0], $0xffff;
	[tilespmem:s9+$0xFFFFFFF0] =	vst v23  }
0x83: {  	v18 =	vor.u32 v16, v20;
	v15 =	vld.idx.msk [tilespmem:v30+s25+$0x0], $0xffff;
	[tilespmem:s9+$0xFFFFFFB0] =	vst v28  }
0x84: {  	v7 =	vadd.s32 $0x8, v7;
	v17 =	vor.u32 v27, v20;
	v16 =	vld.idx.msk [tilespmem:v19+s25+$0x0], $0xffff;
	[tilespmem:s9+$0xFFFFFFD0] =	vst v31;
	s9 =	sadd.s32 $0x100, s9  }
0x85: {  	_ =	sdelay $0x1  }
0x86: {  	[tilespmem:s9+$0xFFFFFF80] =	vst v9  }
0x87: {  	[tilespmem:s9+$0xFFFFFFE0] =	vst v12  }
0x88: {  	v6 =	vld.idx.msk [tilespmem:v6+s25+$0x0], $0xffff;
	[tilespmem:s9+$0xFFFFFFC0] =	vst v2  }
0x89: {  	v7 =	vld.idx.msk [tilespmem:v11+s25+$0x0], $0xffff;
	[tilespmem:s9+$0x0] =	vst v13  }
0x8a: {  	v63 =	vld.idx.msk [tilespmem:v10+s25+$0x0], $0xffff;
	[tilespmem:s9+$0x20] =	vst v14  }
0x8b: {  	v3 =	vld.idx.msk [tilespmem:v3+s25+$0x0], $0xffff;
	[tilespmem:s9+$0x40] =	vst v15  }
0x8c: {  	v60 =	vld.idx.msk [tilespmem:v18+s25+$0x0], $0xffff;
	[tilespmem:s9+$0x60] =	vst v16  }
0x8d: {  	v61 =	vld.idx.msk [tilespmem:v17+s25+$0x0], $0xffff;
	[tilespmem:s9+$0xFFFFFFA0] =	vst v6  }
0x8e: {  	v4 =	vld.idx.msk [tilespmem:v4+s25+$0x0], $0xffff;
	[tilespmem:s9+$0xFFFFFF90] =	vst v7  }
0x8f: {  	v62 =	vld.idx.msk [tilespmem:v8+s25+$0x0], $0xffff;
	[tilespmem:s9+$0xFFFFFFF0] =	vst v63  }
0x90: {  	v2 =	vld.idx.msk [tilespmem:v5+s25+$0x0], $0xffff;
	[tilespmem:s9+$0xFFFFFFD0] =	vst v3  }
0x91: {  	[tilespmem:s9+$0x10] =	vst v60  }
.Ltmp4:
0x92: {  	[tilespmem:s9+$0x30] =	vst v61;
	(pc) =	sbr.rel @p3 .LBB2_8-.Ltmp4, $4  }
0x93: {  	s11 =	smul.u32 $0xC00, s11;
	[tilespmem:s9+$0x50] =	vst v4  }
0x94: {  	[tilespmem:s9+$0x70] =	vst v62  }
0x95: {  	s17 =	sadd.s32 s5, s11;
	[tilespmem:s9+$0xFFFFFFB0] =	vst v2  }
0x96: {  	[hbm4b:s17+s3] =	stream.linear.scatter [tilespmem:s1], [sflag:$0x4], $0x6000, $0x38;
	[tilespmem:$0x1A000] =	vst v63  }
0x97: {  	s8 =	sadd.s32 s8, s13  }
0x98: {  	s8 =	smul.u32 $0x300, s8;
	_ =	sdelay $0x1  }
0x99: {  	s8 =	sadd.s32 s2, s8  }
0x9a: {  	[tilespmem:s25], [sflag:$0x2] =	stream.linear.gather [hbm4b:s8+s3], $0x1800, $0x38;
	[tilespmem:$0x1A000] =	vst v63  }
0x9b: {  	s9 =	sadd.s32 $0xF4280, s8  }
0x9c: {  	[tilespmem:s26], [sflag:$0x2] =	stream.linear.gather [hbm4b:s9+s3], $0x1800, $0x38;
	[tilespmem:$0x1A000] =	vst v63  }
.Ltmp5:
0x9d: {  	_ = 	snop;
	(pc) =	sbr.rel .LBB2_2-.Ltmp5, $4  }
0x9e: {  	s17 =	sadd.s32 $0x1E8500, s8  }
0x9f: {  	[tilespmem:s28], [sflag:$0x2] =	stream.linear.gather [hbm4b:s17+s3], $0x1800, $0x38;
	[tilespmem:$0x1A000] =	vst v63  }
0xa0: {  	s4 =	sadd.s32 $0x1, s4;
	s8 =	sadd.s32 $0x2DC780, s8  }
0xa1: {  	[tilespmem:s29], [sflag:$0x2] =	stream.linear.gather [hbm4b:s8+s3], $0x1800, $0x38;
	[tilespmem:$0x1A000] =	vst v63  }
.LBB2_8:
0xa2: {  	_ =	swait.ge [sflag:s22], $0x6000  }
.Ltmp6:
0xa3: {  	[sflag:s22] =	ssyncset.done $0x0;
	(pc) =	sbr.rel @p1 .LBB2_12-.Ltmp6, $4  }
0xa4: {  	[sflag:s22] =	ssyncadd.s32 $0xFFFFA000  }
0xa5: {  	_ =	swait.ge [sflag:s23], $0x6000  }
0xa6: {  	[sflag:s23] =	ssyncset.done $0x0  }
0xa7: {  	[sflag:s23] =	ssyncadd.s32 $0xFFFFA000  }
0xa8: {  	[tilespmem:s25], [sflag:$0x5] =	stream.linear.gather [hbm4b:s15+s3], $0x1800, $0x38;
	[tilespmem:$0x1A000] =	vst v63  }
0xa9: {  	s4 =	sadd.s32 $0xF4280, s15;
	v6 =	vimm.s32 $0x0  }
0xaa: {  	v2 =	vshll.u32 v6, $0x3;
	[tilespmem:s26], [sflag:$0x5] =	stream.linear.gather [hbm4b:s4+s3], $0x1800, $0x38;
	[tilespmem:$0x1A000] =	vst v63  }
0xab: {  	s14 =	sadd.s32 $0x1E8500, s15;
	v3 =	vand.u32 $0xFFFFFC00, v2  }
0xac: {  	v5 =	vand.u32 $0x78, v6;
	v4 =	vadd.s32 v0, v3;
	[tilespmem:s28], [sflag:$0x5] =	stream.linear.gather [hbm4b:s14+s3], $0x1800, $0x38;
	[tilespmem:$0x1A000] =	vst v63  }
0xad: {  	s17 =	sadd.s32 $0x2DC780, s15;
	v15 =	vor.u32 $0x2, v5;
	v2 =	vor.u32 v5, v4  }
0xae: {  	v8 =	vor.u32 $0x3, v5;
	v7 =	vor.u32 v15, v4;
	[tilespmem:s29], [sflag:$0x5] =	stream.linear.gather [hbm4b:s17+s3], $0x1800, $0x38;
	[tilespmem:$0x1A000] =	vst v63  }
0xaf: {  	v16 =	vor.u32 $0x4, v5;
	v10 =	vor.u32 v8, v4;
	_ =	swait.ge [sflag:s24], $0x6000  }
0xb0: {  	v17 =	vor.u32 $0x5, v5;
	v11 =	vor.u32 v16, v4;
	[sflag:s24] =	ssyncset.done $0x0  }
0xb1: {  	v18 =	vor.u32 $0x6, v5;
	v14 =	vor.u32 v17, v4;
	[sflag:s24] =	ssyncadd.s32 $0xFFFFA000  }
0xb2: {  	v20 =	vor.u32 $0x7, v5;
	v19 =	vor.u32 v18, v4;
	v9 =	vld.idx.msk [tilespmem:v2+s25+$0x0], $0xffff  }
0xb3: {  	v22 =	vor.u32 $0x1, v5;
	v21 =	vor.u32 v20, v4;
	v2 =	vld.idx.msk [tilespmem:v7+s25+$0x0], $0xffff  }
0xb4: {  	v23 =	vadd.s32 v1, v3;
	v12 =	vld.idx.msk [tilespmem:v10+s25+$0x0], $0xffff;
	v7 =	vor.u32 v22, v4  }
0xb5: {  	v13 =	vld.idx.msk [tilespmem:v11+s25+$0x0], $0xffff;
	v11 =	vor.u32 v5, v23  }
0xb6: {  	v6 =	vadd.s32 $0x8, v6;
	v10 =	vor.u32 v8, v23;
	v14 =	vld.idx.msk [tilespmem:v14+s25+$0x0], $0xffff  }
0xb7: {  	v3 =	vor.u32 v15, v23;
	v4 =	vor.u32 v18, v23;
	v15 =	vld.idx.msk [tilespmem:v19+s25+$0x0], $0xffff;
	v18 =	vor.u32 v16, v23  }
0xb8: {  	s8 =	simm.s32 $0x0;
	s4 =	simm.s32 $0x14080;
	v17 =	vor.u32 v17, v23;
	v8 =	vor.u32 v20, v23;
	v5 =	vor.u32 v22, v23;
	v16 =	vld.idx.msk [tilespmem:v21+s25+$0x0], $0xffff  }
.LBB2_10:
0xb9: {  	v19 =	vand.u32 $0x78, v6;
	v20 =	vshll.u32 v6, $0x3;
	s8 =	sadd.s32 $0x8, s8;
	[tilespmem:s4+$0xFFFFFF80] =	vst v9;
	v9 =	vld.idx.msk [tilespmem:v7+s25+$0x0], $0xffff  }
0xba: {  	v20 =	vand.u32 $0xFFFFFC00, v20;
	v21 =	vor.u32 $0x2, v19;
	v22 =	vor.u32 $0x3, v19;
	p2 =	slt.u32 s8, $0x2F8;
	v11 =	vld.idx.msk [tilespmem:v11+s25+$0x0], $0xffff;
	[tilespmem:s4+$0xFFFFFFE0] =	vst v12  }
0xbb: {  	v12 =	vadd.s32 v0, v20;
	v23 =	vld.idx.msk [tilespmem:v10+s25+$0x0], $0xffff;
	[tilespmem:s4+$0x0] =	vst v13  }
0xbc: {  	v13 =	vor.u32 $0x1, v19;
	v10 =	vor.u32 v19, v12;
	v24 =	vor.u32 v22, v12;
	v18 =	vld.idx.msk [tilespmem:v18+s25+$0x0], $0xffff;
	[tilespmem:s4+$0x20] =	vst v14  }
0xbd: {  	v7 =	vor.u32 v13, v12;
	v14 =	vld.idx.msk [tilespmem:v17+s25+$0x0], $0xffff;
	[tilespmem:s4+$0x40] =	vst v15  }
0xbe: {  	v15 =	vor.u32 v21, v12;
	v17 =	vld.idx.msk [tilespmem:v4+s25+$0x0], $0xffff;
	[tilespmem:s4+$0x60] =	vst v16  }
0xbf: {  	v16 =	vor.u32 $0x4, v19;
	[tilespmem:s4+$0xFFFFFFA0] =	vst v9;
	v25 =	vld.idx.msk [tilespmem:v8+s25+$0x0], $0xffff  }
0xc0: {  	v27 =	vor.u32 $0x5, v19;
	v26 =	vor.u32 v16, v12;
	[tilespmem:s4+$0xFFFFFF90] =	vst v11;
	v28 =	vld.idx.msk [tilespmem:v5+s25+$0x0], $0xffff  }
0xc1: {  	v20 =	vadd.s32 v1, v20;
	v29 =	vor.u32 v27, v12;
	v4 =	vor.u32 $0x6, v19;
	v9 =	vld.idx.msk [tilespmem:v10+s25+$0x0], $0xffff;
	[tilespmem:s4+$0xFFFFFFC0] =	vst v2  }
0xc2: {  	v30 =	vor.u32 v4, v12;
	v4 =	vor.u32 v4, v20;
	v5 =	vor.u32 $0x7, v19;
	v31 =	vld.idx.msk [tilespmem:v3+s25+$0x0], $0xffff;
	[tilespmem:s4+$0x10] =	vst v18  }
0xc3: {  	v11 =	vor.u32 v19, v20;
	v19 =	vor.u32 v5, v12;
	v2 =	vld.idx.msk [tilespmem:v15+s25+$0x0], $0xffff;
	[tilespmem:s4+$0x30] =	vst v14  }
.Ltmp7:
0xc4: {  	v10 =	vor.u32 v22, v20;
	v8 =	vor.u32 v5, v20;
	v12 =	vld.idx.msk [tilespmem:v24+s25+$0x0], $0xffff;
	[tilespmem:s4+$0x50] =	vst v17;
	(pc) =	sbr.rel @p2 .LBB2_10-.Ltmp7, $4  }
0xc5: {  	v5 =	vor.u32 v13, v20;
	v3 =	vor.u32 v21, v20;
	v13 =	vld.idx.msk [tilespmem:v26+s25+$0x0], $0xffff;
	[tilespmem:s4+$0x70] =	vst v25  }
0xc6: {  	v14 =	vld.idx.msk [tilespmem:v29+s25+$0x0], $0xffff;
	[tilespmem:s4+$0xFFFFFFF0] =	vst v23  }
0xc7: {  	v18 =	vor.u32 v16, v20;
	v15 =	vld.idx.msk [tilespmem:v30+s25+$0x0], $0xffff;
	[tilespmem:s4+$0xFFFFFFB0] =	vst v28  }
0xc8: {  	v6 =	vadd.s32 $0x8, v6;
	v17 =	vor.u32 v27, v20;
	v16 =	vld.idx.msk [tilespmem:v19+s25+$0x0], $0xffff;
	[tilespmem:s4+$0xFFFFFFD0] =	vst v31;
	s4 =	sadd.s32 $0x100, s4  }
0xc9: {  	_ =	sdelay $0x1  }
0xca: {  	[tilespmem:s4+$0xFFFFFF80] =	vst v9  }
0xcb: {  	[tilespmem:s4+$0xFFFFFFE0] =	vst v12  }
0xcc: {  	v6 =	vld.idx.msk [tilespmem:v7+s25+$0x0], $0xffff;
	[tilespmem:s4+$0xFFFFFFC0] =	vst v2  }
0xcd: {  	v59 =	vld.idx.msk [tilespmem:v11+s25+$0x0], $0xffff;
	[tilespmem:s4+$0x0] =	vst v13  }
0xce: {  	v63 =	vld.idx.msk [tilespmem:v10+s25+$0x0], $0xffff;
	[tilespmem:s4+$0x20] =	vst v14  }
0xcf: {  	v3 =	vld.idx.msk [tilespmem:v3+s25+$0x0], $0xffff;
	[tilespmem:s4+$0x40] =	vst v15  }
0xd0: {  	v60 =	vld.idx.msk [tilespmem:v18+s25+$0x0], $0xffff;
	[tilespmem:s4+$0x60] =	vst v16  }
0xd1: {  	v61 =	vld.idx.msk [tilespmem:v17+s25+$0x0], $0xffff;
	[tilespmem:s4+$0xFFFFFFA0] =	vst v6  }
0xd2: {  	v4 =	vld.idx.msk [tilespmem:v4+s25+$0x0], $0xffff;
	[tilespmem:s4+$0xFFFFFF90] =	vst v59  }
0xd3: {  	v62 =	vld.idx.msk [tilespmem:v8+s25+$0x0], $0xffff;
	[tilespmem:s4+$0xFFFFFFF0] =	vst v63  }
0xd4: {  	v2 =	vld.idx.msk [tilespmem:v5+s25+$0x0], $0xffff;
	[tilespmem:s4+$0xFFFFFFD0] =	vst v3  }
0xd5: {  	[tilespmem:s4+$0x10] =	vst v60  }
0xd6: {  	[tilespmem:s4+$0x30] =	vst v61  }
0xd7: {  	[tilespmem:s4+$0x50] =	vst v4  }
0xd8: {  	[tilespmem:s4+$0x70] =	vst v62  }
0xd9: {  	[tilespmem:s4+$0xFFFFFFB0] =	vst v2  }
.Ltmp8:
0xda: {  	s4 =	rddreg [dreg:$0x8];
	(pc) =	sbr.rel .LBB2_12-.Ltmp8, $4  }
0xdb: {  	[hbm4b:s4+s3] =	stream.linear.scatter [tilespmem:s1], [sflag:$0x5], $0x6000, $0x38;
	[tilespmem:$0x1A000] =	vst v63  }
0xdc: {  	_ =	swait.ge [sflag:s24], $0x6000  }
0xdd: {  	[sflag:s24] =	ssyncset.done $0x0  }
0xde: {  	[sflag:s24] =	ssyncadd.s32 $0xFFFFA000  }
.LBB2_13:
0xdf: {  	_ =	sfence.sel $0x180000  }
0xe0: {  	[bflag:$0x0] =	sbarrier.arrive $0xFFFF  }
0xe1: {  	_ =	strace $0x90000047  }
0xe2: {  	s0 =	stileid.u32;
	[bflag:$0x2] =	sbarrier.arrive $0xFFFF  }
0xe3: {  	p0 =	sne.s32 s0, $0x0;
	s0 =	rddreg [dreg:$0x2]  }
0xe4: {  	s0 =	sadd.s32 @!p0 $0x100000, s0  }
0xe5: {  	[sflag:s0] =	ssyncadd.tile.s32 @!p0 $0x1;
	_ =	shalt  }
.Lfunc_end2:
_tile_overlayer_lowered:
.L_overlay_start_2:
0xe6: {  	(tag) =	ssettag $0x2  }
0xe7: {  	s0 =	rddreg [dreg:$0x0];
	s2 =	stileid.u32  }
0xe8: {  	s1 =	rddreg [dreg:$0x1];
	p0 =	sne.s32 s2, $0x0  }
0xe9: {  	s3 =	rddreg [dreg:$0x2];
	[bflag:$0x3] =	sbarrier.arrive $0xFFFF;
	s2 =	simm.s32 @!p0 $0x1C05  }
0xea: {  	[timem:s3], [sflag:s2] =	dma.local @!p0 [hbm:s0], s1  }
0xeb: {  	s0 =	simm.s32 @!p0 $0x5  }
0xec: {  	_ =	swait.ge @!p0 [sflag:s0], s1  }
0xed: {  	s1 =	ssub.s32 @!p0 $0x0, s1;
	[sflag:s0] =	ssyncset.done @!p0 $0x0  }
0xee: {  	[sflag:s0] =	ssyncadd.s32 @!p0 s1  }
0xef: {  	[bflag:$0x3] =	sbarrier.arrive $0xFFFF  }
0xf0: {  	_ =	shalt  }

// kernel: kernel.7.cloned.1.call-start
scs
__scs_entry_jumppad:
0x0: {  	(pc) =	sbr.rel $0x88, $3  }
0x1: {  	(tag) =	ssettag $0x0;
	lr =	simm.s32 $0x1  }
0x2: {  	[smem:$0x3F9F] =	sst lr;
	_ =	strace $0xD0000000  }
0x3: {  	_ = 	snop  }
0x4: {  	_ = 	snop  }
0x5: {  	_ = 	snop  }
0x6: {  	_ = 	snop  }
0x7: {  	_ = 	snop  }
__scs_overlays_trampoline_lowered:
0x8: {  	[smem:$0x3FAE] =	sst s0  }
0x9: {  	[smem:$0x3FAF] =	sst s1  }
0xa: {  	[smem:$0x3FB0] =	sst s2  }
0xb: {  	[smem:$0x3FB1] =	sst s3  }
0xc: {  	[smem:$0x3FB2] =	sst s4  }
0xd: {  	[smem:$0x3FB3] =	sst s5  }
0xe: {  	[smem:$0x3FB4] =	sst s6  }
0xf: {  	[smem:$0x3FB5] =	sst s7  }
0x10: {  	[smem:$0x3FB6] =	sst s8  }
0x11: {  	[smem:$0x3FB7] =	sst s9;
	s0 =	simm.s32 @!p0 $0x0  }
0x12: {  	s1 =	sld [smem:$0x3F9D];
	s0 =	simm.s32 @p0 $0x1  }
0x13: {  	[smem:$0x3FB8] =	sst s0;
	s0 =	simm.s32 @!p1 $0x0  }
0x14: {  	s2 =	sld [smem:$0x3F9C];
	s0 =	simm.s32 @p1 $0x1  }
0x15: {  	[smem:$0x3FB9] =	sst s0;
	s0 =	simm.s32 @!p2 $0x0  }
0x16: {  	s3 =	sld [smem:$0x3FDB];
	s0 =	simm.s32 @p2 $0x1  }
0x17: {  	s4 =	simm.s32 $0x1BF5;
	[smem:$0x3FBB] =	sst s0  }
0x18: {  	s0 =	sld [smem:$0x3F9E];
	_ =	swait.ge [sflag:s4], $0x0  }
0x19: {  	s7 =	sld [smem:$0x3F9F]  }
0x1a: {  	s8 =	sadd.s32 $0xFFFFE003, lr  }
0x1b: {  	s9 =	sadd.s32 $0xFFFFFEF7, lr;
	s5 =	simm.s32 $0xFFFFFFFF;
	p2 =	slt.u32 s8, $0xFFFFF086  }
0x1c: {  	p1 =	slt.u32 s9, $0xF7A;
	s5 =	simm.s32 @!p2 $0x0  }
0x1d: {  	s5 =	simm.s32 @p1 $0x1;
	p0 =	seq.s32 s7, s2  }
0x1e: {  	s7 =	smul.u32 @!p0 $0xF7A, s2;
	p2 =	seq.s32 @!p0 s5, $0x0  }
0x1f: {  	s9 =	smul.u32 $0xF7A, s1;
	s8 =	simm.s32 @!p0 $0x1BF5;
	p2 =	por !p2, p0  }
0x20: {  	[sflag:s8] =	ssyncset.s32 @!p0 $0xFFFFF086;
	s6 =	sadd.s32 @!p0 s3, s7;
	s7 =	simm.s32 @!p0 $0x108  }
0x21: {  	s3 =	sadd.s32 s3, s9;
	s6 =	sadd.s32 @!p0 $0x88, s6;
	s7 =	simm.s32 @p2 $0x1082  }
0x22: {  	[simem:s7], [sflag:s8] =	dma.local @!p0 [hbm:s6], $0xF7A  }
0x23: {  	s9 =	sor.u32 $0xD0000000, s2;
	s6 =	simm.s32 $0x108;
	_ =	swait.ge @!p0 [sflag:s8], $0x0  }
0x24: {  	s3 =	sadd.s32 $0x88, s3;
	s6 =	simm.s32 @!p1 $0x1082;
	[sflag:s4] =	ssyncset.s32 $0xFFFFF086  }
0x25: {  	[simem:s6], [sflag:s4] =	dma.local [hbm:s3], $0xF7A  }
0x26: {  	[smem:$0x3F9F] =	sst s1;
	(tag) =	ssettag s2;
	_ =	strace s9  }
0x27: {  	s1 =	sld [smem:$0x3FAF]  }
0x28: {  	s2 =	sld [smem:$0x3FB0]  }
0x29: {  	s4 =	sld [smem:$0x3FB2]  }
0x2a: {  	p0 =	seq.s32 s5, $0x0;
	s5 =	sld [smem:$0x3FB3]  }
0x2b: {  	s6 =	sld [smem:$0x3FB4]  }
0x2c: {  	s7 =	sld [smem:$0x3FB5]  }
0x2d: {  	s3 =	simm.s32 $0x108;
	s8 =	sld [smem:$0x3FB6]  }
0x2e: {  	s3 =	simm.s32 @!p0 $0x1082;
	s9 =	sld [smem:$0x3FB7]  }
0x2f: {  	lr =	sadd.s32 s0, s3;
	s0 =	sld [smem:$0x3FAE]  }
0x30: {  	s3 =	sld [smem:$0x3FB1]  }
0x31: {  	[smem:$0x3FBA] =	sst s10  }
0x32: {  	s10 =	sld [smem:$0x3FB8];
	_ =	sdelay $0x3  }
0x33: {  	p0 =	seq.s32 s10, $0x1;
	s10 =	sld [smem:$0x3FBA];
	_ =	sdelay $0x3  }
0x34: {  	[smem:$0x3FBA] =	sst s10  }
0x35: {  	s10 =	sld [smem:$0x3FB9];
	_ =	sdelay $0x3  }
0x36: {  	p1 =	seq.s32 s10, $0x1;
	s10 =	sld [smem:$0x3FBA];
	_ =	sdelay $0x3  }
0x37: {  	[smem:$0x3FBA] =	sst s10  }
0x38: {  	s10 =	sld [smem:$0x3FBB]  }
0x39: {  	_ = 	snop;
	(pc) =	sbr.ind lr, $3  }
0x3a: {  	_ = 	snop  }
0x3b: {  	_ = 	snop  }
0x3c: {  	p2 =	seq.s32 s10, $0x1;
	s10 =	sld [smem:$0x3FBA]  }
0x3d: {  	_ =	shalt  }
0x3e: {  	_ =	shalt  }
0x3f: {  	_ =	shalt  }
0x40: {  	_ =	shalt  }
0x41: {  	_ =	shalt  }
0x42: {  	_ =	shalt  }
0x43: {  	_ =	shalt  }
0x44: {  	_ =	shalt  }
0x45: {  	_ =	shalt  }
0x46: {  	_ =	shalt  }
0x47: {  	_ =	shalt  }
0x48: {  	_ =	shalt  }
0x49: {  	_ =	shalt  }
0x4a: {  	_ =	shalt  }
0x4b: {  	_ =	shalt  }
0x4c: {  	_ =	shalt  }
0x4d: {  	_ =	shalt  }
0x4e: {  	_ =	shalt  }
0x4f: {  	_ =	shalt  }
0x50: {  	_ =	shalt  }
0x51: {  	_ =	shalt  }
0x52: {  	_ =	shalt  }
0x53: {  	_ =	shalt  }
0x54: {  	_ =	shalt  }
0x55: {  	_ =	shalt  }
0x56: {  	_ =	shalt  }
0x57: {  	_ =	shalt  }
0x58: {  	_ =	shalt  }
0x59: {  	_ =	shalt  }
0x5a: {  	_ =	shalt  }
0x5b: {  	_ =	shalt  }
0x5c: {  	_ =	shalt  }
0x5d: {  	_ =	shalt  }
0x5e: {  	_ =	shalt  }
0x5f: {  	_ =	shalt  }
0x60: {  	_ =	shalt  }
0x61: {  	_ =	shalt  }
0x62: {  	_ =	shalt  }
0x63: {  	_ =	shalt  }
0x64: {  	_ =	shalt  }
0x65: {  	_ =	shalt  }
0x66: {  	_ =	shalt  }
0x67: {  	_ =	shalt  }
0x68: {  	_ =	shalt  }
0x69: {  	_ =	shalt  }
0x6a: {  	_ =	shalt  }
0x6b: {  	_ =	shalt  }
0x6c: {  	_ =	shalt  }
0x6d: {  	_ =	shalt  }
0x6e: {  	_ =	shalt  }
0x6f: {  	_ =	shalt  }
0x70: {  	_ =	shalt  }
0x71: {  	_ =	shalt  }
0x72: {  	_ =	shalt  }
0x73: {  	_ =	shalt  }
0x74: {  	_ =	shalt  }
0x75: {  	_ =	shalt  }
0x76: {  	_ =	shalt  }
0x77: {  	_ =	shalt  }
0x78: {  	_ =	shalt  }
0x79: {  	_ =	shalt  }
0x7a: {  	_ =	shalt  }
0x7b: {  	_ =	shalt  }
0x7c: {  	_ =	shalt  }
0x7d: {  	_ =	shalt  }
0x7e: {  	_ =	shalt  }
0x7f: {  	_ =	shalt  }
0x80: {  	_ =	shalt  }
0x81: {  	_ =	shalt  }
0x82: {  	_ =	shalt  }
0x83: {  	_ =	shalt  }
0x84: {  	_ =	shalt  }
0x85: {  	_ =	shalt  }
0x86: {  	_ =	shalt  }
0x87: {  	_ =	shalt  }
.Lfunc_end0:
.L_simem_size_0:
called_computation.1_lowered:
.L_overlay_start_0:
0x88: {  	s2 =	sld [smem:$0x3FD9]  }
0x89: {  	s3 =	sld [smem:$0x3FFE];
	_ =	sdelay $0x1  }
0x8a: {  	s1 =	srdreg.scid  }
0x8b: {  	s0 =	sand.u32 $0x1, s1  }
0x8c: {  	s17 =	sshll.u32 s0, $0xA;
	s2 =	sadd.s32 s3, s2  }
0x8d: {  	s2 =	sadd.s32 s2, s17  }
0x8e: {  	[smem:$0x3FC6] =	sst s2  }
0x8f: {  	_ = 	snop  }
0x90: {  	s2 =	sld [smem:$0x3FD0];
	(tm) =	ssettm $0x1  }
0x91: {  	s18 =	sld [smem:$0x3FFB];
	_ =	sdelay $0x3  }
0x92: {  	_ =	strace s18  }
0x93: {  	s3 =	sld [smem:$0x3FFC];
	_ =	sdelay $0x3  }
0x94: {  	_ =	strace s3  }
0x95: {  	s3 =	sld [smem:$0x3FFD];
	_ =	sdelay $0x3  }
0x96: {  	_ =	strace s3  }
0x97: {  	_ =	strace $0x8FFFFFFF  }
0x98: {  	s19 =	sld [smem:$0x3FDB];
	_ =	sdelay $0x1  }
0x99: {  	s4 =	simm.s32 $_scs_section_size  }
0x9a: {  	s5 =	simm.s32 $_size__tile_overlayer_lowered;
	s6 =	simm.s32 $_tile_overlayer_lowered  }
0x9b: {  	s22 =	simm.s32 $0x1BFF;
	s21 =	sshll.u32 s6, $0x1;
	s3 =	sadd.s32 s4, s19  }
0x9c: {  	s7 =	simm.s32 $0x0;
	s20 =	sshll.u32 s5, $0x1;
	s5 =	sadd.s32 s21, s3  }
0x9d: {  	[timem:s7], [sflag:s22] =	dma.local [hbm:s5], s20  }
0x9e: {  	_ =	swait.ge [sflag:s22], s20  }
0x9f: {  	s4 =	ssub.s32 $0x0, s20;
	[sflag:s22] =	ssyncset.done $0x0  }
0xa0: {  	[sflag:s22] =	ssyncadd.s32 s4;
	_ =	sdelay $0x1  }
0xa1: {  	s23 =	simm.s32 $0x1B8B  }
0xa2: {  	_ =	swait.ge [sflag:s23], $0x1  }
0xa3: {  	[sflag:s23] =	ssyncset.done $0x0  }
0xa4: {  	s25 =	simm.s32 $0x1B8E;
	s24 =	sld [smem:$0x3FFE];
	[sflag:s23] =	ssyncadd.s32 $0xFFFFFFFF  }
0xa5: {  	s26 =	simm.s32 $execute0_lowered;
	[smem:$0x3FD2] =	sst s25  }
0xa6: {  	s5 =	sshll.u32 s26, $0x1;
	_ =	strace $0x80000049;
	[dreg:$0x1] =	wrdreg $0xFFFFFFFF  }
0xa7: {  	s28 =	simm.s32 $_size_execute0_lowered;
	s3 =	sadd.s32 s3, s5;
	[dreg:$0x0] =	wrdreg $0x0  }
0xa8: {  	s5 =	sshll.u32 s28, $0x1;
	[dreg:$0x2] =	wrdreg s3  }
0xa9: {  	[dreg:$0x3] =	wrdreg s5  }
0xaa: {  	[dreg:$0x4] =	wrdreg $0xC0  }
0xab: {  	_ =	task [dreg:s7], $0x5FFFF  }
0xac: {  	[dreg:$0x1] =	wrdreg $0xFFFFFFFF  }
0xad: {  	[dreg:$0x0] =	wrdreg $0x60  }
0xae: {  	[dreg:$0x2] =	wrdreg s2  }
0xaf: {  	[dreg:$0x3] =	wrdreg s24  }
0xb0: {  	[dreg:$0x4] =	wrdreg $0x9  }
0xb1: {  	_ =	task.clear_ibuf [dreg:s7], $0x5FFFF;
	_ =	strace $0x90000049  }
0xb2: {  	s29 =	simm.s32 $0x9;
	_ =	strace $0x8000004B  }
0xb3: {  	_ =	swait.ge [sflag:s29], $0x1  }
0xb4: {  	[sflag:s29] =	ssyncadd.s32 $0xFFFFFFFF  }
0xb5: {  	_ =	strace $0x9000004B  }
0xb6: {  	_ =	sfence  }
0xb7: {  	s30 =	sld [smem:$0x0];
	_ =	sdelay $0x2  }
0xb8: {  	s31 =	sshll.u32 s1, $0xD;
	s1 =	sshrl.u32 s1, $0x2  }
0xb9: {  	s3 =	sand.u32 $0x4000, s31;
	s1 =	sadd.s32 s1, s30  }
0xba: {  	s0 =	sor.u32 s3, s0;
	s1 =	sshll.u32 s1, $0x11  }
0xbb: {  	s0 =	sor.u32 s1, s0  }
0xbc: {  	s0 =	sadd.s32 $0x8F2B, s0  }
0xbd: {  	[sflag:s0] =	ssyncadd.remote.s32 $0x1  }
0xbe: {  	_ =	sfence.sel $0xFFFF  }
0xbf: {  	[dreg:$0x0] =	wrdreg $0xFFFFFFFF;
	(pc) =	sbr.abs _section_cstart, $3  }
0xc0: {  	[dreg:$0x1] =	wrdreg $0xFFFFFFFF  }
0xc1: {  	_ =	task.clear_ibuf [dreg:s7], $0x2FFFF;
	_ =	strace $0x9FFFFFFF  }
0xc2: {  	(tm) =	ssettm $0x7FFFFFFF  }
0xc3: {  	_ =	shalt  }
tec
execute0_lowered:
.L_overlay_start_1:
0x0: {  	(tag) =	ssettag $0x1  }
0x1: {  	s3 =	srdreg.scid;
	s4 =	stileid.u32  }
0x2: {  	s5 =	sand.u32 $0x1, s3;
	s24 =	sshll.u32 s4, $0x1  }
0x3: {  	s0 =	rddreg [dreg:$0x0];
	s3 =	sor.u32 s5, s24  }
0x4: {  	s1 =	rddreg [dreg:$0x1];
	s7 =	ssub.s32 $0x2, s5;
	s8 =	sshll.u32 s3, $0x6  }
0x5: {  	s2 =	simm.s32 $0x0;
	s25 =	sshrl.u32 s7, $0x1;
	s6 =	sadd.s32 s0, s8  }
0x6: {  	[smem:$0x7FF] =	sst s2;
	s26 =	ssub.s32 s7, s25;
	s7 =	sadd.s32 $0x800, s6  }
0x7: {  	_ =	strace $0x8000004A;
	s9 =	sadd.s32 $0x1000, s6;
	[dreg:$0x3] =	wrdreg s7  }
0x8: {  	s10 =	sadd.s32 $0x1800, s6;
	[dreg:$0x4] =	wrdreg s9  }
0x9: {  	s11 =	sadd.s32 $0x2000, s6;
	[dreg:$0x5] =	wrdreg s10  }
0xa: {  	s12 =	sadd.s32 $0x2800, s6;
	[dreg:$0x6] =	wrdreg s11  }
0xb: {  	s13 =	sadd.s32 $0x3000, s6;
	[dreg:$0x7] =	wrdreg s12  }
0xc: {  	s14 =	sadd.s32 $0x3800, s6;
	[dreg:$0x8] =	wrdreg s13  }
0xd: {  	s15 =	sadd.s32 $0x4000, s6;
	[dreg:$0x9] =	wrdreg s14  }
0xe: {  	s4 =	sadd.s32 $0xC00, s1;
	s16 =	sadd.s32 $0x4800, s6;
	[dreg:$0xa] =	wrdreg s15  }
0xf: {  	s5 =	sadd.s32 $0x3D1600, s1;
	s17 =	sadd.s32 $0x5000, s6;
	[dreg:$0xb] =	wrdreg s16  }
0x10: {  	p0 =	sne.s32 s3, $0x0;
	s18 =	sadd.s32 $0x5800, s6;
	[dreg:$0xc] =	wrdreg s17  }
0x11: {  	s24 =	sadd.s32 s8, s5;
	s19 =	sadd.s32 $0x6000, s6;
	[dreg:$0xd] =	wrdreg s18  }
0x12: {  	s8 =	sshll.u32 s3, $0x9;
	s20 =	sadd.s32 $0x6800, s6;
	[dreg:$0xe] =	wrdreg s19  }
0x13: {  	s21 =	sadd.s32 $0x7000, s6;
	s22 =	sadd.s32 $0x7800, s6;
	[dreg:$0xf] =	wrdreg s20  }
0x14: {  	s23 =	sadd.s32 $0x8000, s6;
	s25 =	sadd.s32 $0x8800, s6;
	[dreg:$0x10] =	wrdreg s21  }
0x15: {  	s24 =	sadd.s32 $0x10000, s24;
	s0 =	smax.u32 s26, $0x1;
	[dreg:$0x11] =	wrdreg s22  }
0x16: {  	v0 =	vlaneseq.u32;
	s26 =	sadd.s32 $0x9000, s6;
	s28 =	sadd.s32 $0x9800, s6;
	[dreg:$0x12] =	wrdreg s23  }
0x17: {  	v0 =	vmul.u32 $0x208, v0;
	s29 =	sadd.s32 $0xA000, s6;
	s30 =	sadd.s32 $0xA800, s6;
	[dreg:$0x13] =	wrdreg s25  }
0x18: {  	s31 =	sadd.s32 $0xB000, s6;
	s1 =	sadd.s32 $0xC000, s6;
	[dreg:$0x14] =	wrdreg s0  }
.Ltmp0:
0x19: {  	v1 =	vadd.s32 $0x2080, v0;
	v2 =	vor.u32 $0x1, v0;
	v3 =	vadd.s32 $0x2081, v0;
	[dreg:$0x15] =	wrdreg s26;
	s0 =	sadd.s32 $0xB800, s6;
	(pc) =	sbr.rel .LBB2_1-.Ltmp0, $4  }
0x1a: {  	v4 =	vor.u32 $0x2, v0;
	v5 =	vadd.s32 $0x2082, v0;
	v6 =	vor.u32 $0x3, v0;
	s7 =	sadd.s32 $0xC800, s6;
	s9 =	simm.s32 $0x200;
	s10 =	simm.s32 $0x1  }
0x1b: {  	v7 =	vadd.s32 $0x2083, v0;
	v8 =	vor.u32 $0x4, v0;
	v9 =	vadd.s32 $0x2084, v0;
	s11 =	simm.s32 $0x3400;
	s12 =	simm.s32 $0x7400;
	s13 =	simm.s32 $0x2  }
0x1c: {  	v10 =	vor.u32 $0x5, v0;
	v11 =	vadd.s32 $0x2085, v0;
	v12 =	vor.u32 $0x6, v0;
	s14 =	simm.s32 $0xB400;
	s15 =	simm.s32 $0x3;
	s16 =	simm.s32 $0x5  }
0x1d: {  	v13 =	vadd.s32 $0x2086, v0;
	v14 =	vor.u32 $0x7, v0;
	v15 =	vadd.s32 $0x2087, v0;
	s17 =	simm.s32 $0xF500;
	s18 =	simm.s32 $0x4;
	s19 =	simm.s32 $0x0  }
.LBB2_16:
0x1e: {  	_ =	swait.ge [sflag:s18], $0x4000  }
0x1f: {  	[sflag:s18] =	ssyncset.done $0x0  }
0x20: {  	[sflag:s18] =	ssyncadd.s32 $0xFFFFC000  }
0x21: {  	_ =	swait.ge [sflag:s16], $0x4000  }
0x22: {  	s19 =	sadd.s32 $0x1, s19;
	s20 =	rddreg [dreg:$0x14]  }
0x23: {  	p1 =	sne.s32 s19, s20  }
.Ltmp1:
0x24: {  	_ = 	snop;
	(pc) =	sbr.rel @!p1 .LBB2_17-.Ltmp1, $3  }
0x25: {  	_ =	sdelay $0x1  }
0x26: {  	[sflag:s16] =	ssyncset.done $0x0  }
0x27: {  	[sflag:s16] =	ssyncadd.s32 $0xFFFFC000  }
.LBB2_1:
0x28: {  	[tilespmem:s2], [sflag:$0x1] =	stream.linear.gather [hbm4b:s6+s2], $0x200, $0x38;
	[tilespmem:$0x13600] =	vst v63  }
0x29: {  	s20 =	rddreg [dreg:$0x3]  }
0x2a: {  	[tilespmem:s9], [sflag:$0x1] =	stream.linear.gather [hbm4b:s20+s2], $0x200, $0x38;
	[tilespmem:$0x13600] =	vst v63  }
0x2b: {  	s23 =	rddreg [dreg:$0x4];
	s21 =	simm.s32 $0x400  }
0x2c: {  	[tilespmem:s21], [sflag:$0x1] =	stream.linear.gather [hbm4b:s23+s2], $0x200, $0x38;
	[tilespmem:$0x13600] =	vst v63  }
0x2d: {  	s25 =	rddreg [dreg:$0x5];
	s26 =	simm.s32 $0x600  }
0x2e: {  	[tilespmem:s26], [sflag:$0x1] =	stream.linear.gather [hbm4b:s25+s2], $0x200, $0x38;
	[tilespmem:$0x13600] =	vst v63  }
0x2f: {  	s22 =	rddreg [dreg:$0x6];
	s23 =	simm.s32 $0x800  }
0x30: {  	[tilespmem:s23], [sflag:$0x1] =	stream.linear.gather [hbm4b:s22+s2], $0x200, $0x38;
	[tilespmem:$0x13600] =	vst v63  }
0x31: {  	s25 =	rddreg [dreg:$0x7];
	s26 =	simm.s32 $0xA00  }
0x32: {  	[tilespmem:s26], [sflag:$0x1] =	stream.linear.gather [hbm4b:s25+s2], $0x200, $0x38;
	[tilespmem:$0x13600] =	vst v63  }
0x33: {  	s22 =	rddreg [dreg:$0x8];
	s23 =	simm.s32 $0xC00  }
0x34: {  	[tilespmem:s23], [sflag:$0x1] =	stream.linear.gather [hbm4b:s22+s2], $0x200, $0x38;
	[tilespmem:$0x13600] =	vst v63  }
0x35: {  	s25 =	rddreg [dreg:$0x9];
	s26 =	simm.s32 $0xE00  }
0x36: {  	[tilespmem:s26], [sflag:$0x1] =	stream.linear.gather [hbm4b:s25+s2], $0x200, $0x38;
	[tilespmem:$0x13600] =	vst v63  }
0x37: {  	s22 =	rddreg [dreg:$0xa];
	s23 =	simm.s32 $0x1000  }
0x38: {  	[tilespmem:s23], [sflag:$0x1] =	stream.linear.gather [hbm4b:s22+s2], $0x200, $0x38;
	[tilespmem:$0x13600] =	vst v63  }
0x39: {  	s25 =	rddreg [dreg:$0xb];
	s26 =	simm.s32 $0x1200  }
0x3a: {  	[tilespmem:s26], [sflag:$0x1] =	stream.linear.gather [hbm4b:s25+s2], $0x200, $0x38;
	[tilespmem:$0x13600] =	vst v63  }
0x3b: {  	s22 =	rddreg [dreg:$0xc];
	s23 =	simm.s32 $0x1400  }
0x3c: {  	[tilespmem:s23], [sflag:$0x1] =	stream.linear.gather [hbm4b:s22+s2], $0x200, $0x38;
	[tilespmem:$0x13600] =	vst v63  }
0x3d: {  	s25 =	rddreg [dreg:$0xd];
	s26 =	simm.s32 $0x1600  }
0x3e: {  	[tilespmem:s26], [sflag:$0x1] =	stream.linear.gather [hbm4b:s25+s2], $0x200, $0x38;
	[tilespmem:$0x13600] =	vst v63  }
0x3f: {  	s22 =	rddreg [dreg:$0xe];
	s23 =	simm.s32 $0x1800  }
0x40: {  	[tilespmem:s23], [sflag:$0x1] =	stream.linear.gather [hbm4b:s22+s2], $0x200, $0x38;
	[tilespmem:$0x13600] =	vst v63  }
0x41: {  	s25 =	rddreg [dreg:$0xf];
	s26 =	simm.s32 $0x1A00  }
0x42: {  	[tilespmem:s26], [sflag:$0x1] =	stream.linear.gather [hbm4b:s25+s2], $0x200, $0x38;
	[tilespmem:$0x13600] =	vst v63  }
0x43: {  	s22 =	rddreg [dreg:$0x10];
	s23 =	simm.s32 $0x1C00  }
0x44: {  	[tilespmem:s23], [sflag:$0x1] =	stream.linear.gather [hbm4b:s22+s2], $0x200, $0x38;
	[tilespmem:$0x13600] =	vst v63  }
0x45: {  	s25 =	rddreg [dreg:$0x11];
	s26 =	simm.s32 $0x1E00  }
0x46: {  	[tilespmem:s26], [sflag:$0x1] =	stream.linear.gather [hbm4b:s25+s2], $0x200, $0x38;
	[tilespmem:$0x13600] =	vst v63  }
0x47: {  	s22 =	rddreg [dreg:$0x12];
	s23 =	simm.s32 $0x2000  }
0x48: {  	[tilespmem:s23], [sflag:$0x1] =	stream.linear.gather [hbm4b:s22+s2], $0x200, $0x38;
	[tilespmem:$0x13600] =	vst v63  }
0x49: {  	s25 =	rddreg [dreg:$0x13];
	s26 =	simm.s32 $0x2200  }
0x4a: {  	[tilespmem:s26], [sflag:$0x1] =	stream.linear.gather [hbm4b:s25+s2], $0x200, $0x38;
	[tilespmem:$0x13600] =	vst v63  }
0x4b: {  	s22 =	rddreg [dreg:$0x15];
	s23 =	simm.s32 $0x2400  }
0x4c: {  	[tilespmem:s23], [sflag:$0x1] =	stream.linear.gather [hbm4b:s22+s2], $0x200, $0x38;
	[tilespmem:$0x13600] =	vst v63  }
0x4d: {  	s25 =	simm.s32 $0x2600  }
0x4e: {  	[tilespmem:s25], [sflag:$0x1] =	stream.linear.gather [hbm4b:s28+s2], $0x200, $0x38;
	[tilespmem:$0x13600] =	vst v63  }
0x4f: {  	s26 =	simm.s32 $0x2800  }
0x50: {  	[tilespmem:s26], [sflag:$0x1] =	stream.linear.gather [hbm4b:s29+s2], $0x200, $0x38;
	[tilespmem:$0x13600] =	vst v63  }
0x51: {  	s21 =	simm.s32 $0x2A00  }
0x52: {  	[tilespmem:s21], [sflag:$0x1] =	stream.linear.gather [hbm4b:s30+s2], $0x200, $0x38;
	[tilespmem:$0x13600] =	vst v63  }
0x53: {  	s22 =	simm.s32 $0x2C00  }
0x54: {  	[tilespmem:s22], [sflag:$0x1] =	stream.linear.gather [hbm4b:s31+s2], $0x200, $0x38;
	[tilespmem:$0x13600] =	vst v63  }
0x55: {  	s23 =	simm.s32 $0x2E00  }
0x56: {  	[tilespmem:s23], [sflag:$0x1] =	stream.linear.gather [hbm4b:s0+s2], $0x200, $0x38;
	[tilespmem:$0x13600] =	vst v63  }
0x57: {  	s25 =	simm.s32 $0x3000  }
0x58: {  	[tilespmem:s25], [sflag:$0x1] =	stream.linear.gather [hbm4b:s1+s2], $0x200, $0x38;
	[tilespmem:$0x13600] =	vst v63  }
0x59: {  	s26 =	simm.s32 $0x3200  }
0x5a: {  	[tilespmem:s26], [sflag:$0x1] =	stream.linear.gather [hbm4b:s7+s2], $0x200, $0x38;
	[tilespmem:$0x13600] =	vst v63  }
0x5b: {  	_ =	swait.ge [sflag:s10], $0x200  }
0x5c: {  	[sflag:s10] =	ssyncset.done $0x0  }
0x5d: {  	[sflag:s10] =	ssyncadd.s32 $0xFFFFFE00  }
0x5e: {  	_ =	swait.ge [sflag:s10], $0x200  }
0x5f: {  	[sflag:s10] =	ssyncset.done $0x0  }
0x60: {  	[sflag:s10] =	ssyncadd.s32 $0xFFFFFE00  }
0x61: {  	_ =	swait.ge [sflag:s10], $0x200  }
0x62: {  	[sflag:s10] =	ssyncset.done $0x0  }
0x63: {  	[sflag:s10] =	ssyncadd.s32 $0xFFFFFE00  }
0x64: {  	_ =	swait.ge [sflag:s10], $0x200  }
0x65: {  	[sflag:s10] =	ssyncset.done $0x0  }
0x66: {  	[sflag:s10] =	ssyncadd.s32 $0xFFFFFE00  }
0x67: {  	_ =	swait.ge [sflag:s10], $0x200  }
0x68: {  	[sflag:s10] =	ssyncset.done $0x0  }
0x69: {  	[sflag:s10] =	ssyncadd.s32 $0xFFFFFE00  }
0x6a: {  	_ =	swait.ge [sflag:s10], $0x200  }
0x6b: {  	[sflag:s10] =	ssyncset.done $0x0  }
0x6c: {  	[sflag:s10] =	ssyncadd.s32 $0xFFFFFE00  }
0x6d: {  	_ =	swait.ge [sflag:s10], $0x200  }
0x6e: {  	[sflag:s10] =	ssyncset.done $0x0  }
0x6f: {  	[sflag:s10] =	ssyncadd.s32 $0xFFFFFE00  }
0x70: {  	_ =	swait.ge [sflag:s10], $0x200  }
0x71: {  	[sflag:s10] =	ssyncset.done $0x0  }
0x72: {  	[sflag:s10] =	ssyncadd.s32 $0xFFFFFE00  }
0x73: {  	_ =	swait.ge [sflag:s10], $0x200  }
0x74: {  	[sflag:s10] =	ssyncset.done $0x0  }
0x75: {  	[sflag:s10] =	ssyncadd.s32 $0xFFFFFE00  }
0x76: {  	_ =	swait.ge [sflag:s10], $0x200  }
0x77: {  	[sflag:s10] =	ssyncset.done $0x0  }
0x78: {  	[sflag:s10] =	ssyncadd.s32 $0xFFFFFE00  }
0x79: {  	_ =	swait.ge [sflag:s10], $0x200  }
0x7a: {  	[sflag:s10] =	ssyncset.done $0x0  }
0x7b: {  	[sflag:s10] =	ssyncadd.s32 $0xFFFFFE00  }
0x7c: {  	_ =	swait.ge [sflag:s10], $0x200  }
0x7d: {  	[sflag:s10] =	ssyncset.done $0x0  }
0x7e: {  	[sflag:s10] =	ssyncadd.s32 $0xFFFFFE00  }
0x7f: {  	_ =	swait.ge [sflag:s10], $0x200  }
0x80: {  	[sflag:s10] =	ssyncset.done $0x0  }
0x81: {  	[sflag:s10] =	ssyncadd.s32 $0xFFFFFE00  }
0x82: {  	_ =	swait.ge [sflag:s10], $0x200  }
0x83: {  	[sflag:s10] =	ssyncset.done $0x0  }
0x84: {  	[sflag:s10] =	ssyncadd.s32 $0xFFFFFE00  }
0x85: {  	_ =	swait.ge [sflag:s10], $0x200  }
0x86: {  	[sflag:s10] =	ssyncset.done $0x0  }
0x87: {  	[sflag:s10] =	ssyncadd.s32 $0xFFFFFE00  }
0x88: {  	_ =	swait.ge [sflag:s10], $0x200  }
0x89: {  	[sflag:s10] =	ssyncset.done $0x0  }
0x8a: {  	[sflag:s10] =	ssyncadd.s32 $0xFFFFFE00  }
0x8b: {  	_ =	swait.ge [sflag:s10], $0x200  }
0x8c: {  	[sflag:s10] =	ssyncset.done $0x0  }
0x8d: {  	[sflag:s10] =	ssyncadd.s32 $0xFFFFFE00  }
0x8e: {  	_ =	swait.ge [sflag:s10], $0x200  }
0x8f: {  	[sflag:s10] =	ssyncset.done $0x0  }
0x90: {  	[sflag:s10] =	ssyncadd.s32 $0xFFFFFE00  }
0x91: {  	_ =	swait.ge [sflag:s10], $0x200  }
0x92: {  	[sflag:s10] =	ssyncset.done $0x0  }
0x93: {  	[sflag:s10] =	ssyncadd.s32 $0xFFFFFE00  }
0x94: {  	_ =	swait.ge [sflag:s10], $0x200  }
0x95: {  	[sflag:s10] =	ssyncset.done $0x0  }
0x96: {  	[sflag:s10] =	ssyncadd.s32 $0xFFFFFE00  }
0x97: {  	_ =	swait.ge [sflag:s10], $0x200  }
0x98: {  	[sflag:s10] =	ssyncset.done $0x0  }
0x99: {  	[sflag:s10] =	ssyncadd.s32 $0xFFFFFE00  }
0x9a: {  	_ =	swait.ge [sflag:s10], $0x200  }
0x9b: {  	[sflag:s10] =	ssyncset.done $0x0  }
0x9c: {  	[sflag:s10] =	ssyncadd.s32 $0xFFFFFE00  }
0x9d: {  	_ =	swait.ge [sflag:s10], $0x200  }
0x9e: {  	[sflag:s10] =	ssyncset.done $0x0  }
0x9f: {  	[sflag:s10] =	ssyncadd.s32 $0xFFFFFE00  }
0xa0: {  	_ =	swait.ge [sflag:s10], $0x200  }
0xa1: {  	[sflag:s10] =	ssyncset.done $0x0  }
0xa2: {  	[sflag:s10] =	ssyncadd.s32 $0xFFFFFE00  }
0xa3: {  	_ =	swait.ge [sflag:s10], $0x200  }
0xa4: {  	[sflag:s10] =	ssyncset.done $0x0  }
0xa5: {  	[sflag:s10] =	ssyncadd.s32 $0xFFFFFE00  }
0xa6: {  	_ =	swait.ge [sflag:s10], $0x200  }
0xa7: {  	[sflag:s10] =	ssyncset.done $0x0  }
0xa8: {  	[sflag:s10] =	ssyncadd.s32 $0xFFFFFE00  }
0xa9: {  	[tilespmem:s11], [sflag:$0x2] =	stream.indirect.gather [hbm4b:s4+s9], $0x20, s2, s9, $0xb8;
	[tilespmem:$0x13600] =	vst v63  }
0xaa: {  	s20 =	simm.s32 $0x0  }
0xab: {  	[tilespmem:s12], [sflag:$0x3] =	stream.indirect.gather [hbm4b:s4+s9], $0x20, s9, s9, $0xb8;
	[tilespmem:$0x13600] =	vst v63  }
.LBB2_2:
0xac: {  	_ =	swait.ge [sflag:s13], $0x4000  }
0xad: {  	p1 =	seq.s32 s20, $0x0;
	[sflag:s13] =	ssyncset.done $0x0  }
0xae: {  	s21 =	simm.s32 @!p1 $0x4;
	[sflag:s13] =	ssyncadd.s32 $0xFFFFC000  }
0xaf: {  	_ =	swait.ge @!p1 [sflag:s21], $0x4000  }
0xb0: {  	[sflag:s21] =	ssyncset.done @!p1 $0x0  }
0xb1: {  	[sflag:s21] =	ssyncadd.s32 @!p1 $0xFFFFC000;
	s21 =	simm.s32 $0x3480  }
0xb2: {  	v19 =	vimm.s32 $0x0;
	v16 =	vld [tilespmem:s21+$0x40]  }
0xb3: {  	v17 =	vadd.s32 v12, v19;
	v18 =	vld [tilespmem:s21+$0xFFFFFFC0]  }
0xb4: {  	v22 =	vadd.s32 v14, v19;
	v20 =	vld [tilespmem:s21+$0x60]  }
0xb5: {  	v23 =	vadd.s32 v6, v19;
	v24 =	vld [tilespmem:s21+$0xFFFFFFE0]  }
0xb6: {  	v25 =	vadd.s32 v4, v19;
	v28 =	vld [tilespmem:s21+$0xFFFFFF80]  }
0xb7: {  	v26 =	vadd.s32 v8, v19;
	v29 =	vld [tilespmem:s21+$0x0]  }
0xb8: {  	v31 =	vadd.s32 v0, v19;
	v21 =	vld [tilespmem:s21+$0x20];
	[tilespmem:v17+s14+$0x0] =	vst.idx.msk $0xffff, v16  }
0xb9: {  	v30 =	vadd.s32 v2, v19;
	v16 =	vld [tilespmem:s21+$0xFFFFFFA0];
	[tilespmem:v22+s14+$0x0] =	vst.idx.msk $0xffff, v20  }
0xba: {  	v33 =	vadd.s32 v15, v19;
	[tilespmem:v23+s14+$0x0] =	vst.idx.msk $0xffff, v24;
	v32 =	vld [tilespmem:s21+$0x70]  }
0xbb: {  	[tilespmem:v25+s14+$0x0] =	vst.idx.msk $0xffff, v18;
	v17 =	vadd.s32 v10, v19;
	v20 =	vld [tilespmem:s21+$0xFFFFFFF0]  }
0xbc: {  	v27 =	vadd.s32 v5, v19;
	[tilespmem:v26+s14+$0x0] =	vst.idx.msk $0xffff, v29;
	v25 =	vld [tilespmem:s21+$0xFFFFFFD0]  }
0xbd: {  	v26 =	vadd.s32 v7, v19;
	[tilespmem:v31+s14+$0x0] =	vst.idx.msk $0xffff, v28;
	v28 =	vadd.s32 v9, v19;
	v23 =	vld [tilespmem:s21+$0x10]  }
0xbe: {  	v22 =	vadd.s32 v11, v19;
	v24 =	vadd.s32 v1, v19;
	v29 =	vld [tilespmem:s21+$0x50];
	[tilespmem:v30+s14+$0x0] =	vst.idx.msk $0xffff, v16  }
0xbf: {  	s22 =	simm.s32 $0x0;
	s23 =	simm.s32 $0x3580;
	v16 =	vadd.s32 v3, v19;
	v30 =	vadd.s32 v13, v19;
	v19 =	vadd.s32 $0x8, v19;
	v18 =	vld [tilespmem:s21+$0xFFFFFFB0];
	[tilespmem:v33+s14+$0x0] =	vst.idx.msk $0xffff, v32  }
.LBB2_3:
0xc0: {  	v31 =	vadd.s32 v0, v19;
	v32 =	vadd.s32 v4, v19;
	s22 =	sadd.s32 $0x8, s22;
	v33 =	vld [tilespmem:s21+$0xFFFFFF90];
	[tilespmem:v17+s14+$0x0] =	vst.idx.msk $0xffff, v21  }
0xc1: {  	v34 =	vadd.s32 v6, v19;
	v21 =	vadd.s32 v12, v19;
	p2 =	slt.u32 s22, $0x1F8;
	[tilespmem:v27+s14+$0x0] =	vst.idx.msk $0xffff, v25;
	v25 =	vld [tilespmem:s21+$0x30];
	s21 =	smov.u32 s23  }
0xc2: {  	v35 =	vadd.s32 v8, v19;
	v17 =	vadd.s32 v10, v19;
	v27 =	vld [tilespmem:s23+$0x40];
	[tilespmem:v26+s14+$0x0] =	vst.idx.msk $0xffff, v20  }
0xc3: {  	v20 =	vld [tilespmem:s23+$0xFFFFFFC0];
	[tilespmem:v28+s14+$0x0] =	vst.idx.msk $0xffff, v23  }
0xc4: {  	v26 =	vadd.s32 v14, v19;
	v23 =	vld [tilespmem:s23+$0x60];
	[tilespmem:v30+s14+$0x0] =	vst.idx.msk $0xffff, v29  }
0xc5: {  	v28 =	vld [tilespmem:s23+$0xFFFFFFE0];
	[tilespmem:v24+s14+$0x0] =	vst.idx.msk $0xffff, v33  }
0xc6: {  	v24 =	vld [tilespmem:s23+$0xFFFFFF80];
	[tilespmem:v22+s14+$0x0] =	vst.idx.msk $0xffff, v25  }
0xc7: {  	v22 =	vld [tilespmem:s23+$0x0];
	[tilespmem:v21+s14+$0x0] =	vst.idx.msk $0xffff, v27  }
0xc8: {  	v30 =	vadd.s32 v2, v19;
	v29 =	vld [tilespmem:s23+$0xFFFFFFA0];
	[tilespmem:v16+s14+$0x0] =	vst.idx.msk $0xffff, v18  }
0xc9: {  	v21 =	vld [tilespmem:s23+$0x20];
	[tilespmem:v26+s14+$0x0] =	vst.idx.msk $0xffff, v23  }
0xca: {  	[tilespmem:v34+s14+$0x0] =	vst.idx.msk $0xffff, v28;
	v33 =	vld [tilespmem:s23+$0x70];
	v34 =	vadd.s32 v15, v19  }
.Ltmp2:
0xcb: {  	[tilespmem:v32+s14+$0x0] =	vst.idx.msk $0xffff, v20;
	v20 =	vld [tilespmem:s23+$0xFFFFFFF0];
	(pc) =	sbr.rel @p2 .LBB2_3-.Ltmp2, $4  }
0xcc: {  	v27 =	vadd.s32 v5, v19;
	v25 =	vld [tilespmem:s23+$0xFFFFFFD0];
	[tilespmem:v35+s14+$0x0] =	vst.idx.msk $0xffff, v22  }
0xcd: {  	v16 =	vadd.s32 v3, v19;
	v26 =	vadd.s32 v7, v19;
	[tilespmem:v30+s14+$0x0] =	vst.idx.msk $0xffff, v29;
	v23 =	vld [tilespmem:s23+$0x10]  }
0xce: {  	v28 =	vadd.s32 v9, v19;
	v22 =	vadd.s32 v11, v19;
	[tilespmem:v31+s14+$0x0] =	vst.idx.msk $0xffff, v24;
	v18 =	vld [tilespmem:s23+$0xFFFFFFB0]  }
0xcf: {  	v30 =	vadd.s32 v13, v19;
	v24 =	vadd.s32 v1, v19;
	v19 =	vadd.s32 $0x8, v19;
	s23 =	sadd.s32 $0x100, s23;
	v29 =	vld [tilespmem:s21+$0x50];
	[tilespmem:v34+s14+$0x0] =	vst.idx.msk $0xffff, v33  }
0xd0: {  	_ = 	snop  }
0xd1: {  	s22 =	sor.u32 s3, s20  }
0xd2: {  	p2 =	seq.s32 s22, $0x0  }
0xd3: {  	p2 =	por !p0, !p2  }
0xd4: {  	[tilespmem:v17+s14+$0x0] =	vst.idx.msk $0xffff, v21;
	s22 =	simm.s32 $0xFFFFFFFF;
	p2 =	por !p2, !p2  }
0xd5: {  	v19 =	vld [tilespmem:s21+$0xFFFFFF90];
	[tilespmem:v26+s14+$0x0] =	vst.idx.msk $0xffff, v20;
	s22 =	simm.s32 @!p2 $0x0  }
0xd6: {  	s26 =	sshll.u32 s20, $0x14;
	[tilespmem:v27+s14+$0x0] =	vst.idx.msk $0xffff, v25;
	v17 =	vld [tilespmem:s21+$0x30];
	s22 =	sshll.u32 s22, $0x13  }
0xd7: {  	[tilespmem:v28+s14+$0x0] =	vst.idx.msk $0xffff, v23;
	s21 =	sadd.s32 s26, s22  }
0xd8: {  	[tilespmem:v16+s14+$0x0] =	vst.idx.msk $0xffff, v18;
	s21 =	sor.u32 s8, s21  }
0xd9: {  	[tilespmem:v30+s14+$0x0] =	vst.idx.msk $0xffff, v29;
	s21 =	sshrl.u32 s21, $0x3  }
0xda: {  	s23 =	simm.s32 $0x800;
	[tilespmem:v24+s14+$0x0] =	vst.idx.msk $0xffff, v19;
	s21 =	sadd.s32 s5, s21  }
0xdb: {  	s25 =	simm.s32 $0xB608;
	[tilespmem:v22+s14+$0x0] =	vst.idx.msk $0xffff, v17;
	s22 =	simm.s32 $0xB400;
	s26 =	sadd.s32 $0x0, s21  }
.LBB2_5:
0xdc: {  	[hbm4b:s26+s2] =	stream.linear.scatter [tilespmem:s22], [sflag:$0x4], $0x200, $0x38;
	[tilespmem:$0x13600] =	vst v63  }
0xdd: {  	s26 =	smov.u32 s23;
	s22 =	smov.u32 s25;
	p2 =	sne.s32 s23, $0xF800  }
.Ltmp3:
0xde: {  	s23 =	sadd.s32 $0x800, s23;
	(pc) =	sbr.rel @p2 .LBB2_5-.Ltmp3, $2  }
0xdf: {  	_ =	sdelay $0x2  }
0xe0: {  	s25 =	sadd.s32 $0x208, s25;
	s26 =	sadd.s32 s26, s21  }
0xe1: {  	p2 =	sne.s32 s20, $0xC  }
.Ltmp4:
0xe2: {  	_ = 	snop;
	(pc) =	sbr.rel @p2 .LBB2_8-.Ltmp4, $2  }
0xe3: {  	_ =	sdelay $0x2  }
0xe4: {  	[hbm4b:s26+s2] =	stream.linear.scatter [tilespmem:s22], [sflag:$0x4], $0x200, $0x38;
	[tilespmem:$0x13600] =	vst v63  }
.Ltmp5:
0xe5: {  	(pc) =	sbr.rel .LBB2_9-.Ltmp5, $4  }
0xe6: {  	_ = 	snop  }
0xe7: {  	_ =	swait.ge [sflag:s15], $0x4000  }
0xe8: {  	[sflag:s15] =	ssyncset.done $0x0  }
0xe9: {  	[sflag:s15] =	ssyncadd.s32 $0xFFFFC000  }
.LBB2_8:
0xea: {  	s21 =	sshll.u32 s20, $0xA  }
0xeb: {  	s21 =	sand.u32 $0x3FFFFC00, s21  }
.Ltmp6:
0xec: {  	s21 =	sadd.s32 $0x400, s21;
	(pc) =	sbr.rel @p1 .LBB2_10-.Ltmp6, $4  }
0xed: {  	[tilespmem:s11], [sflag:$0x2] =	stream.indirect.gather [hbm4b:s4+s9], $0x20, s21, s9, $0xb8;
	[tilespmem:$0x13600] =	vst v63  }
0xee: {  	_ =	swait.ge [sflag:s15], $0x4000  }
0xef: {  	[sflag:s15] =	ssyncset.done $0x0  }
0xf0: {  	[sflag:s15] =	ssyncadd.s32 $0xFFFFC000  }
.LBB2_9:
0xf1: {  	_ =	swait.ge [sflag:s16], $0x4000  }
0xf2: {  	[sflag:s16] =	ssyncset.done $0x0  }
0xf3: {  	[sflag:s16] =	ssyncadd.s32 $0xFFFFC000  }
.LBB2_10:
0xf4: {  	s21 =	simm.s32 $0x7480  }
0xf5: {  	v18 =	vimm.s32 $0x0;
	v16 =	vld [tilespmem:s21+$0x40]  }
0xf6: {  	v17 =	vadd.s32 v12, v18;
	v19 =	vld [tilespmem:s21+$0xFFFFFFC0]  }
0xf7: {  	v20 =	vld [tilespmem:s21+$0x60];
	v22 =	vadd.s32 v14, v18  }
0xf8: {  	v23 =	vadd.s32 v6, v18;
	v24 =	vld [tilespmem:s21+$0xFFFFFFE0]  }
0xf9: {  	v25 =	vadd.s32 v4, v18;
	v27 =	vld [tilespmem:s21+$0xFFFFFF80]  }
0xfa: {  	v26 =	vadd.s32 v8, v18;
	v28 =	vld [tilespmem:s21+$0x0]  }
0xfb: {  	v30 =	vadd.s32 v0, v18;
	v21 =	vld [tilespmem:s21+$0x20];
	[tilespmem:v17+s17+$0x0] =	vst.idx.msk $0xffff, v16  }
0xfc: {  	v29 =	vadd.s32 v2, v18;
	v17 =	vld [tilespmem:s21+$0xFFFFFFA0];
	[tilespmem:v22+s17+$0x0] =	vst.idx.msk $0xffff, v20  }
0xfd: {  	v32 =	vadd.s32 v15, v18;
	[tilespmem:v23+s17+$0x0] =	vst.idx.msk $0xffff, v24;
	v31 =	vld [tilespmem:s21+$0x70]  }
0xfe: {  	[tilespmem:v25+s17+$0x0] =	vst.idx.msk $0xffff, v19;
	v16 =	vadd.s32 v10, v18;
	v20 =	vld [tilespmem:s21+$0xFFFFFFF0]  }
0xff: {  	v25 =	vadd.s32 v5, v18;
	[tilespmem:v26+s17+$0x0] =	vst.idx.msk $0xffff, v28;
	v23 =	vld [tilespmem:s21+$0xFFFFFFD0]  }
0x100: {  	v26 =	vadd.s32 v7, v18;
	[tilespmem:v30+s17+$0x0] =	vst.idx.msk $0xffff, v27;
	v28 =	vadd.s32 v9, v18;
	v24 =	vld [tilespmem:s21+$0x10]  }
0x101: {  	v22 =	vadd.s32 v11, v18;
	v27 =	vadd.s32 v1, v18;
	[tilespmem:v29+s17+$0x0] =	vst.idx.msk $0xffff, v17;
	v29 =	vld [tilespmem:s21+$0x50]  }
0x102: {  	s22 =	simm.s32 $0x0;
	s23 =	simm.s32 $0x7580;
	v30 =	vadd.s32 v13, v18;
	v17 =	vadd.s32 v3, v18;
	v18 =	vadd.s32 $0x8, v18;
	v19 =	vld [tilespmem:s21+$0xFFFFFFB0];
	[tilespmem:v32+s17+$0x0] =	vst.idx.msk $0xffff, v31  }
.LBB2_11:
0x103: {  	v31 =	vadd.s32 v0, v18;
	v32 =	vadd.s32 v4, v18;
	s22 =	sadd.s32 $0x8, s22;
	v33 =	vld [tilespmem:s21+$0xFFFFFF90];
	[tilespmem:v16+s17+$0x0] =	vst.idx.msk $0xffff, v21  }
0x104: {  	v34 =	vadd.s32 v6, v18;
	v21 =	vadd.s32 v12, v18;
	p1 =	slt.u32 s22, $0x1F8;
	[tilespmem:v25+s17+$0x0] =	vst.idx.msk $0xffff, v23;
	v23 =	vld [tilespmem:s21+$0x30];
	s21 =	smov.u32 s23  }
0x105: {  	v35 =	vadd.s32 v8, v18;
	v16 =	vadd.s32 v10, v18;
	v25 =	vld [tilespmem:s23+$0x40];
	[tilespmem:v26+s17+$0x0] =	vst.idx.msk $0xffff, v20  }
0x106: {  	v20 =	vld [tilespmem:s23+$0xFFFFFFC0];
	[tilespmem:v28+s17+$0x0] =	vst.idx.msk $0xffff, v24  }
0x107: {  	v26 =	vadd.s32 v14, v18;
	v24 =	vld [tilespmem:s23+$0x60];
	[tilespmem:v30+s17+$0x0] =	vst.idx.msk $0xffff, v29  }
0x108: {  	v28 =	vld [tilespmem:s23+$0xFFFFFFE0];
	[tilespmem:v27+s17+$0x0] =	vst.idx.msk $0xffff, v33  }
0x109: {  	v27 =	vld [tilespmem:s23+$0xFFFFFF80];
	[tilespmem:v22+s17+$0x0] =	vst.idx.msk $0xffff, v23  }
0x10a: {  	v22 =	vld [tilespmem:s23+$0x0];
	[tilespmem:v21+s17+$0x0] =	vst.idx.msk $0xffff, v25  }
0x10b: {  	v30 =	vadd.s32 v2, v18;
	v29 =	vld [tilespmem:s23+$0xFFFFFFA0];
	[tilespmem:v17+s17+$0x0] =	vst.idx.msk $0xffff, v19  }
0x10c: {  	v21 =	vld [tilespmem:s23+$0x20];
	[tilespmem:v26+s17+$0x0] =	vst.idx.msk $0xffff, v24  }
0x10d: {  	[tilespmem:v34+s17+$0x0] =	vst.idx.msk $0xffff, v28;
	v33 =	vld [tilespmem:s23+$0x70];
	v34 =	vadd.s32 v15, v18  }
.Ltmp7:
0x10e: {  	[tilespmem:v32+s17+$0x0] =	vst.idx.msk $0xffff, v20;
	v20 =	vld [tilespmem:s23+$0xFFFFFFF0];
	(pc) =	sbr.rel @p1 .LBB2_11-.Ltmp7, $4  }
0x10f: {  	v25 =	vadd.s32 v5, v18;
	v23 =	vld [tilespmem:s23+$0xFFFFFFD0];
	[tilespmem:v35+s17+$0x0] =	vst.idx.msk $0xffff, v22  }
0x110: {  	v17 =	vadd.s32 v3, v18;
	v26 =	vadd.s32 v7, v18;
	[tilespmem:v30+s17+$0x0] =	vst.idx.msk $0xffff, v29;
	v24 =	vld [tilespmem:s23+$0x10]  }
0x111: {  	v28 =	vadd.s32 v9, v18;
	v22 =	vadd.s32 v11, v18;
	[tilespmem:v31+s17+$0x0] =	vst.idx.msk $0xffff, v27;
	v19 =	vld [tilespmem:s23+$0xFFFFFFB0]  }
0x112: {  	v30 =	vadd.s32 v13, v18;
	v27 =	vadd.s32 v1, v18;
	v18 =	vadd.s32 $0x8, v18;
	s23 =	sadd.s32 $0x100, s23;
	v29 =	vld [tilespmem:s21+$0x50];
	[tilespmem:v34+s17+$0x0] =	vst.idx.msk $0xffff, v33  }
0x113: {  	_ =	sdelay $0x3  }
0x114: {  	[tilespmem:v16+s17+$0x0] =	vst.idx.msk $0xffff, v21  }
0x115: {  	v18 =	vld [tilespmem:s21+$0xFFFFFF90];
	[tilespmem:v26+s17+$0x0] =	vst.idx.msk $0xffff, v20  }
0x116: {  	[tilespmem:v25+s17+$0x0] =	vst.idx.msk $0xffff, v23;
	v16 =	vld [tilespmem:s21+$0x30]  }
0x117: {  	[tilespmem:v28+s17+$0x0] =	vst.idx.msk $0xffff, v24  }
0x118: {  	[tilespmem:v17+s17+$0x0] =	vst.idx.msk $0xffff, v19  }
0x119: {  	s26 =	sshll.u32 s20, $0x11;
	[tilespmem:v30+s17+$0x0] =	vst.idx.msk $0xffff, v29  }
0x11a: {  	s22 =	simm.s32 $0xF500;
	s21 =	sadd.s32 s26, s24;
	[tilespmem:v27+s17+$0x0] =	vst.idx.msk $0xffff, v18  }
0x11b: {  	s23 =	simm.s32 $0x800;
	s25 =	simm.s32 $0xF708;
	s26 =	sadd.s32 $0x0, s21;
	[tilespmem:v22+s17+$0x0] =	vst.idx.msk $0xffff, v16  }
.LBB2_13:
0x11c: {  	[hbm4b:s26+s2] =	stream.linear.scatter [tilespmem:s22], [sflag:$0x5], $0x200, $0x38;
	[tilespmem:$0x13600] =	vst v63  }
0x11d: {  	s26 =	smov.u32 s23;
	s22 =	smov.u32 s25;
	p1 =	sne.s32 s23, $0xF800  }
.Ltmp8:
0x11e: {  	s23 =	sadd.s32 $0x800, s23;
	(pc) =	sbr.rel @p1 .LBB2_13-.Ltmp8, $2  }
0x11f: {  	_ =	sdelay $0x2  }
0x120: {  	s25 =	sadd.s32 $0x208, s25;
	s26 =	sadd.s32 s26, s21  }
0x121: {  	p1 =	seq.s32 s20, $0xC  }
.Ltmp9:
0x122: {  	_ = 	snop;
	(pc) =	sbr.rel @p1 .LBB2_16-.Ltmp9, $2  }
0x123: {  	_ =	sdelay $0x2  }
0x124: {  	[hbm4b:s26+s2] =	stream.linear.scatter [tilespmem:s22], [sflag:$0x5], $0x200, $0x38;
	[tilespmem:$0x13600] =	vst v63  }
.Ltmp10:
0x125: {  	(pc) =	sbr.rel .LBB2_2-.Ltmp10, $4  }
0x126: {  	s21 =	sshll.u32 s20, $0xA  }
0x127: {  	s21 =	sand.u32 $0x3FFFFC00, s21  }
0x128: {  	s20 =	sadd.s32 $0x1, s20;
	s21 =	sadd.s32 $0x600, s21  }
0x129: {  	[tilespmem:s12], [sflag:$0x3] =	stream.indirect.gather [hbm4b:s4+s9], $0x20, s21, s9, $0xb8;
	[tilespmem:$0x13600] =	vst v63  }
.LBB2_17:
0x12a: {  	_ =	sfence.sel $0x180000  }
0x12b: {  	[bflag:$0x0] =	sbarrier.arrive $0xFFFF  }
0x12c: {  	_ =	strace $0x9000004A  }
0x12d: {  	s0 =	stileid.u32;
	[bflag:$0x2] =	sbarrier.arrive $0xFFFF  }
0x12e: {  	p0 =	sne.s32 s0, $0x0;
	s0 =	rddreg [dreg:$0x2]  }
0x12f: {  	s0 =	sadd.s32 @!p0 $0x100000, s0  }
0x130: {  	[sflag:s0] =	ssyncadd.tile.s32 @!p0 $0x1;
	_ =	shalt  }
.Lfunc_end2:
_tile_overlayer_lowered:
.L_overlay_start_2:
0x131: {  	(tag) =	ssettag $0x2  }
0x132: {  	s0 =	rddreg [dreg:$0x0];
	s2 =	stileid.u32  }
0x133: {  	s1 =	rddreg [dreg:$0x1];
	p0 =	sne.s32 s2, $0x0  }
0x134: {  	s3 =	rddreg [dreg:$0x2];
	[bflag:$0x3] =	sbarrier.arrive $0xFFFF;
	s2 =	simm.s32 @!p0 $0x1C06  }
0x135: {  	[timem:s3], [sflag:s2] =	dma.local @!p0 [hbm:s0], s1  }
0x136: {  	s0 =	simm.s32 @!p0 $0x6  }
0x137: {  	_ =	swait.ge @!p0 [sflag:s0], s1  }
0x138: {  	s1 =	ssub.s32 @!p0 $0x0, s1;
	[sflag:s0] =	ssyncset.done @!p0 $0x0  }
0x139: {  	[sflag:s0] =	ssyncadd.s32 @!p0 s1  }
0x13a: {  	[bflag:$0x3] =	sbarrier.arrive $0xFFFF  }
0x13b: {  	_ =	shalt  }

</sc_bundles>
